<compile_context>
chip_gen: v7x
topology: tpu7x:2x2x1
jax: 0.10.2.dev20260603
libtpu: 0.0.44.dev20260713+nightly
codegen_flags: <defaults>
</compile_context>

<pallas_src>
import functools

import numpy as np
import jax
import jax.numpy as jnp
from jax import lax
from jax.experimental import pallas as pl
from jax.experimental.pallas import tpu as pltpu
from jax.experimental.pallas import tpu_sc as plsc

_DIAGONAL_OFFSET = 2
_L = 16


def _rc_order_np(ut_len: int, diagonal_offset: int) -> np.ndarray:
    seq_len = int(np.sqrt(2 * ut_len + 0.25) - 0.5) + diagonal_offset
    ut_indexes = np.triu_indices(seq_len, diagonal_offset)
    mat_ut_indexes = np.zeros((seq_len, seq_len), dtype=np.int64)
    mat_ut_indexes[ut_indexes] = np.arange(ut_len)
    mask_ut = np.zeros((seq_len, seq_len), dtype=bool)
    mask_ut[ut_indexes] = True
    mat_indexes = mat_ut_indexes + np.multiply(~mask_ut, mat_ut_indexes.T)
    return mat_indexes[::-1, ::-1][ut_indexes].astype(np.int32)


@functools.lru_cache(maxsize=4)
def _build(B: int, U: int, D: int):
    NC, NS = 2, 16
    BPC = B // NC
    U8 = -(-U // 8) * 8
    CH = (U // NS) // 8 * 8
    REM = U - NS * CH
    P = 112
    F = CH // P
    TAIL = CH - F * P
    assert F % 2 == 0
    REM_BASE = NS * CH
    U_PAD = U if REM == 0 else REM_BASE + _L
    G = D // _L

    mesh = plsc.VectorSubcoreMesh(core_axis_name="c", subcore_axis_name="s")

    @functools.partial(
        pl.kernel,
        mesh=mesh,
        out_type=jax.ShapeDtypeStruct((B, U, D), jnp.float32),
        scratch_types=[
            pltpu.HBM((B * U8, 2 * D), jnp.float32),
            pltpu.VMEM((CH,), jnp.int32),
            pltpu.VMEM((P, D), jnp.float32),
            pltpu.VMEM((P, D), jnp.float32),
            pltpu.VMEM((P, 2 * D), jnp.float32),
            pltpu.VMEM((P, 2 * D), jnp.float32),
            pltpu.VMEM((P, 2 * D), jnp.float32),
            pltpu.VMEM((P, 2 * D), jnp.float32),
            pltpu.VMEM((P, D), jnp.float32),
            pltpu.VMEM((P, D), jnp.float32),
            pltpu.VMEM((_L,), jnp.int32),
            pltpu.SemaphoreType.DMA,
            pltpu.SemaphoreType.DMA,
            pltpu.SemaphoreType.DMA,
            pltpu.SemaphoreType.DMA,
            pltpu.SemaphoreType.DMA,
            pltpu.SemaphoreType.DMA,
            pltpu.SemaphoreType.DMA,
            pltpu.SemaphoreType.DMA,
        ],
    )
    def sc_gather(x_hbm, rc_hbm, rev_hbm, out_hbm,
                  lin_hbm, idx_v, la0, la1, lb0, lb1, gb0, gb1, ob0, ob1,
                  rev_v,
                  seml0, seml1, semg0, semg1,
                  semwl0, semwl1, semwg0, semwg1):
        cid = lax.axis_index("c")
        sid = lax.axis_index("s")
        base = sid * CH
        las, gbs = (la0, la1), (gb0, gb1)
        lbs, obs = (lb0, lb1), (ob0, ob1)
        semls, semgs = (seml0, seml1), (semg0, semg1)
        semwls, semwgs = (semwl0, semwl1), (semwg0, semwg1)

        pltpu.sync_copy(rev_hbm, rev_v)
        m = rev_v[...] != 0
        lane = lax.iota(jnp.int32, _L)

        def repack(src, dst, size):
            unroll = 4

            def body(t4, c):
                t = t4 * unroll
                for dt in range(unroll):
                    for g in range(G):
                        dst[t + dt, pl.ds(g * _L, _L)] = (
                            src[t + dt, pl.ds(g * _L, _L)])
                return c

            lax.fori_loop(0, size // unroll, body, 0)
            for r in range(size - size % unroll, size):
                for g in range(G):
                    dst[r, pl.ds(g * _L, _L)] = src[r, pl.ds(g * _L, _L)]

        def startl(b, p, j):
            off = pl.multiple_of(base + p * P, 8)
            pltpu.async_copy(x_hbm.at[b, pl.ds(off, P), :], las[j], semls[j])

        def wait_read_l(j):
            pltpu.make_async_copy(
                x_hbm.at[0, pl.ds(0, P), :], las[j], semls[j]).wait()

        def start_write_l(b, p, j):
            off = pl.multiple_of(b * U8 + base + p * P, 8)
            pltpu.async_copy(lbs[j], lin_hbm.at[pl.ds(off, P)], semwls[j])

        def wait_write_l(j):
            pltpu.make_async_copy(
                lbs[j], lin_hbm.at[pl.ds(0, P)], semwls[j]).wait()

        def l_phase(b):
            startl(b, 0, 0)
            startl(b, 1, 1)

            def body(k, c):
                for j in range(2):
                    p = 2 * k + j
                    wait_read_l(j)

                    @pl.when(k > 0)
                    def _():
                        wait_write_l(j)

                    repack(las[j], lbs[j], P)
                    start_write_l(b, p, j)

                    @pl.when(p + 2 < F)
                    def _():
                        startl(b, p + 2, j)
                return c

            lax.fori_loop(0, F // 2, body, 0)
            wait_write_l(0)
            wait_write_l(1)
            if TAIL:
                pltpu.sync_copy(
                    x_hbm.at[b, pl.ds(base + F * P, TAIL), :],
                    las[0].at[pl.ds(0, TAIL)])
                repack(las[0], lbs[0], TAIL)
                pltpu.sync_copy(
                    lbs[0].at[pl.ds(0, TAIL)],
                    lin_hbm.at[pl.ds(b * U8 + base + F * P, TAIL)])
            if REM:
                @pl.when(sid == NS - 1)
                def _():
                    pltpu.sync_copy(
                        x_hbm.at[b, pl.ds(REM_BASE, REM), :],
                        las[0].at[pl.ds(0, REM)])
                    repack(las[0], lbs[0], REM)
                    pltpu.sync_copy(
                        lbs[0].at[pl.ds(0, REM)],
                        lin_hbm.at[pl.ds(b * U8 + REM_BASE, REM)])

        def load_idx(b):
            obase = b * U8
            pltpu.sync_copy(rc_hbm.at[pl.ds(base, CH)], idx_v)

            def sel(i, c):
                off = pl.multiple_of(i * _L, _L)
                ident = base + off + lane
                idx_v[pl.ds(off, _L)] = obase + jnp.where(
                    m, idx_v[pl.ds(off, _L)], ident)
                return c

            lax.fori_loop(0, CH // _L, sel, 0)

        def startg(p, j):
            off = pl.multiple_of(p * P, 8)
            src = lin_hbm.at[idx_v.at[pl.ds(off, P)]]
            pltpu.async_copy(src, gbs[j], semgs[j])

        def wait_read_g(j):
            pltpu.make_async_copy(
                lin_hbm.at[pl.ds(0, P)], gbs[j], semgs[j]).wait()

        def start_write_g(b, p, j):
            off = pl.multiple_of(base + p * P, 8)
            pltpu.async_copy(obs[j], out_hbm.at[b, pl.ds(off, P), :],
                             semwgs[j])

        def wait_write_g(j):
            pltpu.make_async_copy(
                obs[j], out_hbm.at[0, pl.ds(0, P), :], semwgs[j]).wait()

        def g_phase(b):
            load_idx(b)
            startg(0, 0)
            startg(1, 1)

            def body(k, c):
                for j in range(2):
                    p = 2 * k + j
                    wait_read_g(j)

                    @pl.when(k > 0)
                    def _():
                        wait_write_g(j)

                    repack(gbs[j], obs[j], P)
                    start_write_g(b, p, j)

                    @pl.when(p + 2 < F)
                    def _():
                        startg(p + 2, j)
                return c

            lax.fori_loop(0, F // 2, body, 0)
            wait_write_g(0)
            wait_write_g(1)
            if TAIL:
                pltpu.async_copy(
                    lin_hbm.at[idx_v.at[pl.ds(F * P, TAIL)]],
                    gbs[0].at[pl.ds(0, TAIL)], semgs[0]).wait()
                repack(gbs[0], obs[0], TAIL)
                pltpu.sync_copy(
                    obs[0].at[pl.ds(0, TAIL)],
                    out_hbm.at[b, pl.ds(base + F * P, TAIL), :])
            if REM:
                @pl.when(sid == NS - 1)
                def _():
                    obase = b * U8
                    pltpu.sync_copy(rc_hbm.at[pl.ds(REM_BASE, _L)],
                                    idx_v.at[pl.ds(0, _L)])
                    ident = REM_BASE + lane
                    idx_v[pl.ds(0, _L)] = obase + jnp.where(
                        m, idx_v[pl.ds(0, _L)], ident)
                    pltpu.async_copy(
                        lin_hbm.at[idx_v.at[pl.ds(0, REM)]],
                        gbs[0].at[pl.ds(0, REM)], semgs[0]).wait()
                    repack(gbs[0], obs[0], REM)
                    pltpu.sync_copy(
                        obs[0].at[pl.ds(0, REM)],
                        out_hbm.at[b, pl.ds(REM_BASE, REM), :])

        def mixed_phase(bg, bl):
            load_idx(bg)
            startg(0, 0)
            startg(1, 1)
            startl(bl, 0, 0)
            startl(bl, 1, 1)

            def body(k, c):
                for j in range(2):
                    p = 2 * k + j
                    wait_read_g(j)

                    @pl.when(k > 0)
                    def _():
                        wait_write_g(j)

                    repack(gbs[j], obs[j], P)
                    start_write_g(bg, p, j)

                    @pl.when(p + 2 < F)
                    def _():
                        startg(p + 2, j)

                    wait_read_l(j)

                    @pl.when(k > 0)
                    def _():
                        wait_write_l(j)

                    repack(las[j], lbs[j], P)
                    start_write_l(bl, p, j)

                    @pl.when(p + 2 < F)
                    def _():
                        startl(bl, p + 2, j)
                return c

            lax.fori_loop(0, F // 2, body, 0)
            wait_write_g(0)
            wait_write_g(1)
            wait_write_l(0)
            wait_write_l(1)
            if TAIL:
                pltpu.async_copy(
                    lin_hbm.at[idx_v.at[pl.ds(F * P, TAIL)]],
                    gbs[0].at[pl.ds(0, TAIL)], semgs[0]).wait()
                repack(gbs[0], obs[0], TAIL)
                pltpu.sync_copy(
                    obs[0].at[pl.ds(0, TAIL)],
                    out_hbm.at[bg, pl.ds(base + F * P, TAIL), :])
                pltpu.sync_copy(
                    x_hbm.at[bl, pl.ds(base + F * P, TAIL), :],
                    las[0].at[pl.ds(0, TAIL)])
                repack(las[0], lbs[0], TAIL)
                pltpu.sync_copy(
                    lbs[0].at[pl.ds(0, TAIL)],
                    lin_hbm.at[pl.ds(bl * U8 + base + F * P, TAIL)])
            if REM:
                @pl.when(sid == NS - 1)
                def _():
                    obase = bg * U8
                    pltpu.sync_copy(rc_hbm.at[pl.ds(REM_BASE, _L)],
                                    idx_v.at[pl.ds(0, _L)])
                    ident = REM_BASE + lane
                    idx_v[pl.ds(0, _L)] = obase + jnp.where(
                        m, idx_v[pl.ds(0, _L)], ident)
                    pltpu.async_copy(
                        lin_hbm.at[idx_v.at[pl.ds(0, REM)]],
                        gbs[0].at[pl.ds(0, REM)], semgs[0]).wait()
                    repack(gbs[0], obs[0], REM)
                    pltpu.sync_copy(
                        obs[0].at[pl.ds(0, REM)],
                        out_hbm.at[bg, pl.ds(REM_BASE, REM), :])
                    pltpu.sync_copy(
                        x_hbm.at[bl, pl.ds(REM_BASE, REM), :],
                        las[0].at[pl.ds(0, REM)])
                    repack(las[0], lbs[0], REM)
                    pltpu.sync_copy(
                        lbs[0].at[pl.ds(0, REM)],
                        lin_hbm.at[pl.ds(bl * U8 + REM_BASE, REM)])

        b0 = cid * BPC
        b1 = b0 + 1

        l_phase(b0)
        plsc.subcore_barrier()
        mixed_phase(b0, b1)
        plsc.subcore_barrier()
        g_phase(b1)

    rc = _rc_order_np(U, _DIAGONAL_OFFSET)
    if U_PAD > U:
        rc = np.concatenate([rc, np.zeros(U_PAD - U, np.int32)])
    return sc_gather, jnp.asarray(rc)


def kernel(x_ut, reverse):
    B, U, D = x_ut.shape
    sc_gather, rc = _build(B, U, D)
    rev16 = jnp.broadcast_to(jnp.asarray(reverse, jnp.int32), (_L,))
    return sc_gather(x_ut, rc, rev16)

# --- scband reference (transcript-rebuilt; emitter-appended) ---
"""Pipeline reference for scband-switch-reverse-triu-23708219474558 (READ-ONLY COPY).

The authoritative reference and input builder live on the scoring server;
editing this copy changes nothing except your own understanding.
"""

import jax, jax.numpy as jnp
import numpy as np

DIAGONAL_OFFSET = 2


def _rc_ut_order(ut_len, diagonal_offset):
    seq_len = int(np.sqrt(2 * ut_len + 0.25) - 0.5)
    seq_len += diagonal_offset
    ut_indexes = np.triu_indices(seq_len, diagonal_offset)
    assert len(ut_indexes[0]) == ut_len
    mat_ut_indexes = np.zeros(shape=(seq_len, seq_len), dtype='int')
    mat_ut_indexes[ut_indexes] = np.arange(ut_len)
    mask_ut = np.zeros(shape=(seq_len, seq_len), dtype='bool')
    mask_ut[ut_indexes] = True
    mask_ld = ~mask_ut
    mat_indexes = mat_ut_indexes + np.multiply(mask_ld, mat_ut_indexes.T)
    mat_rc_indexes = mat_indexes[::-1, ::-1]
    rc_ut_order = mat_rc_indexes[ut_indexes]
    return rc_ut_order


def setup_inputs(seed: int = 0) -> dict:
    key = jax.random.key(seed)
    k1 = jax.random.fold_in(key, 1)
    # Akita-style contact-map head: seq_len=512, diagonal_offset=2 ->
    # ut_len = (512-2)*(512-1)/2 = 130305 flattened upper-triangle positions
    x_ut = jax.random.normal(k1, (4, 130305, 64), dtype=jnp.float32)
    reverse = jnp.ones((), dtype=bool)
    return {"x_ut": x_ut, "reverse": reverse}


def reference(x_ut, reverse):
    ut_len = x_ut.shape[1]
    rc_ut_order = jnp.asarray(_rc_ut_order(ut_len, DIAGONAL_OFFSET), dtype=jnp.int32)
    x_rc = jnp.take(x_ut, rc_ut_order, axis=1)
    return jnp.where(reverse, x_rc, x_ut)

if __name__ == "__main__":
    import jax
    _d = setup_inputs()
    print(jax.jit(kernel)(*tuple(_d.values())))

</pallas_src>

<mosaic_0001>
#map = affine_map<(d0, d1) -> (0, 0, 0)>
#map1 = affine_map<(d0, d1) -> (0)>
module attributes {stable_mosaic.version = 14 : i64} {
  func.func @sc_gather(%arg0: i32, %arg1: i32, %arg2: memref<4x130305x64xf32, #tpu.memory_space<hbm>>, %arg3: memref<130320xi32, #tpu.memory_space<hbm>>, %arg4: memref<16xi32, #tpu.memory_space<hbm>>, %arg5: memref<4x130305x64xf32, #tpu.memory_space<hbm>>, %arg6: memref<521248x128xf32, #tpu.memory_space<hbm>>, %arg7: memref<8144xi32, #tpu.memory_space<vmem>>, %arg8: memref<112x64xf32, #tpu.memory_space<vmem>>, %arg9: memref<112x64xf32, #tpu.memory_space<vmem>>, %arg10: memref<112x128xf32, #tpu.memory_space<vmem>>, %arg11: memref<112x128xf32, #tpu.memory_space<vmem>>, %arg12: memref<112x128xf32, #tpu.memory_space<vmem>>, %arg13: memref<112x128xf32, #tpu.memory_space<vmem>>, %arg14: memref<112x64xf32, #tpu.memory_space<vmem>>, %arg15: memref<112x64xf32, #tpu.memory_space<vmem>>, %arg16: memref<16xi32, #tpu.memory_space<vmem>>, %arg17: memref<!tpu.dma_semaphore, #tpu.memory_space<semaphore_mem>>, %arg18: memref<!tpu.dma_semaphore, #tpu.memory_space<semaphore_mem>>, %arg19: memref<!tpu.dma_semaphore, #tpu.memory_space<semaphore_mem>>, %arg20: memref<!tpu.dma_semaphore, #tpu.memory_space<semaphore_mem>>, %arg21: memref<!tpu.dma_semaphore, #tpu.memory_space<semaphore_mem>>, %arg22: memref<!tpu.dma_semaphore, #tpu.memory_space<semaphore_mem>>, %arg23: memref<!tpu.dma_semaphore, #tpu.memory_space<semaphore_mem>>, %arg24: memref<!tpu.dma_semaphore, #tpu.memory_space<semaphore_mem>>) attributes {dimension_semantics = [#tpu.dimension_semantics<core_parallel>, #tpu.dimension_semantics<subcore_parallel>], iteration_bounds = array<i64: 2, 16>, scalar_prefetch = 0 : i64, scratch_operands = 19 : i64, tpu.core_type = #tpu.core_type<sc_vector_subcore>, window_params = [{transform_indices = #map}, {transform_indices = #map1}, {transform_indices = #map1}, {transform_indices = #map}]} {
    %mul3A = arith.constant 8144 : i32
    %mul3A_0 = arith.muli %arg1, %mul3A : i32
    "tpu.region"() ({
      %run_scoped3A = tpu.sem_alloc : memref<!tpu.dma_semaphore, #tpu.memory_space<semaphore_mem>>
      tpu.enqueue_dma source(%arg4 : memref<16xi32, #tpu.memory_space<hbm>>) target(%arg16 : memref<16xi32, #tpu.memory_space<vmem>>) target_semaphore(%run_scoped3A : memref<!tpu.dma_semaphore, #tpu.memory_space<semaphore_mem>>)
      tpu.wait_dma2 semaphore(%run_scoped3A : memref<!tpu.dma_semaphore, #tpu.memory_space<semaphore_mem>>) src(%arg4 : memref<16xi32, #tpu.memory_space<hbm>>) dst(%arg16 : memref<16xi32, #tpu.memory_space<vmem>>)
      tpu.yield
    }) : () -> ()
    %get3A = arith.constant 0 : index
    %get3A_1 = tpu.vector_load %arg16[%get3A] {strides = array<i32>} : memref<16xi32, #tpu.memory_space<vmem>>, vector<16xi32>,
    %get3A_2 = vector.shape_cast %get3A_1 : vector<16xi32> to vector<16xi32>
    %ne3A = arith.constant 0 : i32
    %ne3A_3 = vector.broadcast %ne3A : i32 to vector<16xi32>
    %ne3A_4 = arith.cmpi ne, %get3A_2, %ne3A_3 : vector<16xi32>
    %iota3A = tpu.iota {dimensions = array<i32: 0>} : vector<16xi32>
    %mul3A_5 = arith.constant 2 : i32
    %mul3A_6 = arith.muli %arg0, %mul3A_5 : i32
    %add3A = arith.constant 1 : i32
    %add3A_7 = arith.addi %mul3A_6, %add3A : i32
    %add3A_8 = arith.constant 0 : i32
    %add3A_9 = arith.addi %mul3A_0, %add3A_8 : i32
    %multiple_of3A = tpu.assume_multiple %add3A_9, 8 : i32
    %dma_start3A = arith.constant 0 : i32
    %dma_start3A_10 = tpu.memref_slice %arg2[%mul3A_6, %multiple_of3A, %dma_start3A] : memref<4x130305x64xf32, #tpu.memory_space<hbm>> -> memref<1x112x64xf32, #tpu.memory_space<hbm>>
    %dma_start3A_11 = tpu.memref_squeeze %dma_start3A_10 : memref<1x112x64xf32, #tpu.memory_space<hbm>> -> memref<112x64xf32, #tpu.memory_space<hbm>>
    %dma_start3A_12 = arith.constant 0 : i32
    %dma_start3A_13 = tpu.memref_slice %arg2[%mul3A_6, %multiple_of3A, %dma_start3A_12] : memref<4x130305x64xf32, #tpu.memory_space<hbm>> -> memref<1x112x64xf32, #tpu.memory_space<hbm>>
    %dma_start3A_14 = tpu.memref_squeeze %dma_start3A_13 : memref<1x112x64xf32, #tpu.memory_space<hbm>> -> memref<112x64xf32, #tpu.memory_space<hbm>>
    tpu.enqueue_dma source(%dma_start3A_14 : memref<112x64xf32, #tpu.memory_space<hbm>>) target(%arg8 : memref<112x64xf32, #tpu.memory_space<vmem>>) target_semaphore(%arg17 : memref<!tpu.dma_semaphore, #tpu.memory_space<semaphore_mem>>)
    %add3A_15 = arith.constant 112 : i32
    %add3A_16 = arith.addi %mul3A_0, %add3A_15 : i32
    %multiple_of3A_17 = tpu.assume_multiple %add3A_16, 8 : i32
    %dma_start3A_18 = arith.constant 0 : i32
    %dma_start3A_19 = tpu.memref_slice %arg2[%mul3A_6, %multiple_of3A_17, %dma_start3A_18] : memref<4x130305x64xf32, #tpu.memory_space<hbm>> -> memref<1x112x64xf32, #tpu.memory_space<hbm>>
    %dma_start3A_20 = tpu.memref_squeeze %dma_start3A_19 : memref<1x112x64xf32, #tpu.memory_space<hbm>> -> memref<112x64xf32, #tpu.memory_space<hbm>>
    %dma_start3A_21 = arith.constant 0 : i32
    %dma_start3A_22 = tpu.memref_slice %arg2[%mul3A_6, %multiple_of3A_17, %dma_start3A_21] : memref<4x130305x64xf32, #tpu.memory_space<hbm>> -> memref<1x112x64xf32, #tpu.memory_space<hbm>>
    %dma_start3A_23 = tpu.memref_squeeze %dma_start3A_22 : memref<1x112x64xf32, #tpu.memory_space<hbm>> -> memref<112x64xf32, #tpu.memory_space<hbm>>
    tpu.enqueue_dma source(%dma_start3A_23 : memref<112x64xf32, #tpu.memory_space<hbm>>) target(%arg9 : memref<112x64xf32, #tpu.memory_space<vmem>>) target_semaphore(%arg18 : memref<!tpu.dma_semaphore, #tpu.memory_space<semaphore_mem>>)
    %scan3A = arith.constant 0 : i32
    %scan3A_24 = arith.constant 0 : i32
    %scan3A_25 = arith.constant 36 : i32
    %scan3A_26 = arith.addi %scan3A_24, %scan3A_25 : i32
    %scan3A_27 = arith.constant 1 : i32
    scf.for %scan3A_245 = %scan3A_24 to %scan3A_26 step %scan3A_27  : i32 {
      %mul3A_246 = arith.constant 2 : i32
      %mul3A_247 = arith.muli %mul3A_246, %scan3A_245 : i32
      %add3A_248 = arith.constant 0 : i32
      %add3A_249 = arith.addi %mul3A_247, %add3A_248 : i32
      %dma_wait3A_250 = arith.constant 0 : i32
      %dma_wait3A_251 = arith.constant 0 : i32
      %dma_wait3A_252 = arith.constant 0 : i32
      %dma_wait3A_253 = tpu.memref_slice %arg2[%dma_wait3A_250, %dma_wait3A_251, %dma_wait3A_252] : memref<4x130305x64xf32, #tpu.memory_space<hbm>> -> memref<1x112x64xf32, #tpu.memory_space<hbm>>
      %dma_wait3A_254 = tpu.memref_squeeze %dma_wait3A_253 : memref<1x112x64xf32, #tpu.memory_space<hbm>> -> memref<112x64xf32, #tpu.memory_space<hbm>>
      %dma_wait3A_255 = arith.constant 0 : i32
      %dma_wait3A_256 = arith.constant 0 : i32
      %dma_wait3A_257 = tpu.memref_slice %arg2[%dma_wait3A_250, %dma_wait3A_255, %dma_wait3A_256] : memref<4x130305x64xf32, #tpu.memory_space<hbm>> -> memref<1x112x64xf32, #tpu.memory_space<hbm>>
      %dma_wait3A_258 = tpu.memref_squeeze %dma_wait3A_257 : memref<1x112x64xf32, #tpu.memory_space<hbm>> -> memref<112x64xf32, #tpu.memory_space<hbm>>
      tpu.wait_dma2 semaphore(%arg17 : memref<!tpu.dma_semaphore, #tpu.memory_space<semaphore_mem>>) src(%dma_wait3A_258 : memref<112x64xf32, #tpu.memory_space<hbm>>) dst(%arg8 : memref<112x64xf32, #tpu.memory_space<vmem>>)
      %gt3A = arith.constant 0 : i32
      %gt3A_259 = arith.cmpi sgt, %scan3A_245, %gt3A : i32
      %convert_element_type3A_260 = arith.extui %gt3A_259 : i1 to i32
      %cond3A_261 = arith.constant 0 : i32
      %cond3A_262 = arith.cmpi ne, %convert_element_type3A_260, %cond3A_261 : i32
      scf.if %cond3A_262 {
        %dma_wait3A_328 = arith.constant 0 : i32
        %dma_wait3A_329 = arith.constant 0 : i32
        %dma_wait3A_330 = tpu.memref_slice %arg6[%dma_wait3A_328, %dma_wait3A_329] : memref<521248x128xf32, #tpu.memory_space<hbm>> -> memref<112x128xf32, #tpu.memory_space<hbm>>
        %dma_wait3A_331 = arith.constant 0 : i32
        %dma_wait3A_332 = arith.constant 0 : i32
        %dma_wait3A_333 = tpu.memref_slice %arg6[%dma_wait3A_331, %dma_wait3A_332] : memref<521248x128xf32, #tpu.memory_space<hbm>> -> memref<112x128xf32, #tpu.memory_space<hbm>>
        tpu.wait_dma2 semaphore(%arg21 : memref<!tpu.dma_semaphore, #tpu.memory_space<semaphore_mem>>) src(%arg10 : memref<112x128xf32, #tpu.memory_space<vmem>>) dst(%dma_wait3A_333 : memref<112x128xf32, #tpu.memory_space<hbm>>)
      } else {
      }
      %scan3A_263 = arith.constant 0 : i32
      %scan3A_264 = arith.constant 0 : i32
      %scan3A_265 = arith.constant 28 : i32
      %scan3A_266 = arith.addi %scan3A_264, %scan3A_265 : i32
      %scan3A_267 = arith.constant 1 : i32
      scf.for %scan3A_328 = %scan3A_264 to %scan3A_266 step %scan3A_267  : i32 {
        %mul3A_329 = arith.constant 4 : i32
        %mul3A_330 = arith.muli %scan3A_328, %mul3A_329 : i32
        %add3A_331 = arith.constant 0 : i32
        %add3A_332 = arith.addi %mul3A_330, %add3A_331 : i32
        %get3A_333 = arith.index_cast %add3A_332 : i32 to index
        %get3A_334 = arith.constant 0 : index
        %get3A_335 = tpu.vector_load %arg8[%get3A_333, %get3A_334] {strides = array<i32>} : memref<112x64xf32, #tpu.memory_space<vmem>>, vector<1x16xf32>,
        %get3A_336 = vector.shape_cast %get3A_335 : vector<1x16xf32> to vector<16xf32>
        %add3A_337 = arith.constant 0 : i32
        %add3A_338 = arith.addi %mul3A_330, %add3A_337 : i32
        %swap3A = arith.index_cast %add3A_338 : i32 to index
        %swap3A_339 = arith.constant 0 : index
        %swap3A_340 = tpu.vector_load %arg10[%swap3A, %swap3A_339] {strides = array<i32>} : memref<112x128xf32, #tpu.memory_space<vmem>>, vector<1x16xf32>,
        %swap3A_341 = vector.shape_cast %swap3A_340 : vector<1x16xf32> to vector<16xf32>
        %swap3A_342 = vector.shape_cast %get3A_336 : vector<16xf32> to vector<1x16xf32>
        tpu.vector_store %arg10[%swap3A, %swap3A_339], %swap3A_342 {strides = array<i32>} : memref<112x128xf32, #tpu.memory_space<vmem>>, vector<1x16xf32>,
        %add3A_343 = arith.constant 0 : i32
        %add3A_344 = arith.addi %mul3A_330, %add3A_343 : i32
        %get3A_345 = arith.index_cast %add3A_344 : i32 to index
        %get3A_346 = arith.constant 16 : index
        %get3A_347 = tpu.vector_load %arg8[%get3A_345, %get3A_346] {strides = array<i32>} : memref<112x64xf32, #tpu.memory_space<vmem>>, vector<1x16xf32>,
        %get3A_348 = vector.shape_cast %get3A_347 : vector<1x16xf32> to vector<16xf32>
        %add3A_349 = arith.constant 0 : i32
        %add3A_350 = arith.addi %mul3A_330, %add3A_349 : i32
        %swap3A_351 = arith.index_cast %add3A_350 : i32 to index
        %swap3A_352 = arith.constant 16 : index
        %swap3A_353 = tpu.vector_load %arg10[%swap3A_351, %swap3A_352] {strides = array<i32>} : memref<112x128xf32, #tpu.memory_space<vmem>>, vector<1x16xf32>,
        %swap3A_354 = vector.shape_cast %swap3A_353 : vector<1x16xf32> to vector<16xf32>
        %swap3A_355 = vector.shape_cast %get3A_348 : vector<16xf32> to vector<1x16xf32>
        tpu.vector_store %arg10[%swap3A_351, %swap3A_352], %swap3A_355 {strides = array<i32>} : memref<112x128xf32, #tpu.memory_space<vmem>>, vector<1x16xf32>,
        %add3A_356 = arith.constant 0 : i32
        %add3A_357 = arith.addi %mul3A_330, %add3A_356 : i32
        %get3A_358 = arith.index_cast %add3A_357 : i32 to index
        %get3A_359 = arith.constant 32 : index
        %get3A_360 = tpu.vector_load %arg8[%get3A_358, %get3A_359] {strides = array<i32>} : memref<112x64xf32, #tpu.memory_space<vmem>>, vector<1x16xf32>,
        %get3A_361 = vector.shape_cast %get3A_360 : vector<1x16xf32> to vector<16xf32>
        %add3A_362 = arith.constant 0 : i32
        %add3A_363 = arith.addi %mul3A_330, %add3A_362 : i32
        %swap3A_364 = arith.index_cast %add3A_363 : i32 to index
        %swap3A_365 = arith.constant 32 : index
        %swap3A_366 = tpu.vector_load %arg10[%swap3A_364, %swap3A_365] {strides = array<i32>} : memref<112x128xf32, #tpu.memory_space<vmem>>, vector<1x16xf32>,
        %swap3A_367 = vector.shape_cast %swap3A_366 : vector<1x16xf32> to vector<16xf32>
        %swap3A_368 = vector.shape_cast %get3A_361 : vector<16xf32> to vector<1x16xf32>
        tpu.vector_store %arg10[%swap3A_364, %swap3A_365], %swap3A_368 {strides = array<i32>} : memref<112x128xf32, #tpu.memory_space<vmem>>, vector<1x16xf32>,
        %add3A_369 = arith.constant 0 : i32
        %add3A_370 = arith.addi %mul3A_330, %add3A_369 : i32
        %get3A_371 = arith.index_cast %add3A_370 : i32 to index
        %get3A_372 = arith.constant 48 : index
        %get3A_373 = tpu.vector_load %arg8[%get3A_371, %get3A_372] {strides = array<i32>} : memref<112x64xf32, #tpu.memory_space<vmem>>, vector<1x16xf32>,
        %get3A_374 = vector.shape_cast %get3A_373 : vector<1x16xf32> to vector<16xf32>
        %add3A_375 = arith.constant 0 : i32
        %add3A_376 = arith.addi %mul3A_330, %add3A_375 : i32
        %swap3A_377 = arith.index_cast %add3A_376 : i32 to index
        %swap3A_378 = arith.constant 48 : index
        %swap3A_379 = tpu.vector_load %arg10[%swap3A_377, %swap3A_378] {strides = array<i32>} : memref<112x128xf32, #tpu.memory_space<vmem>>, vector<1x16xf32>,
        %swap3A_380 = vector.shape_cast %swap3A_379 : vector<1x16xf32> to vector<16xf32>
        %swap3A_381 = vector.shape_cast %get3A_374 : vector<16xf32> to vector<1x16xf32>
        tpu.vector_store %arg10[%swap3A_377, %swap3A_378], %swap3A_381 {strides = array<i32>} : memref<112x128xf32, #tpu.memory_space<vmem>>, vector<1x16xf32>,
        %add3A_382 = arith.constant 1 : i32
        %add3A_383 = arith.addi %mul3A_330, %add3A_382 : i32
        %get3A_384 = arith.index_cast %add3A_383 : i32 to index
        %get3A_385 = arith.constant 0 : index
        %get3A_386 = tpu.vector_load %arg8[%get3A_384, %get3A_385] {strides = array<i32>} : memref<112x64xf32, #tpu.memory_space<vmem>>, vector<1x16xf32>,
        %get3A_387 = vector.shape_cast %get3A_386 : vector<1x16xf32> to vector<16xf32>
        %add3A_388 = arith.constant 1 : i32
        %add3A_389 = arith.addi %mul3A_330, %add3A_388 : i32
        %swap3A_390 = arith.index_cast %add3A_389 : i32 to index
        %swap3A_391 = arith.constant 0 : index
        %swap3A_392 = tpu.vector_load %arg10[%swap3A_390, %swap3A_391] {strides = array<i32>} : memref<112x128xf32, #tpu.memory_space<vmem>>, vector<1x16xf32>,
        %swap3A_393 = vector.shape_cast %swap3A_392 : vector<1x16xf32> to vector<16xf32>
        %swap3A_394 = vector.shape_cast %get3A_387 : vector<16xf32> to vector<1x16xf32>
        tpu.vector_store %arg10[%swap3A_390, %swap3A_391], %swap3A_394 {strides = array<i32>} : memref<112x128xf32, #tpu.memory_space<vmem>>, vector<1x16xf32>,
        %add3A_395 = arith.constant 1 : i32
        %add3A_396 = arith.addi %mul3A_330, %add3A_395 : i32
        %get3A_397 = arith.index_cast %add3A_396 : i32 to index
        %get3A_398 = arith.constant 16 : index
        %get3A_399 = tpu.vector_load %arg8[%get3A_397, %get3A_398] {strides = array<i32>} : memref<112x64xf32, #tpu.memory_space<vmem>>, vector<1x16xf32>,
        %get3A_400 = vector.shape_cast %get3A_399 : vector<1x16xf32> to vector<16xf32>
        %add3A_401 = arith.constant 1 : i32
        %add3A_402 = arith.addi %mul3A_330, %add3A_401 : i32
        %swap3A_403 = arith.index_cast %add3A_402 : i32 to index
        %swap3A_404 = arith.constant 16 : index
        %swap3A_405 = tpu.vector_load %arg10[%swap3A_403, %swap3A_404] {strides = array<i32>} : memref<112x128xf32, #tpu.memory_space<vmem>>, vector<1x16xf32>,
        %swap3A_406 = vector.shape_cast %swap3A_405 : vector<1x16xf32> to vector<16xf32>
        %swap3A_407 = vector.shape_cast %get3A_400 : vector<16xf32> to vector<1x16xf32>
        tpu.vector_store %arg10[%swap3A_403, %swap3A_404], %swap3A_407 {strides = array<i32>} : memref<112x128xf32, #tpu.memory_space<vmem>>, vector<1x16xf32>,
        %add3A_408 = arith.constant 1 : i32
        %add3A_409 = arith.addi %mul3A_330, %add3A_408 : i32
        %get3A_410 = arith.index_cast %add3A_409 : i32 to index
        %get3A_411 = arith.constant 32 : index
        %get3A_412 = tpu.vector_load %arg8[%get3A_410, %get3A_411] {strides = array<i32>} : memref<112x64xf32, #tpu.memory_space<vmem>>, vector<1x16xf32>,
        %get3A_413 = vector.shape_cast %get3A_412 : vector<1x16xf32> to vector<16xf32>
        %add3A_414 = arith.constant 1 : i32
        %add3A_415 = arith.addi %mul3A_330, %add3A_414 : i32
        %swap3A_416 = arith.index_cast %add3A_415 : i32 to index
        %swap3A_417 = arith.constant 32 : index
        %swap3A_418 = tpu.vector_load %arg10[%swap3A_416, %swap3A_417] {strides = array<i32>} : memref<112x128xf32, #tpu.memory_space<vmem>>, vector<1x16xf32>,
        %swap3A_419 = vector.shape_cast %swap3A_418 : vector<1x16xf32> to vector<16xf32>
        %swap3A_420 = vector.shape_cast %get3A_413 : vector<16xf32> to vector<1x16xf32>
        tpu.vector_store %arg10[%swap3A_416, %swap3A_417], %swap3A_420 {strides = array<i32>} : memref<112x128xf32, #tpu.memory_space<vmem>>, vector<1x16xf32>,
        %add3A_421 = arith.constant 1 : i32
        %add3A_422 = arith.addi %mul3A_330, %add3A_421 : i32
        %get3A_423 = arith.index_cast %add3A_422 : i32 to index
        %get3A_424 = arith.constant 48 : index
        %get3A_425 = tpu.vector_load %arg8[%get3A_423, %get3A_424] {strides = array<i32>} : memref<112x64xf32, #tpu.memory_space<vmem>>, vector<1x16xf32>,
        %get3A_426 = vector.shape_cast %get3A_425 : vector<1x16xf32> to vector<16xf32>
        %add3A_427 = arith.constant 1 : i32
        %add3A_428 = arith.addi %mul3A_330, %add3A_427 : i32
        %swap3A_429 = arith.index_cast %add3A_428 : i32 to index
        %swap3A_430 = arith.constant 48 : index
        %swap3A_431 = tpu.vector_load %arg10[%swap3A_429, %swap3A_430] {strides = array<i32>} : memref<112x128xf32, #tpu.memory_space<vmem>>, vector<1x16xf32>,
        %swap3A_432 = vector.shape_cast %swap3A_431 : vector<1x16xf32> to vector<16xf32>
        %swap3A_433 = vector.shape_cast %get3A_426 : vector<16xf32> to vector<1x16xf32>
        tpu.vector_store %arg10[%swap3A_429, %swap3A_430], %swap3A_433 {strides = array<i32>} : memref<112x128xf32, #tpu.memory_space<vmem>>, vector<1x16xf32>,
        %add3A_434 = arith.constant 2 : i32
        %add3A_435 = arith.addi %mul3A_330, %add3A_434 : i32
        %get3A_436 = arith.index_cast %add3A_435 : i32 to index
        %get3A_437 = arith.constant 0 : index
        %get3A_438 = tpu.vector_load %arg8[%get3A_436, %get3A_437] {strides = array<i32>} : memref<112x64xf32, #tpu.memory_space<vmem>>, vector<1x16xf32>,
        %get3A_439 = vector.shape_cast %get3A_438 : vector<1x16xf32> to vector<16xf32>
        %add3A_440 = arith.constant 2 : i32
        %add3A_441 = arith.addi %mul3A_330, %add3A_440 : i32
        %swap3A_442 = arith.index_cast %add3A_441 : i32 to index
        %swap3A_443 = arith.constant 0 : index
        %swap3A_444 = tpu.vector_load %arg10[%swap3A_442, %swap3A_443] {strides = array<i32>} : memref<112x128xf32, #tpu.memory_space<vmem>>, vector<1x16xf32>,
        %swap3A_445 = vector.shape_cast %swap3A_444 : vector<1x16xf32> to vector<16xf32>
        %swap3A_446 = vector.shape_cast %get3A_439 : vector<16xf32> to vector<1x16xf32>
        tpu.vector_store %arg10[%swap3A_442, %swap3A_443], %swap3A_446 {strides = array<i32>} : memref<112x128xf32, #tpu.memory_space<vmem>>, vector<1x16xf32>,
        %add3A_447 = arith.constant 2 : i32
        %add3A_448 = arith.addi %mul3A_330, %add3A_447 : i32
        %get3A_449 = arith.index_cast %add3A_448 : i32 to index
        %get3A_450 = arith.constant 16 : index
        %get3A_451 = tpu.vector_load %arg8[%get3A_449, %get3A_450] {strides = array<i32>} : memref<112x64xf32, #tpu.memory_space<vmem>>, vector<1x16xf32>,
        %get3A_452 = vector.shape_cast %get3A_451 : vector<1x16xf32> to vector<16xf32>
        %add3A_453 = arith.constant 2 : i32
        %add3A_454 = arith.addi %mul3A_330, %add3A_453 : i32
        %swap3A_455 = arith.index_cast %add3A_454 : i32 to index
        %swap3A_456 = arith.constant 16 : index
        %swap3A_457 = tpu.vector_load %arg10[%swap3A_455, %swap3A_456] {strides = array<i32>} : memref<112x128xf32, #tpu.memory_space<vmem>>, vector<1x16xf32>,
        %swap3A_458 = vector.shape_cast %swap3A_457 : vector<1x16xf32> to vector<16xf32>
        %swap3A_459 = vector.shape_cast %get3A_452 : vector<16xf32> to vector<1x16xf32>
        tpu.vector_store %arg10[%swap3A_455, %swap3A_456], %swap3A_459 {strides = array<i32>} : memref<112x128xf32, #tpu.memory_space<vmem>>, vector<1x16xf32>,
        %add3A_460 = arith.constant 2 : i32
        %add3A_461 = arith.addi %mul3A_330, %add3A_460 : i32
        %get3A_462 = arith.index_cast %add3A_461 : i32 to index
        %get3A_463 = arith.constant 32 : index
        %get3A_464 = tpu.vector_load %arg8[%get3A_462, %get3A_463] {strides = array<i32>} : memref<112x64xf32, #tpu.memory_space<vmem>>, vector<1x16xf32>,
        %get3A_465 = vector.shape_cast %get3A_464 : vector<1x16xf32> to vector<16xf32>
        %add3A_466 = arith.constant 2 : i32
        %add3A_467 = arith.addi %mul3A_330, %add3A_466 : i32
        %swap3A_468 = arith.index_cast %add3A_467 : i32 to index
        %swap3A_469 = arith.constant 32 : index
        %swap3A_470 = tpu.vector_load %arg10[%swap3A_468, %swap3A_469] {strides = array<i32>} : memref<112x128xf32, #tpu.memory_space<vmem>>, vector<1x16xf32>,
        %swap3A_471 = vector.shape_cast %swap3A_470 : vector<1x16xf32> to vector<16xf32>
        %swap3A_472 = vector.shape_cast %get3A_465 : vector<16xf32> to vector<1x16xf32>
        tpu.vector_store %arg10[%swap3A_468, %swap3A_469], %swap3A_472 {strides = array<i32>} : memref<112x128xf32, #tpu.memory_space<vmem>>, vector<1x16xf32>,
        %add3A_473 = arith.constant 2 : i32
        %add3A_474 = arith.addi %mul3A_330, %add3A_473 : i32
        %get3A_475 = arith.index_cast %add3A_474 : i32 to index
        %get3A_476 = arith.constant 48 : index
        %get3A_477 = tpu.vector_load %arg8[%get3A_475, %get3A_476] {strides = array<i32>} : memref<112x64xf32, #tpu.memory_space<vmem>>, vector<1x16xf32>,
        %get3A_478 = vector.shape_cast %get3A_477 : vector<1x16xf32> to vector<16xf32>
        %add3A_479 = arith.constant 2 : i32
        %add3A_480 = arith.addi %mul3A_330, %add3A_479 : i32
        %swap3A_481 = arith.index_cast %add3A_480 : i32 to index
        %swap3A_482 = arith.constant 48 : index
        %swap3A_483 = tpu.vector_load %arg10[%swap3A_481, %swap3A_482] {strides = array<i32>} : memref<112x128xf32, #tpu.memory_space<vmem>>, vector<1x16xf32>,
        %swap3A_484 = vector.shape_cast %swap3A_483 : vector<1x16xf32> to vector<16xf32>
        %swap3A_485 = vector.shape_cast %get3A_478 : vector<16xf32> to vector<1x16xf32>
        tpu.vector_store %arg10[%swap3A_481, %swap3A_482], %swap3A_485 {strides = array<i32>} : memref<112x128xf32, #tpu.memory_space<vmem>>, vector<1x16xf32>,
        %add3A_486 = arith.constant 3 : i32
        %add3A_487 = arith.addi %mul3A_330, %add3A_486 : i32
        %get3A_488 = arith.index_cast %add3A_487 : i32 to index
        %get3A_489 = arith.constant 0 : index
        %get3A_490 = tpu.vector_load %arg8[%get3A_488, %get3A_489] {strides = array<i32>} : memref<112x64xf32, #tpu.memory_space<vmem>>, vector<1x16xf32>,
        %get3A_491 = vector.shape_cast %get3A_490 : vector<1x16xf32> to vector<16xf32>
        %add3A_492 = arith.constant 3 : i32
        %add3A_493 = arith.addi %mul3A_330, %add3A_492 : i32
        %swap3A_494 = arith.index_cast %add3A_493 : i32 to index
        %swap3A_495 = arith.constant 0 : index
        %swap3A_496 = tpu.vector_load %arg10[%swap3A_494, %swap3A_495] {strides = array<i32>} : memref<112x128xf32, #tpu.memory_space<vmem>>, vector<1x16xf32>,
        %swap3A_497 = vector.shape_cast %swap3A_496 : vector<1x16xf32> to vector<16xf32>
        %swap3A_498 = vector.shape_cast %get3A_491 : vector<16xf32> to vector<1x16xf32>
        tpu.vector_store %arg10[%swap3A_494, %swap3A_495], %swap3A_498 {strides = array<i32>} : memref<112x128xf32, #tpu.memory_space<vmem>>, vector<1x16xf32>,
        %add3A_499 = arith.constant 3 : i32
        %add3A_500 = arith.addi %mul3A_330, %add3A_499 : i32
        %get3A_501 = arith.index_cast %add3A_500 : i32 to index
        %get3A_502 = arith.constant 16 : index
        %get3A_503 = tpu.vector_load %arg8[%get3A_501, %get3A_502] {strides = array<i32>} : memref<112x64xf32, #tpu.memory_space<vmem>>, vector<1x16xf32>,
        %get3A_504 = vector.shape_cast %get3A_503 : vector<1x16xf32> to vector<16xf32>
        %add3A_505 = arith.constant 3 : i32
        %add3A_506 = arith.addi %mul3A_330, %add3A_505 : i32
        %swap3A_507 = arith.index_cast %add3A_506 : i32 to index
        %swap3A_508 = arith.constant 16 : index
        %swap3A_509 = tpu.vector_load %arg10[%swap3A_507, %swap3A_508] {strides = array<i32>} : memref<112x128xf32, #tpu.memory_space<vmem>>, vector<1x16xf32>,
        %swap3A_510 = vector.shape_cast %swap3A_509 : vector<1x16xf32> to vector<16xf32>
        %swap3A_511 = vector.shape_cast %get3A_504 : vector<16xf32> to vector<1x16xf32>
        tpu.vector_store %arg10[%swap3A_507, %swap3A_508], %swap3A_511 {strides = array<i32>} : memref<112x128xf32, #tpu.memory_space<vmem>>, vector<1x16xf32>,
        %add3A_512 = arith.constant 3 : i32
        %add3A_513 = arith.addi %mul3A_330, %add3A_512 : i32
        %get3A_514 = arith.index_cast %add3A_513 : i32 to index
        %get3A_515 = arith.constant 32 : index
        %get3A_516 = tpu.vector_load %arg8[%get3A_514, %get3A_515] {strides = array<i32>} : memref<112x64xf32, #tpu.memory_space<vmem>>, vector<1x16xf32>,
        %get3A_517 = vector.shape_cast %get3A_516 : vector<1x16xf32> to vector<16xf32>
        %add3A_518 = arith.constant 3 : i32
        %add3A_519 = arith.addi %mul3A_330, %add3A_518 : i32
        %swap3A_520 = arith.index_cast %add3A_519 : i32 to index
        %swap3A_521 = arith.constant 32 : index
        %swap3A_522 = tpu.vector_load %arg10[%swap3A_520, %swap3A_521] {strides = array<i32>} : memref<112x128xf32, #tpu.memory_space<vmem>>, vector<1x16xf32>,
        %swap3A_523 = vector.shape_cast %swap3A_522 : vector<1x16xf32> to vector<16xf32>
        %swap3A_524 = vector.shape_cast %get3A_517 : vector<16xf32> to vector<1x16xf32>
        tpu.vector_store %arg10[%swap3A_520, %swap3A_521], %swap3A_524 {strides = array<i32>} : memref<112x128xf32, #tpu.memory_space<vmem>>, vector<1x16xf32>,
        %add3A_525 = arith.constant 3 : i32
        %add3A_526 = arith.addi %mul3A_330, %add3A_525 : i32
        %get3A_527 = arith.index_cast %add3A_526 : i32 to index
        %get3A_528 = arith.constant 48 : index
        %get3A_529 = tpu.vector_load %arg8[%get3A_527, %get3A_528] {strides = array<i32>} : memref<112x64xf32, #tpu.memory_space<vmem>>, vector<1x16xf32>,
        %get3A_530 = vector.shape_cast %get3A_529 : vector<1x16xf32> to vector<16xf32>
        %add3A_531 = arith.constant 3 : i32
        %add3A_532 = arith.addi %mul3A_330, %add3A_531 : i32
        %swap3A_533 = arith.index_cast %add3A_532 : i32 to index
        %swap3A_534 = arith.constant 48 : index
        %swap3A_535 = tpu.vector_load %arg10[%swap3A_533, %swap3A_534] {strides = array<i32>} : memref<112x128xf32, #tpu.memory_space<vmem>>, vector<1x16xf32>,
        %swap3A_536 = vector.shape_cast %swap3A_535 : vector<1x16xf32> to vector<16xf32>
        %swap3A_537 = vector.shape_cast %get3A_530 : vector<16xf32> to vector<1x16xf32>
        tpu.vector_store %arg10[%swap3A_533, %swap3A_534], %swap3A_537 {strides = array<i32>} : memref<112x128xf32, #tpu.memory_space<vmem>>, vector<1x16xf32>,
      }
      %scan3A_268 = arith.constant 28 : i32
      %mul3A_269 = arith.constant 130312 : i32
      %mul3A_270 = arith.muli %mul3A_6, %mul3A_269 : i32
      %add3A_271 = arith.addi %mul3A_270, %mul3A_0 : i32
      %mul3A_272 = arith.constant 112 : i32
      %mul3A_273 = arith.muli %add3A_249, %mul3A_272 : i32
      %add3A_274 = arith.addi %add3A_271, %mul3A_273 : i32
      %multiple_of3A_275 = tpu.assume_multiple %add3A_274, 8 : i32
      %dma_start3A_276 = arith.constant 0 : i32
      %dma_start3A_277 = tpu.memref_slice %arg6[%multiple_of3A_275, %dma_start3A_276] : memref<521248x128xf32, #tpu.memory_space<hbm>> -> memref<112x128xf32, #tpu.memory_space<hbm>>
      %dma_start3A_278 = arith.constant 0 : i32
      %dma_start3A_279 = tpu.memref_slice %arg6[%multiple_of3A_275, %dma_start3A_278] : memref<521248x128xf32, #tpu.memory_space<hbm>> -> memref<112x128xf32, #tpu.memory_space<hbm>>
      tpu.enqueue_dma source(%arg10 : memref<112x128xf32, #tpu.memory_space<vmem>>) target(%dma_start3A_279 : memref<112x128xf32, #tpu.memory_space<hbm>>) target_semaphore(%arg21 : memref<!tpu.dma_semaphore, #tpu.memory_space<semaphore_mem>>)
      %add3A_280 = arith.constant 2 : i32
      %add3A_281 = arith.addi %add3A_249, %add3A_280 : i32
      %lt3A = arith.constant 72 : i32
      %lt3A_282 = arith.cmpi slt, %add3A_281, %lt3A : i32
      %convert_element_type3A_283 = arith.extui %lt3A_282 : i1 to i32
      %cond3A_284 = arith.constant 0 : i32
      %cond3A_285 = arith.cmpi ne, %convert_element_type3A_283, %cond3A_284 : i32
      scf.if %cond3A_285 {
        %add3A_328 = arith.constant 2 : i32
        %add3A_329 = arith.addi %add3A_249, %add3A_328 : i32
        %mul3A_330 = arith.constant 112 : i32
        %mul3A_331 = arith.muli %add3A_329, %mul3A_330 : i32
        %add3A_332 = arith.addi %mul3A_0, %mul3A_331 : i32
        %multiple_of3A_333 = tpu.assume_multiple %add3A_332, 8 : i32
        %dma_start3A_334 = arith.constant 0 : i32
        %dma_start3A_335 = tpu.memref_slice %arg2[%mul3A_6, %multiple_of3A_333, %dma_start3A_334] : memref<4x130305x64xf32, #tpu.memory_space<hbm>> -> memref<1x112x64xf32, #tpu.memory_space<hbm>>
        %dma_start3A_336 = tpu.memref_squeeze %dma_start3A_335 : memref<1x112x64xf32, #tpu.memory_space<hbm>> -> memref<112x64xf32, #tpu.memory_space<hbm>>
        %dma_start3A_337 = arith.constant 0 : i32
        %dma_start3A_338 = tpu.memref_slice %arg2[%mul3A_6, %multiple_of3A_333, %dma_start3A_337] : memref<4x130305x64xf32, #tpu.memory_space<hbm>> -> memref<1x112x64xf32, #tpu.memory_space<hbm>>
        %dma_start3A_339 = tpu.memref_squeeze %dma_start3A_338 : memref<1x112x64xf32, #tpu.memory_space<hbm>> -> memref<112x64xf32, #tpu.memory_space<hbm>>
        tpu.enqueue_dma source(%dma_start3A_339 : memref<112x64xf32, #tpu.memory_space<hbm>>) target(%arg8 : memref<112x64xf32, #tpu.memory_space<vmem>>) target_semaphore(%arg17 : memref<!tpu.dma_semaphore, #tpu.memory_space<semaphore_mem>>)
      } else {
      }
      %mul3A_286 = arith.constant 2 : i32
      %mul3A_287 = arith.muli %mul3A_286, %scan3A_245 : i32
      %add3A_288 = arith.constant 1 : i32
      %add3A_289 = arith.addi %mul3A_287, %add3A_288 : i32
      %dma_wait3A_290 = arith.constant 0 : i32
      %dma_wait3A_291 = arith.constant 0 : i32
      %dma_wait3A_292 = arith.constant 0 : i32
      %dma_wait3A_293 = tpu.memref_slice %arg2[%dma_wait3A_290, %dma_wait3A_291, %dma_wait3A_292] : memref<4x130305x64xf32, #tpu.memory_space<hbm>> -> memref<1x112x64xf32, #tpu.memory_space<hbm>>
      %dma_wait3A_294 = tpu.memref_squeeze %dma_wait3A_293 : memref<1x112x64xf32, #tpu.memory_space<hbm>> -> memref<112x64xf32, #tpu.memory_space<hbm>>
      %dma_wait3A_295 = arith.constant 0 : i32
      %dma_wait3A_296 = arith.constant 0 : i32
      %dma_wait3A_297 = tpu.memref_slice %arg2[%dma_wait3A_290, %dma_wait3A_295, %dma_wait3A_296] : memref<4x130305x64xf32, #tpu.memory_space<hbm>> -> memref<1x112x64xf32, #tpu.memory_space<hbm>>
      %dma_wait3A_298 = tpu.memref_squeeze %dma_wait3A_297 : memref<1x112x64xf32, #tpu.memory_space<hbm>> -> memref<112x64xf32, #tpu.memory_space<hbm>>
      tpu.wait_dma2 semaphore(%arg18 : memref<!tpu.dma_semaphore, #tpu.memory_space<semaphore_mem>>) src(%dma_wait3A_298 : memref<112x64xf32, #tpu.memory_space<hbm>>) dst(%arg9 : memref<112x64xf32, #tpu.memory_space<vmem>>)
      %gt3A_299 = arith.constant 0 : i32
      %gt3A_300 = arith.cmpi sgt, %scan3A_245, %gt3A_299 : i32
      %convert_element_type3A_301 = arith.extui %gt3A_300 : i1 to i32
      %cond3A_302 = arith.constant 0 : i32
      %cond3A_303 = arith.cmpi ne, %convert_element_type3A_301, %cond3A_302 : i32
      scf.if %cond3A_303 {
        %dma_wait3A_328 = arith.constant 0 : i32
        %dma_wait3A_329 = arith.constant 0 : i32
        %dma_wait3A_330 = tpu.memref_slice %arg6[%dma_wait3A_328, %dma_wait3A_329] : memref<521248x128xf32, #tpu.memory_space<hbm>> -> memref<112x128xf32, #tpu.memory_space<hbm>>
        %dma_wait3A_331 = arith.constant 0 : i32
        %dma_wait3A_332 = arith.constant 0 : i32
        %dma_wait3A_333 = tpu.memref_slice %arg6[%dma_wait3A_331, %dma_wait3A_332] : memref<521248x128xf32, #tpu.memory_space<hbm>> -> memref<112x128xf32, #tpu.memory_space<hbm>>
        tpu.wait_dma2 semaphore(%arg22 : memref<!tpu.dma_semaphore, #tpu.memory_space<semaphore_mem>>) src(%arg11 : memref<112x128xf32, #tpu.memory_space<vmem>>) dst(%dma_wait3A_333 : memref<112x128xf32, #tpu.memory_space<hbm>>)
      } else {
      }
      %scan3A_304 = arith.constant 0 : i32
      %scan3A_305 = arith.constant 0 : i32
      %scan3A_306 = arith.constant 28 : i32
      %scan3A_307 = arith.addi %scan3A_305, %scan3A_306 : i32
      %scan3A_308 = arith.constant 1 : i32
      scf.for %scan3A_328 = %scan3A_305 to %scan3A_307 step %scan3A_308  : i32 {
        %mul3A_329 = arith.constant 4 : i32
        %mul3A_330 = arith.muli %scan3A_328, %mul3A_329 : i32
        %add3A_331 = arith.constant 0 : i32
        %add3A_332 = arith.addi %mul3A_330, %add3A_331 : i32
        %get3A_333 = arith.index_cast %add3A_332 : i32 to index
        %get3A_334 = arith.constant 0 : index
        %get3A_335 = tpu.vector_load %arg9[%get3A_333, %get3A_334] {strides = array<i32>} : memref<112x64xf32, #tpu.memory_space<vmem>>, vector<1x16xf32>,
        %get3A_336 = vector.shape_cast %get3A_335 : vector<1x16xf32> to vector<16xf32>
        %add3A_337 = arith.constant 0 : i32
        %add3A_338 = arith.addi %mul3A_330, %add3A_337 : i32
        %swap3A = arith.index_cast %add3A_338 : i32 to index
        %swap3A_339 = arith.constant 0 : index
        %swap3A_340 = tpu.vector_load %arg11[%swap3A, %swap3A_339] {strides = array<i32>} : memref<112x128xf32, #tpu.memory_space<vmem>>, vector<1x16xf32>,
        %swap3A_341 = vector.shape_cast %swap3A_340 : vector<1x16xf32> to vector<16xf32>
        %swap3A_342 = vector.shape_cast %get3A_336 : vector<16xf32> to vector<1x16xf32>
        tpu.vector_store %arg11[%swap3A, %swap3A_339], %swap3A_342 {strides = array<i32>} : memref<112x128xf32, #tpu.memory_space<vmem>>, vector<1x16xf32>,
        %add3A_343 = arith.constant 0 : i32
        %add3A_344 = arith.addi %mul3A_330, %add3A_343 : i32
        %get3A_345 = arith.index_cast %add3A_344 : i32 to index
        %get3A_346 = arith.constant 16 : index
        %get3A_347 = tpu.vector_load %arg9[%get3A_345, %get3A_346] {strides = array<i32>} : memref<112x64xf32, #tpu.memory_space<vmem>>, vector<1x16xf32>,
        %get3A_348 = vector.shape_cast %get3A_347 : vector<1x16xf32> to vector<16xf32>
        %add3A_349 = arith.constant 0 : i32
        %add3A_350 = arith.addi %mul3A_330, %add3A_349 : i32
        %swap3A_351 = arith.index_cast %add3A_350 : i32 to index
        %swap3A_352 = arith.constant 16 : index
        %swap3A_353 = tpu.vector_load %arg11[%swap3A_351, %swap3A_352] {strides = array<i32>} : memref<112x128xf32, #tpu.memory_space<vmem>>, vector<1x16xf32>,
        %swap3A_354 = vector.shape_cast %swap3A_353 : vector<1x16xf32> to vector<16xf32>
        %swap3A_355 = vector.shape_cast %get3A_348 : vector<16xf32> to vector<1x16xf32>
        tpu.vector_store %arg11[%swap3A_351, %swap3A_352], %swap3A_355 {strides = array<i32>} : memref<112x128xf32, #tpu.memory_space<vmem>>, vector<1x16xf32>,
        %add3A_356 = arith.constant 0 : i32
        %add3A_357 = arith.addi %mul3A_330, %add3A_356 : i32
        %get3A_358 = arith.index_cast %add3A_357 : i32 to index
        %get3A_359 = arith.constant 32 : index
        %get3A_360 = tpu.vector_load %arg9[%get3A_358, %get3A_359] {strides = array<i32>} : memref<112x64xf32, #tpu.memory_space<vmem>>, vector<1x16xf32>,
        %get3A_361 = vector.shape_cast %get3A_360 : vector<1x16xf32> to vector<16xf32>
        %add3A_362 = arith.constant 0 : i32
        %add3A_363 = arith.addi %mul3A_330, %add3A_362 : i32
        %swap3A_364 = arith.index_cast %add3A_363 : i32 to index
        %swap3A_365 = arith.constant 32 : index
        %swap3A_366 = tpu.vector_load %arg11[%swap3A_364, %swap3A_365] {strides = array<i32>} : memref<112x128xf32, #tpu.memory_space<vmem>>, vector<1x16xf32>,
        %swap3A_367 = vector.shape_cast %swap3A_366 : vector<1x16xf32> to vector<16xf32>
        %swap3A_368 = vector.shape_cast %get3A_361 : vector<16xf32> to vector<1x16xf32>
        tpu.vector_store %arg11[%swap3A_364, %swap3A_365], %swap3A_368 {strides = array<i32>} : memref<112x128xf32, #tpu.memory_space<vmem>>, vector<1x16xf32>,
        %add3A_369 = arith.constant 0 : i32
        %add3A_370 = arith.addi %mul3A_330, %add3A_369 : i32
        %get3A_371 = arith.index_cast %add3A_370 : i32 to index
        %get3A_372 = arith.constant 48 : index
        %get3A_373 = tpu.vector_load %arg9[%get3A_371, %get3A_372] {strides = array<i32>} : memref<112x64xf32, #tpu.memory_space<vmem>>, vector<1x16xf32>,
        %get3A_374 = vector.shape_cast %get3A_373 : vector<1x16xf32> to vector<16xf32>
        %add3A_375 = arith.constant 0 : i32
        %add3A_376 = arith.addi %mul3A_330, %add3A_375 : i32
        %swap3A_377 = arith.index_cast %add3A_376 : i32 to index
        %swap3A_378 = arith.constant 48 : index
        %swap3A_379 = tpu.vector_load %arg11[%swap3A_377, %swap3A_378] {strides = array<i32>} : memref<112x128xf32, #tpu.memory_space<vmem>>, vector<1x16xf32>,
        %swap3A_380 = vector.shape_cast %swap3A_379 : vector<1x16xf32> to vector<16xf32>
        %swap3A_381 = vector.shape_cast %get3A_374 : vector<16xf32> to vector<1x16xf32>
        tpu.vector_store %arg11[%swap3A_377, %swap3A_378], %swap3A_381 {strides = array<i32>} : memref<112x128xf32, #tpu.memory_space<vmem>>, vector<1x16xf32>,
        %add3A_382 = arith.constant 1 : i32
        %add3A_383 = arith.addi %mul3A_330, %add3A_382 : i32
        %get3A_384 = arith.index_cast %add3A_383 : i32 to index
        %get3A_385 = arith.constant 0 : index
        %get3A_386 = tpu.vector_load %arg9[%get3A_384, %get3A_385] {strides = array<i32>} : memref<112x64xf32, #tpu.memory_space<vmem>>, vector<1x16xf32>,
        %get3A_387 = vector.shape_cast %get3A_386 : vector<1x16xf32> to vector<16xf32>
        %add3A_388 = arith.constant 1 : i32
        %add3A_389 = arith.addi %mul3A_330, %add3A_388 : i32
        %swap3A_390 = arith.index_cast %add3A_389 : i32 to index
        %swap3A_391 = arith.constant 0 : index
        %swap3A_392 = tpu.vector_load %arg11[%swap3A_390, %swap3A_391] {strides = array<i32>} : memref<112x128xf32, #tpu.memory_space<vmem>>, vector<1x16xf32>,
        %swap3A_393 = vector.shape_cast %swap3A_392 : vector<1x16xf32> to vector<16xf32>
        %swap3A_394 = vector.shape_cast %get3A_387 : vector<16xf32> to vector<1x16xf32>
        tpu.vector_store %arg11[%swap3A_390, %swap3A_391], %swap3A_394 {strides = array<i32>} : memref<112x128xf32, #tpu.memory_space<vmem>>, vector<1x16xf32>,
        %add3A_395 = arith.constant 1 : i32
        %add3A_396 = arith.addi %mul3A_330, %add3A_395 : i32
        %get3A_397 = arith.index_cast %add3A_396 : i32 to index
        %get3A_398 = arith.constant 16 : index
        %get3A_399 = tpu.vector_load %arg9[%get3A_397, %get3A_398] {strides = array<i32>} : memref<112x64xf32, #tpu.memory_space<vmem>>, vector<1x16xf32>,
        %get3A_400 = vector.shape_cast %get3A_399 : vector<1x16xf32> to vector<16xf32>
        %add3A_401 = arith.constant 1 : i32
        %add3A_402 = arith.addi %mul3A_330, %add3A_401 : i32
        %swap3A_403 = arith.index_cast %add3A_402 : i32 to index
        %swap3A_404 = arith.constant 16 : index
        %swap3A_405 = tpu.vector_load %arg11[%swap3A_403, %swap3A_404] {strides = array<i32>} : memref<112x128xf32, #tpu.memory_space<vmem>>, vector<1x16xf32>,
        %swap3A_406 = vector.shape_cast %swap3A_405 : vector<1x16xf32> to vector<16xf32>
        %swap3A_407 = vector.shape_cast %get3A_400 : vector<16xf32> to vector<1x16xf32>
        tpu.vector_store %arg11[%swap3A_403, %swap3A_404], %swap3A_407 {strides = array<i32>} : memref<112x128xf32, #tpu.memory_space<vmem>>, vector<1x16xf32>,
        %add3A_408 = arith.constant 1 : i32
        %add3A_409 = arith.addi %mul3A_330, %add3A_408 : i32
        %get3A_410 = arith.index_cast %add3A_409 : i32 to index
        %get3A_411 = arith.constant 32 : index
        %get3A_412 = tpu.vector_load %arg9[%get3A_410, %get3A_411] {strides = array<i32>} : memref<112x64xf32, #tpu.memory_space<vmem>>, vector<1x16xf32>,
        %get3A_413 = vector.shape_cast %get3A_412 : vector<1x16xf32> to vector<16xf32>
        %add3A_414 = arith.constant 1 : i32
        %add3A_415 = arith.addi %mul3A_330, %add3A_414 : i32
        %swap3A_416 = arith.index_cast %add3A_415 : i32 to index
        %swap3A_417 = arith.constant 32 : index
        %swap3A_418 = tpu.vector_load %arg11[%swap3A_416, %swap3A_417] {strides = array<i32>} : memref<112x128xf32, #tpu.memory_space<vmem>>, vector<1x16xf32>,
        %swap3A_419 = vector.shape_cast %swap3A_418 : vector<1x16xf32> to vector<16xf32>
        %swap3A_420 = vector.shape_cast %get3A_413 : vector<16xf32> to vector<1x16xf32>
        tpu.vector_store %arg11[%swap3A_416, %swap3A_417], %swap3A_420 {strides = array<i32>} : memref<112x128xf32, #tpu.memory_space<vmem>>, vector<1x16xf32>,
        %add3A_421 = arith.constant 1 : i32
        %add3A_422 = arith.addi %mul3A_330, %add3A_421 : i32
        %get3A_423 = arith.index_cast %add3A_422 : i32 to index
        %get3A_424 = arith.constant 48 : index
        %get3A_425 = tpu.vector_load %arg9[%get3A_423, %get3A_424] {strides = array<i32>} : memref<112x64xf32, #tpu.memory_space<vmem>>, vector<1x16xf32>,
        %get3A_426 = vector.shape_cast %get3A_425 : vector<1x16xf32> to vector<16xf32>
        %add3A_427 = arith.constant 1 : i32
        %add3A_428 = arith.addi %mul3A_330, %add3A_427 : i32
        %swap3A_429 = arith.index_cast %add3A_428 : i32 to index
        %swap3A_430 = arith.constant 48 : index
        %swap3A_431 = tpu.vector_load %arg11[%swap3A_429, %swap3A_430] {strides = array<i32>} : memref<112x128xf32, #tpu.memory_space<vmem>>, vector<1x16xf32>,
        %swap3A_432 = vector.shape_cast %swap3A_431 : vector<1x16xf32> to vector<16xf32>
        %swap3A_433 = vector.shape_cast %get3A_426 : vector<16xf32> to vector<1x16xf32>
        tpu.vector_store %arg11[%swap3A_429, %swap3A_430], %swap3A_433 {strides = array<i32>} : memref<112x128xf32, #tpu.memory_space<vmem>>, vector<1x16xf32>,
        %add3A_434 = arith.constant 2 : i32
        %add3A_435 = arith.addi %mul3A_330, %add3A_434 : i32
        %get3A_436 = arith.index_cast %add3A_435 : i32 to index
        %get3A_437 = arith.constant 0 : index
        %get3A_438 = tpu.vector_load %arg9[%get3A_436, %get3A_437] {strides = array<i32>} : memref<112x64xf32, #tpu.memory_space<vmem>>, vector<1x16xf32>,
        %get3A_439 = vector.shape_cast %get3A_438 : vector<1x16xf32> to vector<16xf32>
        %add3A_440 = arith.constant 2 : i32
        %add3A_441 = arith.addi %mul3A_330, %add3A_440 : i32
        %swap3A_442 = arith.index_cast %add3A_441 : i32 to index
        %swap3A_443 = arith.constant 0 : index
        %swap3A_444 = tpu.vector_load %arg11[%swap3A_442, %swap3A_443] {strides = array<i32>} : memref<112x128xf32, #tpu.memory_space<vmem>>, vector<1x16xf32>,
        %swap3A_445 = vector.shape_cast %swap3A_444 : vector<1x16xf32> to vector<16xf32>
        %swap3A_446 = vector.shape_cast %get3A_439 : vector<16xf32> to vector<1x16xf32>
        tpu.vector_store %arg11[%swap3A_442, %swap3A_443], %swap3A_446 {strides = array<i32>} : memref<112x128xf32, #tpu.memory_space<vmem>>, vector<1x16xf32>,
        %add3A_447 = arith.constant 2 : i32
        %add3A_448 = arith.addi %mul3A_330, %add3A_447 : i32
        %get3A_449 = arith.index_cast %add3A_448 : i32 to index
        %get3A_450 = arith.constant 16 : index
        %get3A_451 = tpu.vector_load %arg9[%get3A_449, %get3A_450] {strides = array<i32>} : memref<112x64xf32, #tpu.memory_space<vmem>>, vector<1x16xf32>,
        %get3A_452 = vector.shape_cast %get3A_451 : vector<1x16xf32> to vector<16xf32>
        %add3A_453 = arith.constant 2 : i32
        %add3A_454 = arith.addi %mul3A_330, %add3A_453 : i32
        %swap3A_455 = arith.index_cast %add3A_454 : i32 to index
        %swap3A_456 = arith.constant 16 : index
        %swap3A_457 = tpu.vector_load %arg11[%swap3A_455, %swap3A_456] {strides = array<i32>} : memref<112x128xf32, #tpu.memory_space<vmem>>, vector<1x16xf32>,
        %swap3A_458 = vector.shape_cast %swap3A_457 : vector<1x16xf32> to vector<16xf32>
        %swap3A_459 = vector.shape_cast %get3A_452 : vector<16xf32> to vector<1x16xf32>
        tpu.vector_store %arg11[%swap3A_455, %swap3A_456], %swap3A_459 {strides = array<i32>} : memref<112x128xf32, #tpu.memory_space<vmem>>, vector<1x16xf32>,
        %add3A_460 = arith.constant 2 : i32
        %add3A_461 = arith.addi %mul3A_330, %add3A_460 : i32
        %get3A_462 = arith.index_cast %add3A_461 : i32 to index
        %get3A_463 = arith.constant 32 : index
        %get3A_464 = tpu.vector_load %arg9[%get3A_462, %get3A_463] {strides = array<i32>} : memref<112x64xf32, #tpu.memory_space<vmem>>, vector<1x16xf32>,
        %get3A_465 = vector.shape_cast %get3A_464 : vector<1x16xf32> to vector<16xf32>
        %add3A_466 = arith.constant 2 : i32
        %add3A_467 = arith.addi %mul3A_330, %add3A_466 : i32
        %swap3A_468 = arith.index_cast %add3A_467 : i32 to index
        %swap3A_469 = arith.constant 32 : index
        %swap3A_470 = tpu.vector_load %arg11[%swap3A_468, %swap3A_469] {strides = array<i32>} : memref<112x128xf32, #tpu.memory_space<vmem>>, vector<1x16xf32>,
        %swap3A_471 = vector.shape_cast %swap3A_470 : vector<1x16xf32> to vector<16xf32>
        %swap3A_472 = vector.shape_cast %get3A_465 : vector<16xf32> to vector<1x16xf32>
        tpu.vector_store %arg11[%swap3A_468, %swap3A_469], %swap3A_472 {strides = array<i32>} : memref<112x128xf32, #tpu.memory_space<vmem>>, vector<1x16xf32>,
        %add3A_473 = arith.constant 2 : i32
        %add3A_474 = arith.addi %mul3A_330, %add3A_473 : i32
        %get3A_475 = arith.index_cast %add3A_474 : i32 to index
        %get3A_476 = arith.constant 48 : index
        %get3A_477 = tpu.vector_load %arg9[%get3A_475, %get3A_476] {strides = array<i32>} : memref<112x64xf32, #tpu.memory_space<vmem>>, vector<1x16xf32>,
        %get3A_478 = vector.shape_cast %get3A_477 : vector<1x16xf32> to vector<16xf32>
        %add3A_479 = arith.constant 2 : i32
        %add3A_480 = arith.addi %mul3A_330, %add3A_479 : i32
        %swap3A_481 = arith.index_cast %add3A_480 : i32 to index
        %swap3A_482 = arith.constant 48 : index
        %swap3A_483 = tpu.vector_load %arg11[%swap3A_481, %swap3A_482] {strides = array<i32>} : memref<112x128xf32, #tpu.memory_space<vmem>>, vector<1x16xf32>,
        %swap3A_484 = vector.shape_cast %swap3A_483 : vector<1x16xf32> to vector<16xf32>
        %swap3A_485 = vector.shape_cast %get3A_478 : vector<16xf32> to vector<1x16xf32>
        tpu.vector_store %arg11[%swap3A_481, %swap3A_482], %swap3A_485 {strides = array<i32>} : memref<112x128xf32, #tpu.memory_space<vmem>>, vector<1x16xf32>,
        %add3A_486 = arith.constant 3 : i32
        %add3A_487 = arith.addi %mul3A_330, %add3A_486 : i32
        %get3A_488 = arith.index_cast %add3A_487 : i32 to index
        %get3A_489 = arith.constant 0 : index
        %get3A_490 = tpu.vector_load %arg9[%get3A_488, %get3A_489] {strides = array<i32>} : memref<112x64xf32, #tpu.memory_space<vmem>>, vector<1x16xf32>,
        %get3A_491 = vector.shape_cast %get3A_490 : vector<1x16xf32> to vector<16xf32>
        %add3A_492 = arith.constant 3 : i32
        %add3A_493 = arith.addi %mul3A_330, %add3A_492 : i32
        %swap3A_494 = arith.index_cast %add3A_493 : i32 to index
        %swap3A_495 = arith.constant 0 : index
        %swap3A_496 = tpu.vector_load %arg11[%swap3A_494, %swap3A_495] {strides = array<i32>} : memref<112x128xf32, #tpu.memory_space<vmem>>, vector<1x16xf32>,
        %swap3A_497 = vector.shape_cast %swap3A_496 : vector<1x16xf32> to vector<16xf32>
        %swap3A_498 = vector.shape_cast %get3A_491 : vector<16xf32> to vector<1x16xf32>
        tpu.vector_store %arg11[%swap3A_494, %swap3A_495], %swap3A_498 {strides = array<i32>} : memref<112x128xf32, #tpu.memory_space<vmem>>, vector<1x16xf32>,
        %add3A_499 = arith.constant 3 : i32
        %add3A_500 = arith.addi %mul3A_330, %add3A_499 : i32
        %get3A_501 = arith.index_cast %add3A_500 : i32 to index
        %get3A_502 = arith.constant 16 : index
        %get3A_503 = tpu.vector_load %arg9[%get3A_501, %get3A_502] {strides = array<i32>} : memref<112x64xf32, #tpu.memory_space<vmem>>, vector<1x16xf32>,
        %get3A_504 = vector.shape_cast %get3A_503 : vector<1x16xf32> to vector<16xf32>
        %add3A_505 = arith.constant 3 : i32
        %add3A_506 = arith.addi %mul3A_330, %add3A_505 : i32
        %swap3A_507 = arith.index_cast %add3A_506 : i32 to index
        %swap3A_508 = arith.constant 16 : index
        %swap3A_509 = tpu.vector_load %arg11[%swap3A_507, %swap3A_508] {strides = array<i32>} : memref<112x128xf32, #tpu.memory_space<vmem>>, vector<1x16xf32>,
        %swap3A_510 = vector.shape_cast %swap3A_509 : vector<1x16xf32> to vector<16xf32>
        %swap3A_511 = vector.shape_cast %get3A_504 : vector<16xf32> to vector<1x16xf32>
        tpu.vector_store %arg11[%swap3A_507, %swap3A_508], %swap3A_511 {strides = array<i32>} : memref<112x128xf32, #tpu.memory_space<vmem>>, vector<1x16xf32>,
        %add3A_512 = arith.constant 3 : i32
        %add3A_513 = arith.addi %mul3A_330, %add3A_512 : i32
        %get3A_514 = arith.index_cast %add3A_513 : i32 to index
        %get3A_515 = arith.constant 32 : index
        %get3A_516 = tpu.vector_load %arg9[%get3A_514, %get3A_515] {strides = array<i32>} : memref<112x64xf32, #tpu.memory_space<vmem>>, vector<1x16xf32>,
        %get3A_517 = vector.shape_cast %get3A_516 : vector<1x16xf32> to vector<16xf32>
        %add3A_518 = arith.constant 3 : i32
        %add3A_519 = arith.addi %mul3A_330, %add3A_518 : i32
        %swap3A_520 = arith.index_cast %add3A_519 : i32 to index
        %swap3A_521 = arith.constant 32 : index
        %swap3A_522 = tpu.vector_load %arg11[%swap3A_520, %swap3A_521] {strides = array<i32>} : memref<112x128xf32, #tpu.memory_space<vmem>>, vector<1x16xf32>,
        %swap3A_523 = vector.shape_cast %swap3A_522 : vector<1x16xf32> to vector<16xf32>
        %swap3A_524 = vector.shape_cast %get3A_517 : vector<16xf32> to vector<1x16xf32>
        tpu.vector_store %arg11[%swap3A_520, %swap3A_521], %swap3A_524 {strides = array<i32>} : memref<112x128xf32, #tpu.memory_space<vmem>>, vector<1x16xf32>,
        %add3A_525 = arith.constant 3 : i32
        %add3A_526 = arith.addi %mul3A_330, %add3A_525 : i32
        %get3A_527 = arith.index_cast %add3A_526 : i32 to index
        %get3A_528 = arith.constant 48 : index
        %get3A_529 = tpu.vector_load %arg9[%get3A_527, %get3A_528] {strides = array<i32>} : memref<112x64xf32, #tpu.memory_space<vmem>>, vector<1x16xf32>,
        %get3A_530 = vector.shape_cast %get3A_529 : vector<1x16xf32> to vector<16xf32>
        %add3A_531 = arith.constant 3 : i32
        %add3A_532 = arith.addi %mul3A_330, %add3A_531 : i32
        %swap3A_533 = arith.index_cast %add3A_532 : i32 to index
        %swap3A_534 = arith.constant 48 : index
        %swap3A_535 = tpu.vector_load %arg11[%swap3A_533, %swap3A_534] {strides = array<i32>} : memref<112x128xf32, #tpu.memory_space<vmem>>, vector<1x16xf32>,
        %swap3A_536 = vector.shape_cast %swap3A_535 : vector<1x16xf32> to vector<16xf32>
        %swap3A_537 = vector.shape_cast %get3A_530 : vector<16xf32> to vector<1x16xf32>
        tpu.vector_store %arg11[%swap3A_533, %swap3A_534], %swap3A_537 {strides = array<i32>} : memref<112x128xf32, #tpu.memory_space<vmem>>, vector<1x16xf32>,
      }
      %scan3A_309 = arith.constant 28 : i32
      %mul3A_310 = arith.constant 130312 : i32
      %mul3A_311 = arith.muli %mul3A_6, %mul3A_310 : i32
      %add3A_312 = arith.addi %mul3A_311, %mul3A_0 : i32
      %mul3A_313 = arith.constant 112 : i32
      %mul3A_314 = arith.muli %add3A_289, %mul3A_313 : i32
      %add3A_315 = arith.addi %add3A_312, %mul3A_314 : i32
      %multiple_of3A_316 = tpu.assume_multiple %add3A_315, 8 : i32
      %dma_start3A_317 = arith.constant 0 : i32
      %dma_start3A_318 = tpu.memref_slice %arg6[%multiple_of3A_316, %dma_start3A_317] : memref<521248x128xf32, #tpu.memory_space<hbm>> -> memref<112x128xf32, #tpu.memory_space<hbm>>
      %dma_start3A_319 = arith.constant 0 : i32
      %dma_start3A_320 = tpu.memref_slice %arg6[%multiple_of3A_316, %dma_start3A_319] : memref<521248x128xf32, #tpu.memory_space<hbm>> -> memref<112x128xf32, #tpu.memory_space<hbm>>
      tpu.enqueue_dma source(%arg11 : memref<112x128xf32, #tpu.memory_space<vmem>>) target(%dma_start3A_320 : memref<112x128xf32, #tpu.memory_space<hbm>>) target_semaphore(%arg22 : memref<!tpu.dma_semaphore, #tpu.memory_space<semaphore_mem>>)
      %add3A_321 = arith.constant 2 : i32
      %add3A_322 = arith.addi %add3A_289, %add3A_321 : i32
      %lt3A_323 = arith.constant 72 : i32
      %lt3A_324 = arith.cmpi slt, %add3A_322, %lt3A_323 : i32
      %convert_element_type3A_325 = arith.extui %lt3A_324 : i1 to i32
      %cond3A_326 = arith.constant 0 : i32
      %cond3A_327 = arith.cmpi ne, %convert_element_type3A_325, %cond3A_326 : i32
      scf.if %cond3A_327 {
        %add3A_328 = arith.constant 2 : i32
        %add3A_329 = arith.addi %add3A_289, %add3A_328 : i32
        %mul3A_330 = arith.constant 112 : i32
        %mul3A_331 = arith.muli %add3A_329, %mul3A_330 : i32
        %add3A_332 = arith.addi %mul3A_0, %mul3A_331 : i32
        %multiple_of3A_333 = tpu.assume_multiple %add3A_332, 8 : i32
        %dma_start3A_334 = arith.constant 0 : i32
        %dma_start3A_335 = tpu.memref_slice %arg2[%mul3A_6, %multiple_of3A_333, %dma_start3A_334] : memref<4x130305x64xf32, #tpu.memory_space<hbm>> -> memref<1x112x64xf32, #tpu.memory_space<hbm>>
        %dma_start3A_336 = tpu.memref_squeeze %dma_start3A_335 : memref<1x112x64xf32, #tpu.memory_space<hbm>> -> memref<112x64xf32, #tpu.memory_space<hbm>>
        %dma_start3A_337 = arith.constant 0 : i32
        %dma_start3A_338 = tpu.memref_slice %arg2[%mul3A_6, %multiple_of3A_333, %dma_start3A_337] : memref<4x130305x64xf32, #tpu.memory_space<hbm>> -> memref<1x112x64xf32, #tpu.memory_space<hbm>>
        %dma_start3A_339 = tpu.memref_squeeze %dma_start3A_338 : memref<1x112x64xf32, #tpu.memory_space<hbm>> -> memref<112x64xf32, #tpu.memory_space<hbm>>
        tpu.enqueue_dma source(%dma_start3A_339 : memref<112x64xf32, #tpu.memory_space<hbm>>) target(%arg9 : memref<112x64xf32, #tpu.memory_space<vmem>>) target_semaphore(%arg18 : memref<!tpu.dma_semaphore, #tpu.memory_space<semaphore_mem>>)
      } else {
      }
    }
    %scan3A_28 = arith.constant 36 : i32
    %dma_wait3A = arith.constant 0 : i32
    %dma_wait3A_29 = arith.constant 0 : i32
    %dma_wait3A_30 = tpu.memref_slice %arg6[%dma_wait3A, %dma_wait3A_29] : memref<521248x128xf32, #tpu.memory_space<hbm>> -> memref<112x128xf32, #tpu.memory_space<hbm>>
    %dma_wait3A_31 = arith.constant 0 : i32
    %dma_wait3A_32 = arith.constant 0 : i32
    %dma_wait3A_33 = tpu.memref_slice %arg6[%dma_wait3A_31, %dma_wait3A_32] : memref<521248x128xf32, #tpu.memory_space<hbm>> -> memref<112x128xf32, #tpu.memory_space<hbm>>
    tpu.wait_dma2 semaphore(%arg21 : memref<!tpu.dma_semaphore, #tpu.memory_space<semaphore_mem>>) src(%arg10 : memref<112x128xf32, #tpu.memory_space<vmem>>) dst(%dma_wait3A_33 : memref<112x128xf32, #tpu.memory_space<hbm>>)
    %dma_wait3A_34 = arith.constant 0 : i32
    %dma_wait3A_35 = arith.constant 0 : i32
    %dma_wait3A_36 = tpu.memref_slice %arg6[%dma_wait3A_34, %dma_wait3A_35] : memref<521248x128xf32, #tpu.memory_space<hbm>> -> memref<112x128xf32, #tpu.memory_space<hbm>>
    %dma_wait3A_37 = arith.constant 0 : i32
    %dma_wait3A_38 = arith.constant 0 : i32
    %dma_wait3A_39 = tpu.memref_slice %arg6[%dma_wait3A_37, %dma_wait3A_38] : memref<521248x128xf32, #tpu.memory_space<hbm>> -> memref<112x128xf32, #tpu.memory_space<hbm>>
    tpu.wait_dma2 semaphore(%arg22 : memref<!tpu.dma_semaphore, #tpu.memory_space<semaphore_mem>>) src(%arg11 : memref<112x128xf32, #tpu.memory_space<vmem>>) dst(%dma_wait3A_39 : memref<112x128xf32, #tpu.memory_space<hbm>>)
    %add3A_40 = arith.constant 8064 : i32
    %add3A_41 = arith.addi %mul3A_0, %add3A_40 : i32
    "tpu.region"() ({
      %run_scoped3A = tpu.sem_alloc : memref<!tpu.dma_semaphore, #tpu.memory_space<semaphore_mem>>
      %dma_start3A_245 = arith.constant 0 : i32
      %dma_start3A_246 = arith.constant 0 : i32
      %dma_start3A_247 = tpu.memref_slice %arg8[%dma_start3A_245, %dma_start3A_246] : memref<112x64xf32, #tpu.memory_space<vmem>> -> memref<80x64xf32, #tpu.memory_space<vmem>>
      %dma_start3A_248 = arith.constant 0 : i32
      %dma_start3A_249 = tpu.memref_slice %arg2[%mul3A_6, %add3A_41, %dma_start3A_248] : memref<4x130305x64xf32, #tpu.memory_space<hbm>> -> memref<1x80x64xf32, #tpu.memory_space<hbm>>
      %dma_start3A_250 = tpu.memref_squeeze %dma_start3A_249 : memref<1x80x64xf32, #tpu.memory_space<hbm>> -> memref<80x64xf32, #tpu.memory_space<hbm>>
      %dma_start3A_251 = arith.constant 0 : i32
      %dma_start3A_252 = arith.constant 0 : i32
      %dma_start3A_253 = tpu.memref_slice %arg8[%dma_start3A_251, %dma_start3A_252] : memref<112x64xf32, #tpu.memory_space<vmem>> -> memref<80x64xf32, #tpu.memory_space<vmem>>
      %dma_start3A_254 = arith.constant 0 : i32
      %dma_start3A_255 = tpu.memref_slice %arg2[%mul3A_6, %add3A_41, %dma_start3A_254] : memref<4x130305x64xf32, #tpu.memory_space<hbm>> -> memref<1x80x64xf32, #tpu.memory_space<hbm>>
      %dma_start3A_256 = tpu.memref_squeeze %dma_start3A_255 : memref<1x80x64xf32, #tpu.memory_space<hbm>> -> memref<80x64xf32, #tpu.memory_space<hbm>>
      tpu.enqueue_dma source(%dma_start3A_256 : memref<80x64xf32, #tpu.memory_space<hbm>>) target(%dma_start3A_253 : memref<80x64xf32, #tpu.memory_space<vmem>>) target_semaphore(%run_scoped3A : memref<!tpu.dma_semaphore, #tpu.memory_space<semaphore_mem>>)
      %dma_wait3A_257 = arith.constant 0 : i32
      %dma_wait3A_258 = arith.constant 0 : i32
      %dma_wait3A_259 = tpu.memref_slice %arg8[%dma_wait3A_257, %dma_wait3A_258] : memref<112x64xf32, #tpu.memory_space<vmem>> -> memref<80x64xf32, #tpu.memory_space<vmem>>
      %dma_wait3A_260 = arith.constant 0 : i32
      %dma_wait3A_261 = tpu.memref_slice %arg2[%mul3A_6, %add3A_41, %dma_wait3A_260] : memref<4x130305x64xf32, #tpu.memory_space<hbm>> -> memref<1x80x64xf32, #tpu.memory_space<hbm>>
      %dma_wait3A_262 = tpu.memref_squeeze %dma_wait3A_261 : memref<1x80x64xf32, #tpu.memory_space<hbm>> -> memref<80x64xf32, #tpu.memory_space<hbm>>
      %dma_wait3A_263 = arith.constant 0 : i32
      %dma_wait3A_264 = arith.constant 0 : i32
      %dma_wait3A_265 = tpu.memref_slice %arg8[%dma_wait3A_263, %dma_wait3A_264] : memref<112x64xf32, #tpu.memory_space<vmem>> -> memref<80x64xf32, #tpu.memory_space<vmem>>
      %dma_wait3A_266 = arith.constant 0 : i32
      %dma_wait3A_267 = tpu.memref_slice %arg2[%mul3A_6, %add3A_41, %dma_wait3A_266] : memref<4x130305x64xf32, #tpu.memory_space<hbm>> -> memref<1x80x64xf32, #tpu.memory_space<hbm>>
      %dma_wait3A_268 = tpu.memref_squeeze %dma_wait3A_267 : memref<1x80x64xf32, #tpu.memory_space<hbm>> -> memref<80x64xf32, #tpu.memory_space<hbm>>
      tpu.wait_dma2 semaphore(%run_scoped3A : memref<!tpu.dma_semaphore, #tpu.memory_space<semaphore_mem>>) src(%dma_wait3A_268 : memref<80x64xf32, #tpu.memory_space<hbm>>) dst(%dma_wait3A_265 : memref<80x64xf32, #tpu.memory_space<vmem>>)
      tpu.yield
    }) : () -> ()
    %scan3A_42 = arith.constant 0 : i32
    %scan3A_43 = arith.constant 0 : i32
    %scan3A_44 = arith.constant 20 : i32
    %scan3A_45 = arith.addi %scan3A_43, %scan3A_44 : i32
    %scan3A_46 = arith.constant 1 : i32
    scf.for %scan3A_245 = %scan3A_43 to %scan3A_45 step %scan3A_46  : i32 {
      %mul3A_246 = arith.constant 4 : i32
      %mul3A_247 = arith.muli %scan3A_245, %mul3A_246 : i32
      %add3A_248 = arith.constant 0 : i32
      %add3A_249 = arith.addi %mul3A_247, %add3A_248 : i32
      %get3A_250 = arith.index_cast %add3A_249 : i32 to index
      %get3A_251 = arith.constant 0 : index
      %get3A_252 = tpu.vector_load %arg8[%get3A_250, %get3A_251] {strides = array<i32>} : memref<112x64xf32, #tpu.memory_space<vmem>>, vector<1x16xf32>,
      %get3A_253 = vector.shape_cast %get3A_252 : vector<1x16xf32> to vector<16xf32>
      %add3A_254 = arith.constant 0 : i32
      %add3A_255 = arith.addi %mul3A_247, %add3A_254 : i32
      %swap3A = arith.index_cast %add3A_255 : i32 to index
      %swap3A_256 = arith.constant 0 : index
      %swap3A_257 = tpu.vector_load %arg10[%swap3A, %swap3A_256] {strides = array<i32>} : memref<112x128xf32, #tpu.memory_space<vmem>>, vector<1x16xf32>,
      %swap3A_258 = vector.shape_cast %swap3A_257 : vector<1x16xf32> to vector<16xf32>
      %swap3A_259 = vector.shape_cast %get3A_253 : vector<16xf32> to vector<1x16xf32>
      tpu.vector_store %arg10[%swap3A, %swap3A_256], %swap3A_259 {strides = array<i32>} : memref<112x128xf32, #tpu.memory_space<vmem>>, vector<1x16xf32>,
      %add3A_260 = arith.constant 0 : i32
      %add3A_261 = arith.addi %mul3A_247, %add3A_260 : i32
      %get3A_262 = arith.index_cast %add3A_261 : i32 to index
      %get3A_263 = arith.constant 16 : index
      %get3A_264 = tpu.vector_load %arg8[%get3A_262, %get3A_263] {strides = array<i32>} : memref<112x64xf32, #tpu.memory_space<vmem>>, vector<1x16xf32>,
      %get3A_265 = vector.shape_cast %get3A_264 : vector<1x16xf32> to vector<16xf32>
      %add3A_266 = arith.constant 0 : i32
      %add3A_267 = arith.addi %mul3A_247, %add3A_266 : i32
      %swap3A_268 = arith.index_cast %add3A_267 : i32 to index
      %swap3A_269 = arith.constant 16 : index
      %swap3A_270 = tpu.vector_load %arg10[%swap3A_268, %swap3A_269] {strides = array<i32>} : memref<112x128xf32, #tpu.memory_space<vmem>>, vector<1x16xf32>,
      %swap3A_271 = vector.shape_cast %swap3A_270 : vector<1x16xf32> to vector<16xf32>
      %swap3A_272 = vector.shape_cast %get3A_265 : vector<16xf32> to vector<1x16xf32>
      tpu.vector_store %arg10[%swap3A_268, %swap3A_269], %swap3A_272 {strides = array<i32>} : memref<112x128xf32, #tpu.memory_space<vmem>>, vector<1x16xf32>,
      %add3A_273 = arith.constant 0 : i32
      %add3A_274 = arith.addi %mul3A_247, %add3A_273 : i32
      %get3A_275 = arith.index_cast %add3A_274 : i32 to index
      %get3A_276 = arith.constant 32 : index
      %get3A_277 = tpu.vector_load %arg8[%get3A_275, %get3A_276] {strides = array<i32>} : memref<112x64xf32, #tpu.memory_space<vmem>>, vector<1x16xf32>,
      %get3A_278 = vector.shape_cast %get3A_277 : vector<1x16xf32> to vector<16xf32>
      %add3A_279 = arith.constant 0 : i32
      %add3A_280 = arith.addi %mul3A_247, %add3A_279 : i32
      %swap3A_281 = arith.index_cast %add3A_280 : i32 to index
      %swap3A_282 = arith.constant 32 : index
      %swap3A_283 = tpu.vector_load %arg10[%swap3A_281, %swap3A_282] {strides = array<i32>} : memref<112x128xf32, #tpu.memory_space<vmem>>, vector<1x16xf32>,
      %swap3A_284 = vector.shape_cast %swap3A_283 : vector<1x16xf32> to vector<16xf32>
      %swap3A_285 = vector.shape_cast %get3A_278 : vector<16xf32> to vector<1x16xf32>
      tpu.vector_store %arg10[%swap3A_281, %swap3A_282], %swap3A_285 {strides = array<i32>} : memref<112x128xf32, #tpu.memory_space<vmem>>, vector<1x16xf32>,
      %add3A_286 = arith.constant 0 : i32
      %add3A_287 = arith.addi %mul3A_247, %add3A_286 : i32
      %get3A_288 = arith.index_cast %add3A_287 : i32 to index
      %get3A_289 = arith.constant 48 : index
      %get3A_290 = tpu.vector_load %arg8[%get3A_288, %get3A_289] {strides = array<i32>} : memref<112x64xf32, #tpu.memory_space<vmem>>, vector<1x16xf32>,
      %get3A_291 = vector.shape_cast %get3A_290 : vector<1x16xf32> to vector<16xf32>
      %add3A_292 = arith.constant 0 : i32
      %add3A_293 = arith.addi %mul3A_247, %add3A_292 : i32
      %swap3A_294 = arith.index_cast %add3A_293 : i32 to index
      %swap3A_295 = arith.constant 48 : index
      %swap3A_296 = tpu.vector_load %arg10[%swap3A_294, %swap3A_295] {strides = array<i32>} : memref<112x128xf32, #tpu.memory_space<vmem>>, vector<1x16xf32>,
      %swap3A_297 = vector.shape_cast %swap3A_296 : vector<1x16xf32> to vector<16xf32>
      %swap3A_298 = vector.shape_cast %get3A_291 : vector<16xf32> to vector<1x16xf32>
      tpu.vector_store %arg10[%swap3A_294, %swap3A_295], %swap3A_298 {strides = array<i32>} : memref<112x128xf32, #tpu.memory_space<vmem>>, vector<1x16xf32>,
      %add3A_299 = arith.constant 1 : i32
      %add3A_300 = arith.addi %mul3A_247, %add3A_299 : i32
      %get3A_301 = arith.index_cast %add3A_300 : i32 to index
      %get3A_302 = arith.constant 0 : index
      %get3A_303 = tpu.vector_load %arg8[%get3A_301, %get3A_302] {strides = array<i32>} : memref<112x64xf32, #tpu.memory_space<vmem>>, vector<1x16xf32>,
      %get3A_304 = vector.shape_cast %get3A_303 : vector<1x16xf32> to vector<16xf32>
      %add3A_305 = arith.constant 1 : i32
      %add3A_306 = arith.addi %mul3A_247, %add3A_305 : i32
      %swap3A_307 = arith.index_cast %add3A_306 : i32 to index
      %swap3A_308 = arith.constant 0 : index
      %swap3A_309 = tpu.vector_load %arg10[%swap3A_307, %swap3A_308] {strides = array<i32>} : memref<112x128xf32, #tpu.memory_space<vmem>>, vector<1x16xf32>,
      %swap3A_310 = vector.shape_cast %swap3A_309 : vector<1x16xf32> to vector<16xf32>
      %swap3A_311 = vector.shape_cast %get3A_304 : vector<16xf32> to vector<1x16xf32>
      tpu.vector_store %arg10[%swap3A_307, %swap3A_308], %swap3A_311 {strides = array<i32>} : memref<112x128xf32, #tpu.memory_space<vmem>>, vector<1x16xf32>,
      %add3A_312 = arith.constant 1 : i32
      %add3A_313 = arith.addi %mul3A_247, %add3A_312 : i32
      %get3A_314 = arith.index_cast %add3A_313 : i32 to index
      %get3A_315 = arith.constant 16 : index
      %get3A_316 = tpu.vector_load %arg8[%get3A_314, %get3A_315] {strides = array<i32>} : memref<112x64xf32, #tpu.memory_space<vmem>>, vector<1x16xf32>,
      %get3A_317 = vector.shape_cast %get3A_316 : vector<1x16xf32> to vector<16xf32>
      %add3A_318 = arith.constant 1 : i32
      %add3A_319 = arith.addi %mul3A_247, %add3A_318 : i32
      %swap3A_320 = arith.index_cast %add3A_319 : i32 to index
      %swap3A_321 = arith.constant 16 : index
      %swap3A_322 = tpu.vector_load %arg10[%swap3A_320, %swap3A_321] {strides = array<i32>} : memref<112x128xf32, #tpu.memory_space<vmem>>, vector<1x16xf32>,
      %swap3A_323 = vector.shape_cast %swap3A_322 : vector<1x16xf32> to vector<16xf32>
      %swap3A_324 = vector.shape_cast %get3A_317 : vector<16xf32> to vector<1x16xf32>
      tpu.vector_store %arg10[%swap3A_320, %swap3A_321], %swap3A_324 {strides = array<i32>} : memref<112x128xf32, #tpu.memory_space<vmem>>, vector<1x16xf32>,
      %add3A_325 = arith.constant 1 : i32
      %add3A_326 = arith.addi %mul3A_247, %add3A_325 : i32
      %get3A_327 = arith.index_cast %add3A_326 : i32 to index
      %get3A_328 = arith.constant 32 : index
      %get3A_329 = tpu.vector_load %arg8[%get3A_327, %get3A_328] {strides = array<i32>} : memref<112x64xf32, #tpu.memory_space<vmem>>, vector<1x16xf32>,
      %get3A_330 = vector.shape_cast %get3A_329 : vector<1x16xf32> to vector<16xf32>
      %add3A_331 = arith.constant 1 : i32
      %add3A_332 = arith.addi %mul3A_247, %add3A_331 : i32
      %swap3A_333 = arith.index_cast %add3A_332 : i32 to index
      %swap3A_334 = arith.constant 32 : index
      %swap3A_335 = tpu.vector_load %arg10[%swap3A_333, %swap3A_334] {strides = array<i32>} : memref<112x128xf32, #tpu.memory_space<vmem>>, vector<1x16xf32>,
      %swap3A_336 = vector.shape_cast %swap3A_335 : vector<1x16xf32> to vector<16xf32>
      %swap3A_337 = vector.shape_cast %get3A_330 : vector<16xf32> to vector<1x16xf32>
      tpu.vector_store %arg10[%swap3A_333, %swap3A_334], %swap3A_337 {strides = array<i32>} : memref<112x128xf32, #tpu.memory_space<vmem>>, vector<1x16xf32>,
      %add3A_338 = arith.constant 1 : i32
      %add3A_339 = arith.addi %mul3A_247, %add3A_338 : i32
      %get3A_340 = arith.index_cast %add3A_339 : i32 to index
      %get3A_341 = arith.constant 48 : index
      %get3A_342 = tpu.vector_load %arg8[%get3A_340, %get3A_341] {strides = array<i32>} : memref<112x64xf32, #tpu.memory_space<vmem>>, vector<1x16xf32>,
      %get3A_343 = vector.shape_cast %get3A_342 : vector<1x16xf32> to vector<16xf32>
      %add3A_344 = arith.constant 1 : i32
      %add3A_345 = arith.addi %mul3A_247, %add3A_344 : i32
      %swap3A_346 = arith.index_cast %add3A_345 : i32 to index
      %swap3A_347 = arith.constant 48 : index
      %swap3A_348 = tpu.vector_load %arg10[%swap3A_346, %swap3A_347] {strides = array<i32>} : memref<112x128xf32, #tpu.memory_space<vmem>>, vector<1x16xf32>,
      %swap3A_349 = vector.shape_cast %swap3A_348 : vector<1x16xf32> to vector<16xf32>
      %swap3A_350 = vector.shape_cast %get3A_343 : vector<16xf32> to vector<1x16xf32>
      tpu.vector_store %arg10[%swap3A_346, %swap3A_347], %swap3A_350 {strides = array<i32>} : memref<112x128xf32, #tpu.memory_space<vmem>>, vector<1x16xf32>,
      %add3A_351 = arith.constant 2 : i32
      %add3A_352 = arith.addi %mul3A_247, %add3A_351 : i32
      %get3A_353 = arith.index_cast %add3A_352 : i32 to index
      %get3A_354 = arith.constant 0 : index
      %get3A_355 = tpu.vector_load %arg8[%get3A_353, %get3A_354] {strides = array<i32>} : memref<112x64xf32, #tpu.memory_space<vmem>>, vector<1x16xf32>,
      %get3A_356 = vector.shape_cast %get3A_355 : vector<1x16xf32> to vector<16xf32>
      %add3A_357 = arith.constant 2 : i32
      %add3A_358 = arith.addi %mul3A_247, %add3A_357 : i32
      %swap3A_359 = arith.index_cast %add3A_358 : i32 to index
      %swap3A_360 = arith.constant 0 : index
      %swap3A_361 = tpu.vector_load %arg10[%swap3A_359, %swap3A_360] {strides = array<i32>} : memref<112x128xf32, #tpu.memory_space<vmem>>, vector<1x16xf32>,
      %swap3A_362 = vector.shape_cast %swap3A_361 : vector<1x16xf32> to vector<16xf32>
      %swap3A_363 = vector.shape_cast %get3A_356 : vector<16xf32> to vector<1x16xf32>
      tpu.vector_store %arg10[%swap3A_359, %swap3A_360], %swap3A_363 {strides = array<i32>} : memref<112x128xf32, #tpu.memory_space<vmem>>, vector<1x16xf32>,
      %add3A_364 = arith.constant 2 : i32
      %add3A_365 = arith.addi %mul3A_247, %add3A_364 : i32
      %get3A_366 = arith.index_cast %add3A_365 : i32 to index
      %get3A_367 = arith.constant 16 : index
      %get3A_368 = tpu.vector_load %arg8[%get3A_366, %get3A_367] {strides = array<i32>} : memref<112x64xf32, #tpu.memory_space<vmem>>, vector<1x16xf32>,
      %get3A_369 = vector.shape_cast %get3A_368 : vector<1x16xf32> to vector<16xf32>
      %add3A_370 = arith.constant 2 : i32
      %add3A_371 = arith.addi %mul3A_247, %add3A_370 : i32
      %swap3A_372 = arith.index_cast %add3A_371 : i32 to index
      %swap3A_373 = arith.constant 16 : index
      %swap3A_374 = tpu.vector_load %arg10[%swap3A_372, %swap3A_373] {strides = array<i32>} : memref<112x128xf32, #tpu.memory_space<vmem>>, vector<1x16xf32>,
      %swap3A_375 = vector.shape_cast %swap3A_374 : vector<1x16xf32> to vector<16xf32>
      %swap3A_376 = vector.shape_cast %get3A_369 : vector<16xf32> to vector<1x16xf32>
      tpu.vector_store %arg10[%swap3A_372, %swap3A_373], %swap3A_376 {strides = array<i32>} : memref<112x128xf32, #tpu.memory_space<vmem>>, vector<1x16xf32>,
      %add3A_377 = arith.constant 2 : i32
      %add3A_378 = arith.addi %mul3A_247, %add3A_377 : i32
      %get3A_379 = arith.index_cast %add3A_378 : i32 to index
      %get3A_380 = arith.constant 32 : index
      %get3A_381 = tpu.vector_load %arg8[%get3A_379, %get3A_380] {strides = array<i32>} : memref<112x64xf32, #tpu.memory_space<vmem>>, vector<1x16xf32>,
      %get3A_382 = vector.shape_cast %get3A_381 : vector<1x16xf32> to vector<16xf32>
      %add3A_383 = arith.constant 2 : i32
      %add3A_384 = arith.addi %mul3A_247, %add3A_383 : i32
      %swap3A_385 = arith.index_cast %add3A_384 : i32 to index
      %swap3A_386 = arith.constant 32 : index
      %swap3A_387 = tpu.vector_load %arg10[%swap3A_385, %swap3A_386] {strides = array<i32>} : memref<112x128xf32, #tpu.memory_space<vmem>>, vector<1x16xf32>,
      %swap3A_388 = vector.shape_cast %swap3A_387 : vector<1x16xf32> to vector<16xf32>
      %swap3A_389 = vector.shape_cast %get3A_382 : vector<16xf32> to vector<1x16xf32>
      tpu.vector_store %arg10[%swap3A_385, %swap3A_386], %swap3A_389 {strides = array<i32>} : memref<112x128xf32, #tpu.memory_space<vmem>>, vector<1x16xf32>,
      %add3A_390 = arith.constant 2 : i32
      %add3A_391 = arith.addi %mul3A_247, %add3A_390 : i32
      %get3A_392 = arith.index_cast %add3A_391 : i32 to index
      %get3A_393 = arith.constant 48 : index
      %get3A_394 = tpu.vector_load %arg8[%get3A_392, %get3A_393] {strides = array<i32>} : memref<112x64xf32, #tpu.memory_space<vmem>>, vector<1x16xf32>,
      %get3A_395 = vector.shape_cast %get3A_394 : vector<1x16xf32> to vector<16xf32>
      %add3A_396 = arith.constant 2 : i32
      %add3A_397 = arith.addi %mul3A_247, %add3A_396 : i32
      %swap3A_398 = arith.index_cast %add3A_397 : i32 to index
      %swap3A_399 = arith.constant 48 : index
      %swap3A_400 = tpu.vector_load %arg10[%swap3A_398, %swap3A_399] {strides = array<i32>} : memref<112x128xf32, #tpu.memory_space<vmem>>, vector<1x16xf32>,
      %swap3A_401 = vector.shape_cast %swap3A_400 : vector<1x16xf32> to vector<16xf32>
      %swap3A_402 = vector.shape_cast %get3A_395 : vector<16xf32> to vector<1x16xf32>
      tpu.vector_store %arg10[%swap3A_398, %swap3A_399], %swap3A_402 {strides = array<i32>} : memref<112x128xf32, #tpu.memory_space<vmem>>, vector<1x16xf32>,
      %add3A_403 = arith.constant 3 : i32
      %add3A_404 = arith.addi %mul3A_247, %add3A_403 : i32
      %get3A_405 = arith.index_cast %add3A_404 : i32 to index
      %get3A_406 = arith.constant 0 : index
      %get3A_407 = tpu.vector_load %arg8[%get3A_405, %get3A_406] {strides = array<i32>} : memref<112x64xf32, #tpu.memory_space<vmem>>, vector<1x16xf32>,
      %get3A_408 = vector.shape_cast %get3A_407 : vector<1x16xf32> to vector<16xf32>
      %add3A_409 = arith.constant 3 : i32
      %add3A_410 = arith.addi %mul3A_247, %add3A_409 : i32
      %swap3A_411 = arith.index_cast %add3A_410 : i32 to index
      %swap3A_412 = arith.constant 0 : index
      %swap3A_413 = tpu.vector_load %arg10[%swap3A_411, %swap3A_412] {strides = array<i32>} : memref<112x128xf32, #tpu.memory_space<vmem>>, vector<1x16xf32>,
      %swap3A_414 = vector.shape_cast %swap3A_413 : vector<1x16xf32> to vector<16xf32>
      %swap3A_415 = vector.shape_cast %get3A_408 : vector<16xf32> to vector<1x16xf32>
      tpu.vector_store %arg10[%swap3A_411, %swap3A_412], %swap3A_415 {strides = array<i32>} : memref<112x128xf32, #tpu.memory_space<vmem>>, vector<1x16xf32>,
      %add3A_416 = arith.constant 3 : i32
      %add3A_417 = arith.addi %mul3A_247, %add3A_416 : i32
      %get3A_418 = arith.index_cast %add3A_417 : i32 to index
      %get3A_419 = arith.constant 16 : index
      %get3A_420 = tpu.vector_load %arg8[%get3A_418, %get3A_419] {strides = array<i32>} : memref<112x64xf32, #tpu.memory_space<vmem>>, vector<1x16xf32>,
      %get3A_421 = vector.shape_cast %get3A_420 : vector<1x16xf32> to vector<16xf32>
      %add3A_422 = arith.constant 3 : i32
      %add3A_423 = arith.addi %mul3A_247, %add3A_422 : i32
      %swap3A_424 = arith.index_cast %add3A_423 : i32 to index
      %swap3A_425 = arith.constant 16 : index
      %swap3A_426 = tpu.vector_load %arg10[%swap3A_424, %swap3A_425] {strides = array<i32>} : memref<112x128xf32, #tpu.memory_space<vmem>>, vector<1x16xf32>,
      %swap3A_427 = vector.shape_cast %swap3A_426 : vector<1x16xf32> to vector<16xf32>
      %swap3A_428 = vector.shape_cast %get3A_421 : vector<16xf32> to vector<1x16xf32>
      tpu.vector_store %arg10[%swap3A_424, %swap3A_425], %swap3A_428 {strides = array<i32>} : memref<112x128xf32, #tpu.memory_space<vmem>>, vector<1x16xf32>,
      %add3A_429 = arith.constant 3 : i32
      %add3A_430 = arith.addi %mul3A_247, %add3A_429 : i32
      %get3A_431 = arith.index_cast %add3A_430 : i32 to index
      %get3A_432 = arith.constant 32 : index
      %get3A_433 = tpu.vector_load %arg8[%get3A_431, %get3A_432] {strides = array<i32>} : memref<112x64xf32, #tpu.memory_space<vmem>>, vector<1x16xf32>,
      %get3A_434 = vector.shape_cast %get3A_433 : vector<1x16xf32> to vector<16xf32>
      %add3A_435 = arith.constant 3 : i32
      %add3A_436 = arith.addi %mul3A_247, %add3A_435 : i32
      %swap3A_437 = arith.index_cast %add3A_436 : i32 to index
      %swap3A_438 = arith.constant 32 : index
      %swap3A_439 = tpu.vector_load %arg10[%swap3A_437, %swap3A_438] {strides = array<i32>} : memref<112x128xf32, #tpu.memory_space<vmem>>, vector<1x16xf32>,
      %swap3A_440 = vector.shape_cast %swap3A_439 : vector<1x16xf32> to vector<16xf32>
      %swap3A_441 = vector.shape_cast %get3A_434 : vector<16xf32> to vector<1x16xf32>
      tpu.vector_store %arg10[%swap3A_437, %swap3A_438], %swap3A_441 {strides = array<i32>} : memref<112x128xf32, #tpu.memory_space<vmem>>, vector<1x16xf32>,
      %add3A_442 = arith.constant 3 : i32
      %add3A_443 = arith.addi %mul3A_247, %add3A_442 : i32
      %get3A_444 = arith.index_cast %add3A_443 : i32 to index
      %get3A_445 = arith.constant 48 : index
      %get3A_446 = tpu.vector_load %arg8[%get3A_444, %get3A_445] {strides = array<i32>} : memref<112x64xf32, #tpu.memory_space<vmem>>, vector<1x16xf32>,
      %get3A_447 = vector.shape_cast %get3A_446 : vector<1x16xf32> to vector<16xf32>
      %add3A_448 = arith.constant 3 : i32
      %add3A_449 = arith.addi %mul3A_247, %add3A_448 : i32
      %swap3A_450 = arith.index_cast %add3A_449 : i32 to index
      %swap3A_451 = arith.constant 48 : index
      %swap3A_452 = tpu.vector_load %arg10[%swap3A_450, %swap3A_451] {strides = array<i32>} : memref<112x128xf32, #tpu.memory_space<vmem>>, vector<1x16xf32>,
      %swap3A_453 = vector.shape_cast %swap3A_452 : vector<1x16xf32> to vector<16xf32>
      %swap3A_454 = vector.shape_cast %get3A_447 : vector<16xf32> to vector<1x16xf32>
      tpu.vector_store %arg10[%swap3A_450, %swap3A_451], %swap3A_454 {strides = array<i32>} : memref<112x128xf32, #tpu.memory_space<vmem>>, vector<1x16xf32>,
    }
    %scan3A_47 = arith.constant 20 : i32
    %mul3A_48 = arith.constant 130312 : i32
    %mul3A_49 = arith.muli %mul3A_6, %mul3A_48 : i32
    %add3A_50 = arith.addi %mul3A_49, %mul3A_0 : i32
    %add3A_51 = arith.constant 8064 : i32
    %add3A_52 = arith.addi %add3A_50, %add3A_51 : i32
    "tpu.region"() ({
      %run_scoped3A = tpu.sem_alloc : memref<!tpu.dma_semaphore, #tpu.memory_space<semaphore_mem>>
      %dma_start3A_245 = arith.constant 0 : i32
      %dma_start3A_246 = arith.constant 0 : i32
      %dma_start3A_247 = tpu.memref_slice %arg10[%dma_start3A_245, %dma_start3A_246] : memref<112x128xf32, #tpu.memory_space<vmem>> -> memref<80x128xf32, #tpu.memory_space<vmem>>
      %dma_start3A_248 = arith.constant 0 : i32
      %dma_start3A_249 = tpu.memref_slice %arg6[%add3A_52, %dma_start3A_248] : memref<521248x128xf32, #tpu.memory_space<hbm>> -> memref<80x128xf32, #tpu.memory_space<hbm>>
      %dma_start3A_250 = arith.constant 0 : i32
      %dma_start3A_251 = tpu.memref_slice %arg6[%add3A_52, %dma_start3A_250] : memref<521248x128xf32, #tpu.memory_space<hbm>> -> memref<80x128xf32, #tpu.memory_space<hbm>>
      %dma_start3A_252 = arith.constant 0 : i32
      %dma_start3A_253 = arith.constant 0 : i32
      %dma_start3A_254 = tpu.memref_slice %arg10[%dma_start3A_252, %dma_start3A_253] : memref<112x128xf32, #tpu.memory_space<vmem>> -> memref<80x128xf32, #tpu.memory_space<vmem>>
      tpu.enqueue_dma source(%dma_start3A_254 : memref<80x128xf32, #tpu.memory_space<vmem>>) target(%dma_start3A_251 : memref<80x128xf32, #tpu.memory_space<hbm>>) target_semaphore(%run_scoped3A : memref<!tpu.dma_semaphore, #tpu.memory_space<semaphore_mem>>)
      %dma_wait3A_255 = arith.constant 0 : i32
      %dma_wait3A_256 = arith.constant 0 : i32
      %dma_wait3A_257 = tpu.memref_slice %arg10[%dma_wait3A_255, %dma_wait3A_256] : memref<112x128xf32, #tpu.memory_space<vmem>> -> memref<80x128xf32, #tpu.memory_space<vmem>>
      %dma_wait3A_258 = arith.constant 0 : i32
      %dma_wait3A_259 = tpu.memref_slice %arg6[%add3A_52, %dma_wait3A_258] : memref<521248x128xf32, #tpu.memory_space<hbm>> -> memref<80x128xf32, #tpu.memory_space<hbm>>
      %dma_wait3A_260 = arith.constant 0 : i32
      %dma_wait3A_261 = tpu.memref_slice %arg6[%add3A_52, %dma_wait3A_260] : memref<521248x128xf32, #tpu.memory_space<hbm>> -> memref<80x128xf32, #tpu.memory_space<hbm>>
      %dma_wait3A_262 = arith.constant 0 : i32
      %dma_wait3A_263 = arith.constant 0 : i32
      %dma_wait3A_264 = tpu.memref_slice %arg10[%dma_wait3A_262, %dma_wait3A_263] : memref<112x128xf32, #tpu.memory_space<vmem>> -> memref<80x128xf32, #tpu.memory_space<vmem>>
      tpu.wait_dma2 semaphore(%run_scoped3A : memref<!tpu.dma_semaphore, #tpu.memory_space<semaphore_mem>>) src(%dma_wait3A_264 : memref<80x128xf32, #tpu.memory_space<vmem>>) dst(%dma_wait3A_261 : memref<80x128xf32, #tpu.memory_space<hbm>>)
      tpu.yield
    }) : () -> ()
    %eq3A = arith.constant 15 : i32
    %eq3A_53 = arith.cmpi eq, %arg1, %eq3A : i32
    %convert_element_type3A = arith.extui %eq3A_53 : i1 to i32
    %cond3A = arith.constant 0 : i32
    %cond3A_54 = arith.cmpi ne, %convert_element_type3A, %cond3A : i32
    scf.if %cond3A_54 {
      "tpu.region"() ({
        %run_scoped3A = tpu.sem_alloc : memref<!tpu.dma_semaphore, #tpu.memory_space<semaphore_mem>>
        %dma_start3A_297 = arith.constant 0 : i32
        %dma_start3A_298 = arith.constant 0 : i32
        %dma_start3A_299 = tpu.memref_slice %arg8[%dma_start3A_297, %dma_start3A_298] : memref<112x64xf32, #tpu.memory_space<vmem>> -> memref<1x64xf32, #tpu.memory_space<vmem>>
        %dma_start3A_300 = arith.constant 130304 : i32
        %dma_start3A_301 = arith.constant 0 : i32
        %dma_start3A_302 = tpu.memref_slice %arg2[%mul3A_6, %dma_start3A_300, %dma_start3A_301] : memref<4x130305x64xf32, #tpu.memory_space<hbm>> -> memref<1x1x64xf32, #tpu.memory_space<hbm>>
        %dma_start3A_303 = tpu.memref_squeeze %dma_start3A_302 : memref<1x1x64xf32, #tpu.memory_space<hbm>> -> memref<1x64xf32, #tpu.memory_space<hbm>>
        %dma_start3A_304 = arith.constant 0 : i32
        %dma_start3A_305 = arith.constant 0 : i32
        %dma_start3A_306 = tpu.memref_slice %arg8[%dma_start3A_304, %dma_start3A_305] : memref<112x64xf32, #tpu.memory_space<vmem>> -> memref<1x64xf32, #tpu.memory_space<vmem>>
        %dma_start3A_307 = arith.constant 130304 : i32
        %dma_start3A_308 = arith.constant 0 : i32
        %dma_start3A_309 = tpu.memref_slice %arg2[%mul3A_6, %dma_start3A_307, %dma_start3A_308] : memref<4x130305x64xf32, #tpu.memory_space<hbm>> -> memref<1x1x64xf32, #tpu.memory_space<hbm>>
        %dma_start3A_310 = tpu.memref_squeeze %dma_start3A_309 : memref<1x1x64xf32, #tpu.memory_space<hbm>> -> memref<1x64xf32, #tpu.memory_space<hbm>>
        tpu.enqueue_dma source(%dma_start3A_310 : memref<1x64xf32, #tpu.memory_space<hbm>>) target(%dma_start3A_306 : memref<1x64xf32, #tpu.memory_space<vmem>>) target_semaphore(%run_scoped3A : memref<!tpu.dma_semaphore, #tpu.memory_space<semaphore_mem>>)
        %dma_wait3A_311 = arith.constant 0 : i32
        %dma_wait3A_312 = arith.constant 0 : i32
        %dma_wait3A_313 = tpu.memref_slice %arg8[%dma_wait3A_311, %dma_wait3A_312] : memref<112x64xf32, #tpu.memory_space<vmem>> -> memref<1x64xf32, #tpu.memory_space<vmem>>
        %dma_wait3A_314 = arith.constant 130304 : i32
        %dma_wait3A_315 = arith.constant 0 : i32
        %dma_wait3A_316 = tpu.memref_slice %arg2[%mul3A_6, %dma_wait3A_314, %dma_wait3A_315] : memref<4x130305x64xf32, #tpu.memory_space<hbm>> -> memref<1x1x64xf32, #tpu.memory_space<hbm>>
        %dma_wait3A_317 = tpu.memref_squeeze %dma_wait3A_316 : memref<1x1x64xf32, #tpu.memory_space<hbm>> -> memref<1x64xf32, #tpu.memory_space<hbm>>
        %dma_wait3A_318 = arith.constant 0 : i32
        %dma_wait3A_319 = arith.constant 0 : i32
        %dma_wait3A_320 = tpu.memref_slice %arg8[%dma_wait3A_318, %dma_wait3A_319] : memref<112x64xf32, #tpu.memory_space<vmem>> -> memref<1x64xf32, #tpu.memory_space<vmem>>
        %dma_wait3A_321 = arith.constant 130304 : i32
        %dma_wait3A_322 = arith.constant 0 : i32
        %dma_wait3A_323 = tpu.memref_slice %arg2[%mul3A_6, %dma_wait3A_321, %dma_wait3A_322] : memref<4x130305x64xf32, #tpu.memory_space<hbm>> -> memref<1x1x64xf32, #tpu.memory_space<hbm>>
        %dma_wait3A_324 = tpu.memref_squeeze %dma_wait3A_323 : memref<1x1x64xf32, #tpu.memory_space<hbm>> -> memref<1x64xf32, #tpu.memory_space<hbm>>
        tpu.wait_dma2 semaphore(%run_scoped3A : memref<!tpu.dma_semaphore, #tpu.memory_space<semaphore_mem>>) src(%dma_wait3A_324 : memref<1x64xf32, #tpu.memory_space<hbm>>) dst(%dma_wait3A_320 : memref<1x64xf32, #tpu.memory_space<vmem>>)
        tpu.yield
      }) : () -> ()
      %scan3A_245 = arith.constant 0 : i32
      %scan3A_246 = arith.constant 0 : i32
      %scan3A_247 = arith.constant 0 : i32
      %scan3A_248 = arith.addi %scan3A_246, %scan3A_247 : i32
      %scan3A_249 = arith.constant 0 : i32
      %get3A_250 = arith.constant 0 : i32
      %get3A_251 = arith.index_cast %get3A_250 : i32 to index
      %get3A_252 = arith.constant 0 : index
      %get3A_253 = tpu.vector_load %arg8[%get3A_251, %get3A_252] {strides = array<i32>} : memref<112x64xf32, #tpu.memory_space<vmem>>, vector<1x16xf32>,
      %get3A_254 = vector.shape_cast %get3A_253 : vector<1x16xf32> to vector<16xf32>
      %swap3A = arith.constant 0 : i32
      %swap3A_255 = arith.index_cast %swap3A : i32 to index
      %swap3A_256 = arith.constant 0 : index
      %swap3A_257 = tpu.vector_load %arg10[%swap3A_255, %swap3A_256] {strides = array<i32>} : memref<112x128xf32, #tpu.memory_space<vmem>>, vector<1x16xf32>,
      %swap3A_258 = vector.shape_cast %swap3A_257 : vector<1x16xf32> to vector<16xf32>
      %swap3A_259 = vector.shape_cast %get3A_254 : vector<16xf32> to vector<1x16xf32>
      tpu.vector_store %arg10[%swap3A_255, %swap3A_256], %swap3A_259 {strides = array<i32>} : memref<112x128xf32, #tpu.memory_space<vmem>>, vector<1x16xf32>,
      %get3A_260 = arith.constant 0 : i32
      %get3A_261 = arith.index_cast %get3A_260 : i32 to index
      %get3A_262 = arith.constant 16 : index
      %get3A_263 = tpu.vector_load %arg8[%get3A_261, %get3A_262] {strides = array<i32>} : memref<112x64xf32, #tpu.memory_space<vmem>>, vector<1x16xf32>,
      %get3A_264 = vector.shape_cast %get3A_263 : vector<1x16xf32> to vector<16xf32>
      %swap3A_265 = arith.constant 0 : i32
      %swap3A_266 = arith.index_cast %swap3A_265 : i32 to index
      %swap3A_267 = arith.constant 16 : index
      %swap3A_268 = tpu.vector_load %arg10[%swap3A_266, %swap3A_267] {strides = array<i32>} : memref<112x128xf32, #tpu.memory_space<vmem>>, vector<1x16xf32>,
      %swap3A_269 = vector.shape_cast %swap3A_268 : vector<1x16xf32> to vector<16xf32>
      %swap3A_270 = vector.shape_cast %get3A_264 : vector<16xf32> to vector<1x16xf32>
      tpu.vector_store %arg10[%swap3A_266, %swap3A_267], %swap3A_270 {strides = array<i32>} : memref<112x128xf32, #tpu.memory_space<vmem>>, vector<1x16xf32>,
      %get3A_271 = arith.constant 0 : i32
      %get3A_272 = arith.index_cast %get3A_271 : i32 to index
      %get3A_273 = arith.constant 32 : index
      %get3A_274 = tpu.vector_load %arg8[%get3A_272, %get3A_273] {strides = array<i32>} : memref<112x64xf32, #tpu.memory_space<vmem>>, vector<1x16xf32>,
      %get3A_275 = vector.shape_cast %get3A_274 : vector<1x16xf32> to vector<16xf32>
      %swap3A_276 = arith.constant 0 : i32
      %swap3A_277 = arith.index_cast %swap3A_276 : i32 to index
      %swap3A_278 = arith.constant 32 : index
      %swap3A_279 = tpu.vector_load %arg10[%swap3A_277, %swap3A_278] {strides = array<i32>} : memref<112x128xf32, #tpu.memory_space<vmem>>, vector<1x16xf32>,
      %swap3A_280 = vector.shape_cast %swap3A_279 : vector<1x16xf32> to vector<16xf32>
      %swap3A_281 = vector.shape_cast %get3A_275 : vector<16xf32> to vector<1x16xf32>
      tpu.vector_store %arg10[%swap3A_277, %swap3A_278], %swap3A_281 {strides = array<i32>} : memref<112x128xf32, #tpu.memory_space<vmem>>, vector<1x16xf32>,
      %get3A_282 = arith.constant 0 : i32
      %get3A_283 = arith.index_cast %get3A_282 : i32 to index
      %get3A_284 = arith.constant 48 : index
      %get3A_285 = tpu.vector_load %arg8[%get3A_283, %get3A_284] {strides = array<i32>} : memref<112x64xf32, #tpu.memory_space<vmem>>, vector<1x16xf32>,
      %get3A_286 = vector.shape_cast %get3A_285 : vector<1x16xf32> to vector<16xf32>
      %swap3A_287 = arith.constant 0 : i32
      %swap3A_288 = arith.index_cast %swap3A_287 : i32 to index
      %swap3A_289 = arith.constant 48 : index
      %swap3A_290 = tpu.vector_load %arg10[%swap3A_288, %swap3A_289] {strides = array<i32>} : memref<112x128xf32, #tpu.memory_space<vmem>>, vector<1x16xf32>,
      %swap3A_291 = vector.shape_cast %swap3A_290 : vector<1x16xf32> to vector<16xf32>
      %swap3A_292 = vector.shape_cast %get3A_286 : vector<16xf32> to vector<1x16xf32>
      tpu.vector_store %arg10[%swap3A_288, %swap3A_289], %swap3A_292 {strides = array<i32>} : memref<112x128xf32, #tpu.memory_space<vmem>>, vector<1x16xf32>,
      %mul3A_293 = arith.constant 130312 : i32
      %mul3A_294 = arith.muli %mul3A_6, %mul3A_293 : i32
      %add3A_295 = arith.constant 130304 : i32
      %add3A_296 = arith.addi %mul3A_294, %add3A_295 : i32
      "tpu.region"() ({
        %run_scoped3A = tpu.sem_alloc : memref<!tpu.dma_semaphore, #tpu.memory_space<semaphore_mem>>
        %dma_start3A_297 = arith.constant 0 : i32
        %dma_start3A_298 = arith.constant 0 : i32
        %dma_start3A_299 = tpu.memref_slice %arg10[%dma_start3A_297, %dma_start3A_298] : memref<112x128xf32, #tpu.memory_space<vmem>> -> memref<1x128xf32, #tpu.memory_space<vmem>>
        %dma_start3A_300 = arith.constant 0 : i32
        %dma_start3A_301 = tpu.memref_slice %arg6[%add3A_296, %dma_start3A_300] : memref<521248x128xf32, #tpu.memory_space<hbm>> -> memref<1x128xf32, #tpu.memory_space<hbm>>
        %dma_start3A_302 = arith.constant 0 : i32
        %dma_start3A_303 = tpu.memref_slice %arg6[%add3A_296, %dma_start3A_302] : memref<521248x128xf32, #tpu.memory_space<hbm>> -> memref<1x128xf32, #tpu.memory_space<hbm>>
        %dma_start3A_304 = arith.constant 0 : i32
        %dma_start3A_305 = arith.constant 0 : i32
        %dma_start3A_306 = tpu.memref_slice %arg10[%dma_start3A_304, %dma_start3A_305] : memref<112x128xf32, #tpu.memory_space<vmem>> -> memref<1x128xf32, #tpu.memory_space<vmem>>
        tpu.enqueue_dma source(%dma_start3A_306 : memref<1x128xf32, #tpu.memory_space<vmem>>) target(%dma_start3A_303 : memref<1x128xf32, #tpu.memory_space<hbm>>) target_semaphore(%run_scoped3A : memref<!tpu.dma_semaphore, #tpu.memory_space<semaphore_mem>>)
        %dma_wait3A_307 = arith.constant 0 : i32
        %dma_wait3A_308 = arith.constant 0 : i32
        %dma_wait3A_309 = tpu.memref_slice %arg10[%dma_wait3A_307, %dma_wait3A_308] : memref<112x128xf32, #tpu.memory_space<vmem>> -> memref<1x128xf32, #tpu.memory_space<vmem>>
        %dma_wait3A_310 = arith.constant 0 : i32
        %dma_wait3A_311 = tpu.memref_slice %arg6[%add3A_296, %dma_wait3A_310] : memref<521248x128xf32, #tpu.memory_space<hbm>> -> memref<1x128xf32, #tpu.memory_space<hbm>>
        %dma_wait3A_312 = arith.constant 0 : i32
        %dma_wait3A_313 = tpu.memref_slice %arg6[%add3A_296, %dma_wait3A_312] : memref<521248x128xf32, #tpu.memory_space<hbm>> -> memref<1x128xf32, #tpu.memory_space<hbm>>
        %dma_wait3A_314 = arith.constant 0 : i32
        %dma_wait3A_315 = arith.constant 0 : i32
        %dma_wait3A_316 = tpu.memref_slice %arg10[%dma_wait3A_314, %dma_wait3A_315] : memref<112x128xf32, #tpu.memory_space<vmem>> -> memref<1x128xf32, #tpu.memory_space<vmem>>
        tpu.wait_dma2 semaphore(%run_scoped3A : memref<!tpu.dma_semaphore, #tpu.memory_space<semaphore_mem>>) src(%dma_wait3A_316 : memref<1x128xf32, #tpu.memory_space<vmem>>) dst(%dma_wait3A_313 : memref<1x128xf32, #tpu.memory_space<hbm>>)
        tpu.yield
      }) : () -> ()
    } else {
    }
    %barrier3A = arith.constant 0 : index
    tpu.barrier barrier_id(%barrier3A)
    %mul3A_55 = arith.constant 130312 : i32
    %mul3A_56 = arith.muli %mul3A_6, %mul3A_55 : i32
    "tpu.region"() ({
      %run_scoped3A = tpu.sem_alloc : memref<!tpu.dma_semaphore, #tpu.memory_space<semaphore_mem>>
      %dma_start3A_245 = tpu.memref_slice %arg3[%mul3A_0] : memref<130320xi32, #tpu.memory_space<hbm>> -> memref<8144xi32, #tpu.memory_space<hbm>>
      %dma_start3A_246 = tpu.memref_slice %arg3[%mul3A_0] : memref<130320xi32, #tpu.memory_space<hbm>> -> memref<8144xi32, #tpu.memory_space<hbm>>
      tpu.enqueue_dma source(%dma_start3A_246 : memref<8144xi32, #tpu.memory_space<hbm>>) target(%arg7 : memref<8144xi32, #tpu.memory_space<vmem>>) target_semaphore(%run_scoped3A : memref<!tpu.dma_semaphore, #tpu.memory_space<semaphore_mem>>)
      %dma_wait3A_247 = tpu.memref_slice %arg3[%mul3A_0] : memref<130320xi32, #tpu.memory_space<hbm>> -> memref<8144xi32, #tpu.memory_space<hbm>>
      %dma_wait3A_248 = tpu.memref_slice %arg3[%mul3A_0] : memref<130320xi32, #tpu.memory_space<hbm>> -> memref<8144xi32, #tpu.memory_space<hbm>>
      tpu.wait_dma2 semaphore(%run_scoped3A : memref<!tpu.dma_semaphore, #tpu.memory_space<semaphore_mem>>) src(%dma_wait3A_248 : memref<8144xi32, #tpu.memory_space<hbm>>) dst(%arg7 : memref<8144xi32, #tpu.memory_space<vmem>>)
      tpu.yield
    }) : () -> ()
    %scan3A_57 = arith.constant 0 : i32
    %scan3A_58 = arith.constant 0 : i32
    %scan3A_59 = arith.constant 509 : i32
    %scan3A_60 = arith.addi %scan3A_58, %scan3A_59 : i32
    %scan3A_61 = arith.constant 1 : i32
    scf.for %scan3A_245 = %scan3A_58 to %scan3A_60 step %scan3A_61  : i32 {
      %mul3A_246 = arith.constant 16 : i32
      %mul3A_247 = arith.muli %scan3A_245, %mul3A_246 : i32
      %multiple_of3A_248 = tpu.assume_multiple %mul3A_247, 16 : i32
      %add3A_249 = arith.addi %mul3A_0, %multiple_of3A_248 : i32
      %add3A_250 = vector.broadcast %add3A_249 : i32 to vector<16xi32>
      %add3A_251 = arith.addi %add3A_250, %iota3A : vector<16xi32>
      %get3A_252 = arith.index_cast %multiple_of3A_248 : i32 to index
      %get3A_253 = tpu.vector_load %arg7[%get3A_252] {strides = array<i32>} : memref<8144xi32, #tpu.memory_space<vmem>>, vector<16xi32>,
      %get3A_254 = vector.shape_cast %get3A_253 : vector<16xi32> to vector<16xi32>
      %select_n3A = arith.select %ne3A_4, %get3A_254, %add3A_251 : vector<16xi1>, vector<16xi32>
      %add3A_255 = vector.broadcast %mul3A_56 : i32 to vector<16xi32>
      %add3A_256 = arith.addi %add3A_255, %select_n3A : vector<16xi32>
      %swap3A = arith.index_cast %multiple_of3A_248 : i32 to index
      %swap3A_257 = tpu.vector_load %arg7[%swap3A] {strides = array<i32>} : memref<8144xi32, #tpu.memory_space<vmem>>, vector<16xi32>,
      %swap3A_258 = vector.shape_cast %swap3A_257 : vector<16xi32> to vector<16xi32>
      %swap3A_259 = vector.shape_cast %add3A_256 : vector<16xi32> to vector<16xi32>
      tpu.vector_store %arg7[%swap3A], %swap3A_259 {strides = array<i32>} : memref<8144xi32, #tpu.memory_space<vmem>>, vector<16xi32>,
    }
    %scan3A_62 = arith.constant 509 : i32
    %multiple_of3A_63 = arith.constant 0 : i32
    %multiple_of3A_64 = tpu.assume_multiple %multiple_of3A_63, 8 : i32
    %dma_start3A_65 = tpu.memref_slice %arg7[%multiple_of3A_64] : memref<8144xi32, #tpu.memory_space<vmem>> -> memref<112xi32, #tpu.memory_space<vmem>>
    %dma_start3A_66 = arith.constant 0 : i32
    %dma_start3A_67 = arith.constant 0 : i32
    %dma_start3A_68 = tpu.memref_slice %arg6[%dma_start3A_66, %dma_start3A_67] : memref<521248x128xf32, #tpu.memory_space<hbm>> -> memref<521248x128xf32, #tpu.memory_space<hbm>>
    tpu.enqueue_indirect_dma source(%dma_start3A_68 : memref<521248x128xf32, #tpu.memory_space<hbm>>) target(%arg12 : memref<112x128xf32, #tpu.memory_space<vmem>>) offsets(%dma_start3A_65 : memref<112xi32, #tpu.memory_space<vmem>>) semaphore(%arg19 : memref<!tpu.dma_semaphore, #tpu.memory_space<semaphore_mem>>)
    %multiple_of3A_69 = arith.constant 112 : i32
    %multiple_of3A_70 = tpu.assume_multiple %multiple_of3A_69, 8 : i32
    %dma_start3A_71 = tpu.memref_slice %arg7[%multiple_of3A_70] : memref<8144xi32, #tpu.memory_space<vmem>> -> memref<112xi32, #tpu.memory_space<vmem>>
    %dma_start3A_72 = arith.constant 0 : i32
    %dma_start3A_73 = arith.constant 0 : i32
    %dma_start3A_74 = tpu.memref_slice %arg6[%dma_start3A_72, %dma_start3A_73] : memref<521248x128xf32, #tpu.memory_space<hbm>> -> memref<521248x128xf32, #tpu.memory_space<hbm>>
    tpu.enqueue_indirect_dma source(%dma_start3A_74 : memref<521248x128xf32, #tpu.memory_space<hbm>>) target(%arg13 : memref<112x128xf32, #tpu.memory_space<vmem>>) offsets(%dma_start3A_71 : memref<112xi32, #tpu.memory_space<vmem>>) semaphore(%arg20 : memref<!tpu.dma_semaphore, #tpu.memory_space<semaphore_mem>>)
    %add3A_75 = arith.constant 0 : i32
    %add3A_76 = arith.addi %mul3A_0, %add3A_75 : i32
    %multiple_of3A_77 = tpu.assume_multiple %add3A_76, 8 : i32
    %dma_start3A_78 = arith.constant 0 : i32
    %dma_start3A_79 = tpu.memref_slice %arg2[%add3A_7, %multiple_of3A_77, %dma_start3A_78] : memref<4x130305x64xf32, #tpu.memory_space<hbm>> -> memref<1x112x64xf32, #tpu.memory_space<hbm>>
    %dma_start3A_80 = tpu.memref_squeeze %dma_start3A_79 : memref<1x112x64xf32, #tpu.memory_space<hbm>> -> memref<112x64xf32, #tpu.memory_space<hbm>>
    %dma_start3A_81 = arith.constant 0 : i32
    %dma_start3A_82 = tpu.memref_slice %arg2[%add3A_7, %multiple_of3A_77, %dma_start3A_81] : memref<4x130305x64xf32, #tpu.memory_space<hbm>> -> memref<1x112x64xf32, #tpu.memory_space<hbm>>
    %dma_start3A_83 = tpu.memref_squeeze %dma_start3A_82 : memref<1x112x64xf32, #tpu.memory_space<hbm>> -> memref<112x64xf32, #tpu.memory_space<hbm>>
    tpu.enqueue_dma source(%dma_start3A_83 : memref<112x64xf32, #tpu.memory_space<hbm>>) target(%arg8 : memref<112x64xf32, #tpu.memory_space<vmem>>) target_semaphore(%arg17 : memref<!tpu.dma_semaphore, #tpu.memory_space<semaphore_mem>>)
    %add3A_84 = arith.constant 112 : i32
    %add3A_85 = arith.addi %mul3A_0, %add3A_84 : i32
    %multiple_of3A_86 = tpu.assume_multiple %add3A_85, 8 : i32
    %dma_start3A_87 = arith.constant 0 : i32
    %dma_start3A_88 = tpu.memref_slice %arg2[%add3A_7, %multiple_of3A_86, %dma_start3A_87] : memref<4x130305x64xf32, #tpu.memory_space<hbm>> -> memref<1x112x64xf32, #tpu.memory_space<hbm>>
    %dma_start3A_89 = tpu.memref_squeeze %dma_start3A_88 : memref<1x112x64xf32, #tpu.memory_space<hbm>> -> memref<112x64xf32, #tpu.memory_space<hbm>>
    %dma_start3A_90 = arith.constant 0 : i32
    %dma_start3A_91 = tpu.memref_slice %arg2[%add3A_7, %multiple_of3A_86, %dma_start3A_90] : memref<4x130305x64xf32, #tpu.memory_space<hbm>> -> memref<1x112x64xf32, #tpu.memory_space<hbm>>
    %dma_start3A_92 = tpu.memref_squeeze %dma_start3A_91 : memref<1x112x64xf32, #tpu.memory_space<hbm>> -> memref<112x64xf32, #tpu.memory_space<hbm>>
    tpu.enqueue_dma source(%dma_start3A_92 : memref<112x64xf32, #tpu.memory_space<hbm>>) target(%arg9 : memref<112x64xf32, #tpu.memory_space<vmem>>) target_semaphore(%arg18 : memref<!tpu.dma_semaphore, #tpu.memory_space<semaphore_mem>>)
    %scan3A_93 = arith.constant 0 : i32
    %scan3A_94 = arith.constant 0 : i32
    %scan3A_95 = arith.constant 36 : i32
    %scan3A_96 = arith.addi %scan3A_94, %scan3A_95 : i32
    %scan3A_97 = arith.constant 1 : i32
    scf.for %scan3A_245 = %scan3A_94 to %scan3A_96 step %scan3A_97  : i32 {
      %mul3A_246 = arith.constant 2 : i32
      %mul3A_247 = arith.muli %mul3A_246, %scan3A_245 : i32
      %add3A_248 = arith.constant 0 : i32
      %add3A_249 = arith.addi %mul3A_247, %add3A_248 : i32
      %dma_wait3A_250 = arith.constant 0 : i32
      %dma_wait3A_251 = arith.constant 0 : i32
      %dma_wait3A_252 = tpu.memref_slice %arg6[%dma_wait3A_250, %dma_wait3A_251] : memref<521248x128xf32, #tpu.memory_space<hbm>> -> memref<112x128xf32, #tpu.memory_space<hbm>>
      %dma_wait3A_253 = arith.constant 0 : i32
      %dma_wait3A_254 = arith.constant 0 : i32
      %dma_wait3A_255 = tpu.memref_slice %arg6[%dma_wait3A_253, %dma_wait3A_254] : memref<521248x128xf32, #tpu.memory_space<hbm>> -> memref<112x128xf32, #tpu.memory_space<hbm>>
      tpu.wait_dma2 semaphore(%arg19 : memref<!tpu.dma_semaphore, #tpu.memory_space<semaphore_mem>>) src(%dma_wait3A_255 : memref<112x128xf32, #tpu.memory_space<hbm>>) dst(%arg12 : memref<112x128xf32, #tpu.memory_space<vmem>>)
      %gt3A = arith.constant 0 : i32
      %gt3A_256 = arith.cmpi sgt, %scan3A_245, %gt3A : i32
      %convert_element_type3A_257 = arith.extui %gt3A_256 : i1 to i32
      %cond3A_258 = arith.constant 0 : i32
      %cond3A_259 = arith.cmpi ne, %convert_element_type3A_257, %cond3A_258 : i32
      scf.if %cond3A_259 {
        %dma_wait3A_396 = arith.constant 0 : i32
        %dma_wait3A_397 = arith.constant 0 : i32
        %dma_wait3A_398 = arith.constant 0 : i32
        %dma_wait3A_399 = tpu.memref_slice %arg5[%dma_wait3A_396, %dma_wait3A_397, %dma_wait3A_398] : memref<4x130305x64xf32, #tpu.memory_space<hbm>> -> memref<1x112x64xf32, #tpu.memory_space<hbm>>
        %dma_wait3A_400 = tpu.memref_squeeze %dma_wait3A_399 : memref<1x112x64xf32, #tpu.memory_space<hbm>> -> memref<112x64xf32, #tpu.memory_space<hbm>>
        %dma_wait3A_401 = arith.constant 0 : i32
        %dma_wait3A_402 = arith.constant 0 : i32
        %dma_wait3A_403 = tpu.memref_slice %arg5[%dma_wait3A_396, %dma_wait3A_401, %dma_wait3A_402] : memref<4x130305x64xf32, #tpu.memory_space<hbm>> -> memref<1x112x64xf32, #tpu.memory_space<hbm>>
        %dma_wait3A_404 = tpu.memref_squeeze %dma_wait3A_403 : memref<1x112x64xf32, #tpu.memory_space<hbm>> -> memref<112x64xf32, #tpu.memory_space<hbm>>
        tpu.wait_dma2 semaphore(%arg23 : memref<!tpu.dma_semaphore, #tpu.memory_space<semaphore_mem>>) src(%arg14 : memref<112x64xf32, #tpu.memory_space<vmem>>) dst(%dma_wait3A_404 : memref<112x64xf32, #tpu.memory_space<hbm>>)
      } else {
      }
      %scan3A_260 = arith.constant 0 : i32
      %scan3A_261 = arith.constant 0 : i32
      %scan3A_262 = arith.constant 28 : i32
      %scan3A_263 = arith.addi %scan3A_261, %scan3A_262 : i32
      %scan3A_264 = arith.constant 1 : i32
      scf.for %scan3A_396 = %scan3A_261 to %scan3A_263 step %scan3A_264  : i32 {
        %mul3A_397 = arith.constant 4 : i32
        %mul3A_398 = arith.muli %scan3A_396, %mul3A_397 : i32
        %add3A_399 = arith.constant 0 : i32
        %add3A_400 = arith.addi %mul3A_398, %add3A_399 : i32
        %get3A_401 = arith.index_cast %add3A_400 : i32 to index
        %get3A_402 = arith.constant 0 : index
        %get3A_403 = tpu.vector_load %arg12[%get3A_401, %get3A_402] {strides = array<i32>} : memref<112x128xf32, #tpu.memory_space<vmem>>, vector<1x16xf32>,
        %get3A_404 = vector.shape_cast %get3A_403 : vector<1x16xf32> to vector<16xf32>
        %add3A_405 = arith.constant 0 : i32
        %add3A_406 = arith.addi %mul3A_398, %add3A_405 : i32
        %swap3A = arith.index_cast %add3A_406 : i32 to index
        %swap3A_407 = arith.constant 0 : index
        %swap3A_408 = tpu.vector_load %arg14[%swap3A, %swap3A_407] {strides = array<i32>} : memref<112x64xf32, #tpu.memory_space<vmem>>, vector<1x16xf32>,
        %swap3A_409 = vector.shape_cast %swap3A_408 : vector<1x16xf32> to vector<16xf32>
        %swap3A_410 = vector.shape_cast %get3A_404 : vector<16xf32> to vector<1x16xf32>
        tpu.vector_store %arg14[%swap3A, %swap3A_407], %swap3A_410 {strides = array<i32>} : memref<112x64xf32, #tpu.memory_space<vmem>>, vector<1x16xf32>,
        %add3A_411 = arith.constant 0 : i32
        %add3A_412 = arith.addi %mul3A_398, %add3A_411 : i32
        %get3A_413 = arith.index_cast %add3A_412 : i32 to index
        %get3A_414 = arith.constant 16 : index
        %get3A_415 = tpu.vector_load %arg12[%get3A_413, %get3A_414] {strides = array<i32>} : memref<112x128xf32, #tpu.memory_space<vmem>>, vector<1x16xf32>,
        %get3A_416 = vector.shape_cast %get3A_415 : vector<1x16xf32> to vector<16xf32>
        %add3A_417 = arith.constant 0 : i32
        %add3A_418 = arith.addi %mul3A_398, %add3A_417 : i32
        %swap3A_419 = arith.index_cast %add3A_418 : i32 to index
        %swap3A_420 = arith.constant 16 : index
        %swap3A_421 = tpu.vector_load %arg14[%swap3A_419, %swap3A_420] {strides = array<i32>} : memref<112x64xf32, #tpu.memory_space<vmem>>, vector<1x16xf32>,
        %swap3A_422 = vector.shape_cast %swap3A_421 : vector<1x16xf32> to vector<16xf32>
        %swap3A_423 = vector.shape_cast %get3A_416 : vector<16xf32> to vector<1x16xf32>
        tpu.vector_store %arg14[%swap3A_419, %swap3A_420], %swap3A_423 {strides = array<i32>} : memref<112x64xf32, #tpu.memory_space<vmem>>, vector<1x16xf32>,
        %add3A_424 = arith.constant 0 : i32
        %add3A_425 = arith.addi %mul3A_398, %add3A_424 : i32
        %get3A_426 = arith.index_cast %add3A_425 : i32 to index
        %get3A_427 = arith.constant 32 : index
        %get3A_428 = tpu.vector_load %arg12[%get3A_426, %get3A_427] {strides = array<i32>} : memref<112x128xf32, #tpu.memory_space<vmem>>, vector<1x16xf32>,
        %get3A_429 = vector.shape_cast %get3A_428 : vector<1x16xf32> to vector<16xf32>
        %add3A_430 = arith.constant 0 : i32
        %add3A_431 = arith.addi %mul3A_398, %add3A_430 : i32
        %swap3A_432 = arith.index_cast %add3A_431 : i32 to index
        %swap3A_433 = arith.constant 32 : index
        %swap3A_434 = tpu.vector_load %arg14[%swap3A_432, %swap3A_433] {strides = array<i32>} : memref<112x64xf32, #tpu.memory_space<vmem>>, vector<1x16xf32>,
        %swap3A_435 = vector.shape_cast %swap3A_434 : vector<1x16xf32> to vector<16xf32>
        %swap3A_436 = vector.shape_cast %get3A_429 : vector<16xf32> to vector<1x16xf32>
        tpu.vector_store %arg14[%swap3A_432, %swap3A_433], %swap3A_436 {strides = array<i32>} : memref<112x64xf32, #tpu.memory_space<vmem>>, vector<1x16xf32>,
        %add3A_437 = arith.constant 0 : i32
        %add3A_438 = arith.addi %mul3A_398, %add3A_437 : i32
        %get3A_439 = arith.index_cast %add3A_438 : i32 to index
        %get3A_440 = arith.constant 48 : index
        %get3A_441 = tpu.vector_load %arg12[%get3A_439, %get3A_440] {strides = array<i32>} : memref<112x128xf32, #tpu.memory_space<vmem>>, vector<1x16xf32>,
        %get3A_442 = vector.shape_cast %get3A_441 : vector<1x16xf32> to vector<16xf32>
        %add3A_443 = arith.constant 0 : i32
        %add3A_444 = arith.addi %mul3A_398, %add3A_443 : i32
        %swap3A_445 = arith.index_cast %add3A_444 : i32 to index
        %swap3A_446 = arith.constant 48 : index
        %swap3A_447 = tpu.vector_load %arg14[%swap3A_445, %swap3A_446] {strides = array<i32>} : memref<112x64xf32, #tpu.memory_space<vmem>>, vector<1x16xf32>,
        %swap3A_448 = vector.shape_cast %swap3A_447 : vector<1x16xf32> to vector<16xf32>
        %swap3A_449 = vector.shape_cast %get3A_442 : vector<16xf32> to vector<1x16xf32>
        tpu.vector_store %arg14[%swap3A_445, %swap3A_446], %swap3A_449 {strides = array<i32>} : memref<112x64xf32, #tpu.memory_space<vmem>>, vector<1x16xf32>,
        %add3A_450 = arith.constant 1 : i32
        %add3A_451 = arith.addi %mul3A_398, %add3A_450 : i32
        %get3A_452 = arith.index_cast %add3A_451 : i32 to index
        %get3A_453 = arith.constant 0 : index
        %get3A_454 = tpu.vector_load %arg12[%get3A_452, %get3A_453] {strides = array<i32>} : memref<112x128xf32, #tpu.memory_space<vmem>>, vector<1x16xf32>,
        %get3A_455 = vector.shape_cast %get3A_454 : vector<1x16xf32> to vector<16xf32>
        %add3A_456 = arith.constant 1 : i32
        %add3A_457 = arith.addi %mul3A_398, %add3A_456 : i32
        %swap3A_458 = arith.index_cast %add3A_457 : i32 to index
        %swap3A_459 = arith.constant 0 : index
        %swap3A_460 = tpu.vector_load %arg14[%swap3A_458, %swap3A_459] {strides = array<i32>} : memref<112x64xf32, #tpu.memory_space<vmem>>, vector<1x16xf32>,
        %swap3A_461 = vector.shape_cast %swap3A_460 : vector<1x16xf32> to vector<16xf32>
        %swap3A_462 = vector.shape_cast %get3A_455 : vector<16xf32> to vector<1x16xf32>
        tpu.vector_store %arg14[%swap3A_458, %swap3A_459], %swap3A_462 {strides = array<i32>} : memref<112x64xf32, #tpu.memory_space<vmem>>, vector<1x16xf32>,
        %add3A_463 = arith.constant 1 : i32
        %add3A_464 = arith.addi %mul3A_398, %add3A_463 : i32
        %get3A_465 = arith.index_cast %add3A_464 : i32 to index
        %get3A_466 = arith.constant 16 : index
        %get3A_467 = tpu.vector_load %arg12[%get3A_465, %get3A_466] {strides = array<i32>} : memref<112x128xf32, #tpu.memory_space<vmem>>, vector<1x16xf32>,
        %get3A_468 = vector.shape_cast %get3A_467 : vector<1x16xf32> to vector<16xf32>
        %add3A_469 = arith.constant 1 : i32
        %add3A_470 = arith.addi %mul3A_398, %add3A_469 : i32
        %swap3A_471 = arith.index_cast %add3A_470 : i32 to index
        %swap3A_472 = arith.constant 16 : index
        %swap3A_473 = tpu.vector_load %arg14[%swap3A_471, %swap3A_472] {strides = array<i32>} : memref<112x64xf32, #tpu.memory_space<vmem>>, vector<1x16xf32>,
        %swap3A_474 = vector.shape_cast %swap3A_473 : vector<1x16xf32> to vector<16xf32>
        %swap3A_475 = vector.shape_cast %get3A_468 : vector<16xf32> to vector<1x16xf32>
        tpu.vector_store %arg14[%swap3A_471, %swap3A_472], %swap3A_475 {strides = array<i32>} : memref<112x64xf32, #tpu.memory_space<vmem>>, vector<1x16xf32>,
        %add3A_476 = arith.constant 1 : i32
        %add3A_477 = arith.addi %mul3A_398, %add3A_476 : i32
        %get3A_478 = arith.index_cast %add3A_477 : i32 to index
        %get3A_479 = arith.constant 32 : index
        %get3A_480 = tpu.vector_load %arg12[%get3A_478, %get3A_479] {strides = array<i32>} : memref<112x128xf32, #tpu.memory_space<vmem>>, vector<1x16xf32>,
        %get3A_481 = vector.shape_cast %get3A_480 : vector<1x16xf32> to vector<16xf32>
        %add3A_482 = arith.constant 1 : i32
        %add3A_483 = arith.addi %mul3A_398, %add3A_482 : i32
        %swap3A_484 = arith.index_cast %add3A_483 : i32 to index
        %swap3A_485 = arith.constant 32 : index
        %swap3A_486 = tpu.vector_load %arg14[%swap3A_484, %swap3A_485] {strides = array<i32>} : memref<112x64xf32, #tpu.memory_space<vmem>>, vector<1x16xf32>,
        %swap3A_487 = vector.shape_cast %swap3A_486 : vector<1x16xf32> to vector<16xf32>
        %swap3A_488 = vector.shape_cast %get3A_481 : vector<16xf32> to vector<1x16xf32>
        tpu.vector_store %arg14[%swap3A_484, %swap3A_485], %swap3A_488 {strides = array<i32>} : memref<112x64xf32, #tpu.memory_space<vmem>>, vector<1x16xf32>,
        %add3A_489 = arith.constant 1 : i32
        %add3A_490 = arith.addi %mul3A_398, %add3A_489 : i32
        %get3A_491 = arith.index_cast %add3A_490 : i32 to index
        %get3A_492 = arith.constant 48 : index
        %get3A_493 = tpu.vector_load %arg12[%get3A_491, %get3A_492] {strides = array<i32>} : memref<112x128xf32, #tpu.memory_space<vmem>>, vector<1x16xf32>,
        %get3A_494 = vector.shape_cast %get3A_493 : vector<1x16xf32> to vector<16xf32>
        %add3A_495 = arith.constant 1 : i32
        %add3A_496 = arith.addi %mul3A_398, %add3A_495 : i32
        %swap3A_497 = arith.index_cast %add3A_496 : i32 to index
        %swap3A_498 = arith.constant 48 : index
        %swap3A_499 = tpu.vector_load %arg14[%swap3A_497, %swap3A_498] {strides = array<i32>} : memref<112x64xf32, #tpu.memory_space<vmem>>, vector<1x16xf32>,
        %swap3A_500 = vector.shape_cast %swap3A_499 : vector<1x16xf32> to vector<16xf32>
        %swap3A_501 = vector.shape_cast %get3A_494 : vector<16xf32> to vector<1x16xf32>
        tpu.vector_store %arg14[%swap3A_497, %swap3A_498], %swap3A_501 {strides = array<i32>} : memref<112x64xf32, #tpu.memory_space<vmem>>, vector<1x16xf32>,
        %add3A_502 = arith.constant 2 : i32
        %add3A_503 = arith.addi %mul3A_398, %add3A_502 : i32
        %get3A_504 = arith.index_cast %add3A_503 : i32 to index
        %get3A_505 = arith.constant 0 : index
        %get3A_506 = tpu.vector_load %arg12[%get3A_504, %get3A_505] {strides = array<i32>} : memref<112x128xf32, #tpu.memory_space<vmem>>, vector<1x16xf32>,
        %get3A_507 = vector.shape_cast %get3A_506 : vector<1x16xf32> to vector<16xf32>
        %add3A_508 = arith.constant 2 : i32
        %add3A_509 = arith.addi %mul3A_398, %add3A_508 : i32
        %swap3A_510 = arith.index_cast %add3A_509 : i32 to index
        %swap3A_511 = arith.constant 0 : index
        %swap3A_512 = tpu.vector_load %arg14[%swap3A_510, %swap3A_511] {strides = array<i32>} : memref<112x64xf32, #tpu.memory_space<vmem>>, vector<1x16xf32>,
        %swap3A_513 = vector.shape_cast %swap3A_512 : vector<1x16xf32> to vector<16xf32>
        %swap3A_514 = vector.shape_cast %get3A_507 : vector<16xf32> to vector<1x16xf32>
        tpu.vector_store %arg14[%swap3A_510, %swap3A_511], %swap3A_514 {strides = array<i32>} : memref<112x64xf32, #tpu.memory_space<vmem>>, vector<1x16xf32>,
        %add3A_515 = arith.constant 2 : i32
        %add3A_516 = arith.addi %mul3A_398, %add3A_515 : i32
        %get3A_517 = arith.index_cast %add3A_516 : i32 to index
        %get3A_518 = arith.constant 16 : index
        %get3A_519 = tpu.vector_load %arg12[%get3A_517, %get3A_518] {strides = array<i32>} : memref<112x128xf32, #tpu.memory_space<vmem>>, vector<1x16xf32>,
        %get3A_520 = vector.shape_cast %get3A_519 : vector<1x16xf32> to vector<16xf32>
        %add3A_521 = arith.constant 2 : i32
        %add3A_522 = arith.addi %mul3A_398, %add3A_521 : i32
        %swap3A_523 = arith.index_cast %add3A_522 : i32 to index
        %swap3A_524 = arith.constant 16 : index
        %swap3A_525 = tpu.vector_load %arg14[%swap3A_523, %swap3A_524] {strides = array<i32>} : memref<112x64xf32, #tpu.memory_space<vmem>>, vector<1x16xf32>,
        %swap3A_526 = vector.shape_cast %swap3A_525 : vector<1x16xf32> to vector<16xf32>
        %swap3A_527 = vector.shape_cast %get3A_520 : vector<16xf32> to vector<1x16xf32>
        tpu.vector_store %arg14[%swap3A_523, %swap3A_524], %swap3A_527 {strides = array<i32>} : memref<112x64xf32, #tpu.memory_space<vmem>>, vector<1x16xf32>,
        %add3A_528 = arith.constant 2 : i32
        %add3A_529 = arith.addi %mul3A_398, %add3A_528 : i32
        %get3A_530 = arith.index_cast %add3A_529 : i32 to index
        %get3A_531 = arith.constant 32 : index
        %get3A_532 = tpu.vector_load %arg12[%get3A_530, %get3A_531] {strides = array<i32>} : memref<112x128xf32, #tpu.memory_space<vmem>>, vector<1x16xf32>,
        %get3A_533 = vector.shape_cast %get3A_532 : vector<1x16xf32> to vector<16xf32>
        %add3A_534 = arith.constant 2 : i32
        %add3A_535 = arith.addi %mul3A_398, %add3A_534 : i32
        %swap3A_536 = arith.index_cast %add3A_535 : i32 to index
        %swap3A_537 = arith.constant 32 : index
        %swap3A_538 = tpu.vector_load %arg14[%swap3A_536, %swap3A_537] {strides = array<i32>} : memref<112x64xf32, #tpu.memory_space<vmem>>, vector<1x16xf32>,
        %swap3A_539 = vector.shape_cast %swap3A_538 : vector<1x16xf32> to vector<16xf32>
        %swap3A_540 = vector.shape_cast %get3A_533 : vector<16xf32> to vector<1x16xf32>
        tpu.vector_store %arg14[%swap3A_536, %swap3A_537], %swap3A_540 {strides = array<i32>} : memref<112x64xf32, #tpu.memory_space<vmem>>, vector<1x16xf32>,
        %add3A_541 = arith.constant 2 : i32
        %add3A_542 = arith.addi %mul3A_398, %add3A_541 : i32
        %get3A_543 = arith.index_cast %add3A_542 : i32 to index
        %get3A_544 = arith.constant 48 : index
        %get3A_545 = tpu.vector_load %arg12[%get3A_543, %get3A_544] {strides = array<i32>} : memref<112x128xf32, #tpu.memory_space<vmem>>, vector<1x16xf32>,
        %get3A_546 = vector.shape_cast %get3A_545 : vector<1x16xf32> to vector<16xf32>
        %add3A_547 = arith.constant 2 : i32
        %add3A_548 = arith.addi %mul3A_398, %add3A_547 : i32
        %swap3A_549 = arith.index_cast %add3A_548 : i32 to index
        %swap3A_550 = arith.constant 48 : index
        %swap3A_551 = tpu.vector_load %arg14[%swap3A_549, %swap3A_550] {strides = array<i32>} : memref<112x64xf32, #tpu.memory_space<vmem>>, vector<1x16xf32>,
        %swap3A_552 = vector.shape_cast %swap3A_551 : vector<1x16xf32> to vector<16xf32>
        %swap3A_553 = vector.shape_cast %get3A_546 : vector<16xf32> to vector<1x16xf32>
        tpu.vector_store %arg14[%swap3A_549, %swap3A_550], %swap3A_553 {strides = array<i32>} : memref<112x64xf32, #tpu.memory_space<vmem>>, vector<1x16xf32>,
        %add3A_554 = arith.constant 3 : i32
        %add3A_555 = arith.addi %mul3A_398, %add3A_554 : i32
        %get3A_556 = arith.index_cast %add3A_555 : i32 to index
        %get3A_557 = arith.constant 0 : index
        %get3A_558 = tpu.vector_load %arg12[%get3A_556, %get3A_557] {strides = array<i32>} : memref<112x128xf32, #tpu.memory_space<vmem>>, vector<1x16xf32>,
        %get3A_559 = vector.shape_cast %get3A_558 : vector<1x16xf32> to vector<16xf32>
        %add3A_560 = arith.constant 3 : i32
        %add3A_561 = arith.addi %mul3A_398, %add3A_560 : i32
        %swap3A_562 = arith.index_cast %add3A_561 : i32 to index
        %swap3A_563 = arith.constant 0 : index
        %swap3A_564 = tpu.vector_load %arg14[%swap3A_562, %swap3A_563] {strides = array<i32>} : memref<112x64xf32, #tpu.memory_space<vmem>>, vector<1x16xf32>,
        %swap3A_565 = vector.shape_cast %swap3A_564 : vector<1x16xf32> to vector<16xf32>
        %swap3A_566 = vector.shape_cast %get3A_559 : vector<16xf32> to vector<1x16xf32>
        tpu.vector_store %arg14[%swap3A_562, %swap3A_563], %swap3A_566 {strides = array<i32>} : memref<112x64xf32, #tpu.memory_space<vmem>>, vector<1x16xf32>,
        %add3A_567 = arith.constant 3 : i32
        %add3A_568 = arith.addi %mul3A_398, %add3A_567 : i32
        %get3A_569 = arith.index_cast %add3A_568 : i32 to index
        %get3A_570 = arith.constant 16 : index
        %get3A_571 = tpu.vector_load %arg12[%get3A_569, %get3A_570] {strides = array<i32>} : memref<112x128xf32, #tpu.memory_space<vmem>>, vector<1x16xf32>,
        %get3A_572 = vector.shape_cast %get3A_571 : vector<1x16xf32> to vector<16xf32>
        %add3A_573 = arith.constant 3 : i32
        %add3A_574 = arith.addi %mul3A_398, %add3A_573 : i32
        %swap3A_575 = arith.index_cast %add3A_574 : i32 to index
        %swap3A_576 = arith.constant 16 : index
        %swap3A_577 = tpu.vector_load %arg14[%swap3A_575, %swap3A_576] {strides = array<i32>} : memref<112x64xf32, #tpu.memory_space<vmem>>, vector<1x16xf32>,
        %swap3A_578 = vector.shape_cast %swap3A_577 : vector<1x16xf32> to vector<16xf32>
        %swap3A_579 = vector.shape_cast %get3A_572 : vector<16xf32> to vector<1x16xf32>
        tpu.vector_store %arg14[%swap3A_575, %swap3A_576], %swap3A_579 {strides = array<i32>} : memref<112x64xf32, #tpu.memory_space<vmem>>, vector<1x16xf32>,
        %add3A_580 = arith.constant 3 : i32
        %add3A_581 = arith.addi %mul3A_398, %add3A_580 : i32
        %get3A_582 = arith.index_cast %add3A_581 : i32 to index
        %get3A_583 = arith.constant 32 : index
        %get3A_584 = tpu.vector_load %arg12[%get3A_582, %get3A_583] {strides = array<i32>} : memref<112x128xf32, #tpu.memory_space<vmem>>, vector<1x16xf32>,
        %get3A_585 = vector.shape_cast %get3A_584 : vector<1x16xf32> to vector<16xf32>
        %add3A_586 = arith.constant 3 : i32
        %add3A_587 = arith.addi %mul3A_398, %add3A_586 : i32
        %swap3A_588 = arith.index_cast %add3A_587 : i32 to index
        %swap3A_589 = arith.constant 32 : index
        %swap3A_590 = tpu.vector_load %arg14[%swap3A_588, %swap3A_589] {strides = array<i32>} : memref<112x64xf32, #tpu.memory_space<vmem>>, vector<1x16xf32>,
        %swap3A_591 = vector.shape_cast %swap3A_590 : vector<1x16xf32> to vector<16xf32>
        %swap3A_592 = vector.shape_cast %get3A_585 : vector<16xf32> to vector<1x16xf32>
        tpu.vector_store %arg14[%swap3A_588, %swap3A_589], %swap3A_592 {strides = array<i32>} : memref<112x64xf32, #tpu.memory_space<vmem>>, vector<1x16xf32>,
        %add3A_593 = arith.constant 3 : i32
        %add3A_594 = arith.addi %mul3A_398, %add3A_593 : i32
        %get3A_595 = arith.index_cast %add3A_594 : i32 to index
        %get3A_596 = arith.constant 48 : index
        %get3A_597 = tpu.vector_load %arg12[%get3A_595, %get3A_596] {strides = array<i32>} : memref<112x128xf32, #tpu.memory_space<vmem>>, vector<1x16xf32>,
        %get3A_598 = vector.shape_cast %get3A_597 : vector<1x16xf32> to vector<16xf32>
        %add3A_599 = arith.constant 3 : i32
        %add3A_600 = arith.addi %mul3A_398, %add3A_599 : i32
        %swap3A_601 = arith.index_cast %add3A_600 : i32 to index
        %swap3A_602 = arith.constant 48 : index
        %swap3A_603 = tpu.vector_load %arg14[%swap3A_601, %swap3A_602] {strides = array<i32>} : memref<112x64xf32, #tpu.memory_space<vmem>>, vector<1x16xf32>,
        %swap3A_604 = vector.shape_cast %swap3A_603 : vector<1x16xf32> to vector<16xf32>
        %swap3A_605 = vector.shape_cast %get3A_598 : vector<16xf32> to vector<1x16xf32>
        tpu.vector_store %arg14[%swap3A_601, %swap3A_602], %swap3A_605 {strides = array<i32>} : memref<112x64xf32, #tpu.memory_space<vmem>>, vector<1x16xf32>,
      }
      %scan3A_265 = arith.constant 28 : i32
      %mul3A_266 = arith.constant 112 : i32
      %mul3A_267 = arith.muli %add3A_249, %mul3A_266 : i32
      %add3A_268 = arith.addi %mul3A_0, %mul3A_267 : i32
      %multiple_of3A_269 = tpu.assume_multiple %add3A_268, 8 : i32
      %dma_start3A_270 = arith.constant 0 : i32
      %dma_start3A_271 = tpu.memref_slice %arg5[%mul3A_6, %multiple_of3A_269, %dma_start3A_270] : memref<4x130305x64xf32, #tpu.memory_space<hbm>> -> memref<1x112x64xf32, #tpu.memory_space<hbm>>
      %dma_start3A_272 = tpu.memref_squeeze %dma_start3A_271 : memref<1x112x64xf32, #tpu.memory_space<hbm>> -> memref<112x64xf32, #tpu.memory_space<hbm>>
      %dma_start3A_273 = arith.constant 0 : i32
      %dma_start3A_274 = tpu.memref_slice %arg5[%mul3A_6, %multiple_of3A_269, %dma_start3A_273] : memref<4x130305x64xf32, #tpu.memory_space<hbm>> -> memref<1x112x64xf32, #tpu.memory_space<hbm>>
      %dma_start3A_275 = tpu.memref_squeeze %dma_start3A_274 : memref<1x112x64xf32, #tpu.memory_space<hbm>> -> memref<112x64xf32, #tpu.memory_space<hbm>>
      tpu.enqueue_dma source(%arg14 : memref<112x64xf32, #tpu.memory_space<vmem>>) target(%dma_start3A_275 : memref<112x64xf32, #tpu.memory_space<hbm>>) target_semaphore(%arg23 : memref<!tpu.dma_semaphore, #tpu.memory_space<semaphore_mem>>)
      %add3A_276 = arith.constant 2 : i32
      %add3A_277 = arith.addi %add3A_249, %add3A_276 : i32
      %lt3A = arith.constant 72 : i32
      %lt3A_278 = arith.cmpi slt, %add3A_277, %lt3A : i32
      %convert_element_type3A_279 = arith.extui %lt3A_278 : i1 to i32
      %cond3A_280 = arith.constant 0 : i32
      %cond3A_281 = arith.cmpi ne, %convert_element_type3A_279, %cond3A_280 : i32
      scf.if %cond3A_281 {
        %add3A_396 = arith.constant 2 : i32
        %add3A_397 = arith.addi %add3A_249, %add3A_396 : i32
        %mul3A_398 = arith.constant 112 : i32
        %mul3A_399 = arith.muli %add3A_397, %mul3A_398 : i32
        %multiple_of3A_400 = tpu.assume_multiple %mul3A_399, 8 : i32
        %dma_start3A_401 = tpu.memref_slice %arg7[%multiple_of3A_400] : memref<8144xi32, #tpu.memory_space<vmem>> -> memref<112xi32, #tpu.memory_space<vmem>>
        %dma_start3A_402 = arith.constant 0 : i32
        %dma_start3A_403 = arith.constant 0 : i32
        %dma_start3A_404 = tpu.memref_slice %arg6[%dma_start3A_402, %dma_start3A_403] : memref<521248x128xf32, #tpu.memory_space<hbm>> -> memref<521248x128xf32, #tpu.memory_space<hbm>>
        tpu.enqueue_indirect_dma source(%dma_start3A_404 : memref<521248x128xf32, #tpu.memory_space<hbm>>) target(%arg12 : memref<112x128xf32, #tpu.memory_space<vmem>>) offsets(%dma_start3A_401 : memref<112xi32, #tpu.memory_space<vmem>>) semaphore(%arg19 : memref<!tpu.dma_semaphore, #tpu.memory_space<semaphore_mem>>)
      } else {
      }
      %dma_wait3A_282 = arith.constant 0 : i32
      %dma_wait3A_283 = arith.constant 0 : i32
      %dma_wait3A_284 = arith.constant 0 : i32
      %dma_wait3A_285 = tpu.memref_slice %arg2[%dma_wait3A_282, %dma_wait3A_283, %dma_wait3A_284] : memref<4x130305x64xf32, #tpu.memory_space<hbm>> -> memref<1x112x64xf32, #tpu.memory_space<hbm>>
      %dma_wait3A_286 = tpu.memref_squeeze %dma_wait3A_285 : memref<1x112x64xf32, #tpu.memory_space<hbm>> -> memref<112x64xf32, #tpu.memory_space<hbm>>
      %dma_wait3A_287 = arith.constant 0 : i32
      %dma_wait3A_288 = arith.constant 0 : i32
      %dma_wait3A_289 = tpu.memref_slice %arg2[%dma_wait3A_282, %dma_wait3A_287, %dma_wait3A_288] : memref<4x130305x64xf32, #tpu.memory_space<hbm>> -> memref<1x112x64xf32, #tpu.memory_space<hbm>>
      %dma_wait3A_290 = tpu.memref_squeeze %dma_wait3A_289 : memref<1x112x64xf32, #tpu.memory_space<hbm>> -> memref<112x64xf32, #tpu.memory_space<hbm>>
      tpu.wait_dma2 semaphore(%arg17 : memref<!tpu.dma_semaphore, #tpu.memory_space<semaphore_mem>>) src(%dma_wait3A_290 : memref<112x64xf32, #tpu.memory_space<hbm>>) dst(%arg8 : memref<112x64xf32, #tpu.memory_space<vmem>>)
      %gt3A_291 = arith.constant 0 : i32
      %gt3A_292 = arith.cmpi sgt, %scan3A_245, %gt3A_291 : i32
      %convert_element_type3A_293 = arith.extui %gt3A_292 : i1 to i32
      %cond3A_294 = arith.constant 0 : i32
      %cond3A_295 = arith.cmpi ne, %convert_element_type3A_293, %cond3A_294 : i32
      scf.if %cond3A_295 {
        %dma_wait3A_396 = arith.constant 0 : i32
        %dma_wait3A_397 = arith.constant 0 : i32
        %dma_wait3A_398 = tpu.memref_slice %arg6[%dma_wait3A_396, %dma_wait3A_397] : memref<521248x128xf32, #tpu.memory_space<hbm>> -> memref<112x128xf32, #tpu.memory_space<hbm>>
        %dma_wait3A_399 = arith.constant 0 : i32
        %dma_wait3A_400 = arith.constant 0 : i32
        %dma_wait3A_401 = tpu.memref_slice %arg6[%dma_wait3A_399, %dma_wait3A_400] : memref<521248x128xf32, #tpu.memory_space<hbm>> -> memref<112x128xf32, #tpu.memory_space<hbm>>
        tpu.wait_dma2 semaphore(%arg21 : memref<!tpu.dma_semaphore, #tpu.memory_space<semaphore_mem>>) src(%arg10 : memref<112x128xf32, #tpu.memory_space<vmem>>) dst(%dma_wait3A_401 : memref<112x128xf32, #tpu.memory_space<hbm>>)
      } else {
      }
      %scan3A_296 = arith.constant 0 : i32
      %scan3A_297 = arith.constant 0 : i32
      %scan3A_298 = arith.constant 28 : i32
      %scan3A_299 = arith.addi %scan3A_297, %scan3A_298 : i32
      %scan3A_300 = arith.constant 1 : i32
      scf.for %scan3A_396 = %scan3A_297 to %scan3A_299 step %scan3A_300  : i32 {
        %mul3A_397 = arith.constant 4 : i32
        %mul3A_398 = arith.muli %scan3A_396, %mul3A_397 : i32
        %add3A_399 = arith.constant 0 : i32
        %add3A_400 = arith.addi %mul3A_398, %add3A_399 : i32
        %get3A_401 = arith.index_cast %add3A_400 : i32 to index
        %get3A_402 = arith.constant 0 : index
        %get3A_403 = tpu.vector_load %arg8[%get3A_401, %get3A_402] {strides = array<i32>} : memref<112x64xf32, #tpu.memory_space<vmem>>, vector<1x16xf32>,
        %get3A_404 = vector.shape_cast %get3A_403 : vector<1x16xf32> to vector<16xf32>
        %add3A_405 = arith.constant 0 : i32
        %add3A_406 = arith.addi %mul3A_398, %add3A_405 : i32
        %swap3A = arith.index_cast %add3A_406 : i32 to index
        %swap3A_407 = arith.constant 0 : index
        %swap3A_408 = tpu.vector_load %arg10[%swap3A, %swap3A_407] {strides = array<i32>} : memref<112x128xf32, #tpu.memory_space<vmem>>, vector<1x16xf32>,
        %swap3A_409 = vector.shape_cast %swap3A_408 : vector<1x16xf32> to vector<16xf32>
        %swap3A_410 = vector.shape_cast %get3A_404 : vector<16xf32> to vector<1x16xf32>
        tpu.vector_store %arg10[%swap3A, %swap3A_407], %swap3A_410 {strides = array<i32>} : memref<112x128xf32, #tpu.memory_space<vmem>>, vector<1x16xf32>,
        %add3A_411 = arith.constant 0 : i32
        %add3A_412 = arith.addi %mul3A_398, %add3A_411 : i32
        %get3A_413 = arith.index_cast %add3A_412 : i32 to index
        %get3A_414 = arith.constant 16 : index
        %get3A_415 = tpu.vector_load %arg8[%get3A_413, %get3A_414] {strides = array<i32>} : memref<112x64xf32, #tpu.memory_space<vmem>>, vector<1x16xf32>,
        %get3A_416 = vector.shape_cast %get3A_415 : vector<1x16xf32> to vector<16xf32>
        %add3A_417 = arith.constant 0 : i32
        %add3A_418 = arith.addi %mul3A_398, %add3A_417 : i32
        %swap3A_419 = arith.index_cast %add3A_418 : i32 to index
        %swap3A_420 = arith.constant 16 : index
        %swap3A_421 = tpu.vector_load %arg10[%swap3A_419, %swap3A_420] {strides = array<i32>} : memref<112x128xf32, #tpu.memory_space<vmem>>, vector<1x16xf32>,
        %swap3A_422 = vector.shape_cast %swap3A_421 : vector<1x16xf32> to vector<16xf32>
        %swap3A_423 = vector.shape_cast %get3A_416 : vector<16xf32> to vector<1x16xf32>
        tpu.vector_store %arg10[%swap3A_419, %swap3A_420], %swap3A_423 {strides = array<i32>} : memref<112x128xf32, #tpu.memory_space<vmem>>, vector<1x16xf32>,
        %add3A_424 = arith.constant 0 : i32
        %add3A_425 = arith.addi %mul3A_398, %add3A_424 : i32
        %get3A_426 = arith.index_cast %add3A_425 : i32 to index
        %get3A_427 = arith.constant 32 : index
        %get3A_428 = tpu.vector_load %arg8[%get3A_426, %get3A_427] {strides = array<i32>} : memref<112x64xf32, #tpu.memory_space<vmem>>, vector<1x16xf32>,
        %get3A_429 = vector.shape_cast %get3A_428 : vector<1x16xf32> to vector<16xf32>
        %add3A_430 = arith.constant 0 : i32
        %add3A_431 = arith.addi %mul3A_398, %add3A_430 : i32
        %swap3A_432 = arith.index_cast %add3A_431 : i32 to index
        %swap3A_433 = arith.constant 32 : index
        %swap3A_434 = tpu.vector_load %arg10[%swap3A_432, %swap3A_433] {strides = array<i32>} : memref<112x128xf32, #tpu.memory_space<vmem>>, vector<1x16xf32>,
        %swap3A_435 = vector.shape_cast %swap3A_434 : vector<1x16xf32> to vector<16xf32>
        %swap3A_436 = vector.shape_cast %get3A_429 : vector<16xf32> to vector<1x16xf32>
        tpu.vector_store %arg10[%swap3A_432, %swap3A_433], %swap3A_436 {strides = array<i32>} : memref<112x128xf32, #tpu.memory_space<vmem>>, vector<1x16xf32>,
        %add3A_437 = arith.constant 0 : i32
        %add3A_438 = arith.addi %mul3A_398, %add3A_437 : i32
        %get3A_439 = arith.index_cast %add3A_438 : i32 to index
        %get3A_440 = arith.constant 48 : index
        %get3A_441 = tpu.vector_load %arg8[%get3A_439, %get3A_440] {strides = array<i32>} : memref<112x64xf32, #tpu.memory_space<vmem>>, vector<1x16xf32>,
        %get3A_442 = vector.shape_cast %get3A_441 : vector<1x16xf32> to vector<16xf32>
        %add3A_443 = arith.constant 0 : i32
        %add3A_444 = arith.addi %mul3A_398, %add3A_443 : i32
        %swap3A_445 = arith.index_cast %add3A_444 : i32 to index
        %swap3A_446 = arith.constant 48 : index
        %swap3A_447 = tpu.vector_load %arg10[%swap3A_445, %swap3A_446] {strides = array<i32>} : memref<112x128xf32, #tpu.memory_space<vmem>>, vector<1x16xf32>,
        %swap3A_448 = vector.shape_cast %swap3A_447 : vector<1x16xf32> to vector<16xf32>
        %swap3A_449 = vector.shape_cast %get3A_442 : vector<16xf32> to vector<1x16xf32>
        tpu.vector_store %arg10[%swap3A_445, %swap3A_446], %swap3A_449 {strides = array<i32>} : memref<112x128xf32, #tpu.memory_space<vmem>>, vector<1x16xf32>,
        %add3A_450 = arith.constant 1 : i32
        %add3A_451 = arith.addi %mul3A_398, %add3A_450 : i32
        %get3A_452 = arith.index_cast %add3A_451 : i32 to index
        %get3A_453 = arith.constant 0 : index
        %get3A_454 = tpu.vector_load %arg8[%get3A_452, %get3A_453] {strides = array<i32>} : memref<112x64xf32, #tpu.memory_space<vmem>>, vector<1x16xf32>,
        %get3A_455 = vector.shape_cast %get3A_454 : vector<1x16xf32> to vector<16xf32>
        %add3A_456 = arith.constant 1 : i32
        %add3A_457 = arith.addi %mul3A_398, %add3A_456 : i32
        %swap3A_458 = arith.index_cast %add3A_457 : i32 to index
        %swap3A_459 = arith.constant 0 : index
        %swap3A_460 = tpu.vector_load %arg10[%swap3A_458, %swap3A_459] {strides = array<i32>} : memref<112x128xf32, #tpu.memory_space<vmem>>, vector<1x16xf32>,
        %swap3A_461 = vector.shape_cast %swap3A_460 : vector<1x16xf32> to vector<16xf32>
        %swap3A_462 = vector.shape_cast %get3A_455 : vector<16xf32> to vector<1x16xf32>
        tpu.vector_store %arg10[%swap3A_458, %swap3A_459], %swap3A_462 {strides = array<i32>} : memref<112x128xf32, #tpu.memory_space<vmem>>, vector<1x16xf32>,
        %add3A_463 = arith.constant 1 : i32
        %add3A_464 = arith.addi %mul3A_398, %add3A_463 : i32
        %get3A_465 = arith.index_cast %add3A_464 : i32 to index
        %get3A_466 = arith.constant 16 : index
        %get3A_467 = tpu.vector_load %arg8[%get3A_465, %get3A_466] {strides = array<i32>} : memref<112x64xf32, #tpu.memory_space<vmem>>, vector<1x16xf32>,
        %get3A_468 = vector.shape_cast %get3A_467 : vector<1x16xf32> to vector<16xf32>
        %add3A_469 = arith.constant 1 : i32
        %add3A_470 = arith.addi %mul3A_398, %add3A_469 : i32
        %swap3A_471 = arith.index_cast %add3A_470 : i32 to index
        %swap3A_472 = arith.constant 16 : index
        %swap3A_473 = tpu.vector_load %arg10[%swap3A_471, %swap3A_472] {strides = array<i32>} : memref<112x128xf32, #tpu.memory_space<vmem>>, vector<1x16xf32>,
        %swap3A_474 = vector.shape_cast %swap3A_473 : vector<1x16xf32> to vector<16xf32>
        %swap3A_475 = vector.shape_cast %get3A_468 : vector<16xf32> to vector<1x16xf32>
        tpu.vector_store %arg10[%swap3A_471, %swap3A_472], %swap3A_475 {strides = array<i32>} : memref<112x128xf32, #tpu.memory_space<vmem>>, vector<1x16xf32>,
        %add3A_476 = arith.constant 1 : i32
        %add3A_477 = arith.addi %mul3A_398, %add3A_476 : i32
        %get3A_478 = arith.index_cast %add3A_477 : i32 to index
        %get3A_479 = arith.constant 32 : index
        %get3A_480 = tpu.vector_load %arg8[%get3A_478, %get3A_479] {strides = array<i32>} : memref<112x64xf32, #tpu.memory_space<vmem>>, vector<1x16xf32>,
        %get3A_481 = vector.shape_cast %get3A_480 : vector<1x16xf32> to vector<16xf32>
        %add3A_482 = arith.constant 1 : i32
        %add3A_483 = arith.addi %mul3A_398, %add3A_482 : i32
        %swap3A_484 = arith.index_cast %add3A_483 : i32 to index
        %swap3A_485 = arith.constant 32 : index
        %swap3A_486 = tpu.vector_load %arg10[%swap3A_484, %swap3A_485] {strides = array<i32>} : memref<112x128xf32, #tpu.memory_space<vmem>>, vector<1x16xf32>,
        %swap3A_487 = vector.shape_cast %swap3A_486 : vector<1x16xf32> to vector<16xf32>
        %swap3A_488 = vector.shape_cast %get3A_481 : vector<16xf32> to vector<1x16xf32>
        tpu.vector_store %arg10[%swap3A_484, %swap3A_485], %swap3A_488 {strides = array<i32>} : memref<112x128xf32, #tpu.memory_space<vmem>>, vector<1x16xf32>,
        %add3A_489 = arith.constant 1 : i32
        %add3A_490 = arith.addi %mul3A_398, %add3A_489 : i32
        %get3A_491 = arith.index_cast %add3A_490 : i32 to index
        %get3A_492 = arith.constant 48 : index
        %get3A_493 = tpu.vector_load %arg8[%get3A_491, %get3A_492] {strides = array<i32>} : memref<112x64xf32, #tpu.memory_space<vmem>>, vector<1x16xf32>,
        %get3A_494 = vector.shape_cast %get3A_493 : vector<1x16xf32> to vector<16xf32>
        %add3A_495 = arith.constant 1 : i32
        %add3A_496 = arith.addi %mul3A_398, %add3A_495 : i32
        %swap3A_497 = arith.index_cast %add3A_496 : i32 to index
        %swap3A_498 = arith.constant 48 : index
        %swap3A_499 = tpu.vector_load %arg10[%swap3A_497, %swap3A_498] {strides = array<i32>} : memref<112x128xf32, #tpu.memory_space<vmem>>, vector<1x16xf32>,
        %swap3A_500 = vector.shape_cast %swap3A_499 : vector<1x16xf32> to vector<16xf32>
        %swap3A_501 = vector.shape_cast %get3A_494 : vector<16xf32> to vector<1x16xf32>
        tpu.vector_store %arg10[%swap3A_497, %swap3A_498], %swap3A_501 {strides = array<i32>} : memref<112x128xf32, #tpu.memory_space<vmem>>, vector<1x16xf32>,
        %add3A_502 = arith.constant 2 : i32
        %add3A_503 = arith.addi %mul3A_398, %add3A_502 : i32
        %get3A_504 = arith.index_cast %add3A_503 : i32 to index
        %get3A_505 = arith.constant 0 : index
        %get3A_506 = tpu.vector_load %arg8[%get3A_504, %get3A_505] {strides = array<i32>} : memref<112x64xf32, #tpu.memory_space<vmem>>, vector<1x16xf32>,
        %get3A_507 = vector.shape_cast %get3A_506 : vector<1x16xf32> to vector<16xf32>
        %add3A_508 = arith.constant 2 : i32
        %add3A_509 = arith.addi %mul3A_398, %add3A_508 : i32
        %swap3A_510 = arith.index_cast %add3A_509 : i32 to index
        %swap3A_511 = arith.constant 0 : index
        %swap3A_512 = tpu.vector_load %arg10[%swap3A_510, %swap3A_511] {strides = array<i32>} : memref<112x128xf32, #tpu.memory_space<vmem>>, vector<1x16xf32>,
        %swap3A_513 = vector.shape_cast %swap3A_512 : vector<1x16xf32> to vector<16xf32>
        %swap3A_514 = vector.shape_cast %get3A_507 : vector<16xf32> to vector<1x16xf32>
        tpu.vector_store %arg10[%swap3A_510, %swap3A_511], %swap3A_514 {strides = array<i32>} : memref<112x128xf32, #tpu.memory_space<vmem>>, vector<1x16xf32>,
        %add3A_515 = arith.constant 2 : i32
        %add3A_516 = arith.addi %mul3A_398, %add3A_515 : i32
        %get3A_517 = arith.index_cast %add3A_516 : i32 to index
        %get3A_518 = arith.constant 16 : index
        %get3A_519 = tpu.vector_load %arg8[%get3A_517, %get3A_518] {strides = array<i32>} : memref<112x64xf32, #tpu.memory_space<vmem>>, vector<1x16xf32>,
        %get3A_520 = vector.shape_cast %get3A_519 : vector<1x16xf32> to vector<16xf32>
        %add3A_521 = arith.constant 2 : i32
        %add3A_522 = arith.addi %mul3A_398, %add3A_521 : i32
        %swap3A_523 = arith.index_cast %add3A_522 : i32 to index
        %swap3A_524 = arith.constant 16 : index
        %swap3A_525 = tpu.vector_load %arg10[%swap3A_523, %swap3A_524] {strides = array<i32>} : memref<112x128xf32, #tpu.memory_space<vmem>>, vector<1x16xf32>,
        %swap3A_526 = vector.shape_cast %swap3A_525 : vector<1x16xf32> to vector<16xf32>
        %swap3A_527 = vector.shape_cast %get3A_520 : vector<16xf32> to vector<1x16xf32>
        tpu.vector_store %arg10[%swap3A_523, %swap3A_524], %swap3A_527 {strides = array<i32>} : memref<112x128xf32, #tpu.memory_space<vmem>>, vector<1x16xf32>,
        %add3A_528 = arith.constant 2 : i32
        %add3A_529 = arith.addi %mul3A_398, %add3A_528 : i32
        %get3A_530 = arith.index_cast %add3A_529 : i32 to index
        %get3A_531 = arith.constant 32 : index
        %get3A_532 = tpu.vector_load %arg8[%get3A_530, %get3A_531] {strides = array<i32>} : memref<112x64xf32, #tpu.memory_space<vmem>>, vector<1x16xf32>,
        %get3A_533 = vector.shape_cast %get3A_532 : vector<1x16xf32> to vector<16xf32>
        %add3A_534 = arith.constant 2 : i32
        %add3A_535 = arith.addi %mul3A_398, %add3A_534 : i32
        %swap3A_536 = arith.index_cast %add3A_535 : i32 to index
        %swap3A_537 = arith.constant 32 : index
        %swap3A_538 = tpu.vector_load %arg10[%swap3A_536, %swap3A_537] {strides = array<i32>} : memref<112x128xf32, #tpu.memory_space<vmem>>, vector<1x16xf32>,
        %swap3A_539 = vector.shape_cast %swap3A_538 : vector<1x16xf32> to vector<16xf32>
        %swap3A_540 = vector.shape_cast %get3A_533 : vector<16xf32> to vector<1x16xf32>
        tpu.vector_store %arg10[%swap3A_536, %swap3A_537], %swap3A_540 {strides = array<i32>} : memref<112x128xf32, #tpu.memory_space<vmem>>, vector<1x16xf32>,
        %add3A_541 = arith.constant 2 : i32
        %add3A_542 = arith.addi %mul3A_398, %add3A_541 : i32
        %get3A_543 = arith.index_cast %add3A_542 : i32 to index
        %get3A_544 = arith.constant 48 : index
        %get3A_545 = tpu.vector_load %arg8[%get3A_543, %get3A_544] {strides = array<i32>} : memref<112x64xf32, #tpu.memory_space<vmem>>, vector<1x16xf32>,
        %get3A_546 = vector.shape_cast %get3A_545 : vector<1x16xf32> to vector<16xf32>
        %add3A_547 = arith.constant 2 : i32
        %add3A_548 = arith.addi %mul3A_398, %add3A_547 : i32
        %swap3A_549 = arith.index_cast %add3A_548 : i32 to index
        %swap3A_550 = arith.constant 48 : index
        %swap3A_551 = tpu.vector_load %arg10[%swap3A_549, %swap3A_550] {strides = array<i32>} : memref<112x128xf32, #tpu.memory_space<vmem>>, vector<1x16xf32>,
        %swap3A_552 = vector.shape_cast %swap3A_551 : vector<1x16xf32> to vector<16xf32>
        %swap3A_553 = vector.shape_cast %get3A_546 : vector<16xf32> to vector<1x16xf32>
        tpu.vector_store %arg10[%swap3A_549, %swap3A_550], %swap3A_553 {strides = array<i32>} : memref<112x128xf32, #tpu.memory_space<vmem>>, vector<1x16xf32>,
        %add3A_554 = arith.constant 3 : i32
        %add3A_555 = arith.addi %mul3A_398, %add3A_554 : i32
        %get3A_556 = arith.index_cast %add3A_555 : i32 to index
        %get3A_557 = arith.constant 0 : index
        %get3A_558 = tpu.vector_load %arg8[%get3A_556, %get3A_557] {strides = array<i32>} : memref<112x64xf32, #tpu.memory_space<vmem>>, vector<1x16xf32>,
        %get3A_559 = vector.shape_cast %get3A_558 : vector<1x16xf32> to vector<16xf32>
        %add3A_560 = arith.constant 3 : i32
        %add3A_561 = arith.addi %mul3A_398, %add3A_560 : i32
        %swap3A_562 = arith.index_cast %add3A_561 : i32 to index
        %swap3A_563 = arith.constant 0 : index
        %swap3A_564 = tpu.vector_load %arg10[%swap3A_562, %swap3A_563] {strides = array<i32>} : memref<112x128xf32, #tpu.memory_space<vmem>>, vector<1x16xf32>,
        %swap3A_565 = vector.shape_cast %swap3A_564 : vector<1x16xf32> to vector<16xf32>
        %swap3A_566 = vector.shape_cast %get3A_559 : vector<16xf32> to vector<1x16xf32>
        tpu.vector_store %arg10[%swap3A_562, %swap3A_563], %swap3A_566 {strides = array<i32>} : memref<112x128xf32, #tpu.memory_space<vmem>>, vector<1x16xf32>,
        %add3A_567 = arith.constant 3 : i32
        %add3A_568 = arith.addi %mul3A_398, %add3A_567 : i32
        %get3A_569 = arith.index_cast %add3A_568 : i32 to index
        %get3A_570 = arith.constant 16 : index
        %get3A_571 = tpu.vector_load %arg8[%get3A_569, %get3A_570] {strides = array<i32>} : memref<112x64xf32, #tpu.memory_space<vmem>>, vector<1x16xf32>,
        %get3A_572 = vector.shape_cast %get3A_571 : vector<1x16xf32> to vector<16xf32>
        %add3A_573 = arith.constant 3 : i32
        %add3A_574 = arith.addi %mul3A_398, %add3A_573 : i32
        %swap3A_575 = arith.index_cast %add3A_574 : i32 to index
        %swap3A_576 = arith.constant 16 : index
        %swap3A_577 = tpu.vector_load %arg10[%swap3A_575, %swap3A_576] {strides = array<i32>} : memref<112x128xf32, #tpu.memory_space<vmem>>, vector<1x16xf32>,
        %swap3A_578 = vector.shape_cast %swap3A_577 : vector<1x16xf32> to vector<16xf32>
        %swap3A_579 = vector.shape_cast %get3A_572 : vector<16xf32> to vector<1x16xf32>
        tpu.vector_store %arg10[%swap3A_575, %swap3A_576], %swap3A_579 {strides = array<i32>} : memref<112x128xf32, #tpu.memory_space<vmem>>, vector<1x16xf32>,
        %add3A_580 = arith.constant 3 : i32
        %add3A_581 = arith.addi %mul3A_398, %add3A_580 : i32
        %get3A_582 = arith.index_cast %add3A_581 : i32 to index
        %get3A_583 = arith.constant 32 : index
        %get3A_584 = tpu.vector_load %arg8[%get3A_582, %get3A_583] {strides = array<i32>} : memref<112x64xf32, #tpu.memory_space<vmem>>, vector<1x16xf32>,
        %get3A_585 = vector.shape_cast %get3A_584 : vector<1x16xf32> to vector<16xf32>
        %add3A_586 = arith.constant 3 : i32
        %add3A_587 = arith.addi %mul3A_398, %add3A_586 : i32
        %swap3A_588 = arith.index_cast %add3A_587 : i32 to index
        %swap3A_589 = arith.constant 32 : index
        %swap3A_590 = tpu.vector_load %arg10[%swap3A_588, %swap3A_589] {strides = array<i32>} : memref<112x128xf32, #tpu.memory_space<vmem>>, vector<1x16xf32>,
        %swap3A_591 = vector.shape_cast %swap3A_590 : vector<1x16xf32> to vector<16xf32>
        %swap3A_592 = vector.shape_cast %get3A_585 : vector<16xf32> to vector<1x16xf32>
        tpu.vector_store %arg10[%swap3A_588, %swap3A_589], %swap3A_592 {strides = array<i32>} : memref<112x128xf32, #tpu.memory_space<vmem>>, vector<1x16xf32>,
        %add3A_593 = arith.constant 3 : i32
        %add3A_594 = arith.addi %mul3A_398, %add3A_593 : i32
        %get3A_595 = arith.index_cast %add3A_594 : i32 to index
        %get3A_596 = arith.constant 48 : index
        %get3A_597 = tpu.vector_load %arg8[%get3A_595, %get3A_596] {strides = array<i32>} : memref<112x64xf32, #tpu.memory_space<vmem>>, vector<1x16xf32>,
        %get3A_598 = vector.shape_cast %get3A_597 : vector<1x16xf32> to vector<16xf32>
        %add3A_599 = arith.constant 3 : i32
        %add3A_600 = arith.addi %mul3A_398, %add3A_599 : i32
        %swap3A_601 = arith.index_cast %add3A_600 : i32 to index
        %swap3A_602 = arith.constant 48 : index
        %swap3A_603 = tpu.vector_load %arg10[%swap3A_601, %swap3A_602] {strides = array<i32>} : memref<112x128xf32, #tpu.memory_space<vmem>>, vector<1x16xf32>,
        %swap3A_604 = vector.shape_cast %swap3A_603 : vector<1x16xf32> to vector<16xf32>
        %swap3A_605 = vector.shape_cast %get3A_598 : vector<16xf32> to vector<1x16xf32>
        tpu.vector_store %arg10[%swap3A_601, %swap3A_602], %swap3A_605 {strides = array<i32>} : memref<112x128xf32, #tpu.memory_space<vmem>>, vector<1x16xf32>,
      }
      %scan3A_301 = arith.constant 28 : i32
      %mul3A_302 = arith.constant 130312 : i32
      %mul3A_303 = arith.muli %add3A_7, %mul3A_302 : i32
      %add3A_304 = arith.addi %mul3A_303, %mul3A_0 : i32
      %mul3A_305 = arith.constant 112 : i32
      %mul3A_306 = arith.muli %add3A_249, %mul3A_305 : i32
      %add3A_307 = arith.addi %add3A_304, %mul3A_306 : i32
      %multiple_of3A_308 = tpu.assume_multiple %add3A_307, 8 : i32
      %dma_start3A_309 = arith.constant 0 : i32
      %dma_start3A_310 = tpu.memref_slice %arg6[%multiple_of3A_308, %dma_start3A_309] : memref<521248x128xf32, #tpu.memory_space<hbm>> -> memref<112x128xf32, #tpu.memory_space<hbm>>
      %dma_start3A_311 = arith.constant 0 : i32
      %dma_start3A_312 = tpu.memref_slice %arg6[%multiple_of3A_308, %dma_start3A_311] : memref<521248x128xf32, #tpu.memory_space<hbm>> -> memref<112x128xf32, #tpu.memory_space<hbm>>
      tpu.enqueue_dma source(%arg10 : memref<112x128xf32, #tpu.memory_space<vmem>>) target(%dma_start3A_312 : memref<112x128xf32, #tpu.memory_space<hbm>>) target_semaphore(%arg21 : memref<!tpu.dma_semaphore, #tpu.memory_space<semaphore_mem>>)
      %add3A_313 = arith.constant 2 : i32
      %add3A_314 = arith.addi %add3A_249, %add3A_313 : i32
      %lt3A_315 = arith.constant 72 : i32
      %lt3A_316 = arith.cmpi slt, %add3A_314, %lt3A_315 : i32
      %convert_element_type3A_317 = arith.extui %lt3A_316 : i1 to i32
      %cond3A_318 = arith.constant 0 : i32
      %cond3A_319 = arith.cmpi ne, %convert_element_type3A_317, %cond3A_318 : i32
      scf.if %cond3A_319 {
        %add3A_396 = arith.constant 2 : i32
        %add3A_397 = arith.addi %add3A_249, %add3A_396 : i32
        %mul3A_398 = arith.constant 112 : i32
        %mul3A_399 = arith.muli %add3A_397, %mul3A_398 : i32
        %add3A_400 = arith.addi %mul3A_0, %mul3A_399 : i32
        %multiple_of3A_401 = tpu.assume_multiple %add3A_400, 8 : i32
        %dma_start3A_402 = arith.constant 0 : i32
        %dma_start3A_403 = tpu.memref_slice %arg2[%add3A_7, %multiple_of3A_401, %dma_start3A_402] : memref<4x130305x64xf32, #tpu.memory_space<hbm>> -> memref<1x112x64xf32, #tpu.memory_space<hbm>>
        %dma_start3A_404 = tpu.memref_squeeze %dma_start3A_403 : memref<1x112x64xf32, #tpu.memory_space<hbm>> -> memref<112x64xf32, #tpu.memory_space<hbm>>
        %dma_start3A_405 = arith.constant 0 : i32
        %dma_start3A_406 = tpu.memref_slice %arg2[%add3A_7, %multiple_of3A_401, %dma_start3A_405] : memref<4x130305x64xf32, #tpu.memory_space<hbm>> -> memref<1x112x64xf32, #tpu.memory_space<hbm>>
        %dma_start3A_407 = tpu.memref_squeeze %dma_start3A_406 : memref<1x112x64xf32, #tpu.memory_space<hbm>> -> memref<112x64xf32, #tpu.memory_space<hbm>>
        tpu.enqueue_dma source(%dma_start3A_407 : memref<112x64xf32, #tpu.memory_space<hbm>>) target(%arg8 : memref<112x64xf32, #tpu.memory_space<vmem>>) target_semaphore(%arg17 : memref<!tpu.dma_semaphore, #tpu.memory_space<semaphore_mem>>)
      } else {
      }
      %mul3A_320 = arith.constant 2 : i32
      %mul3A_321 = arith.muli %mul3A_320, %scan3A_245 : i32
      %add3A_322 = arith.constant 1 : i32
      %add3A_323 = arith.addi %mul3A_321, %add3A_322 : i32
      %dma_wait3A_324 = arith.constant 0 : i32
      %dma_wait3A_325 = arith.constant 0 : i32
      %dma_wait3A_326 = tpu.memref_slice %arg6[%dma_wait3A_324, %dma_wait3A_325] : memref<521248x128xf32, #tpu.memory_space<hbm>> -> memref<112x128xf32, #tpu.memory_space<hbm>>
      %dma_wait3A_327 = arith.constant 0 : i32
      %dma_wait3A_328 = arith.constant 0 : i32
      %dma_wait3A_329 = tpu.memref_slice %arg6[%dma_wait3A_327, %dma_wait3A_328] : memref<521248x128xf32, #tpu.memory_space<hbm>> -> memref<112x128xf32, #tpu.memory_space<hbm>>
      tpu.wait_dma2 semaphore(%arg20 : memref<!tpu.dma_semaphore, #tpu.memory_space<semaphore_mem>>) src(%dma_wait3A_329 : memref<112x128xf32, #tpu.memory_space<hbm>>) dst(%arg13 : memref<112x128xf32, #tpu.memory_space<vmem>>)
      %gt3A_330 = arith.constant 0 : i32
      %gt3A_331 = arith.cmpi sgt, %scan3A_245, %gt3A_330 : i32
      %convert_element_type3A_332 = arith.extui %gt3A_331 : i1 to i32
      %cond3A_333 = arith.constant 0 : i32
      %cond3A_334 = arith.cmpi ne, %convert_element_type3A_332, %cond3A_333 : i32
      scf.if %cond3A_334 {
        %dma_wait3A_396 = arith.constant 0 : i32
        %dma_wait3A_397 = arith.constant 0 : i32
        %dma_wait3A_398 = arith.constant 0 : i32
        %dma_wait3A_399 = tpu.memref_slice %arg5[%dma_wait3A_396, %dma_wait3A_397, %dma_wait3A_398] : memref<4x130305x64xf32, #tpu.memory_space<hbm>> -> memref<1x112x64xf32, #tpu.memory_space<hbm>>
        %dma_wait3A_400 = tpu.memref_squeeze %dma_wait3A_399 : memref<1x112x64xf32, #tpu.memory_space<hbm>> -> memref<112x64xf32, #tpu.memory_space<hbm>>
        %dma_wait3A_401 = arith.constant 0 : i32
        %dma_wait3A_402 = arith.constant 0 : i32
        %dma_wait3A_403 = tpu.memref_slice %arg5[%dma_wait3A_396, %dma_wait3A_401, %dma_wait3A_402] : memref<4x130305x64xf32, #tpu.memory_space<hbm>> -> memref<1x112x64xf32, #tpu.memory_space<hbm>>
        %dma_wait3A_404 = tpu.memref_squeeze %dma_wait3A_403 : memref<1x112x64xf32, #tpu.memory_space<hbm>> -> memref<112x64xf32, #tpu.memory_space<hbm>>
        tpu.wait_dma2 semaphore(%arg24 : memref<!tpu.dma_semaphore, #tpu.memory_space<semaphore_mem>>) src(%arg15 : memref<112x64xf32, #tpu.memory_space<vmem>>) dst(%dma_wait3A_404 : memref<112x64xf32, #tpu.memory_space<hbm>>)
      } else {
      }
      %scan3A_335 = arith.constant 0 : i32
      %scan3A_336 = arith.constant 0 : i32
      %scan3A_337 = arith.constant 28 : i32
      %scan3A_338 = arith.addi %scan3A_336, %scan3A_337 : i32
      %scan3A_339 = arith.constant 1 : i32
      scf.for %scan3A_396 = %scan3A_336 to %scan3A_338 step %scan3A_339  : i32 {
        %mul3A_397 = arith.constant 4 : i32
        %mul3A_398 = arith.muli %scan3A_396, %mul3A_397 : i32
        %add3A_399 = arith.constant 0 : i32
        %add3A_400 = arith.addi %mul3A_398, %add3A_399 : i32
        %get3A_401 = arith.index_cast %add3A_400 : i32 to index
        %get3A_402 = arith.constant 0 : index
        %get3A_403 = tpu.vector_load %arg13[%get3A_401, %get3A_402] {strides = array<i32>} : memref<112x128xf32, #tpu.memory_space<vmem>>, vector<1x16xf32>,
        %get3A_404 = vector.shape_cast %get3A_403 : vector<1x16xf32> to vector<16xf32>
        %add3A_405 = arith.constant 0 : i32
        %add3A_406 = arith.addi %mul3A_398, %add3A_405 : i32
        %swap3A = arith.index_cast %add3A_406 : i32 to index
        %swap3A_407 = arith.constant 0 : index
        %swap3A_408 = tpu.vector_load %arg15[%swap3A, %swap3A_407] {strides = array<i32>} : memref<112x64xf32, #tpu.memory_space<vmem>>, vector<1x16xf32>,
        %swap3A_409 = vector.shape_cast %swap3A_408 : vector<1x16xf32> to vector<16xf32>
        %swap3A_410 = vector.shape_cast %get3A_404 : vector<16xf32> to vector<1x16xf32>
        tpu.vector_store %arg15[%swap3A, %swap3A_407], %swap3A_410 {strides = array<i32>} : memref<112x64xf32, #tpu.memory_space<vmem>>, vector<1x16xf32>,
        %add3A_411 = arith.constant 0 : i32
        %add3A_412 = arith.addi %mul3A_398, %add3A_411 : i32
        %get3A_413 = arith.index_cast %add3A_412 : i32 to index
        %get3A_414 = arith.constant 16 : index
        %get3A_415 = tpu.vector_load %arg13[%get3A_413, %get3A_414] {strides = array<i32>} : memref<112x128xf32, #tpu.memory_space<vmem>>, vector<1x16xf32>,
        %get3A_416 = vector.shape_cast %get3A_415 : vector<1x16xf32> to vector<16xf32>
        %add3A_417 = arith.constant 0 : i32
        %add3A_418 = arith.addi %mul3A_398, %add3A_417 : i32
        %swap3A_419 = arith.index_cast %add3A_418 : i32 to index
        %swap3A_420 = arith.constant 16 : index
        %swap3A_421 = tpu.vector_load %arg15[%swap3A_419, %swap3A_420] {strides = array<i32>} : memref<112x64xf32, #tpu.memory_space<vmem>>, vector<1x16xf32>,
        %swap3A_422 = vector.shape_cast %swap3A_421 : vector<1x16xf32> to vector<16xf32>
        %swap3A_423 = vector.shape_cast %get3A_416 : vector<16xf32> to vector<1x16xf32>
        tpu.vector_store %arg15[%swap3A_419, %swap3A_420], %swap3A_423 {strides = array<i32>} : memref<112x64xf32, #tpu.memory_space<vmem>>, vector<1x16xf32>,
        %add3A_424 = arith.constant 0 : i32
        %add3A_425 = arith.addi %mul3A_398, %add3A_424 : i32
        %get3A_426 = arith.index_cast %add3A_425 : i32 to index
        %get3A_427 = arith.constant 32 : index
        %get3A_428 = tpu.vector_load %arg13[%get3A_426, %get3A_427] {strides = array<i32>} : memref<112x128xf32, #tpu.memory_space<vmem>>, vector<1x16xf32>,
        %get3A_429 = vector.shape_cast %get3A_428 : vector<1x16xf32> to vector<16xf32>
        %add3A_430 = arith.constant 0 : i32
        %add3A_431 = arith.addi %mul3A_398, %add3A_430 : i32
        %swap3A_432 = arith.index_cast %add3A_431 : i32 to index
        %swap3A_433 = arith.constant 32 : index
        %swap3A_434 = tpu.vector_load %arg15[%swap3A_432, %swap3A_433] {strides = array<i32>} : memref<112x64xf32, #tpu.memory_space<vmem>>, vector<1x16xf32>,
        %swap3A_435 = vector.shape_cast %swap3A_434 : vector<1x16xf32> to vector<16xf32>
        %swap3A_436 = vector.shape_cast %get3A_429 : vector<16xf32> to vector<1x16xf32>
        tpu.vector_store %arg15[%swap3A_432, %swap3A_433], %swap3A_436 {strides = array<i32>} : memref<112x64xf32, #tpu.memory_space<vmem>>, vector<1x16xf32>,
        %add3A_437 = arith.constant 0 : i32
        %add3A_438 = arith.addi %mul3A_398, %add3A_437 : i32
        %get3A_439 = arith.index_cast %add3A_438 : i32 to index
        %get3A_440 = arith.constant 48 : index
        %get3A_441 = tpu.vector_load %arg13[%get3A_439, %get3A_440] {strides = array<i32>} : memref<112x128xf32, #tpu.memory_space<vmem>>, vector<1x16xf32>,
        %get3A_442 = vector.shape_cast %get3A_441 : vector<1x16xf32> to vector<16xf32>
        %add3A_443 = arith.constant 0 : i32
        %add3A_444 = arith.addi %mul3A_398, %add3A_443 : i32
        %swap3A_445 = arith.index_cast %add3A_444 : i32 to index
        %swap3A_446 = arith.constant 48 : index
        %swap3A_447 = tpu.vector_load %arg15[%swap3A_445, %swap3A_446] {strides = array<i32>} : memref<112x64xf32, #tpu.memory_space<vmem>>, vector<1x16xf32>,
        %swap3A_448 = vector.shape_cast %swap3A_447 : vector<1x16xf32> to vector<16xf32>
        %swap3A_449 = vector.shape_cast %get3A_442 : vector<16xf32> to vector<1x16xf32>
        tpu.vector_store %arg15[%swap3A_445, %swap3A_446], %swap3A_449 {strides = array<i32>} : memref<112x64xf32, #tpu.memory_space<vmem>>, vector<1x16xf32>,
        %add3A_450 = arith.constant 1 : i32
        %add3A_451 = arith.addi %mul3A_398, %add3A_450 : i32
        %get3A_452 = arith.index_cast %add3A_451 : i32 to index
        %get3A_453 = arith.constant 0 : index
        %get3A_454 = tpu.vector_load %arg13[%get3A_452, %get3A_453] {strides = array<i32>} : memref<112x128xf32, #tpu.memory_space<vmem>>, vector<1x16xf32>,
        %get3A_455 = vector.shape_cast %get3A_454 : vector<1x16xf32> to vector<16xf32>
        %add3A_456 = arith.constant 1 : i32
        %add3A_457 = arith.addi %mul3A_398, %add3A_456 : i32
        %swap3A_458 = arith.index_cast %add3A_457 : i32 to index
        %swap3A_459 = arith.constant 0 : index
        %swap3A_460 = tpu.vector_load %arg15[%swap3A_458, %swap3A_459] {strides = array<i32>} : memref<112x64xf32, #tpu.memory_space<vmem>>, vector<1x16xf32>,
        %swap3A_461 = vector.shape_cast %swap3A_460 : vector<1x16xf32> to vector<16xf32>
        %swap3A_462 = vector.shape_cast %get3A_455 : vector<16xf32> to vector<1x16xf32>
        tpu.vector_store %arg15[%swap3A_458, %swap3A_459], %swap3A_462 {strides = array<i32>} : memref<112x64xf32, #tpu.memory_space<vmem>>, vector<1x16xf32>,
        %add3A_463 = arith.constant 1 : i32
        %add3A_464 = arith.addi %mul3A_398, %add3A_463 : i32
        %get3A_465 = arith.index_cast %add3A_464 : i32 to index
        %get3A_466 = arith.constant 16 : index
        %get3A_467 = tpu.vector_load %arg13[%get3A_465, %get3A_466] {strides = array<i32>} : memref<112x128xf32, #tpu.memory_space<vmem>>, vector<1x16xf32>,
        %get3A_468 = vector.shape_cast %get3A_467 : vector<1x16xf32> to vector<16xf32>
        %add3A_469 = arith.constant 1 : i32
        %add3A_470 = arith.addi %mul3A_398, %add3A_469 : i32
        %swap3A_471 = arith.index_cast %add3A_470 : i32 to index
        %swap3A_472 = arith.constant 16 : index
        %swap3A_473 = tpu.vector_load %arg15[%swap3A_471, %swap3A_472] {strides = array<i32>} : memref<112x64xf32, #tpu.memory_space<vmem>>, vector<1x16xf32>,
        %swap3A_474 = vector.shape_cast %swap3A_473 : vector<1x16xf32> to vector<16xf32>
        %swap3A_475 = vector.shape_cast %get3A_468 : vector<16xf32> to vector<1x16xf32>
        tpu.vector_store %arg15[%swap3A_471, %swap3A_472], %swap3A_475 {strides = array<i32>} : memref<112x64xf32, #tpu.memory_space<vmem>>, vector<1x16xf32>,
        %add3A_476 = arith.constant 1 : i32
        %add3A_477 = arith.addi %mul3A_398, %add3A_476 : i32
        %get3A_478 = arith.index_cast %add3A_477 : i32 to index
        %get3A_479 = arith.constant 32 : index
        %get3A_480 = tpu.vector_load %arg13[%get3A_478, %get3A_479] {strides = array<i32>} : memref<112x128xf32, #tpu.memory_space<vmem>>, vector<1x16xf32>,
        %get3A_481 = vector.shape_cast %get3A_480 : vector<1x16xf32> to vector<16xf32>
        %add3A_482 = arith.constant 1 : i32
        %add3A_483 = arith.addi %mul3A_398, %add3A_482 : i32
        %swap3A_484 = arith.index_cast %add3A_483 : i32 to index
        %swap3A_485 = arith.constant 32 : index
        %swap3A_486 = tpu.vector_load %arg15[%swap3A_484, %swap3A_485] {strides = array<i32>} : memref<112x64xf32, #tpu.memory_space<vmem>>, vector<1x16xf32>,
        %swap3A_487 = vector.shape_cast %swap3A_486 : vector<1x16xf32> to vector<16xf32>
        %swap3A_488 = vector.shape_cast %get3A_481 : vector<16xf32> to vector<1x16xf32>
        tpu.vector_store %arg15[%swap3A_484, %swap3A_485], %swap3A_488 {strides = array<i32>} : memref<112x64xf32, #tpu.memory_space<vmem>>, vector<1x16xf32>,
        %add3A_489 = arith.constant 1 : i32
        %add3A_490 = arith.addi %mul3A_398, %add3A_489 : i32
        %get3A_491 = arith.index_cast %add3A_490 : i32 to index
        %get3A_492 = arith.constant 48 : index
        %get3A_493 = tpu.vector_load %arg13[%get3A_491, %get3A_492] {strides = array<i32>} : memref<112x128xf32, #tpu.memory_space<vmem>>, vector<1x16xf32>,
        %get3A_494 = vector.shape_cast %get3A_493 : vector<1x16xf32> to vector<16xf32>
        %add3A_495 = arith.constant 1 : i32
        %add3A_496 = arith.addi %mul3A_398, %add3A_495 : i32
        %swap3A_497 = arith.index_cast %add3A_496 : i32 to index
        %swap3A_498 = arith.constant 48 : index
        %swap3A_499 = tpu.vector_load %arg15[%swap3A_497, %swap3A_498] {strides = array<i32>} : memref<112x64xf32, #tpu.memory_space<vmem>>, vector<1x16xf32>,
        %swap3A_500 = vector.shape_cast %swap3A_499 : vector<1x16xf32> to vector<16xf32>
        %swap3A_501 = vector.shape_cast %get3A_494 : vector<16xf32> to vector<1x16xf32>
        tpu.vector_store %arg15[%swap3A_497, %swap3A_498], %swap3A_501 {strides = array<i32>} : memref<112x64xf32, #tpu.memory_space<vmem>>, vector<1x16xf32>,
        %add3A_502 = arith.constant 2 : i32
        %add3A_503 = arith.addi %mul3A_398, %add3A_502 : i32
        %get3A_504 = arith.index_cast %add3A_503 : i32 to index
        %get3A_505 = arith.constant 0 : index
        %get3A_506 = tpu.vector_load %arg13[%get3A_504, %get3A_505] {strides = array<i32>} : memref<112x128xf32, #tpu.memory_space<vmem>>, vector<1x16xf32>,
        %get3A_507 = vector.shape_cast %get3A_506 : vector<1x16xf32> to vector<16xf32>
        %add3A_508 = arith.constant 2 : i32
        %add3A_509 = arith.addi %mul3A_398, %add3A_508 : i32
        %swap3A_510 = arith.index_cast %add3A_509 : i32 to index
        %swap3A_511 = arith.constant 0 : index
        %swap3A_512 = tpu.vector_load %arg15[%swap3A_510, %swap3A_511] {strides = array<i32>} : memref<112x64xf32, #tpu.memory_space<vmem>>, vector<1x16xf32>,
        %swap3A_513 = vector.shape_cast %swap3A_512 : vector<1x16xf32> to vector<16xf32>
        %swap3A_514 = vector.shape_cast %get3A_507 : vector<16xf32> to vector<1x16xf32>
        tpu.vector_store %arg15[%swap3A_510, %swap3A_511], %swap3A_514 {strides = array<i32>} : memref<112x64xf32, #tpu.memory_space<vmem>>, vector<1x16xf32>,
        %add3A_515 = arith.constant 2 : i32
        %add3A_516 = arith.addi %mul3A_398, %add3A_515 : i32
        %get3A_517 = arith.index_cast %add3A_516 : i32 to index
        %get3A_518 = arith.constant 16 : index
        %get3A_519 = tpu.vector_load %arg13[%get3A_517, %get3A_518] {strides = array<i32>} : memref<112x128xf32, #tpu.memory_space<vmem>>, vector<1x16xf32>,
        %get3A_520 = vector.shape_cast %get3A_519 : vector<1x16xf32> to vector<16xf32>
        %add3A_521 = arith.constant 2 : i32
        %add3A_522 = arith.addi %mul3A_398, %add3A_521 : i32
        %swap3A_523 = arith.index_cast %add3A_522 : i32 to index
        %swap3A_524 = arith.constant 16 : index
        %swap3A_525 = tpu.vector_load %arg15[%swap3A_523, %swap3A_524] {strides = array<i32>} : memref<112x64xf32, #tpu.memory_space<vmem>>, vector<1x16xf32>,
        %swap3A_526 = vector.shape_cast %swap3A_525 : vector<1x16xf32> to vector<16xf32>
        %swap3A_527 = vector.shape_cast %get3A_520 : vector<16xf32> to vector<1x16xf32>
        tpu.vector_store %arg15[%swap3A_523, %swap3A_524], %swap3A_527 {strides = array<i32>} : memref<112x64xf32, #tpu.memory_space<vmem>>, vector<1x16xf32>,
        %add3A_528 = arith.constant 2 : i32
        %add3A_529 = arith.addi %mul3A_398, %add3A_528 : i32
        %get3A_530 = arith.index_cast %add3A_529 : i32 to index
        %get3A_531 = arith.constant 32 : index
        %get3A_532 = tpu.vector_load %arg13[%get3A_530, %get3A_531] {strides = array<i32>} : memref<112x128xf32, #tpu.memory_space<vmem>>, vector<1x16xf32>,
        %get3A_533 = vector.shape_cast %get3A_532 : vector<1x16xf32> to vector<16xf32>
        %add3A_534 = arith.constant 2 : i32
        %add3A_535 = arith.addi %mul3A_398, %add3A_534 : i32
        %swap3A_536 = arith.index_cast %add3A_535 : i32 to index
        %swap3A_537 = arith.constant 32 : index
        %swap3A_538 = tpu.vector_load %arg15[%swap3A_536, %swap3A_537] {strides = array<i32>} : memref<112x64xf32, #tpu.memory_space<vmem>>, vector<1x16xf32>,
        %swap3A_539 = vector.shape_cast %swap3A_538 : vector<1x16xf32> to vector<16xf32>
        %swap3A_540 = vector.shape_cast %get3A_533 : vector<16xf32> to vector<1x16xf32>
        tpu.vector_store %arg15[%swap3A_536, %swap3A_537], %swap3A_540 {strides = array<i32>} : memref<112x64xf32, #tpu.memory_space<vmem>>, vector<1x16xf32>,
        %add3A_541 = arith.constant 2 : i32
        %add3A_542 = arith.addi %mul3A_398, %add3A_541 : i32
        %get3A_543 = arith.index_cast %add3A_542 : i32 to index
        %get3A_544 = arith.constant 48 : index
        %get3A_545 = tpu.vector_load %arg13[%get3A_543, %get3A_544] {strides = array<i32>} : memref<112x128xf32, #tpu.memory_space<vmem>>, vector<1x16xf32>,
        %get3A_546 = vector.shape_cast %get3A_545 : vector<1x16xf32> to vector<16xf32>
        %add3A_547 = arith.constant 2 : i32
        %add3A_548 = arith.addi %mul3A_398, %add3A_547 : i32
        %swap3A_549 = arith.index_cast %add3A_548 : i32 to index
        %swap3A_550 = arith.constant 48 : index
        %swap3A_551 = tpu.vector_load %arg15[%swap3A_549, %swap3A_550] {strides = array<i32>} : memref<112x64xf32, #tpu.memory_space<vmem>>, vector<1x16xf32>,
        %swap3A_552 = vector.shape_cast %swap3A_551 : vector<1x16xf32> to vector<16xf32>
        %swap3A_553 = vector.shape_cast %get3A_546 : vector<16xf32> to vector<1x16xf32>
        tpu.vector_store %arg15[%swap3A_549, %swap3A_550], %swap3A_553 {strides = array<i32>} : memref<112x64xf32, #tpu.memory_space<vmem>>, vector<1x16xf32>,
        %add3A_554 = arith.constant 3 : i32
        %add3A_555 = arith.addi %mul3A_398, %add3A_554 : i32
        %get3A_556 = arith.index_cast %add3A_555 : i32 to index
        %get3A_557 = arith.constant 0 : index
        %get3A_558 = tpu.vector_load %arg13[%get3A_556, %get3A_557] {strides = array<i32>} : memref<112x128xf32, #tpu.memory_space<vmem>>, vector<1x16xf32>,
        %get3A_559 = vector.shape_cast %get3A_558 : vector<1x16xf32> to vector<16xf32>
        %add3A_560 = arith.constant 3 : i32
        %add3A_561 = arith.addi %mul3A_398, %add3A_560 : i32
        %swap3A_562 = arith.index_cast %add3A_561 : i32 to index
        %swap3A_563 = arith.constant 0 : index
        %swap3A_564 = tpu.vector_load %arg15[%swap3A_562, %swap3A_563] {strides = array<i32>} : memref<112x64xf32, #tpu.memory_space<vmem>>, vector<1x16xf32>,
        %swap3A_565 = vector.shape_cast %swap3A_564 : vector<1x16xf32> to vector<16xf32>
        %swap3A_566 = vector.shape_cast %get3A_559 : vector<16xf32> to vector<1x16xf32>
        tpu.vector_store %arg15[%swap3A_562, %swap3A_563], %swap3A_566 {strides = array<i32>} : memref<112x64xf32, #tpu.memory_space<vmem>>, vector<1x16xf32>,
        %add3A_567 = arith.constant 3 : i32
        %add3A_568 = arith.addi %mul3A_398, %add3A_567 : i32
        %get3A_569 = arith.index_cast %add3A_568 : i32 to index
        %get3A_570 = arith.constant 16 : index
        %get3A_571 = tpu.vector_load %arg13[%get3A_569, %get3A_570] {strides = array<i32>} : memref<112x128xf32, #tpu.memory_space<vmem>>, vector<1x16xf32>,
        %get3A_572 = vector.shape_cast %get3A_571 : vector<1x16xf32> to vector<16xf32>
        %add3A_573 = arith.constant 3 : i32
        %add3A_574 = arith.addi %mul3A_398, %add3A_573 : i32
        %swap3A_575 = arith.index_cast %add3A_574 : i32 to index
        %swap3A_576 = arith.constant 16 : index
        %swap3A_577 = tpu.vector_load %arg15[%swap3A_575, %swap3A_576] {strides = array<i32>} : memref<112x64xf32, #tpu.memory_space<vmem>>, vector<1x16xf32>,
        %swap3A_578 = vector.shape_cast %swap3A_577 : vector<1x16xf32> to vector<16xf32>
        %swap3A_579 = vector.shape_cast %get3A_572 : vector<16xf32> to vector<1x16xf32>
        tpu.vector_store %arg15[%swap3A_575, %swap3A_576], %swap3A_579 {strides = array<i32>} : memref<112x64xf32, #tpu.memory_space<vmem>>, vector<1x16xf32>,
        %add3A_580 = arith.constant 3 : i32
        %add3A_581 = arith.addi %mul3A_398, %add3A_580 : i32
        %get3A_582 = arith.index_cast %add3A_581 : i32 to index
        %get3A_583 = arith.constant 32 : index
        %get3A_584 = tpu.vector_load %arg13[%get3A_582, %get3A_583] {strides = array<i32>} : memref<112x128xf32, #tpu.memory_space<vmem>>, vector<1x16xf32>,
        %get3A_585 = vector.shape_cast %get3A_584 : vector<1x16xf32> to vector<16xf32>
        %add3A_586 = arith.constant 3 : i32
        %add3A_587 = arith.addi %mul3A_398, %add3A_586 : i32
        %swap3A_588 = arith.index_cast %add3A_587 : i32 to index
        %swap3A_589 = arith.constant 32 : index
        %swap3A_590 = tpu.vector_load %arg15[%swap3A_588, %swap3A_589] {strides = array<i32>} : memref<112x64xf32, #tpu.memory_space<vmem>>, vector<1x16xf32>,
        %swap3A_591 = vector.shape_cast %swap3A_590 : vector<1x16xf32> to vector<16xf32>
        %swap3A_592 = vector.shape_cast %get3A_585 : vector<16xf32> to vector<1x16xf32>
        tpu.vector_store %arg15[%swap3A_588, %swap3A_589], %swap3A_592 {strides = array<i32>} : memref<112x64xf32, #tpu.memory_space<vmem>>, vector<1x16xf32>,
        %add3A_593 = arith.constant 3 : i32
        %add3A_594 = arith.addi %mul3A_398, %add3A_593 : i32
        %get3A_595 = arith.index_cast %add3A_594 : i32 to index
        %get3A_596 = arith.constant 48 : index
        %get3A_597 = tpu.vector_load %arg13[%get3A_595, %get3A_596] {strides = array<i32>} : memref<112x128xf32, #tpu.memory_space<vmem>>, vector<1x16xf32>,
        %get3A_598 = vector.shape_cast %get3A_597 : vector<1x16xf32> to vector<16xf32>
        %add3A_599 = arith.constant 3 : i32
        %add3A_600 = arith.addi %mul3A_398, %add3A_599 : i32
        %swap3A_601 = arith.index_cast %add3A_600 : i32 to index
        %swap3A_602 = arith.constant 48 : index
        %swap3A_603 = tpu.vector_load %arg15[%swap3A_601, %swap3A_602] {strides = array<i32>} : memref<112x64xf32, #tpu.memory_space<vmem>>, vector<1x16xf32>,
        %swap3A_604 = vector.shape_cast %swap3A_603 : vector<1x16xf32> to vector<16xf32>
        %swap3A_605 = vector.shape_cast %get3A_598 : vector<16xf32> to vector<1x16xf32>
        tpu.vector_store %arg15[%swap3A_601, %swap3A_602], %swap3A_605 {strides = array<i32>} : memref<112x64xf32, #tpu.memory_space<vmem>>, vector<1x16xf32>,
      }
      %scan3A_340 = arith.constant 28 : i32
      %mul3A_341 = arith.constant 112 : i32
      %mul3A_342 = arith.muli %add3A_323, %mul3A_341 : i32
      %add3A_343 = arith.addi %mul3A_0, %mul3A_342 : i32
      %multiple_of3A_344 = tpu.assume_multiple %add3A_343, 8 : i32
      %dma_start3A_345 = arith.constant 0 : i32
      %dma_start3A_346 = tpu.memref_slice %arg5[%mul3A_6, %multiple_of3A_344, %dma_start3A_345] : memref<4x130305x64xf32, #tpu.memory_space<hbm>> -> memref<1x112x64xf32, #tpu.memory_space<hbm>>
      %dma_start3A_347 = tpu.memref_squeeze %dma_start3A_346 : memref<1x112x64xf32, #tpu.memory_space<hbm>> -> memref<112x64xf32, #tpu.memory_space<hbm>>
      %dma_start3A_348 = arith.constant 0 : i32
      %dma_start3A_349 = tpu.memref_slice %arg5[%mul3A_6, %multiple_of3A_344, %dma_start3A_348] : memref<4x130305x64xf32, #tpu.memory_space<hbm>> -> memref<1x112x64xf32, #tpu.memory_space<hbm>>
      %dma_start3A_350 = tpu.memref_squeeze %dma_start3A_349 : memref<1x112x64xf32, #tpu.memory_space<hbm>> -> memref<112x64xf32, #tpu.memory_space<hbm>>
      tpu.enqueue_dma source(%arg15 : memref<112x64xf32, #tpu.memory_space<vmem>>) target(%dma_start3A_350 : memref<112x64xf32, #tpu.memory_space<hbm>>) target_semaphore(%arg24 : memref<!tpu.dma_semaphore, #tpu.memory_space<semaphore_mem>>)
      %add3A_351 = arith.constant 2 : i32
      %add3A_352 = arith.addi %add3A_323, %add3A_351 : i32
      %lt3A_353 = arith.constant 72 : i32
      %lt3A_354 = arith.cmpi slt, %add3A_352, %lt3A_353 : i32
      %convert_element_type3A_355 = arith.extui %lt3A_354 : i1 to i32
      %cond3A_356 = arith.constant 0 : i32
      %cond3A_357 = arith.cmpi ne, %convert_element_type3A_355, %cond3A_356 : i32
      scf.if %cond3A_357 {
        %add3A_396 = arith.constant 2 : i32
        %add3A_397 = arith.addi %add3A_323, %add3A_396 : i32
        %mul3A_398 = arith.constant 112 : i32
        %mul3A_399 = arith.muli %add3A_397, %mul3A_398 : i32
        %multiple_of3A_400 = tpu.assume_multiple %mul3A_399, 8 : i32
        %dma_start3A_401 = tpu.memref_slice %arg7[%multiple_of3A_400] : memref<8144xi32, #tpu.memory_space<vmem>> -> memref<112xi32, #tpu.memory_space<vmem>>
        %dma_start3A_402 = arith.constant 0 : i32
        %dma_start3A_403 = arith.constant 0 : i32
        %dma_start3A_404 = tpu.memref_slice %arg6[%dma_start3A_402, %dma_start3A_403] : memref<521248x128xf32, #tpu.memory_space<hbm>> -> memref<521248x128xf32, #tpu.memory_space<hbm>>
        tpu.enqueue_indirect_dma source(%dma_start3A_404 : memref<521248x128xf32, #tpu.memory_space<hbm>>) target(%arg13 : memref<112x128xf32, #tpu.memory_space<vmem>>) offsets(%dma_start3A_401 : memref<112xi32, #tpu.memory_space<vmem>>) semaphore(%arg20 : memref<!tpu.dma_semaphore, #tpu.memory_space<semaphore_mem>>)
      } else {
      }
      %dma_wait3A_358 = arith.constant 0 : i32
      %dma_wait3A_359 = arith.constant 0 : i32
      %dma_wait3A_360 = arith.constant 0 : i32
      %dma_wait3A_361 = tpu.memref_slice %arg2[%dma_wait3A_358, %dma_wait3A_359, %dma_wait3A_360] : memref<4x130305x64xf32, #tpu.memory_space<hbm>> -> memref<1x112x64xf32, #tpu.memory_space<hbm>>
      %dma_wait3A_362 = tpu.memref_squeeze %dma_wait3A_361 : memref<1x112x64xf32, #tpu.memory_space<hbm>> -> memref<112x64xf32, #tpu.memory_space<hbm>>
      %dma_wait3A_363 = arith.constant 0 : i32
      %dma_wait3A_364 = arith.constant 0 : i32
      %dma_wait3A_365 = tpu.memref_slice %arg2[%dma_wait3A_358, %dma_wait3A_363, %dma_wait3A_364] : memref<4x130305x64xf32, #tpu.memory_space<hbm>> -> memref<1x112x64xf32, #tpu.memory_space<hbm>>
      %dma_wait3A_366 = tpu.memref_squeeze %dma_wait3A_365 : memref<1x112x64xf32, #tpu.memory_space<hbm>> -> memref<112x64xf32, #tpu.memory_space<hbm>>
      tpu.wait_dma2 semaphore(%arg18 : memref<!tpu.dma_semaphore, #tpu.memory_space<semaphore_mem>>) src(%dma_wait3A_366 : memref<112x64xf32, #tpu.memory_space<hbm>>) dst(%arg9 : memref<112x64xf32, #tpu.memory_space<vmem>>)
      %gt3A_367 = arith.constant 0 : i32
      %gt3A_368 = arith.cmpi sgt, %scan3A_245, %gt3A_367 : i32
      %convert_element_type3A_369 = arith.extui %gt3A_368 : i1 to i32
      %cond3A_370 = arith.constant 0 : i32
      %cond3A_371 = arith.cmpi ne, %convert_element_type3A_369, %cond3A_370 : i32
      scf.if %cond3A_371 {
        %dma_wait3A_396 = arith.constant 0 : i32
        %dma_wait3A_397 = arith.constant 0 : i32
        %dma_wait3A_398 = tpu.memref_slice %arg6[%dma_wait3A_396, %dma_wait3A_397] : memref<521248x128xf32, #tpu.memory_space<hbm>> -> memref<112x128xf32, #tpu.memory_space<hbm>>
        %dma_wait3A_399 = arith.constant 0 : i32
        %dma_wait3A_400 = arith.constant 0 : i32
        %dma_wait3A_401 = tpu.memref_slice %arg6[%dma_wait3A_399, %dma_wait3A_400] : memref<521248x128xf32, #tpu.memory_space<hbm>> -> memref<112x128xf32, #tpu.memory_space<hbm>>
        tpu.wait_dma2 semaphore(%arg22 : memref<!tpu.dma_semaphore, #tpu.memory_space<semaphore_mem>>) src(%arg11 : memref<112x128xf32, #tpu.memory_space<vmem>>) dst(%dma_wait3A_401 : memref<112x128xf32, #tpu.memory_space<hbm>>)
      } else {
      }
      %scan3A_372 = arith.constant 0 : i32
      %scan3A_373 = arith.constant 0 : i32
      %scan3A_374 = arith.constant 28 : i32
      %scan3A_375 = arith.addi %scan3A_373, %scan3A_374 : i32
      %scan3A_376 = arith.constant 1 : i32
      scf.for %scan3A_396 = %scan3A_373 to %scan3A_375 step %scan3A_376  : i32 {
        %mul3A_397 = arith.constant 4 : i32
        %mul3A_398 = arith.muli %scan3A_396, %mul3A_397 : i32
        %add3A_399 = arith.constant 0 : i32
        %add3A_400 = arith.addi %mul3A_398, %add3A_399 : i32
        %get3A_401 = arith.index_cast %add3A_400 : i32 to index
        %get3A_402 = arith.constant 0 : index
        %get3A_403 = tpu.vector_load %arg9[%get3A_401, %get3A_402] {strides = array<i32>} : memref<112x64xf32, #tpu.memory_space<vmem>>, vector<1x16xf32>,
        %get3A_404 = vector.shape_cast %get3A_403 : vector<1x16xf32> to vector<16xf32>
        %add3A_405 = arith.constant 0 : i32
        %add3A_406 = arith.addi %mul3A_398, %add3A_405 : i32
        %swap3A = arith.index_cast %add3A_406 : i32 to index
        %swap3A_407 = arith.constant 0 : index
        %swap3A_408 = tpu.vector_load %arg11[%swap3A, %swap3A_407] {strides = array<i32>} : memref<112x128xf32, #tpu.memory_space<vmem>>, vector<1x16xf32>,
        %swap3A_409 = vector.shape_cast %swap3A_408 : vector<1x16xf32> to vector<16xf32>
        %swap3A_410 = vector.shape_cast %get3A_404 : vector<16xf32> to vector<1x16xf32>
        tpu.vector_store %arg11[%swap3A, %swap3A_407], %swap3A_410 {strides = array<i32>} : memref<112x128xf32, #tpu.memory_space<vmem>>, vector<1x16xf32>,
        %add3A_411 = arith.constant 0 : i32
        %add3A_412 = arith.addi %mul3A_398, %add3A_411 : i32
        %get3A_413 = arith.index_cast %add3A_412 : i32 to index
        %get3A_414 = arith.constant 16 : index
        %get3A_415 = tpu.vector_load %arg9[%get3A_413, %get3A_414] {strides = array<i32>} : memref<112x64xf32, #tpu.memory_space<vmem>>, vector<1x16xf32>,
        %get3A_416 = vector.shape_cast %get3A_415 : vector<1x16xf32> to vector<16xf32>
        %add3A_417 = arith.constant 0 : i32
        %add3A_418 = arith.addi %mul3A_398, %add3A_417 : i32
        %swap3A_419 = arith.index_cast %add3A_418 : i32 to index
        %swap3A_420 = arith.constant 16 : index
        %swap3A_421 = tpu.vector_load %arg11[%swap3A_419, %swap3A_420] {strides = array<i32>} : memref<112x128xf32, #tpu.memory_space<vmem>>, vector<1x16xf32>,
        %swap3A_422 = vector.shape_cast %swap3A_421 : vector<1x16xf32> to vector<16xf32>
        %swap3A_423 = vector.shape_cast %get3A_416 : vector<16xf32> to vector<1x16xf32>
        tpu.vector_store %arg11[%swap3A_419, %swap3A_420], %swap3A_423 {strides = array<i32>} : memref<112x128xf32, #tpu.memory_space<vmem>>, vector<1x16xf32>,
        %add3A_424 = arith.constant 0 : i32
        %add3A_425 = arith.addi %mul3A_398, %add3A_424 : i32
        %get3A_426 = arith.index_cast %add3A_425 : i32 to index
        %get3A_427 = arith.constant 32 : index
        %get3A_428 = tpu.vector_load %arg9[%get3A_426, %get3A_427] {strides = array<i32>} : memref<112x64xf32, #tpu.memory_space<vmem>>, vector<1x16xf32>,
        %get3A_429 = vector.shape_cast %get3A_428 : vector<1x16xf32> to vector<16xf32>
        %add3A_430 = arith.constant 0 : i32
        %add3A_431 = arith.addi %mul3A_398, %add3A_430 : i32
        %swap3A_432 = arith.index_cast %add3A_431 : i32 to index
        %swap3A_433 = arith.constant 32 : index
        %swap3A_434 = tpu.vector_load %arg11[%swap3A_432, %swap3A_433] {strides = array<i32>} : memref<112x128xf32, #tpu.memory_space<vmem>>, vector<1x16xf32>,
        %swap3A_435 = vector.shape_cast %swap3A_434 : vector<1x16xf32> to vector<16xf32>
        %swap3A_436 = vector.shape_cast %get3A_429 : vector<16xf32> to vector<1x16xf32>
        tpu.vector_store %arg11[%swap3A_432, %swap3A_433], %swap3A_436 {strides = array<i32>} : memref<112x128xf32, #tpu.memory_space<vmem>>, vector<1x16xf32>,
        %add3A_437 = arith.constant 0 : i32
        %add3A_438 = arith.addi %mul3A_398, %add3A_437 : i32
        %get3A_439 = arith.index_cast %add3A_438 : i32 to index
        %get3A_440 = arith.constant 48 : index
        %get3A_441 = tpu.vector_load %arg9[%get3A_439, %get3A_440] {strides = array<i32>} : memref<112x64xf32, #tpu.memory_space<vmem>>, vector<1x16xf32>,
        %get3A_442 = vector.shape_cast %get3A_441 : vector<1x16xf32> to vector<16xf32>
        %add3A_443 = arith.constant 0 : i32
        %add3A_444 = arith.addi %mul3A_398, %add3A_443 : i32
        %swap3A_445 = arith.index_cast %add3A_444 : i32 to index
        %swap3A_446 = arith.constant 48 : index
        %swap3A_447 = tpu.vector_load %arg11[%swap3A_445, %swap3A_446] {strides = array<i32>} : memref<112x128xf32, #tpu.memory_space<vmem>>, vector<1x16xf32>,
        %swap3A_448 = vector.shape_cast %swap3A_447 : vector<1x16xf32> to vector<16xf32>
        %swap3A_449 = vector.shape_cast %get3A_442 : vector<16xf32> to vector<1x16xf32>
        tpu.vector_store %arg11[%swap3A_445, %swap3A_446], %swap3A_449 {strides = array<i32>} : memref<112x128xf32, #tpu.memory_space<vmem>>, vector<1x16xf32>,
        %add3A_450 = arith.constant 1 : i32
        %add3A_451 = arith.addi %mul3A_398, %add3A_450 : i32
        %get3A_452 = arith.index_cast %add3A_451 : i32 to index
        %get3A_453 = arith.constant 0 : index
        %get3A_454 = tpu.vector_load %arg9[%get3A_452, %get3A_453] {strides = array<i32>} : memref<112x64xf32, #tpu.memory_space<vmem>>, vector<1x16xf32>,
        %get3A_455 = vector.shape_cast %get3A_454 : vector<1x16xf32> to vector<16xf32>
        %add3A_456 = arith.constant 1 : i32
        %add3A_457 = arith.addi %mul3A_398, %add3A_456 : i32
        %swap3A_458 = arith.index_cast %add3A_457 : i32 to index
        %swap3A_459 = arith.constant 0 : index
        %swap3A_460 = tpu.vector_load %arg11[%swap3A_458, %swap3A_459] {strides = array<i32>} : memref<112x128xf32, #tpu.memory_space<vmem>>, vector<1x16xf32>,
        %swap3A_461 = vector.shape_cast %swap3A_460 : vector<1x16xf32> to vector<16xf32>
        %swap3A_462 = vector.shape_cast %get3A_455 : vector<16xf32> to vector<1x16xf32>
        tpu.vector_store %arg11[%swap3A_458, %swap3A_459], %swap3A_462 {strides = array<i32>} : memref<112x128xf32, #tpu.memory_space<vmem>>, vector<1x16xf32>,
        %add3A_463 = arith.constant 1 : i32
        %add3A_464 = arith.addi %mul3A_398, %add3A_463 : i32
        %get3A_465 = arith.index_cast %add3A_464 : i32 to index
        %get3A_466 = arith.constant 16 : index
        %get3A_467 = tpu.vector_load %arg9[%get3A_465, %get3A_466] {strides = array<i32>} : memref<112x64xf32, #tpu.memory_space<vmem>>, vector<1x16xf32>,
        %get3A_468 = vector.shape_cast %get3A_467 : vector<1x16xf32> to vector<16xf32>
        %add3A_469 = arith.constant 1 : i32
        %add3A_470 = arith.addi %mul3A_398, %add3A_469 : i32
        %swap3A_471 = arith.index_cast %add3A_470 : i32 to index
        %swap3A_472 = arith.constant 16 : index
        %swap3A_473 = tpu.vector_load %arg11[%swap3A_471, %swap3A_472] {strides = array<i32>} : memref<112x128xf32, #tpu.memory_space<vmem>>, vector<1x16xf32>,
        %swap3A_474 = vector.shape_cast %swap3A_473 : vector<1x16xf32> to vector<16xf32>
        %swap3A_475 = vector.shape_cast %get3A_468 : vector<16xf32> to vector<1x16xf32>
        tpu.vector_store %arg11[%swap3A_471, %swap3A_472], %swap3A_475 {strides = array<i32>} : memref<112x128xf32, #tpu.memory_space<vmem>>, vector<1x16xf32>,
        %add3A_476 = arith.constant 1 : i32
        %add3A_477 = arith.addi %mul3A_398, %add3A_476 : i32
        %get3A_478 = arith.index_cast %add3A_477 : i32 to index
        %get3A_479 = arith.constant 32 : index
        %get3A_480 = tpu.vector_load %arg9[%get3A_478, %get3A_479] {strides = array<i32>} : memref<112x64xf32, #tpu.memory_space<vmem>>, vector<1x16xf32>,
        %get3A_481 = vector.shape_cast %get3A_480 : vector<1x16xf32> to vector<16xf32>
        %add3A_482 = arith.constant 1 : i32
        %add3A_483 = arith.addi %mul3A_398, %add3A_482 : i32
        %swap3A_484 = arith.index_cast %add3A_483 : i32 to index
        %swap3A_485 = arith.constant 32 : index
        %swap3A_486 = tpu.vector_load %arg11[%swap3A_484, %swap3A_485] {strides = array<i32>} : memref<112x128xf32, #tpu.memory_space<vmem>>, vector<1x16xf32>,
        %swap3A_487 = vector.shape_cast %swap3A_486 : vector<1x16xf32> to vector<16xf32>
        %swap3A_488 = vector.shape_cast %get3A_481 : vector<16xf32> to vector<1x16xf32>
        tpu.vector_store %arg11[%swap3A_484, %swap3A_485], %swap3A_488 {strides = array<i32>} : memref<112x128xf32, #tpu.memory_space<vmem>>, vector<1x16xf32>,
        %add3A_489 = arith.constant 1 : i32
        %add3A_490 = arith.addi %mul3A_398, %add3A_489 : i32
        %get3A_491 = arith.index_cast %add3A_490 : i32 to index
        %get3A_492 = arith.constant 48 : index
        %get3A_493 = tpu.vector_load %arg9[%get3A_491, %get3A_492] {strides = array<i32>} : memref<112x64xf32, #tpu.memory_space<vmem>>, vector<1x16xf32>,
        %get3A_494 = vector.shape_cast %get3A_493 : vector<1x16xf32> to vector<16xf32>
        %add3A_495 = arith.constant 1 : i32
        %add3A_496 = arith.addi %mul3A_398, %add3A_495 : i32
        %swap3A_497 = arith.index_cast %add3A_496 : i32 to index
        %swap3A_498 = arith.constant 48 : index
        %swap3A_499 = tpu.vector_load %arg11[%swap3A_497, %swap3A_498] {strides = array<i32>} : memref<112x128xf32, #tpu.memory_space<vmem>>, vector<1x16xf32>,
        %swap3A_500 = vector.shape_cast %swap3A_499 : vector<1x16xf32> to vector<16xf32>
        %swap3A_501 = vector.shape_cast %get3A_494 : vector<16xf32> to vector<1x16xf32>
        tpu.vector_store %arg11[%swap3A_497, %swap3A_498], %swap3A_501 {strides = array<i32>} : memref<112x128xf32, #tpu.memory_space<vmem>>, vector<1x16xf32>,
        %add3A_502 = arith.constant 2 : i32
        %add3A_503 = arith.addi %mul3A_398, %add3A_502 : i32
        %get3A_504 = arith.index_cast %add3A_503 : i32 to index
        %get3A_505 = arith.constant 0 : index
        %get3A_506 = tpu.vector_load %arg9[%get3A_504, %get3A_505] {strides = array<i32>} : memref<112x64xf32, #tpu.memory_space<vmem>>, vector<1x16xf32>,
        %get3A_507 = vector.shape_cast %get3A_506 : vector<1x16xf32> to vector<16xf32>
        %add3A_508 = arith.constant 2 : i32
        %add3A_509 = arith.addi %mul3A_398, %add3A_508 : i32
        %swap3A_510 = arith.index_cast %add3A_509 : i32 to index
        %swap3A_511 = arith.constant 0 : index
        %swap3A_512 = tpu.vector_load %arg11[%swap3A_510, %swap3A_511] {strides = array<i32>} : memref<112x128xf32, #tpu.memory_space<vmem>>, vector<1x16xf32>,
        %swap3A_513 = vector.shape_cast %swap3A_512 : vector<1x16xf32> to vector<16xf32>
        %swap3A_514 = vector.shape_cast %get3A_507 : vector<16xf32> to vector<1x16xf32>
        tpu.vector_store %arg11[%swap3A_510, %swap3A_511], %swap3A_514 {strides = array<i32>} : memref<112x128xf32, #tpu.memory_space<vmem>>, vector<1x16xf32>,
        %add3A_515 = arith.constant 2 : i32
        %add3A_516 = arith.addi %mul3A_398, %add3A_515 : i32
        %get3A_517 = arith.index_cast %add3A_516 : i32 to index
        %get3A_518 = arith.constant 16 : index
        %get3A_519 = tpu.vector_load %arg9[%get3A_517, %get3A_518] {strides = array<i32>} : memref<112x64xf32, #tpu.memory_space<vmem>>, vector<1x16xf32>,
        %get3A_520 = vector.shape_cast %get3A_519 : vector<1x16xf32> to vector<16xf32>
        %add3A_521 = arith.constant 2 : i32
        %add3A_522 = arith.addi %mul3A_398, %add3A_521 : i32
        %swap3A_523 = arith.index_cast %add3A_522 : i32 to index
        %swap3A_524 = arith.constant 16 : index
        %swap3A_525 = tpu.vector_load %arg11[%swap3A_523, %swap3A_524] {strides = array<i32>} : memref<112x128xf32, #tpu.memory_space<vmem>>, vector<1x16xf32>,
        %swap3A_526 = vector.shape_cast %swap3A_525 : vector<1x16xf32> to vector<16xf32>
        %swap3A_527 = vector.shape_cast %get3A_520 : vector<16xf32> to vector<1x16xf32>
        tpu.vector_store %arg11[%swap3A_523, %swap3A_524], %swap3A_527 {strides = array<i32>} : memref<112x128xf32, #tpu.memory_space<vmem>>, vector<1x16xf32>,
        %add3A_528 = arith.constant 2 : i32
        %add3A_529 = arith.addi %mul3A_398, %add3A_528 : i32
        %get3A_530 = arith.index_cast %add3A_529 : i32 to index
        %get3A_531 = arith.constant 32 : index
        %get3A_532 = tpu.vector_load %arg9[%get3A_530, %get3A_531] {strides = array<i32>} : memref<112x64xf32, #tpu.memory_space<vmem>>, vector<1x16xf32>,
        %get3A_533 = vector.shape_cast %get3A_532 : vector<1x16xf32> to vector<16xf32>
        %add3A_534 = arith.constant 2 : i32
        %add3A_535 = arith.addi %mul3A_398, %add3A_534 : i32
        %swap3A_536 = arith.index_cast %add3A_535 : i32 to index
        %swap3A_537 = arith.constant 32 : index
        %swap3A_538 = tpu.vector_load %arg11[%swap3A_536, %swap3A_537] {strides = array<i32>} : memref<112x128xf32, #tpu.memory_space<vmem>>, vector<1x16xf32>,
        %swap3A_539 = vector.shape_cast %swap3A_538 : vector<1x16xf32> to vector<16xf32>
        %swap3A_540 = vector.shape_cast %get3A_533 : vector<16xf32> to vector<1x16xf32>
        tpu.vector_store %arg11[%swap3A_536, %swap3A_537], %swap3A_540 {strides = array<i32>} : memref<112x128xf32, #tpu.memory_space<vmem>>, vector<1x16xf32>,
        %add3A_541 = arith.constant 2 : i32
        %add3A_542 = arith.addi %mul3A_398, %add3A_541 : i32
        %get3A_543 = arith.index_cast %add3A_542 : i32 to index
        %get3A_544 = arith.constant 48 : index
        %get3A_545 = tpu.vector_load %arg9[%get3A_543, %get3A_544] {strides = array<i32>} : memref<112x64xf32, #tpu.memory_space<vmem>>, vector<1x16xf32>,
        %get3A_546 = vector.shape_cast %get3A_545 : vector<1x16xf32> to vector<16xf32>
        %add3A_547 = arith.constant 2 : i32
        %add3A_548 = arith.addi %mul3A_398, %add3A_547 : i32
        %swap3A_549 = arith.index_cast %add3A_548 : i32 to index
        %swap3A_550 = arith.constant 48 : index
        %swap3A_551 = tpu.vector_load %arg11[%swap3A_549, %swap3A_550] {strides = array<i32>} : memref<112x128xf32, #tpu.memory_space<vmem>>, vector<1x16xf32>,
        %swap3A_552 = vector.shape_cast %swap3A_551 : vector<1x16xf32> to vector<16xf32>
        %swap3A_553 = vector.shape_cast %get3A_546 : vector<16xf32> to vector<1x16xf32>
        tpu.vector_store %arg11[%swap3A_549, %swap3A_550], %swap3A_553 {strides = array<i32>} : memref<112x128xf32, #tpu.memory_space<vmem>>, vector<1x16xf32>,
        %add3A_554 = arith.constant 3 : i32
        %add3A_555 = arith.addi %mul3A_398, %add3A_554 : i32
        %get3A_556 = arith.index_cast %add3A_555 : i32 to index
        %get3A_557 = arith.constant 0 : index
        %get3A_558 = tpu.vector_load %arg9[%get3A_556, %get3A_557] {strides = array<i32>} : memref<112x64xf32, #tpu.memory_space<vmem>>, vector<1x16xf32>,
        %get3A_559 = vector.shape_cast %get3A_558 : vector<1x16xf32> to vector<16xf32>
        %add3A_560 = arith.constant 3 : i32
        %add3A_561 = arith.addi %mul3A_398, %add3A_560 : i32
        %swap3A_562 = arith.index_cast %add3A_561 : i32 to index
        %swap3A_563 = arith.constant 0 : index
        %swap3A_564 = tpu.vector_load %arg11[%swap3A_562, %swap3A_563] {strides = array<i32>} : memref<112x128xf32, #tpu.memory_space<vmem>>, vector<1x16xf32>,
        %swap3A_565 = vector.shape_cast %swap3A_564 : vector<1x16xf32> to vector<16xf32>
        %swap3A_566 = vector.shape_cast %get3A_559 : vector<16xf32> to vector<1x16xf32>
        tpu.vector_store %arg11[%swap3A_562, %swap3A_563], %swap3A_566 {strides = array<i32>} : memref<112x128xf32, #tpu.memory_space<vmem>>, vector<1x16xf32>,
        %add3A_567 = arith.constant 3 : i32
        %add3A_568 = arith.addi %mul3A_398, %add3A_567 : i32
        %get3A_569 = arith.index_cast %add3A_568 : i32 to index
        %get3A_570 = arith.constant 16 : index
        %get3A_571 = tpu.vector_load %arg9[%get3A_569, %get3A_570] {strides = array<i32>} : memref<112x64xf32, #tpu.memory_space<vmem>>, vector<1x16xf32>,
        %get3A_572 = vector.shape_cast %get3A_571 : vector<1x16xf32> to vector<16xf32>
        %add3A_573 = arith.constant 3 : i32
        %add3A_574 = arith.addi %mul3A_398, %add3A_573 : i32
        %swap3A_575 = arith.index_cast %add3A_574 : i32 to index
        %swap3A_576 = arith.constant 16 : index
        %swap3A_577 = tpu.vector_load %arg11[%swap3A_575, %swap3A_576] {strides = array<i32>} : memref<112x128xf32, #tpu.memory_space<vmem>>, vector<1x16xf32>,
        %swap3A_578 = vector.shape_cast %swap3A_577 : vector<1x16xf32> to vector<16xf32>
        %swap3A_579 = vector.shape_cast %get3A_572 : vector<16xf32> to vector<1x16xf32>
        tpu.vector_store %arg11[%swap3A_575, %swap3A_576], %swap3A_579 {strides = array<i32>} : memref<112x128xf32, #tpu.memory_space<vmem>>, vector<1x16xf32>,
        %add3A_580 = arith.constant 3 : i32
        %add3A_581 = arith.addi %mul3A_398, %add3A_580 : i32
        %get3A_582 = arith.index_cast %add3A_581 : i32 to index
        %get3A_583 = arith.constant 32 : index
        %get3A_584 = tpu.vector_load %arg9[%get3A_582, %get3A_583] {strides = array<i32>} : memref<112x64xf32, #tpu.memory_space<vmem>>, vector<1x16xf32>,
        %get3A_585 = vector.shape_cast %get3A_584 : vector<1x16xf32> to vector<16xf32>
        %add3A_586 = arith.constant 3 : i32
        %add3A_587 = arith.addi %mul3A_398, %add3A_586 : i32
        %swap3A_588 = arith.index_cast %add3A_587 : i32 to index
        %swap3A_589 = arith.constant 32 : index
        %swap3A_590 = tpu.vector_load %arg11[%swap3A_588, %swap3A_589] {strides = array<i32>} : memref<112x128xf32, #tpu.memory_space<vmem>>, vector<1x16xf32>,
        %swap3A_591 = vector.shape_cast %swap3A_590 : vector<1x16xf32> to vector<16xf32>
        %swap3A_592 = vector.shape_cast %get3A_585 : vector<16xf32> to vector<1x16xf32>
        tpu.vector_store %arg11[%swap3A_588, %swap3A_589], %swap3A_592 {strides = array<i32>} : memref<112x128xf32, #tpu.memory_space<vmem>>, vector<1x16xf32>,
        %add3A_593 = arith.constant 3 : i32
        %add3A_594 = arith.addi %mul3A_398, %add3A_593 : i32
        %get3A_595 = arith.index_cast %add3A_594 : i32 to index
        %get3A_596 = arith.constant 48 : index
        %get3A_597 = tpu.vector_load %arg9[%get3A_595, %get3A_596] {strides = array<i32>} : memref<112x64xf32, #tpu.memory_space<vmem>>, vector<1x16xf32>,
        %get3A_598 = vector.shape_cast %get3A_597 : vector<1x16xf32> to vector<16xf32>
        %add3A_599 = arith.constant 3 : i32
        %add3A_600 = arith.addi %mul3A_398, %add3A_599 : i32
        %swap3A_601 = arith.index_cast %add3A_600 : i32 to index
        %swap3A_602 = arith.constant 48 : index
        %swap3A_603 = tpu.vector_load %arg11[%swap3A_601, %swap3A_602] {strides = array<i32>} : memref<112x128xf32, #tpu.memory_space<vmem>>, vector<1x16xf32>,
        %swap3A_604 = vector.shape_cast %swap3A_603 : vector<1x16xf32> to vector<16xf32>
        %swap3A_605 = vector.shape_cast %get3A_598 : vector<16xf32> to vector<1x16xf32>
        tpu.vector_store %arg11[%swap3A_601, %swap3A_602], %swap3A_605 {strides = array<i32>} : memref<112x128xf32, #tpu.memory_space<vmem>>, vector<1x16xf32>,
      }
      %scan3A_377 = arith.constant 28 : i32
      %mul3A_378 = arith.constant 130312 : i32
      %mul3A_379 = arith.muli %add3A_7, %mul3A_378 : i32
      %add3A_380 = arith.addi %mul3A_379, %mul3A_0 : i32
      %mul3A_381 = arith.constant 112 : i32
      %mul3A_382 = arith.muli %add3A_323, %mul3A_381 : i32
      %add3A_383 = arith.addi %add3A_380, %mul3A_382 : i32
      %multiple_of3A_384 = tpu.assume_multiple %add3A_383, 8 : i32
      %dma_start3A_385 = arith.constant 0 : i32
      %dma_start3A_386 = tpu.memref_slice %arg6[%multiple_of3A_384, %dma_start3A_385] : memref<521248x128xf32, #tpu.memory_space<hbm>> -> memref<112x128xf32, #tpu.memory_space<hbm>>
      %dma_start3A_387 = arith.constant 0 : i32
      %dma_start3A_388 = tpu.memref_slice %arg6[%multiple_of3A_384, %dma_start3A_387] : memref<521248x128xf32, #tpu.memory_space<hbm>> -> memref<112x128xf32, #tpu.memory_space<hbm>>
      tpu.enqueue_dma source(%arg11 : memref<112x128xf32, #tpu.memory_space<vmem>>) target(%dma_start3A_388 : memref<112x128xf32, #tpu.memory_space<hbm>>) target_semaphore(%arg22 : memref<!tpu.dma_semaphore, #tpu.memory_space<semaphore_mem>>)
      %add3A_389 = arith.constant 2 : i32
      %add3A_390 = arith.addi %add3A_323, %add3A_389 : i32
      %lt3A_391 = arith.constant 72 : i32
      %lt3A_392 = arith.cmpi slt, %add3A_390, %lt3A_391 : i32
      %convert_element_type3A_393 = arith.extui %lt3A_392 : i1 to i32
      %cond3A_394 = arith.constant 0 : i32
      %cond3A_395 = arith.cmpi ne, %convert_element_type3A_393, %cond3A_394 : i32
      scf.if %cond3A_395 {
        %add3A_396 = arith.constant 2 : i32
        %add3A_397 = arith.addi %add3A_323, %add3A_396 : i32
        %mul3A_398 = arith.constant 112 : i32
        %mul3A_399 = arith.muli %add3A_397, %mul3A_398 : i32
        %add3A_400 = arith.addi %mul3A_0, %mul3A_399 : i32
        %multiple_of3A_401 = tpu.assume_multiple %add3A_400, 8 : i32
        %dma_start3A_402 = arith.constant 0 : i32
        %dma_start3A_403 = tpu.memref_slice %arg2[%add3A_7, %multiple_of3A_401, %dma_start3A_402] : memref<4x130305x64xf32, #tpu.memory_space<hbm>> -> memref<1x112x64xf32, #tpu.memory_space<hbm>>
        %dma_start3A_404 = tpu.memref_squeeze %dma_start3A_403 : memref<1x112x64xf32, #tpu.memory_space<hbm>> -> memref<112x64xf32, #tpu.memory_space<hbm>>
        %dma_start3A_405 = arith.constant 0 : i32
        %dma_start3A_406 = tpu.memref_slice %arg2[%add3A_7, %multiple_of3A_401, %dma_start3A_405] : memref<4x130305x64xf32, #tpu.memory_space<hbm>> -> memref<1x112x64xf32, #tpu.memory_space<hbm>>
        %dma_start3A_407 = tpu.memref_squeeze %dma_start3A_406 : memref<1x112x64xf32, #tpu.memory_space<hbm>> -> memref<112x64xf32, #tpu.memory_space<hbm>>
        tpu.enqueue_dma source(%dma_start3A_407 : memref<112x64xf32, #tpu.memory_space<hbm>>) target(%arg9 : memref<112x64xf32, #tpu.memory_space<vmem>>) target_semaphore(%arg18 : memref<!tpu.dma_semaphore, #tpu.memory_space<semaphore_mem>>)
      } else {
      }
    }
    %scan3A_98 = arith.constant 36 : i32
    %dma_wait3A_99 = arith.constant 0 : i32
    %dma_wait3A_100 = arith.constant 0 : i32
    %dma_wait3A_101 = arith.constant 0 : i32
    %dma_wait3A_102 = tpu.memref_slice %arg5[%dma_wait3A_99, %dma_wait3A_100, %dma_wait3A_101] : memref<4x130305x64xf32, #tpu.memory_space<hbm>> -> memref<1x112x64xf32, #tpu.memory_space<hbm>>
    %dma_wait3A_103 = tpu.memref_squeeze %dma_wait3A_102 : memref<1x112x64xf32, #tpu.memory_space<hbm>> -> memref<112x64xf32, #tpu.memory_space<hbm>>
    %dma_wait3A_104 = arith.constant 0 : i32
    %dma_wait3A_105 = arith.constant 0 : i32
    %dma_wait3A_106 = tpu.memref_slice %arg5[%dma_wait3A_99, %dma_wait3A_104, %dma_wait3A_105] : memref<4x130305x64xf32, #tpu.memory_space<hbm>> -> memref<1x112x64xf32, #tpu.memory_space<hbm>>
    %dma_wait3A_107 = tpu.memref_squeeze %dma_wait3A_106 : memref<1x112x64xf32, #tpu.memory_space<hbm>> -> memref<112x64xf32, #tpu.memory_space<hbm>>
    tpu.wait_dma2 semaphore(%arg23 : memref<!tpu.dma_semaphore, #tpu.memory_space<semaphore_mem>>) src(%arg14 : memref<112x64xf32, #tpu.memory_space<vmem>>) dst(%dma_wait3A_107 : memref<112x64xf32, #tpu.memory_space<hbm>>)
    %dma_wait3A_108 = arith.constant 0 : i32
    %dma_wait3A_109 = arith.constant 0 : i32
    %dma_wait3A_110 = arith.constant 0 : i32
    %dma_wait3A_111 = tpu.memref_slice %arg5[%dma_wait3A_108, %dma_wait3A_109, %dma_wait3A_110] : memref<4x130305x64xf32, #tpu.memory_space<hbm>> -> memref<1x112x64xf32, #tpu.memory_space<hbm>>
    %dma_wait3A_112 = tpu.memref_squeeze %dma_wait3A_111 : memref<1x112x64xf32, #tpu.memory_space<hbm>> -> memref<112x64xf32, #tpu.memory_space<hbm>>
    %dma_wait3A_113 = arith.constant 0 : i32
    %dma_wait3A_114 = arith.constant 0 : i32
    %dma_wait3A_115 = tpu.memref_slice %arg5[%dma_wait3A_108, %dma_wait3A_113, %dma_wait3A_114] : memref<4x130305x64xf32, #tpu.memory_space<hbm>> -> memref<1x112x64xf32, #tpu.memory_space<hbm>>
    %dma_wait3A_116 = tpu.memref_squeeze %dma_wait3A_115 : memref<1x112x64xf32, #tpu.memory_space<hbm>> -> memref<112x64xf32, #tpu.memory_space<hbm>>
    tpu.wait_dma2 semaphore(%arg24 : memref<!tpu.dma_semaphore, #tpu.memory_space<semaphore_mem>>) src(%arg15 : memref<112x64xf32, #tpu.memory_space<vmem>>) dst(%dma_wait3A_116 : memref<112x64xf32, #tpu.memory_space<hbm>>)
    %dma_wait3A_117 = arith.constant 0 : i32
    %dma_wait3A_118 = arith.constant 0 : i32
    %dma_wait3A_119 = tpu.memref_slice %arg6[%dma_wait3A_117, %dma_wait3A_118] : memref<521248x128xf32, #tpu.memory_space<hbm>> -> memref<112x128xf32, #tpu.memory_space<hbm>>
    %dma_wait3A_120 = arith.constant 0 : i32
    %dma_wait3A_121 = arith.constant 0 : i32
    %dma_wait3A_122 = tpu.memref_slice %arg6[%dma_wait3A_120, %dma_wait3A_121] : memref<521248x128xf32, #tpu.memory_space<hbm>> -> memref<112x128xf32, #tpu.memory_space<hbm>>
    tpu.wait_dma2 semaphore(%arg21 : memref<!tpu.dma_semaphore, #tpu.memory_space<semaphore_mem>>) src(%arg10 : memref<112x128xf32, #tpu.memory_space<vmem>>) dst(%dma_wait3A_122 : memref<112x128xf32, #tpu.memory_space<hbm>>)
    %dma_wait3A_123 = arith.constant 0 : i32
    %dma_wait3A_124 = arith.constant 0 : i32
    %dma_wait3A_125 = tpu.memref_slice %arg6[%dma_wait3A_123, %dma_wait3A_124] : memref<521248x128xf32, #tpu.memory_space<hbm>> -> memref<112x128xf32, #tpu.memory_space<hbm>>
    %dma_wait3A_126 = arith.constant 0 : i32
    %dma_wait3A_127 = arith.constant 0 : i32
    %dma_wait3A_128 = tpu.memref_slice %arg6[%dma_wait3A_126, %dma_wait3A_127] : memref<521248x128xf32, #tpu.memory_space<hbm>> -> memref<112x128xf32, #tpu.memory_space<hbm>>
    tpu.wait_dma2 semaphore(%arg22 : memref<!tpu.dma_semaphore, #tpu.memory_space<semaphore_mem>>) src(%arg11 : memref<112x128xf32, #tpu.memory_space<vmem>>) dst(%dma_wait3A_128 : memref<112x128xf32, #tpu.memory_space<hbm>>)
    %dma_start3A_129 = arith.constant 0 : i32
    %dma_start3A_130 = arith.constant 0 : i32
    %dma_start3A_131 = tpu.memref_slice %arg12[%dma_start3A_129, %dma_start3A_130] : memref<112x128xf32, #tpu.memory_space<vmem>> -> memref<80x128xf32, #tpu.memory_space<vmem>>
    %dma_start3A_132 = arith.constant 8064 : i32
    %dma_start3A_133 = tpu.memref_slice %arg7[%dma_start3A_132] : memref<8144xi32, #tpu.memory_space<vmem>> -> memref<80xi32, #tpu.memory_space<vmem>>
    %dma_start3A_134 = arith.constant 0 : i32
    %dma_start3A_135 = arith.constant 0 : i32
    %dma_start3A_136 = tpu.memref_slice %arg6[%dma_start3A_134, %dma_start3A_135] : memref<521248x128xf32, #tpu.memory_space<hbm>> -> memref<521248x128xf32, #tpu.memory_space<hbm>>
    tpu.enqueue_indirect_dma source(%dma_start3A_136 : memref<521248x128xf32, #tpu.memory_space<hbm>>) target(%dma_start3A_131 : memref<80x128xf32, #tpu.memory_space<vmem>>) offsets(%dma_start3A_133 : memref<80xi32, #tpu.memory_space<vmem>>) semaphore(%arg19 : memref<!tpu.dma_semaphore, #tpu.memory_space<semaphore_mem>>)
    %dma_wait3A_137 = arith.constant 0 : i32
    %dma_wait3A_138 = arith.constant 0 : i32
    %dma_wait3A_139 = tpu.memref_slice %arg12[%dma_wait3A_137, %dma_wait3A_138] : memref<112x128xf32, #tpu.memory_space<vmem>> -> memref<80x128xf32, #tpu.memory_space<vmem>>
    %dma_wait3A_140 = arith.constant 8064 : i32
    %dma_wait3A_141 = tpu.memref_slice %arg7[%dma_wait3A_140] : memref<8144xi32, #tpu.memory_space<vmem>> -> memref<80xi32, #tpu.memory_space<vmem>>
    %dma_wait3A_142 = arith.constant 0 : i32
    %dma_wait3A_143 = arith.constant 0 : i32
    %dma_wait3A_144 = tpu.memref_slice %arg6[%dma_wait3A_142, %dma_wait3A_143] : memref<521248x128xf32, #tpu.memory_space<hbm>> -> memref<521248x128xf32, #tpu.memory_space<hbm>>
    tpu.wait_indirect_dma semaphore(%arg19 : memref<!tpu.dma_semaphore, #tpu.memory_space<semaphore_mem>>) src(%dma_wait3A_144 : memref<521248x128xf32, #tpu.memory_space<hbm>>) dst(%dma_wait3A_139 : memref<80x128xf32, #tpu.memory_space<vmem>>)
    %scan3A_145 = arith.constant 0 : i32
    %scan3A_146 = arith.constant 0 : i32
    %scan3A_147 = arith.constant 20 : i32
    %scan3A_148 = arith.addi %scan3A_146, %scan3A_147 : i32
    %scan3A_149 = arith.constant 1 : i32
    scf.for %scan3A_245 = %scan3A_146 to %scan3A_148 step %scan3A_149  : i32 {
      %mul3A_246 = arith.constant 4 : i32
      %mul3A_247 = arith.muli %scan3A_245, %mul3A_246 : i32
      %add3A_248 = arith.constant 0 : i32
      %add3A_249 = arith.addi %mul3A_247, %add3A_248 : i32
      %get3A_250 = arith.index_cast %add3A_249 : i32 to index
      %get3A_251 = arith.constant 0 : index
      %get3A_252 = tpu.vector_load %arg12[%get3A_250, %get3A_251] {strides = array<i32>} : memref<112x128xf32, #tpu.memory_space<vmem>>, vector<1x16xf32>,
      %get3A_253 = vector.shape_cast %get3A_252 : vector<1x16xf32> to vector<16xf32>
      %add3A_254 = arith.constant 0 : i32
      %add3A_255 = arith.addi %mul3A_247, %add3A_254 : i32
      %swap3A = arith.index_cast %add3A_255 : i32 to index
      %swap3A_256 = arith.constant 0 : index
      %swap3A_257 = tpu.vector_load %arg14[%swap3A, %swap3A_256] {strides = array<i32>} : memref<112x64xf32, #tpu.memory_space<vmem>>, vector<1x16xf32>,
      %swap3A_258 = vector.shape_cast %swap3A_257 : vector<1x16xf32> to vector<16xf32>
      %swap3A_259 = vector.shape_cast %get3A_253 : vector<16xf32> to vector<1x16xf32>
      tpu.vector_store %arg14[%swap3A, %swap3A_256], %swap3A_259 {strides = array<i32>} : memref<112x64xf32, #tpu.memory_space<vmem>>, vector<1x16xf32>,
      %add3A_260 = arith.constant 0 : i32
      %add3A_261 = arith.addi %mul3A_247, %add3A_260 : i32
      %get3A_262 = arith.index_cast %add3A_261 : i32 to index
      %get3A_263 = arith.constant 16 : index
      %get3A_264 = tpu.vector_load %arg12[%get3A_262, %get3A_263] {strides = array<i32>} : memref<112x128xf32, #tpu.memory_space<vmem>>, vector<1x16xf32>,
      %get3A_265 = vector.shape_cast %get3A_264 : vector<1x16xf32> to vector<16xf32>
      %add3A_266 = arith.constant 0 : i32
      %add3A_267 = arith.addi %mul3A_247, %add3A_266 : i32
      %swap3A_268 = arith.index_cast %add3A_267 : i32 to index
      %swap3A_269 = arith.constant 16 : index
      %swap3A_270 = tpu.vector_load %arg14[%swap3A_268, %swap3A_269] {strides = array<i32>} : memref<112x64xf32, #tpu.memory_space<vmem>>, vector<1x16xf32>,
      %swap3A_271 = vector.shape_cast %swap3A_270 : vector<1x16xf32> to vector<16xf32>
      %swap3A_272 = vector.shape_cast %get3A_265 : vector<16xf32> to vector<1x16xf32>
      tpu.vector_store %arg14[%swap3A_268, %swap3A_269], %swap3A_272 {strides = array<i32>} : memref<112x64xf32, #tpu.memory_space<vmem>>, vector<1x16xf32>,
      %add3A_273 = arith.constant 0 : i32
      %add3A_274 = arith.addi %mul3A_247, %add3A_273 : i32
      %get3A_275 = arith.index_cast %add3A_274 : i32 to index
      %get3A_276 = arith.constant 32 : index
      %get3A_277 = tpu.vector_load %arg12[%get3A_275, %get3A_276] {strides = array<i32>} : memref<112x128xf32, #tpu.memory_space<vmem>>, vector<1x16xf32>,
      %get3A_278 = vector.shape_cast %get3A_277 : vector<1x16xf32> to vector<16xf32>
      %add3A_279 = arith.constant 0 : i32
      %add3A_280 = arith.addi %mul3A_247, %add3A_279 : i32
      %swap3A_281 = arith.index_cast %add3A_280 : i32 to index
      %swap3A_282 = arith.constant 32 : index
      %swap3A_283 = tpu.vector_load %arg14[%swap3A_281, %swap3A_282] {strides = array<i32>} : memref<112x64xf32, #tpu.memory_space<vmem>>, vector<1x16xf32>,
      %swap3A_284 = vector.shape_cast %swap3A_283 : vector<1x16xf32> to vector<16xf32>
      %swap3A_285 = vector.shape_cast %get3A_278 : vector<16xf32> to vector<1x16xf32>
      tpu.vector_store %arg14[%swap3A_281, %swap3A_282], %swap3A_285 {strides = array<i32>} : memref<112x64xf32, #tpu.memory_space<vmem>>, vector<1x16xf32>,
      %add3A_286 = arith.constant 0 : i32
      %add3A_287 = arith.addi %mul3A_247, %add3A_286 : i32
      %get3A_288 = arith.index_cast %add3A_287 : i32 to index
      %get3A_289 = arith.constant 48 : index
      %get3A_290 = tpu.vector_load %arg12[%get3A_288, %get3A_289] {strides = array<i32>} : memref<112x128xf32, #tpu.memory_space<vmem>>, vector<1x16xf32>,
      %get3A_291 = vector.shape_cast %get3A_290 : vector<1x16xf32> to vector<16xf32>
      %add3A_292 = arith.constant 0 : i32
      %add3A_293 = arith.addi %mul3A_247, %add3A_292 : i32
      %swap3A_294 = arith.index_cast %add3A_293 : i32 to index
      %swap3A_295 = arith.constant 48 : index
      %swap3A_296 = tpu.vector_load %arg14[%swap3A_294, %swap3A_295] {strides = array<i32>} : memref<112x64xf32, #tpu.memory_space<vmem>>, vector<1x16xf32>,
      %swap3A_297 = vector.shape_cast %swap3A_296 : vector<1x16xf32> to vector<16xf32>
      %swap3A_298 = vector.shape_cast %get3A_291 : vector<16xf32> to vector<1x16xf32>
      tpu.vector_store %arg14[%swap3A_294, %swap3A_295], %swap3A_298 {strides = array<i32>} : memref<112x64xf32, #tpu.memory_space<vmem>>, vector<1x16xf32>,
      %add3A_299 = arith.constant 1 : i32
      %add3A_300 = arith.addi %mul3A_247, %add3A_299 : i32
      %get3A_301 = arith.index_cast %add3A_300 : i32 to index
      %get3A_302 = arith.constant 0 : index
      %get3A_303 = tpu.vector_load %arg12[%get3A_301, %get3A_302] {strides = array<i32>} : memref<112x128xf32, #tpu.memory_space<vmem>>, vector<1x16xf32>,
      %get3A_304 = vector.shape_cast %get3A_303 : vector<1x16xf32> to vector<16xf32>
      %add3A_305 = arith.constant 1 : i32
      %add3A_306 = arith.addi %mul3A_247, %add3A_305 : i32
      %swap3A_307 = arith.index_cast %add3A_306 : i32 to index
      %swap3A_308 = arith.constant 0 : index
      %swap3A_309 = tpu.vector_load %arg14[%swap3A_307, %swap3A_308] {strides = array<i32>} : memref<112x64xf32, #tpu.memory_space<vmem>>, vector<1x16xf32>,
      %swap3A_310 = vector.shape_cast %swap3A_309 : vector<1x16xf32> to vector<16xf32>
      %swap3A_311 = vector.shape_cast %get3A_304 : vector<16xf32> to vector<1x16xf32>
      tpu.vector_store %arg14[%swap3A_307, %swap3A_308], %swap3A_311 {strides = array<i32>} : memref<112x64xf32, #tpu.memory_space<vmem>>, vector<1x16xf32>,
      %add3A_312 = arith.constant 1 : i32
      %add3A_313 = arith.addi %mul3A_247, %add3A_312 : i32
      %get3A_314 = arith.index_cast %add3A_313 : i32 to index
      %get3A_315 = arith.constant 16 : index
      %get3A_316 = tpu.vector_load %arg12[%get3A_314, %get3A_315] {strides = array<i32>} : memref<112x128xf32, #tpu.memory_space<vmem>>, vector<1x16xf32>,
      %get3A_317 = vector.shape_cast %get3A_316 : vector<1x16xf32> to vector<16xf32>
      %add3A_318 = arith.constant 1 : i32
      %add3A_319 = arith.addi %mul3A_247, %add3A_318 : i32
      %swap3A_320 = arith.index_cast %add3A_319 : i32 to index
      %swap3A_321 = arith.constant 16 : index
      %swap3A_322 = tpu.vector_load %arg14[%swap3A_320, %swap3A_321] {strides = array<i32>} : memref<112x64xf32, #tpu.memory_space<vmem>>, vector<1x16xf32>,
      %swap3A_323 = vector.shape_cast %swap3A_322 : vector<1x16xf32> to vector<16xf32>
      %swap3A_324 = vector.shape_cast %get3A_317 : vector<16xf32> to vector<1x16xf32>
      tpu.vector_store %arg14[%swap3A_320, %swap3A_321], %swap3A_324 {strides = array<i32>} : memref<112x64xf32, #tpu.memory_space<vmem>>, vector<1x16xf32>,
      %add3A_325 = arith.constant 1 : i32
      %add3A_326 = arith.addi %mul3A_247, %add3A_325 : i32
      %get3A_327 = arith.index_cast %add3A_326 : i32 to index
      %get3A_328 = arith.constant 32 : index
      %get3A_329 = tpu.vector_load %arg12[%get3A_327, %get3A_328] {strides = array<i32>} : memref<112x128xf32, #tpu.memory_space<vmem>>, vector<1x16xf32>,
      %get3A_330 = vector.shape_cast %get3A_329 : vector<1x16xf32> to vector<16xf32>
      %add3A_331 = arith.constant 1 : i32
      %add3A_332 = arith.addi %mul3A_247, %add3A_331 : i32
      %swap3A_333 = arith.index_cast %add3A_332 : i32 to index
      %swap3A_334 = arith.constant 32 : index
      %swap3A_335 = tpu.vector_load %arg14[%swap3A_333, %swap3A_334] {strides = array<i32>} : memref<112x64xf32, #tpu.memory_space<vmem>>, vector<1x16xf32>,
      %swap3A_336 = vector.shape_cast %swap3A_335 : vector<1x16xf32> to vector<16xf32>
      %swap3A_337 = vector.shape_cast %get3A_330 : vector<16xf32> to vector<1x16xf32>
      tpu.vector_store %arg14[%swap3A_333, %swap3A_334], %swap3A_337 {strides = array<i32>} : memref<112x64xf32, #tpu.memory_space<vmem>>, vector<1x16xf32>,
      %add3A_338 = arith.constant 1 : i32
      %add3A_339 = arith.addi %mul3A_247, %add3A_338 : i32
      %get3A_340 = arith.index_cast %add3A_339 : i32 to index
      %get3A_341 = arith.constant 48 : index
      %get3A_342 = tpu.vector_load %arg12[%get3A_340, %get3A_341] {strides = array<i32>} : memref<112x128xf32, #tpu.memory_space<vmem>>, vector<1x16xf32>,
      %get3A_343 = vector.shape_cast %get3A_342 : vector<1x16xf32> to vector<16xf32>
      %add3A_344 = arith.constant 1 : i32
      %add3A_345 = arith.addi %mul3A_247, %add3A_344 : i32
      %swap3A_346 = arith.index_cast %add3A_345 : i32 to index
      %swap3A_347 = arith.constant 48 : index
      %swap3A_348 = tpu.vector_load %arg14[%swap3A_346, %swap3A_347] {strides = array<i32>} : memref<112x64xf32, #tpu.memory_space<vmem>>, vector<1x16xf32>,
      %swap3A_349 = vector.shape_cast %swap3A_348 : vector<1x16xf32> to vector<16xf32>
      %swap3A_350 = vector.shape_cast %get3A_343 : vector<16xf32> to vector<1x16xf32>
      tpu.vector_store %arg14[%swap3A_346, %swap3A_347], %swap3A_350 {strides = array<i32>} : memref<112x64xf32, #tpu.memory_space<vmem>>, vector<1x16xf32>,
      %add3A_351 = arith.constant 2 : i32
      %add3A_352 = arith.addi %mul3A_247, %add3A_351 : i32
      %get3A_353 = arith.index_cast %add3A_352 : i32 to index
      %get3A_354 = arith.constant 0 : index
      %get3A_355 = tpu.vector_load %arg12[%get3A_353, %get3A_354] {strides = array<i32>} : memref<112x128xf32, #tpu.memory_space<vmem>>, vector<1x16xf32>,
      %get3A_356 = vector.shape_cast %get3A_355 : vector<1x16xf32> to vector<16xf32>
      %add3A_357 = arith.constant 2 : i32
      %add3A_358 = arith.addi %mul3A_247, %add3A_357 : i32
      %swap3A_359 = arith.index_cast %add3A_358 : i32 to index
      %swap3A_360 = arith.constant 0 : index
      %swap3A_361 = tpu.vector_load %arg14[%swap3A_359, %swap3A_360] {strides = array<i32>} : memref<112x64xf32, #tpu.memory_space<vmem>>, vector<1x16xf32>,
      %swap3A_362 = vector.shape_cast %swap3A_361 : vector<1x16xf32> to vector<16xf32>
      %swap3A_363 = vector.shape_cast %get3A_356 : vector<16xf32> to vector<1x16xf32>
      tpu.vector_store %arg14[%swap3A_359, %swap3A_360], %swap3A_363 {strides = array<i32>} : memref<112x64xf32, #tpu.memory_space<vmem>>, vector<1x16xf32>,
      %add3A_364 = arith.constant 2 : i32
      %add3A_365 = arith.addi %mul3A_247, %add3A_364 : i32
      %get3A_366 = arith.index_cast %add3A_365 : i32 to index
      %get3A_367 = arith.constant 16 : index
      %get3A_368 = tpu.vector_load %arg12[%get3A_366, %get3A_367] {strides = array<i32>} : memref<112x128xf32, #tpu.memory_space<vmem>>, vector<1x16xf32>,
      %get3A_369 = vector.shape_cast %get3A_368 : vector<1x16xf32> to vector<16xf32>
      %add3A_370 = arith.constant 2 : i32
      %add3A_371 = arith.addi %mul3A_247, %add3A_370 : i32
      %swap3A_372 = arith.index_cast %add3A_371 : i32 to index
      %swap3A_373 = arith.constant 16 : index
      %swap3A_374 = tpu.vector_load %arg14[%swap3A_372, %swap3A_373] {strides = array<i32>} : memref<112x64xf32, #tpu.memory_space<vmem>>, vector<1x16xf32>,
      %swap3A_375 = vector.shape_cast %swap3A_374 : vector<1x16xf32> to vector<16xf32>
      %swap3A_376 = vector.shape_cast %get3A_369 : vector<16xf32> to vector<1x16xf32>
      tpu.vector_store %arg14[%swap3A_372, %swap3A_373], %swap3A_376 {strides = array<i32>} : memref<112x64xf32, #tpu.memory_space<vmem>>, vector<1x16xf32>,
      %add3A_377 = arith.constant 2 : i32
      %add3A_378 = arith.addi %mul3A_247, %add3A_377 : i32
      %get3A_379 = arith.index_cast %add3A_378 : i32 to index
      %get3A_380 = arith.constant 32 : index
      %get3A_381 = tpu.vector_load %arg12[%get3A_379, %get3A_380] {strides = array<i32>} : memref<112x128xf32, #tpu.memory_space<vmem>>, vector<1x16xf32>,
      %get3A_382 = vector.shape_cast %get3A_381 : vector<1x16xf32> to vector<16xf32>
      %add3A_383 = arith.constant 2 : i32
      %add3A_384 = arith.addi %mul3A_247, %add3A_383 : i32
      %swap3A_385 = arith.index_cast %add3A_384 : i32 to index
      %swap3A_386 = arith.constant 32 : index
      %swap3A_387 = tpu.vector_load %arg14[%swap3A_385, %swap3A_386] {strides = array<i32>} : memref<112x64xf32, #tpu.memory_space<vmem>>, vector<1x16xf32>,
      %swap3A_388 = vector.shape_cast %swap3A_387 : vector<1x16xf32> to vector<16xf32>
      %swap3A_389 = vector.shape_cast %get3A_382 : vector<16xf32> to vector<1x16xf32>
      tpu.vector_store %arg14[%swap3A_385, %swap3A_386], %swap3A_389 {strides = array<i32>} : memref<112x64xf32, #tpu.memory_space<vmem>>, vector<1x16xf32>,
      %add3A_390 = arith.constant 2 : i32
      %add3A_391 = arith.addi %mul3A_247, %add3A_390 : i32
      %get3A_392 = arith.index_cast %add3A_391 : i32 to index
      %get3A_393 = arith.constant 48 : index
      %get3A_394 = tpu.vector_load %arg12[%get3A_392, %get3A_393] {strides = array<i32>} : memref<112x128xf32, #tpu.memory_space<vmem>>, vector<1x16xf32>,
      %get3A_395 = vector.shape_cast %get3A_394 : vector<1x16xf32> to vector<16xf32>
      %add3A_396 = arith.constant 2 : i32
      %add3A_397 = arith.addi %mul3A_247, %add3A_396 : i32
      %swap3A_398 = arith.index_cast %add3A_397 : i32 to index
      %swap3A_399 = arith.constant 48 : index
      %swap3A_400 = tpu.vector_load %arg14[%swap3A_398, %swap3A_399] {strides = array<i32>} : memref<112x64xf32, #tpu.memory_space<vmem>>, vector<1x16xf32>,
      %swap3A_401 = vector.shape_cast %swap3A_400 : vector<1x16xf32> to vector<16xf32>
      %swap3A_402 = vector.shape_cast %get3A_395 : vector<16xf32> to vector<1x16xf32>
      tpu.vector_store %arg14[%swap3A_398, %swap3A_399], %swap3A_402 {strides = array<i32>} : memref<112x64xf32, #tpu.memory_space<vmem>>, vector<1x16xf32>,
      %add3A_403 = arith.constant 3 : i32
      %add3A_404 = arith.addi %mul3A_247, %add3A_403 : i32
      %get3A_405 = arith.index_cast %add3A_404 : i32 to index
      %get3A_406 = arith.constant 0 : index
      %get3A_407 = tpu.vector_load %arg12[%get3A_405, %get3A_406] {strides = array<i32>} : memref<112x128xf32, #tpu.memory_space<vmem>>, vector<1x16xf32>,
      %get3A_408 = vector.shape_cast %get3A_407 : vector<1x16xf32> to vector<16xf32>
      %add3A_409 = arith.constant 3 : i32
      %add3A_410 = arith.addi %mul3A_247, %add3A_409 : i32
      %swap3A_411 = arith.index_cast %add3A_410 : i32 to index
      %swap3A_412 = arith.constant 0 : index
      %swap3A_413 = tpu.vector_load %arg14[%swap3A_411, %swap3A_412] {strides = array<i32>} : memref<112x64xf32, #tpu.memory_space<vmem>>, vector<1x16xf32>,
      %swap3A_414 = vector.shape_cast %swap3A_413 : vector<1x16xf32> to vector<16xf32>
      %swap3A_415 = vector.shape_cast %get3A_408 : vector<16xf32> to vector<1x16xf32>
      tpu.vector_store %arg14[%swap3A_411, %swap3A_412], %swap3A_415 {strides = array<i32>} : memref<112x64xf32, #tpu.memory_space<vmem>>, vector<1x16xf32>,
      %add3A_416 = arith.constant 3 : i32
      %add3A_417 = arith.addi %mul3A_247, %add3A_416 : i32
      %get3A_418 = arith.index_cast %add3A_417 : i32 to index
      %get3A_419 = arith.constant 16 : index
      %get3A_420 = tpu.vector_load %arg12[%get3A_418, %get3A_419] {strides = array<i32>} : memref<112x128xf32, #tpu.memory_space<vmem>>, vector<1x16xf32>,
      %get3A_421 = vector.shape_cast %get3A_420 : vector<1x16xf32> to vector<16xf32>
      %add3A_422 = arith.constant 3 : i32
      %add3A_423 = arith.addi %mul3A_247, %add3A_422 : i32
      %swap3A_424 = arith.index_cast %add3A_423 : i32 to index
      %swap3A_425 = arith.constant 16 : index
      %swap3A_426 = tpu.vector_load %arg14[%swap3A_424, %swap3A_425] {strides = array<i32>} : memref<112x64xf32, #tpu.memory_space<vmem>>, vector<1x16xf32>,
      %swap3A_427 = vector.shape_cast %swap3A_426 : vector<1x16xf32> to vector<16xf32>
      %swap3A_428 = vector.shape_cast %get3A_421 : vector<16xf32> to vector<1x16xf32>
      tpu.vector_store %arg14[%swap3A_424, %swap3A_425], %swap3A_428 {strides = array<i32>} : memref<112x64xf32, #tpu.memory_space<vmem>>, vector<1x16xf32>,
      %add3A_429 = arith.constant 3 : i32
      %add3A_430 = arith.addi %mul3A_247, %add3A_429 : i32
      %get3A_431 = arith.index_cast %add3A_430 : i32 to index
      %get3A_432 = arith.constant 32 : index
      %get3A_433 = tpu.vector_load %arg12[%get3A_431, %get3A_432] {strides = array<i32>} : memref<112x128xf32, #tpu.memory_space<vmem>>, vector<1x16xf32>,
      %get3A_434 = vector.shape_cast %get3A_433 : vector<1x16xf32> to vector<16xf32>
      %add3A_435 = arith.constant 3 : i32
      %add3A_436 = arith.addi %mul3A_247, %add3A_435 : i32
      %swap3A_437 = arith.index_cast %add3A_436 : i32 to index
      %swap3A_438 = arith.constant 32 : index
      %swap3A_439 = tpu.vector_load %arg14[%swap3A_437, %swap3A_438] {strides = array<i32>} : memref<112x64xf32, #tpu.memory_space<vmem>>, vector<1x16xf32>,
      %swap3A_440 = vector.shape_cast %swap3A_439 : vector<1x16xf32> to vector<16xf32>
      %swap3A_441 = vector.shape_cast %get3A_434 : vector<16xf32> to vector<1x16xf32>
      tpu.vector_store %arg14[%swap3A_437, %swap3A_438], %swap3A_441 {strides = array<i32>} : memref<112x64xf32, #tpu.memory_space<vmem>>, vector<1x16xf32>,
      %add3A_442 = arith.constant 3 : i32
      %add3A_443 = arith.addi %mul3A_247, %add3A_442 : i32
      %get3A_444 = arith.index_cast %add3A_443 : i32 to index
      %get3A_445 = arith.constant 48 : index
      %get3A_446 = tpu.vector_load %arg12[%get3A_444, %get3A_445] {strides = array<i32>} : memref<112x128xf32, #tpu.memory_space<vmem>>, vector<1x16xf32>,
      %get3A_447 = vector.shape_cast %get3A_446 : vector<1x16xf32> to vector<16xf32>
      %add3A_448 = arith.constant 3 : i32
      %add3A_449 = arith.addi %mul3A_247, %add3A_448 : i32
      %swap3A_450 = arith.index_cast %add3A_449 : i32 to index
      %swap3A_451 = arith.constant 48 : index
      %swap3A_452 = tpu.vector_load %arg14[%swap3A_450, %swap3A_451] {strides = array<i32>} : memref<112x64xf32, #tpu.memory_space<vmem>>, vector<1x16xf32>,
      %swap3A_453 = vector.shape_cast %swap3A_452 : vector<1x16xf32> to vector<16xf32>
      %swap3A_454 = vector.shape_cast %get3A_447 : vector<16xf32> to vector<1x16xf32>
      tpu.vector_store %arg14[%swap3A_450, %swap3A_451], %swap3A_454 {strides = array<i32>} : memref<112x64xf32, #tpu.memory_space<vmem>>, vector<1x16xf32>,
    }
    %scan3A_150 = arith.constant 20 : i32
    %add3A_151 = arith.constant 8064 : i32
    %add3A_152 = arith.addi %mul3A_0, %add3A_151 : i32
    "tpu.region"() ({
      %run_scoped3A = tpu.sem_alloc : memref<!tpu.dma_semaphore, #tpu.memory_space<semaphore_mem>>
      %dma_start3A_245 = arith.constant 0 : i32
      %dma_start3A_246 = arith.constant 0 : i32
      %dma_start3A_247 = tpu.memref_slice %arg14[%dma_start3A_245, %dma_start3A_246] : memref<112x64xf32, #tpu.memory_space<vmem>> -> memref<80x64xf32, #tpu.memory_space<vmem>>
      %dma_start3A_248 = arith.constant 0 : i32
      %dma_start3A_249 = tpu.memref_slice %arg5[%mul3A_6, %add3A_152, %dma_start3A_248] : memref<4x130305x64xf32, #tpu.memory_space<hbm>> -> memref<1x80x64xf32, #tpu.memory_space<hbm>>
      %dma_start3A_250 = tpu.memref_squeeze %dma_start3A_249 : memref<1x80x64xf32, #tpu.memory_space<hbm>> -> memref<80x64xf32, #tpu.memory_space<hbm>>
      %dma_start3A_251 = arith.constant 0 : i32
      %dma_start3A_252 = tpu.memref_slice %arg5[%mul3A_6, %add3A_152, %dma_start3A_251] : memref<4x130305x64xf32, #tpu.memory_space<hbm>> -> memref<1x80x64xf32, #tpu.memory_space<hbm>>
      %dma_start3A_253 = tpu.memref_squeeze %dma_start3A_252 : memref<1x80x64xf32, #tpu.memory_space<hbm>> -> memref<80x64xf32, #tpu.memory_space<hbm>>
      %dma_start3A_254 = arith.constant 0 : i32
      %dma_start3A_255 = arith.constant 0 : i32
      %dma_start3A_256 = tpu.memref_slice %arg14[%dma_start3A_254, %dma_start3A_255] : memref<112x64xf32, #tpu.memory_space<vmem>> -> memref<80x64xf32, #tpu.memory_space<vmem>>
      tpu.enqueue_dma source(%dma_start3A_256 : memref<80x64xf32, #tpu.memory_space<vmem>>) target(%dma_start3A_253 : memref<80x64xf32, #tpu.memory_space<hbm>>) target_semaphore(%run_scoped3A : memref<!tpu.dma_semaphore, #tpu.memory_space<semaphore_mem>>)
      %dma_wait3A_257 = arith.constant 0 : i32
      %dma_wait3A_258 = arith.constant 0 : i32
      %dma_wait3A_259 = tpu.memref_slice %arg14[%dma_wait3A_257, %dma_wait3A_258] : memref<112x64xf32, #tpu.memory_space<vmem>> -> memref<80x64xf32, #tpu.memory_space<vmem>>
      %dma_wait3A_260 = arith.constant 0 : i32
      %dma_wait3A_261 = tpu.memref_slice %arg5[%mul3A_6, %add3A_152, %dma_wait3A_260] : memref<4x130305x64xf32, #tpu.memory_space<hbm>> -> memref<1x80x64xf32, #tpu.memory_space<hbm>>
      %dma_wait3A_262 = tpu.memref_squeeze %dma_wait3A_261 : memref<1x80x64xf32, #tpu.memory_space<hbm>> -> memref<80x64xf32, #tpu.memory_space<hbm>>
      %dma_wait3A_263 = arith.constant 0 : i32
      %dma_wait3A_264 = tpu.memref_slice %arg5[%mul3A_6, %add3A_152, %dma_wait3A_263] : memref<4x130305x64xf32, #tpu.memory_space<hbm>> -> memref<1x80x64xf32, #tpu.memory_space<hbm>>
      %dma_wait3A_265 = tpu.memref_squeeze %dma_wait3A_264 : memref<1x80x64xf32, #tpu.memory_space<hbm>> -> memref<80x64xf32, #tpu.memory_space<hbm>>
      %dma_wait3A_266 = arith.constant 0 : i32
      %dma_wait3A_267 = arith.constant 0 : i32
      %dma_wait3A_268 = tpu.memref_slice %arg14[%dma_wait3A_266, %dma_wait3A_267] : memref<112x64xf32, #tpu.memory_space<vmem>> -> memref<80x64xf32, #tpu.memory_space<vmem>>
      tpu.wait_dma2 semaphore(%run_scoped3A : memref<!tpu.dma_semaphore, #tpu.memory_space<semaphore_mem>>) src(%dma_wait3A_268 : memref<80x64xf32, #tpu.memory_space<vmem>>) dst(%dma_wait3A_265 : memref<80x64xf32, #tpu.memory_space<hbm>>)
      tpu.yield
    }) : () -> ()
    %add3A_153 = arith.constant 8064 : i32
    %add3A_154 = arith.addi %mul3A_0, %add3A_153 : i32
    "tpu.region"() ({
      %run_scoped3A = tpu.sem_alloc : memref<!tpu.dma_semaphore, #tpu.memory_space<semaphore_mem>>
      %dma_start3A_245 = arith.constant 0 : i32
      %dma_start3A_246 = arith.constant 0 : i32
      %dma_start3A_247 = tpu.memref_slice %arg8[%dma_start3A_245, %dma_start3A_246] : memref<112x64xf32, #tpu.memory_space<vmem>> -> memref<80x64xf32, #tpu.memory_space<vmem>>
      %dma_start3A_248 = arith.constant 0 : i32
      %dma_start3A_249 = tpu.memref_slice %arg2[%add3A_7, %add3A_154, %dma_start3A_248] : memref<4x130305x64xf32, #tpu.memory_space<hbm>> -> memref<1x80x64xf32, #tpu.memory_space<hbm>>
      %dma_start3A_250 = tpu.memref_squeeze %dma_start3A_249 : memref<1x80x64xf32, #tpu.memory_space<hbm>> -> memref<80x64xf32, #tpu.memory_space<hbm>>
      %dma_start3A_251 = arith.constant 0 : i32
      %dma_start3A_252 = arith.constant 0 : i32
      %dma_start3A_253 = tpu.memref_slice %arg8[%dma_start3A_251, %dma_start3A_252] : memref<112x64xf32, #tpu.memory_space<vmem>> -> memref<80x64xf32, #tpu.memory_space<vmem>>
      %dma_start3A_254 = arith.constant 0 : i32
      %dma_start3A_255 = tpu.memref_slice %arg2[%add3A_7, %add3A_154, %dma_start3A_254] : memref<4x130305x64xf32, #tpu.memory_space<hbm>> -> memref<1x80x64xf32, #tpu.memory_space<hbm>>
      %dma_start3A_256 = tpu.memref_squeeze %dma_start3A_255 : memref<1x80x64xf32, #tpu.memory_space<hbm>> -> memref<80x64xf32, #tpu.memory_space<hbm>>
      tpu.enqueue_dma source(%dma_start3A_256 : memref<80x64xf32, #tpu.memory_space<hbm>>) target(%dma_start3A_253 : memref<80x64xf32, #tpu.memory_space<vmem>>) target_semaphore(%run_scoped3A : memref<!tpu.dma_semaphore, #tpu.memory_space<semaphore_mem>>)
      %dma_wait3A_257 = arith.constant 0 : i32
      %dma_wait3A_258 = arith.constant 0 : i32
      %dma_wait3A_259 = tpu.memref_slice %arg8[%dma_wait3A_257, %dma_wait3A_258] : memref<112x64xf32, #tpu.memory_space<vmem>> -> memref<80x64xf32, #tpu.memory_space<vmem>>
      %dma_wait3A_260 = arith.constant 0 : i32
      %dma_wait3A_261 = tpu.memref_slice %arg2[%add3A_7, %add3A_154, %dma_wait3A_260] : memref<4x130305x64xf32, #tpu.memory_space<hbm>> -> memref<1x80x64xf32, #tpu.memory_space<hbm>>
      %dma_wait3A_262 = tpu.memref_squeeze %dma_wait3A_261 : memref<1x80x64xf32, #tpu.memory_space<hbm>> -> memref<80x64xf32, #tpu.memory_space<hbm>>
      %dma_wait3A_263 = arith.constant 0 : i32
      %dma_wait3A_264 = arith.constant 0 : i32
      %dma_wait3A_265 = tpu.memref_slice %arg8[%dma_wait3A_263, %dma_wait3A_264] : memref<112x64xf32, #tpu.memory_space<vmem>> -> memref<80x64xf32, #tpu.memory_space<vmem>>
      %dma_wait3A_266 = arith.constant 0 : i32
      %dma_wait3A_267 = tpu.memref_slice %arg2[%add3A_7, %add3A_154, %dma_wait3A_266] : memref<4x130305x64xf32, #tpu.memory_space<hbm>> -> memref<1x80x64xf32, #tpu.memory_space<hbm>>
      %dma_wait3A_268 = tpu.memref_squeeze %dma_wait3A_267 : memref<1x80x64xf32, #tpu.memory_space<hbm>> -> memref<80x64xf32, #tpu.memory_space<hbm>>
      tpu.wait_dma2 semaphore(%run_scoped3A : memref<!tpu.dma_semaphore, #tpu.memory_space<semaphore_mem>>) src(%dma_wait3A_268 : memref<80x64xf32, #tpu.memory_space<hbm>>) dst(%dma_wait3A_265 : memref<80x64xf32, #tpu.memory_space<vmem>>)
      tpu.yield
    }) : () -> ()
    %scan3A_155 = arith.constant 0 : i32
    %scan3A_156 = arith.constant 0 : i32
    %scan3A_157 = arith.constant 20 : i32
    %scan3A_158 = arith.addi %scan3A_156, %scan3A_157 : i32
    %scan3A_159 = arith.constant 1 : i32
    scf.for %scan3A_245 = %scan3A_156 to %scan3A_158 step %scan3A_159  : i32 {
      %mul3A_246 = arith.constant 4 : i32
      %mul3A_247 = arith.muli %scan3A_245, %mul3A_246 : i32
      %add3A_248 = arith.constant 0 : i32
      %add3A_249 = arith.addi %mul3A_247, %add3A_248 : i32
      %get3A_250 = arith.index_cast %add3A_249 : i32 to index
      %get3A_251 = arith.constant 0 : index
      %get3A_252 = tpu.vector_load %arg8[%get3A_250, %get3A_251] {strides = array<i32>} : memref<112x64xf32, #tpu.memory_space<vmem>>, vector<1x16xf32>,
      %get3A_253 = vector.shape_cast %get3A_252 : vector<1x16xf32> to vector<16xf32>
      %add3A_254 = arith.constant 0 : i32
      %add3A_255 = arith.addi %mul3A_247, %add3A_254 : i32
      %swap3A = arith.index_cast %add3A_255 : i32 to index
      %swap3A_256 = arith.constant 0 : index
      %swap3A_257 = tpu.vector_load %arg10[%swap3A, %swap3A_256] {strides = array<i32>} : memref<112x128xf32, #tpu.memory_space<vmem>>, vector<1x16xf32>,
      %swap3A_258 = vector.shape_cast %swap3A_257 : vector<1x16xf32> to vector<16xf32>
      %swap3A_259 = vector.shape_cast %get3A_253 : vector<16xf32> to vector<1x16xf32>
      tpu.vector_store %arg10[%swap3A, %swap3A_256], %swap3A_259 {strides = array<i32>} : memref<112x128xf32, #tpu.memory_space<vmem>>, vector<1x16xf32>,
      %add3A_260 = arith.constant 0 : i32
      %add3A_261 = arith.addi %mul3A_247, %add3A_260 : i32
      %get3A_262 = arith.index_cast %add3A_261 : i32 to index
      %get3A_263 = arith.constant 16 : index
      %get3A_264 = tpu.vector_load %arg8[%get3A_262, %get3A_263] {strides = array<i32>} : memref<112x64xf32, #tpu.memory_space<vmem>>, vector<1x16xf32>,
      %get3A_265 = vector.shape_cast %get3A_264 : vector<1x16xf32> to vector<16xf32>
      %add3A_266 = arith.constant 0 : i32
      %add3A_267 = arith.addi %mul3A_247, %add3A_266 : i32
      %swap3A_268 = arith.index_cast %add3A_267 : i32 to index
      %swap3A_269 = arith.constant 16 : index
      %swap3A_270 = tpu.vector_load %arg10[%swap3A_268, %swap3A_269] {strides = array<i32>} : memref<112x128xf32, #tpu.memory_space<vmem>>, vector<1x16xf32>,
      %swap3A_271 = vector.shape_cast %swap3A_270 : vector<1x16xf32> to vector<16xf32>
      %swap3A_272 = vector.shape_cast %get3A_265 : vector<16xf32> to vector<1x16xf32>
      tpu.vector_store %arg10[%swap3A_268, %swap3A_269], %swap3A_272 {strides = array<i32>} : memref<112x128xf32, #tpu.memory_space<vmem>>, vector<1x16xf32>,
      %add3A_273 = arith.constant 0 : i32
      %add3A_274 = arith.addi %mul3A_247, %add3A_273 : i32
      %get3A_275 = arith.index_cast %add3A_274 : i32 to index
      %get3A_276 = arith.constant 32 : index
      %get3A_277 = tpu.vector_load %arg8[%get3A_275, %get3A_276] {strides = array<i32>} : memref<112x64xf32, #tpu.memory_space<vmem>>, vector<1x16xf32>,
      %get3A_278 = vector.shape_cast %get3A_277 : vector<1x16xf32> to vector<16xf32>
      %add3A_279 = arith.constant 0 : i32
      %add3A_280 = arith.addi %mul3A_247, %add3A_279 : i32
      %swap3A_281 = arith.index_cast %add3A_280 : i32 to index
      %swap3A_282 = arith.constant 32 : index
      %swap3A_283 = tpu.vector_load %arg10[%swap3A_281, %swap3A_282] {strides = array<i32>} : memref<112x128xf32, #tpu.memory_space<vmem>>, vector<1x16xf32>,
      %swap3A_284 = vector.shape_cast %swap3A_283 : vector<1x16xf32> to vector<16xf32>
      %swap3A_285 = vector.shape_cast %get3A_278 : vector<16xf32> to vector<1x16xf32>
      tpu.vector_store %arg10[%swap3A_281, %swap3A_282], %swap3A_285 {strides = array<i32>} : memref<112x128xf32, #tpu.memory_space<vmem>>, vector<1x16xf32>,
      %add3A_286 = arith.constant 0 : i32
      %add3A_287 = arith.addi %mul3A_247, %add3A_286 : i32
      %get3A_288 = arith.index_cast %add3A_287 : i32 to index
      %get3A_289 = arith.constant 48 : index
      %get3A_290 = tpu.vector_load %arg8[%get3A_288, %get3A_289] {strides = array<i32>} : memref<112x64xf32, #tpu.memory_space<vmem>>, vector<1x16xf32>,
      %get3A_291 = vector.shape_cast %get3A_290 : vector<1x16xf32> to vector<16xf32>
      %add3A_292 = arith.constant 0 : i32
      %add3A_293 = arith.addi %mul3A_247, %add3A_292 : i32
      %swap3A_294 = arith.index_cast %add3A_293 : i32 to index
      %swap3A_295 = arith.constant 48 : index
      %swap3A_296 = tpu.vector_load %arg10[%swap3A_294, %swap3A_295] {strides = array<i32>} : memref<112x128xf32, #tpu.memory_space<vmem>>, vector<1x16xf32>,
      %swap3A_297 = vector.shape_cast %swap3A_296 : vector<1x16xf32> to vector<16xf32>
      %swap3A_298 = vector.shape_cast %get3A_291 : vector<16xf32> to vector<1x16xf32>
      tpu.vector_store %arg10[%swap3A_294, %swap3A_295], %swap3A_298 {strides = array<i32>} : memref<112x128xf32, #tpu.memory_space<vmem>>, vector<1x16xf32>,
      %add3A_299 = arith.constant 1 : i32
      %add3A_300 = arith.addi %mul3A_247, %add3A_299 : i32
      %get3A_301 = arith.index_cast %add3A_300 : i32 to index
      %get3A_302 = arith.constant 0 : index
      %get3A_303 = tpu.vector_load %arg8[%get3A_301, %get3A_302] {strides = array<i32>} : memref<112x64xf32, #tpu.memory_space<vmem>>, vector<1x16xf32>,
      %get3A_304 = vector.shape_cast %get3A_303 : vector<1x16xf32> to vector<16xf32>
      %add3A_305 = arith.constant 1 : i32
      %add3A_306 = arith.addi %mul3A_247, %add3A_305 : i32
      %swap3A_307 = arith.index_cast %add3A_306 : i32 to index
      %swap3A_308 = arith.constant 0 : index
      %swap3A_309 = tpu.vector_load %arg10[%swap3A_307, %swap3A_308] {strides = array<i32>} : memref<112x128xf32, #tpu.memory_space<vmem>>, vector<1x16xf32>,
      %swap3A_310 = vector.shape_cast %swap3A_309 : vector<1x16xf32> to vector<16xf32>
      %swap3A_311 = vector.shape_cast %get3A_304 : vector<16xf32> to vector<1x16xf32>
      tpu.vector_store %arg10[%swap3A_307, %swap3A_308], %swap3A_311 {strides = array<i32>} : memref<112x128xf32, #tpu.memory_space<vmem>>, vector<1x16xf32>,
      %add3A_312 = arith.constant 1 : i32
      %add3A_313 = arith.addi %mul3A_247, %add3A_312 : i32
      %get3A_314 = arith.index_cast %add3A_313 : i32 to index
      %get3A_315 = arith.constant 16 : index
      %get3A_316 = tpu.vector_load %arg8[%get3A_314, %get3A_315] {strides = array<i32>} : memref<112x64xf32, #tpu.memory_space<vmem>>, vector<1x16xf32>,
      %get3A_317 = vector.shape_cast %get3A_316 : vector<1x16xf32> to vector<16xf32>
      %add3A_318 = arith.constant 1 : i32
      %add3A_319 = arith.addi %mul3A_247, %add3A_318 : i32
      %swap3A_320 = arith.index_cast %add3A_319 : i32 to index
      %swap3A_321 = arith.constant 16 : index
      %swap3A_322 = tpu.vector_load %arg10[%swap3A_320, %swap3A_321] {strides = array<i32>} : memref<112x128xf32, #tpu.memory_space<vmem>>, vector<1x16xf32>,
      %swap3A_323 = vector.shape_cast %swap3A_322 : vector<1x16xf32> to vector<16xf32>
      %swap3A_324 = vector.shape_cast %get3A_317 : vector<16xf32> to vector<1x16xf32>
      tpu.vector_store %arg10[%swap3A_320, %swap3A_321], %swap3A_324 {strides = array<i32>} : memref<112x128xf32, #tpu.memory_space<vmem>>, vector<1x16xf32>,
      %add3A_325 = arith.constant 1 : i32
      %add3A_326 = arith.addi %mul3A_247, %add3A_325 : i32
      %get3A_327 = arith.index_cast %add3A_326 : i32 to index
      %get3A_328 = arith.constant 32 : index
      %get3A_329 = tpu.vector_load %arg8[%get3A_327, %get3A_328] {strides = array<i32>} : memref<112x64xf32, #tpu.memory_space<vmem>>, vector<1x16xf32>,
      %get3A_330 = vector.shape_cast %get3A_329 : vector<1x16xf32> to vector<16xf32>
      %add3A_331 = arith.constant 1 : i32
      %add3A_332 = arith.addi %mul3A_247, %add3A_331 : i32
      %swap3A_333 = arith.index_cast %add3A_332 : i32 to index
      %swap3A_334 = arith.constant 32 : index
      %swap3A_335 = tpu.vector_load %arg10[%swap3A_333, %swap3A_334] {strides = array<i32>} : memref<112x128xf32, #tpu.memory_space<vmem>>, vector<1x16xf32>,
      %swap3A_336 = vector.shape_cast %swap3A_335 : vector<1x16xf32> to vector<16xf32>
      %swap3A_337 = vector.shape_cast %get3A_330 : vector<16xf32> to vector<1x16xf32>
      tpu.vector_store %arg10[%swap3A_333, %swap3A_334], %swap3A_337 {strides = array<i32>} : memref<112x128xf32, #tpu.memory_space<vmem>>, vector<1x16xf32>,
      %add3A_338 = arith.constant 1 : i32
      %add3A_339 = arith.addi %mul3A_247, %add3A_338 : i32
      %get3A_340 = arith.index_cast %add3A_339 : i32 to index
      %get3A_341 = arith.constant 48 : index
      %get3A_342 = tpu.vector_load %arg8[%get3A_340, %get3A_341] {strides = array<i32>} : memref<112x64xf32, #tpu.memory_space<vmem>>, vector<1x16xf32>,
      %get3A_343 = vector.shape_cast %get3A_342 : vector<1x16xf32> to vector<16xf32>
      %add3A_344 = arith.constant 1 : i32
      %add3A_345 = arith.addi %mul3A_247, %add3A_344 : i32
      %swap3A_346 = arith.index_cast %add3A_345 : i32 to index
      %swap3A_347 = arith.constant 48 : index
      %swap3A_348 = tpu.vector_load %arg10[%swap3A_346, %swap3A_347] {strides = array<i32>} : memref<112x128xf32, #tpu.memory_space<vmem>>, vector<1x16xf32>,
      %swap3A_349 = vector.shape_cast %swap3A_348 : vector<1x16xf32> to vector<16xf32>
      %swap3A_350 = vector.shape_cast %get3A_343 : vector<16xf32> to vector<1x16xf32>
      tpu.vector_store %arg10[%swap3A_346, %swap3A_347], %swap3A_350 {strides = array<i32>} : memref<112x128xf32, #tpu.memory_space<vmem>>, vector<1x16xf32>,
      %add3A_351 = arith.constant 2 : i32
      %add3A_352 = arith.addi %mul3A_247, %add3A_351 : i32
      %get3A_353 = arith.index_cast %add3A_352 : i32 to index
      %get3A_354 = arith.constant 0 : index
      %get3A_355 = tpu.vector_load %arg8[%get3A_353, %get3A_354] {strides = array<i32>} : memref<112x64xf32, #tpu.memory_space<vmem>>, vector<1x16xf32>,
      %get3A_356 = vector.shape_cast %get3A_355 : vector<1x16xf32> to vector<16xf32>
      %add3A_357 = arith.constant 2 : i32
      %add3A_358 = arith.addi %mul3A_247, %add3A_357 : i32
      %swap3A_359 = arith.index_cast %add3A_358 : i32 to index
      %swap3A_360 = arith.constant 0 : index
      %swap3A_361 = tpu.vector_load %arg10[%swap3A_359, %swap3A_360] {strides = array<i32>} : memref<112x128xf32, #tpu.memory_space<vmem>>, vector<1x16xf32>,
      %swap3A_362 = vector.shape_cast %swap3A_361 : vector<1x16xf32> to vector<16xf32>
      %swap3A_363 = vector.shape_cast %get3A_356 : vector<16xf32> to vector<1x16xf32>
      tpu.vector_store %arg10[%swap3A_359, %swap3A_360], %swap3A_363 {strides = array<i32>} : memref<112x128xf32, #tpu.memory_space<vmem>>, vector<1x16xf32>,
      %add3A_364 = arith.constant 2 : i32
      %add3A_365 = arith.addi %mul3A_247, %add3A_364 : i32
      %get3A_366 = arith.index_cast %add3A_365 : i32 to index
      %get3A_367 = arith.constant 16 : index
      %get3A_368 = tpu.vector_load %arg8[%get3A_366, %get3A_367] {strides = array<i32>} : memref<112x64xf32, #tpu.memory_space<vmem>>, vector<1x16xf32>,
      %get3A_369 = vector.shape_cast %get3A_368 : vector<1x16xf32> to vector<16xf32>
      %add3A_370 = arith.constant 2 : i32
      %add3A_371 = arith.addi %mul3A_247, %add3A_370 : i32
      %swap3A_372 = arith.index_cast %add3A_371 : i32 to index
      %swap3A_373 = arith.constant 16 : index
      %swap3A_374 = tpu.vector_load %arg10[%swap3A_372, %swap3A_373] {strides = array<i32>} : memref<112x128xf32, #tpu.memory_space<vmem>>, vector<1x16xf32>,
      %swap3A_375 = vector.shape_cast %swap3A_374 : vector<1x16xf32> to vector<16xf32>
      %swap3A_376 = vector.shape_cast %get3A_369 : vector<16xf32> to vector<1x16xf32>
      tpu.vector_store %arg10[%swap3A_372, %swap3A_373], %swap3A_376 {strides = array<i32>} : memref<112x128xf32, #tpu.memory_space<vmem>>, vector<1x16xf32>,
      %add3A_377 = arith.constant 2 : i32
      %add3A_378 = arith.addi %mul3A_247, %add3A_377 : i32
      %get3A_379 = arith.index_cast %add3A_378 : i32 to index
      %get3A_380 = arith.constant 32 : index
      %get3A_381 = tpu.vector_load %arg8[%get3A_379, %get3A_380] {strides = array<i32>} : memref<112x64xf32, #tpu.memory_space<vmem>>, vector<1x16xf32>,
      %get3A_382 = vector.shape_cast %get3A_381 : vector<1x16xf32> to vector<16xf32>
      %add3A_383 = arith.constant 2 : i32
      %add3A_384 = arith.addi %mul3A_247, %add3A_383 : i32
      %swap3A_385 = arith.index_cast %add3A_384 : i32 to index
      %swap3A_386 = arith.constant 32 : index
      %swap3A_387 = tpu.vector_load %arg10[%swap3A_385, %swap3A_386] {strides = array<i32>} : memref<112x128xf32, #tpu.memory_space<vmem>>, vector<1x16xf32>,
      %swap3A_388 = vector.shape_cast %swap3A_387 : vector<1x16xf32> to vector<16xf32>
      %swap3A_389 = vector.shape_cast %get3A_382 : vector<16xf32> to vector<1x16xf32>
      tpu.vector_store %arg10[%swap3A_385, %swap3A_386], %swap3A_389 {strides = array<i32>} : memref<112x128xf32, #tpu.memory_space<vmem>>, vector<1x16xf32>,
      %add3A_390 = arith.constant 2 : i32
      %add3A_391 = arith.addi %mul3A_247, %add3A_390 : i32
      %get3A_392 = arith.index_cast %add3A_391 : i32 to index
      %get3A_393 = arith.constant 48 : index
      %get3A_394 = tpu.vector_load %arg8[%get3A_392, %get3A_393] {strides = array<i32>} : memref<112x64xf32, #tpu.memory_space<vmem>>, vector<1x16xf32>,
      %get3A_395 = vector.shape_cast %get3A_394 : vector<1x16xf32> to vector<16xf32>
      %add3A_396 = arith.constant 2 : i32
      %add3A_397 = arith.addi %mul3A_247, %add3A_396 : i32
      %swap3A_398 = arith.index_cast %add3A_397 : i32 to index
      %swap3A_399 = arith.constant 48 : index
      %swap3A_400 = tpu.vector_load %arg10[%swap3A_398, %swap3A_399] {strides = array<i32>} : memref<112x128xf32, #tpu.memory_space<vmem>>, vector<1x16xf32>,
      %swap3A_401 = vector.shape_cast %swap3A_400 : vector<1x16xf32> to vector<16xf32>
      %swap3A_402 = vector.shape_cast %get3A_395 : vector<16xf32> to vector<1x16xf32>
      tpu.vector_store %arg10[%swap3A_398, %swap3A_399], %swap3A_402 {strides = array<i32>} : memref<112x128xf32, #tpu.memory_space<vmem>>, vector<1x16xf32>,
      %add3A_403 = arith.constant 3 : i32
      %add3A_404 = arith.addi %mul3A_247, %add3A_403 : i32
      %get3A_405 = arith.index_cast %add3A_404 : i32 to index
      %get3A_406 = arith.constant 0 : index
      %get3A_407 = tpu.vector_load %arg8[%get3A_405, %get3A_406] {strides = array<i32>} : memref<112x64xf32, #tpu.memory_space<vmem>>, vector<1x16xf32>,
      %get3A_408 = vector.shape_cast %get3A_407 : vector<1x16xf32> to vector<16xf32>
      %add3A_409 = arith.constant 3 : i32
      %add3A_410 = arith.addi %mul3A_247, %add3A_409 : i32
      %swap3A_411 = arith.index_cast %add3A_410 : i32 to index
      %swap3A_412 = arith.constant 0 : index
      %swap3A_413 = tpu.vector_load %arg10[%swap3A_411, %swap3A_412] {strides = array<i32>} : memref<112x128xf32, #tpu.memory_space<vmem>>, vector<1x16xf32>,
      %swap3A_414 = vector.shape_cast %swap3A_413 : vector<1x16xf32> to vector<16xf32>
      %swap3A_415 = vector.shape_cast %get3A_408 : vector<16xf32> to vector<1x16xf32>
      tpu.vector_store %arg10[%swap3A_411, %swap3A_412], %swap3A_415 {strides = array<i32>} : memref<112x128xf32, #tpu.memory_space<vmem>>, vector<1x16xf32>,
      %add3A_416 = arith.constant 3 : i32
      %add3A_417 = arith.addi %mul3A_247, %add3A_416 : i32
      %get3A_418 = arith.index_cast %add3A_417 : i32 to index
      %get3A_419 = arith.constant 16 : index
      %get3A_420 = tpu.vector_load %arg8[%get3A_418, %get3A_419] {strides = array<i32>} : memref<112x64xf32, #tpu.memory_space<vmem>>, vector<1x16xf32>,
      %get3A_421 = vector.shape_cast %get3A_420 : vector<1x16xf32> to vector<16xf32>
      %add3A_422 = arith.constant 3 : i32
      %add3A_423 = arith.addi %mul3A_247, %add3A_422 : i32
      %swap3A_424 = arith.index_cast %add3A_423 : i32 to index
      %swap3A_425 = arith.constant 16 : index
      %swap3A_426 = tpu.vector_load %arg10[%swap3A_424, %swap3A_425] {strides = array<i32>} : memref<112x128xf32, #tpu.memory_space<vmem>>, vector<1x16xf32>,
      %swap3A_427 = vector.shape_cast %swap3A_426 : vector<1x16xf32> to vector<16xf32>
      %swap3A_428 = vector.shape_cast %get3A_421 : vector<16xf32> to vector<1x16xf32>
      tpu.vector_store %arg10[%swap3A_424, %swap3A_425], %swap3A_428 {strides = array<i32>} : memref<112x128xf32, #tpu.memory_space<vmem>>, vector<1x16xf32>,
      %add3A_429 = arith.constant 3 : i32
      %add3A_430 = arith.addi %mul3A_247, %add3A_429 : i32
      %get3A_431 = arith.index_cast %add3A_430 : i32 to index
      %get3A_432 = arith.constant 32 : index
      %get3A_433 = tpu.vector_load %arg8[%get3A_431, %get3A_432] {strides = array<i32>} : memref<112x64xf32, #tpu.memory_space<vmem>>, vector<1x16xf32>,
      %get3A_434 = vector.shape_cast %get3A_433 : vector<1x16xf32> to vector<16xf32>
      %add3A_435 = arith.constant 3 : i32
      %add3A_436 = arith.addi %mul3A_247, %add3A_435 : i32
      %swap3A_437 = arith.index_cast %add3A_436 : i32 to index
      %swap3A_438 = arith.constant 32 : index
      %swap3A_439 = tpu.vector_load %arg10[%swap3A_437, %swap3A_438] {strides = array<i32>} : memref<112x128xf32, #tpu.memory_space<vmem>>, vector<1x16xf32>,
      %swap3A_440 = vector.shape_cast %swap3A_439 : vector<1x16xf32> to vector<16xf32>
      %swap3A_441 = vector.shape_cast %get3A_434 : vector<16xf32> to vector<1x16xf32>
      tpu.vector_store %arg10[%swap3A_437, %swap3A_438], %swap3A_441 {strides = array<i32>} : memref<112x128xf32, #tpu.memory_space<vmem>>, vector<1x16xf32>,
      %add3A_442 = arith.constant 3 : i32
      %add3A_443 = arith.addi %mul3A_247, %add3A_442 : i32
      %get3A_444 = arith.index_cast %add3A_443 : i32 to index
      %get3A_445 = arith.constant 48 : index
      %get3A_446 = tpu.vector_load %arg8[%get3A_444, %get3A_445] {strides = array<i32>} : memref<112x64xf32, #tpu.memory_space<vmem>>, vector<1x16xf32>,
      %get3A_447 = vector.shape_cast %get3A_446 : vector<1x16xf32> to vector<16xf32>
      %add3A_448 = arith.constant 3 : i32
      %add3A_449 = arith.addi %mul3A_247, %add3A_448 : i32
      %swap3A_450 = arith.index_cast %add3A_449 : i32 to index
      %swap3A_451 = arith.constant 48 : index
      %swap3A_452 = tpu.vector_load %arg10[%swap3A_450, %swap3A_451] {strides = array<i32>} : memref<112x128xf32, #tpu.memory_space<vmem>>, vector<1x16xf32>,
      %swap3A_453 = vector.shape_cast %swap3A_452 : vector<1x16xf32> to vector<16xf32>
      %swap3A_454 = vector.shape_cast %get3A_447 : vector<16xf32> to vector<1x16xf32>
      tpu.vector_store %arg10[%swap3A_450, %swap3A_451], %swap3A_454 {strides = array<i32>} : memref<112x128xf32, #tpu.memory_space<vmem>>, vector<1x16xf32>,
    }
    %scan3A_160 = arith.constant 20 : i32
    %mul3A_161 = arith.constant 130312 : i32
    %mul3A_162 = arith.muli %add3A_7, %mul3A_161 : i32
    %add3A_163 = arith.addi %mul3A_162, %mul3A_0 : i32
    %add3A_164 = arith.constant 8064 : i32
    %add3A_165 = arith.addi %add3A_163, %add3A_164 : i32
    "tpu.region"() ({
      %run_scoped3A = tpu.sem_alloc : memref<!tpu.dma_semaphore, #tpu.memory_space<semaphore_mem>>
      %dma_start3A_245 = arith.constant 0 : i32
      %dma_start3A_246 = arith.constant 0 : i32
      %dma_start3A_247 = tpu.memref_slice %arg10[%dma_start3A_245, %dma_start3A_246] : memref<112x128xf32, #tpu.memory_space<vmem>> -> memref<80x128xf32, #tpu.memory_space<vmem>>
      %dma_start3A_248 = arith.constant 0 : i32
      %dma_start3A_249 = tpu.memref_slice %arg6[%add3A_165, %dma_start3A_248] : memref<521248x128xf32, #tpu.memory_space<hbm>> -> memref<80x128xf32, #tpu.memory_space<hbm>>
      %dma_start3A_250 = arith.constant 0 : i32
      %dma_start3A_251 = tpu.memref_slice %arg6[%add3A_165, %dma_start3A_250] : memref<521248x128xf32, #tpu.memory_space<hbm>> -> memref<80x128xf32, #tpu.memory_space<hbm>>
      %dma_start3A_252 = arith.constant 0 : i32
      %dma_start3A_253 = arith.constant 0 : i32
      %dma_start3A_254 = tpu.memref_slice %arg10[%dma_start3A_252, %dma_start3A_253] : memref<112x128xf32, #tpu.memory_space<vmem>> -> memref<80x128xf32, #tpu.memory_space<vmem>>
      tpu.enqueue_dma source(%dma_start3A_254 : memref<80x128xf32, #tpu.memory_space<vmem>>) target(%dma_start3A_251 : memref<80x128xf32, #tpu.memory_space<hbm>>) target_semaphore(%run_scoped3A : memref<!tpu.dma_semaphore, #tpu.memory_space<semaphore_mem>>)
      %dma_wait3A_255 = arith.constant 0 : i32
      %dma_wait3A_256 = arith.constant 0 : i32
      %dma_wait3A_257 = tpu.memref_slice %arg10[%dma_wait3A_255, %dma_wait3A_256] : memref<112x128xf32, #tpu.memory_space<vmem>> -> memref<80x128xf32, #tpu.memory_space<vmem>>
      %dma_wait3A_258 = arith.constant 0 : i32
      %dma_wait3A_259 = tpu.memref_slice %arg6[%add3A_165, %dma_wait3A_258] : memref<521248x128xf32, #tpu.memory_space<hbm>> -> memref<80x128xf32, #tpu.memory_space<hbm>>
      %dma_wait3A_260 = arith.constant 0 : i32
      %dma_wait3A_261 = tpu.memref_slice %arg6[%add3A_165, %dma_wait3A_260] : memref<521248x128xf32, #tpu.memory_space<hbm>> -> memref<80x128xf32, #tpu.memory_space<hbm>>
      %dma_wait3A_262 = arith.constant 0 : i32
      %dma_wait3A_263 = arith.constant 0 : i32
      %dma_wait3A_264 = tpu.memref_slice %arg10[%dma_wait3A_262, %dma_wait3A_263] : memref<112x128xf32, #tpu.memory_space<vmem>> -> memref<80x128xf32, #tpu.memory_space<vmem>>
      tpu.wait_dma2 semaphore(%run_scoped3A : memref<!tpu.dma_semaphore, #tpu.memory_space<semaphore_mem>>) src(%dma_wait3A_264 : memref<80x128xf32, #tpu.memory_space<vmem>>) dst(%dma_wait3A_261 : memref<80x128xf32, #tpu.memory_space<hbm>>)
      tpu.yield
    }) : () -> ()
    %eq3A_166 = arith.constant 15 : i32
    %eq3A_167 = arith.cmpi eq, %arg1, %eq3A_166 : i32
    %convert_element_type3A_168 = arith.extui %eq3A_167 : i1 to i32
    %cond3A_169 = arith.constant 0 : i32
    %cond3A_170 = arith.cmpi ne, %convert_element_type3A_168, %cond3A_169 : i32
    scf.if %cond3A_170 {
      %mul3A_245 = arith.constant 130312 : i32
      %mul3A_246 = arith.muli %mul3A_6, %mul3A_245 : i32
      "tpu.region"() ({
        %run_scoped3A = tpu.sem_alloc : memref<!tpu.dma_semaphore, #tpu.memory_space<semaphore_mem>>
        %dma_start3A_376 = arith.constant 0 : i32
        %dma_start3A_377 = tpu.memref_slice %arg7[%dma_start3A_376] : memref<8144xi32, #tpu.memory_space<vmem>> -> memref<16xi32, #tpu.memory_space<vmem>>
        %dma_start3A_378 = arith.constant 130304 : i32
        %dma_start3A_379 = tpu.memref_slice %arg3[%dma_start3A_378] : memref<130320xi32, #tpu.memory_space<hbm>> -> memref<16xi32, #tpu.memory_space<hbm>>
        %dma_start3A_380 = arith.constant 0 : i32
        %dma_start3A_381 = tpu.memref_slice %arg7[%dma_start3A_380] : memref<8144xi32, #tpu.memory_space<vmem>> -> memref<16xi32, #tpu.memory_space<vmem>>
        %dma_start3A_382 = arith.constant 130304 : i32
        %dma_start3A_383 = tpu.memref_slice %arg3[%dma_start3A_382] : memref<130320xi32, #tpu.memory_space<hbm>> -> memref<16xi32, #tpu.memory_space<hbm>>
        tpu.enqueue_dma source(%dma_start3A_383 : memref<16xi32, #tpu.memory_space<hbm>>) target(%dma_start3A_381 : memref<16xi32, #tpu.memory_space<vmem>>) target_semaphore(%run_scoped3A : memref<!tpu.dma_semaphore, #tpu.memory_space<semaphore_mem>>)
        %dma_wait3A_384 = arith.constant 0 : i32
        %dma_wait3A_385 = tpu.memref_slice %arg7[%dma_wait3A_384] : memref<8144xi32, #tpu.memory_space<vmem>> -> memref<16xi32, #tpu.memory_space<vmem>>
        %dma_wait3A_386 = arith.constant 130304 : i32
        %dma_wait3A_387 = tpu.memref_slice %arg3[%dma_wait3A_386] : memref<130320xi32, #tpu.memory_space<hbm>> -> memref<16xi32, #tpu.memory_space<hbm>>
        %dma_wait3A_388 = arith.constant 0 : i32
        %dma_wait3A_389 = tpu.memref_slice %arg7[%dma_wait3A_388] : memref<8144xi32, #tpu.memory_space<vmem>> -> memref<16xi32, #tpu.memory_space<vmem>>
        %dma_wait3A_390 = arith.constant 130304 : i32
        %dma_wait3A_391 = tpu.memref_slice %arg3[%dma_wait3A_390] : memref<130320xi32, #tpu.memory_space<hbm>> -> memref<16xi32, #tpu.memory_space<hbm>>
        tpu.wait_dma2 semaphore(%run_scoped3A : memref<!tpu.dma_semaphore, #tpu.memory_space<semaphore_mem>>) src(%dma_wait3A_391 : memref<16xi32, #tpu.memory_space<hbm>>) dst(%dma_wait3A_389 : memref<16xi32, #tpu.memory_space<vmem>>)
        tpu.yield
      }) : () -> ()
      %add3A_247 = arith.constant 130304 : i32
      %add3A_248 = vector.broadcast %add3A_247 : i32 to vector<16xi32>
      %add3A_249 = arith.addi %add3A_248, %iota3A : vector<16xi32>
      %get3A_250 = arith.constant 0 : index
      %get3A_251 = tpu.vector_load %arg7[%get3A_250] {strides = array<i32>} : memref<8144xi32, #tpu.memory_space<vmem>>, vector<16xi32>,
      %get3A_252 = vector.shape_cast %get3A_251 : vector<16xi32> to vector<16xi32>
      %select_n3A = arith.select %ne3A_4, %get3A_252, %add3A_249 : vector<16xi1>, vector<16xi32>
      %add3A_253 = vector.broadcast %mul3A_246 : i32 to vector<16xi32>
      %add3A_254 = arith.addi %add3A_253, %select_n3A : vector<16xi32>
      %swap3A = arith.constant 0 : index
      %swap3A_255 = tpu.vector_load %arg7[%swap3A] {strides = array<i32>} : memref<8144xi32, #tpu.memory_space<vmem>>, vector<16xi32>,
      %swap3A_256 = vector.shape_cast %swap3A_255 : vector<16xi32> to vector<16xi32>
      %swap3A_257 = vector.shape_cast %add3A_254 : vector<16xi32> to vector<16xi32>
      tpu.vector_store %arg7[%swap3A], %swap3A_257 {strides = array<i32>} : memref<8144xi32, #tpu.memory_space<vmem>>, vector<16xi32>,
      %dma_start3A_258 = arith.constant 0 : i32
      %dma_start3A_259 = arith.constant 0 : i32
      %dma_start3A_260 = tpu.memref_slice %arg12[%dma_start3A_258, %dma_start3A_259] : memref<112x128xf32, #tpu.memory_space<vmem>> -> memref<1x128xf32, #tpu.memory_space<vmem>>
      %dma_start3A_261 = arith.constant 0 : i32
      %dma_start3A_262 = tpu.memref_slice %arg7[%dma_start3A_261] : memref<8144xi32, #tpu.memory_space<vmem>> -> memref<1xi32, #tpu.memory_space<vmem>>
      %dma_start3A_263 = arith.constant 0 : i32
      %dma_start3A_264 = arith.constant 0 : i32
      %dma_start3A_265 = tpu.memref_slice %arg6[%dma_start3A_263, %dma_start3A_264] : memref<521248x128xf32, #tpu.memory_space<hbm>> -> memref<521248x128xf32, #tpu.memory_space<hbm>>
      tpu.enqueue_indirect_dma source(%dma_start3A_265 : memref<521248x128xf32, #tpu.memory_space<hbm>>) target(%dma_start3A_260 : memref<1x128xf32, #tpu.memory_space<vmem>>) offsets(%dma_start3A_262 : memref<1xi32, #tpu.memory_space<vmem>>) semaphore(%arg19 : memref<!tpu.dma_semaphore, #tpu.memory_space<semaphore_mem>>)
      %dma_wait3A_266 = arith.constant 0 : i32
      %dma_wait3A_267 = arith.constant 0 : i32
      %dma_wait3A_268 = tpu.memref_slice %arg12[%dma_wait3A_266, %dma_wait3A_267] : memref<112x128xf32, #tpu.memory_space<vmem>> -> memref<1x128xf32, #tpu.memory_space<vmem>>
      %dma_wait3A_269 = arith.constant 0 : i32
      %dma_wait3A_270 = tpu.memref_slice %arg7[%dma_wait3A_269] : memref<8144xi32, #tpu.memory_space<vmem>> -> memref<1xi32, #tpu.memory_space<vmem>>
      %dma_wait3A_271 = arith.constant 0 : i32
      %dma_wait3A_272 = arith.constant 0 : i32
      %dma_wait3A_273 = tpu.memref_slice %arg6[%dma_wait3A_271, %dma_wait3A_272] : memref<521248x128xf32, #tpu.memory_space<hbm>> -> memref<521248x128xf32, #tpu.memory_space<hbm>>
      tpu.wait_indirect_dma semaphore(%arg19 : memref<!tpu.dma_semaphore, #tpu.memory_space<semaphore_mem>>) src(%dma_wait3A_273 : memref<521248x128xf32, #tpu.memory_space<hbm>>) dst(%dma_wait3A_268 : memref<1x128xf32, #tpu.memory_space<vmem>>)
      %scan3A_274 = arith.constant 0 : i32
      %scan3A_275 = arith.constant 0 : i32
      %scan3A_276 = arith.constant 0 : i32
      %scan3A_277 = arith.addi %scan3A_275, %scan3A_276 : i32
      %scan3A_278 = arith.constant 0 : i32
      %get3A_279 = arith.constant 0 : i32
      %get3A_280 = arith.index_cast %get3A_279 : i32 to index
      %get3A_281 = arith.constant 0 : index
      %get3A_282 = tpu.vector_load %arg12[%get3A_280, %get3A_281] {strides = array<i32>} : memref<112x128xf32, #tpu.memory_space<vmem>>, vector<1x16xf32>,
      %get3A_283 = vector.shape_cast %get3A_282 : vector<1x16xf32> to vector<16xf32>
      %swap3A_284 = arith.constant 0 : i32
      %swap3A_285 = arith.index_cast %swap3A_284 : i32 to index
      %swap3A_286 = arith.constant 0 : index
      %swap3A_287 = tpu.vector_load %arg14[%swap3A_285, %swap3A_286] {strides = array<i32>} : memref<112x64xf32, #tpu.memory_space<vmem>>, vector<1x16xf32>,
      %swap3A_288 = vector.shape_cast %swap3A_287 : vector<1x16xf32> to vector<16xf32>
      %swap3A_289 = vector.shape_cast %get3A_283 : vector<16xf32> to vector<1x16xf32>
      tpu.vector_store %arg14[%swap3A_285, %swap3A_286], %swap3A_289 {strides = array<i32>} : memref<112x64xf32, #tpu.memory_space<vmem>>, vector<1x16xf32>,
      %get3A_290 = arith.constant 0 : i32
      %get3A_291 = arith.index_cast %get3A_290 : i32 to index
      %get3A_292 = arith.constant 16 : index
      %get3A_293 = tpu.vector_load %arg12[%get3A_291, %get3A_292] {strides = array<i32>} : memref<112x128xf32, #tpu.memory_space<vmem>>, vector<1x16xf32>,
      %get3A_294 = vector.shape_cast %get3A_293 : vector<1x16xf32> to vector<16xf32>
      %swap3A_295 = arith.constant 0 : i32
      %swap3A_296 = arith.index_cast %swap3A_295 : i32 to index
      %swap3A_297 = arith.constant 16 : index
      %swap3A_298 = tpu.vector_load %arg14[%swap3A_296, %swap3A_297] {strides = array<i32>} : memref<112x64xf32, #tpu.memory_space<vmem>>, vector<1x16xf32>,
      %swap3A_299 = vector.shape_cast %swap3A_298 : vector<1x16xf32> to vector<16xf32>
      %swap3A_300 = vector.shape_cast %get3A_294 : vector<16xf32> to vector<1x16xf32>
      tpu.vector_store %arg14[%swap3A_296, %swap3A_297], %swap3A_300 {strides = array<i32>} : memref<112x64xf32, #tpu.memory_space<vmem>>, vector<1x16xf32>,
      %get3A_301 = arith.constant 0 : i32
      %get3A_302 = arith.index_cast %get3A_301 : i32 to index
      %get3A_303 = arith.constant 32 : index
      %get3A_304 = tpu.vector_load %arg12[%get3A_302, %get3A_303] {strides = array<i32>} : memref<112x128xf32, #tpu.memory_space<vmem>>, vector<1x16xf32>,
      %get3A_305 = vector.shape_cast %get3A_304 : vector<1x16xf32> to vector<16xf32>
      %swap3A_306 = arith.constant 0 : i32
      %swap3A_307 = arith.index_cast %swap3A_306 : i32 to index
      %swap3A_308 = arith.constant 32 : index
      %swap3A_309 = tpu.vector_load %arg14[%swap3A_307, %swap3A_308] {strides = array<i32>} : memref<112x64xf32, #tpu.memory_space<vmem>>, vector<1x16xf32>,
      %swap3A_310 = vector.shape_cast %swap3A_309 : vector<1x16xf32> to vector<16xf32>
      %swap3A_311 = vector.shape_cast %get3A_305 : vector<16xf32> to vector<1x16xf32>
      tpu.vector_store %arg14[%swap3A_307, %swap3A_308], %swap3A_311 {strides = array<i32>} : memref<112x64xf32, #tpu.memory_space<vmem>>, vector<1x16xf32>,
      %get3A_312 = arith.constant 0 : i32
      %get3A_313 = arith.index_cast %get3A_312 : i32 to index
      %get3A_314 = arith.constant 48 : index
      %get3A_315 = tpu.vector_load %arg12[%get3A_313, %get3A_314] {strides = array<i32>} : memref<112x128xf32, #tpu.memory_space<vmem>>, vector<1x16xf32>,
      %get3A_316 = vector.shape_cast %get3A_315 : vector<1x16xf32> to vector<16xf32>
      %swap3A_317 = arith.constant 0 : i32
      %swap3A_318 = arith.index_cast %swap3A_317 : i32 to index
      %swap3A_319 = arith.constant 48 : index
      %swap3A_320 = tpu.vector_load %arg14[%swap3A_318, %swap3A_319] {strides = array<i32>} : memref<112x64xf32, #tpu.memory_space<vmem>>, vector<1x16xf32>,
      %swap3A_321 = vector.shape_cast %swap3A_320 : vector<1x16xf32> to vector<16xf32>
      %swap3A_322 = vector.shape_cast %get3A_316 : vector<16xf32> to vector<1x16xf32>
      tpu.vector_store %arg14[%swap3A_318, %swap3A_319], %swap3A_322 {strides = array<i32>} : memref<112x64xf32, #tpu.memory_space<vmem>>, vector<1x16xf32>,
      "tpu.region"() ({
        %run_scoped3A = tpu.sem_alloc : memref<!tpu.dma_semaphore, #tpu.memory_space<semaphore_mem>>
        %dma_start3A_376 = arith.constant 0 : i32
        %dma_start3A_377 = arith.constant 0 : i32
        %dma_start3A_378 = tpu.memref_slice %arg14[%dma_start3A_376, %dma_start3A_377] : memref<112x64xf32, #tpu.memory_space<vmem>> -> memref<1x64xf32, #tpu.memory_space<vmem>>
        %dma_start3A_379 = arith.constant 130304 : i32
        %dma_start3A_380 = arith.constant 0 : i32
        %dma_start3A_381 = tpu.memref_slice %arg5[%mul3A_6, %dma_start3A_379, %dma_start3A_380] : memref<4x130305x64xf32, #tpu.memory_space<hbm>> -> memref<1x1x64xf32, #tpu.memory_space<hbm>>
        %dma_start3A_382 = tpu.memref_squeeze %dma_start3A_381 : memref<1x1x64xf32, #tpu.memory_space<hbm>> -> memref<1x64xf32, #tpu.memory_space<hbm>>
        %dma_start3A_383 = arith.constant 130304 : i32
        %dma_start3A_384 = arith.constant 0 : i32
        %dma_start3A_385 = tpu.memref_slice %arg5[%mul3A_6, %dma_start3A_383, %dma_start3A_384] : memref<4x130305x64xf32, #tpu.memory_space<hbm>> -> memref<1x1x64xf32, #tpu.memory_space<hbm>>
        %dma_start3A_386 = tpu.memref_squeeze %dma_start3A_385 : memref<1x1x64xf32, #tpu.memory_space<hbm>> -> memref<1x64xf32, #tpu.memory_space<hbm>>
        %dma_start3A_387 = arith.constant 0 : i32
        %dma_start3A_388 = arith.constant 0 : i32
        %dma_start3A_389 = tpu.memref_slice %arg14[%dma_start3A_387, %dma_start3A_388] : memref<112x64xf32, #tpu.memory_space<vmem>> -> memref<1x64xf32, #tpu.memory_space<vmem>>
        tpu.enqueue_dma source(%dma_start3A_389 : memref<1x64xf32, #tpu.memory_space<vmem>>) target(%dma_start3A_386 : memref<1x64xf32, #tpu.memory_space<hbm>>) target_semaphore(%run_scoped3A : memref<!tpu.dma_semaphore, #tpu.memory_space<semaphore_mem>>)
        %dma_wait3A_390 = arith.constant 0 : i32
        %dma_wait3A_391 = arith.constant 0 : i32
        %dma_wait3A_392 = tpu.memref_slice %arg14[%dma_wait3A_390, %dma_wait3A_391] : memref<112x64xf32, #tpu.memory_space<vmem>> -> memref<1x64xf32, #tpu.memory_space<vmem>>
        %dma_wait3A_393 = arith.constant 130304 : i32
        %dma_wait3A_394 = arith.constant 0 : i32
        %dma_wait3A_395 = tpu.memref_slice %arg5[%mul3A_6, %dma_wait3A_393, %dma_wait3A_394] : memref<4x130305x64xf32, #tpu.memory_space<hbm>> -> memref<1x1x64xf32, #tpu.memory_space<hbm>>
        %dma_wait3A_396 = tpu.memref_squeeze %dma_wait3A_395 : memref<1x1x64xf32, #tpu.memory_space<hbm>> -> memref<1x64xf32, #tpu.memory_space<hbm>>
        %dma_wait3A_397 = arith.constant 130304 : i32
        %dma_wait3A_398 = arith.constant 0 : i32
        %dma_wait3A_399 = tpu.memref_slice %arg5[%mul3A_6, %dma_wait3A_397, %dma_wait3A_398] : memref<4x130305x64xf32, #tpu.memory_space<hbm>> -> memref<1x1x64xf32, #tpu.memory_space<hbm>>
        %dma_wait3A_400 = tpu.memref_squeeze %dma_wait3A_399 : memref<1x1x64xf32, #tpu.memory_space<hbm>> -> memref<1x64xf32, #tpu.memory_space<hbm>>
        %dma_wait3A_401 = arith.constant 0 : i32
        %dma_wait3A_402 = arith.constant 0 : i32
        %dma_wait3A_403 = tpu.memref_slice %arg14[%dma_wait3A_401, %dma_wait3A_402] : memref<112x64xf32, #tpu.memory_space<vmem>> -> memref<1x64xf32, #tpu.memory_space<vmem>>
        tpu.wait_dma2 semaphore(%run_scoped3A : memref<!tpu.dma_semaphore, #tpu.memory_space<semaphore_mem>>) src(%dma_wait3A_403 : memref<1x64xf32, #tpu.memory_space<vmem>>) dst(%dma_wait3A_400 : memref<1x64xf32, #tpu.memory_space<hbm>>)
        tpu.yield
      }) : () -> ()
      "tpu.region"() ({
        %run_scoped3A = tpu.sem_alloc : memref<!tpu.dma_semaphore, #tpu.memory_space<semaphore_mem>>
        %dma_start3A_376 = arith.constant 0 : i32
        %dma_start3A_377 = arith.constant 0 : i32
        %dma_start3A_378 = tpu.memref_slice %arg8[%dma_start3A_376, %dma_start3A_377] : memref<112x64xf32, #tpu.memory_space<vmem>> -> memref<1x64xf32, #tpu.memory_space<vmem>>
        %dma_start3A_379 = arith.constant 130304 : i32
        %dma_start3A_380 = arith.constant 0 : i32
        %dma_start3A_381 = tpu.memref_slice %arg2[%add3A_7, %dma_start3A_379, %dma_start3A_380] : memref<4x130305x64xf32, #tpu.memory_space<hbm>> -> memref<1x1x64xf32, #tpu.memory_space<hbm>>
        %dma_start3A_382 = tpu.memref_squeeze %dma_start3A_381 : memref<1x1x64xf32, #tpu.memory_space<hbm>> -> memref<1x64xf32, #tpu.memory_space<hbm>>
        %dma_start3A_383 = arith.constant 0 : i32
        %dma_start3A_384 = arith.constant 0 : i32
        %dma_start3A_385 = tpu.memref_slice %arg8[%dma_start3A_383, %dma_start3A_384] : memref<112x64xf32, #tpu.memory_space<vmem>> -> memref<1x64xf32, #tpu.memory_space<vmem>>
        %dma_start3A_386 = arith.constant 130304 : i32
        %dma_start3A_387 = arith.constant 0 : i32
        %dma_start3A_388 = tpu.memref_slice %arg2[%add3A_7, %dma_start3A_386, %dma_start3A_387] : memref<4x130305x64xf32, #tpu.memory_space<hbm>> -> memref<1x1x64xf32, #tpu.memory_space<hbm>>
        %dma_start3A_389 = tpu.memref_squeeze %dma_start3A_388 : memref<1x1x64xf32, #tpu.memory_space<hbm>> -> memref<1x64xf32, #tpu.memory_space<hbm>>
        tpu.enqueue_dma source(%dma_start3A_389 : memref<1x64xf32, #tpu.memory_space<hbm>>) target(%dma_start3A_385 : memref<1x64xf32, #tpu.memory_space<vmem>>) target_semaphore(%run_scoped3A : memref<!tpu.dma_semaphore, #tpu.memory_space<semaphore_mem>>)
        %dma_wait3A_390 = arith.constant 0 : i32
        %dma_wait3A_391 = arith.constant 0 : i32
        %dma_wait3A_392 = tpu.memref_slice %arg8[%dma_wait3A_390, %dma_wait3A_391] : memref<112x64xf32, #tpu.memory_space<vmem>> -> memref<1x64xf32, #tpu.memory_space<vmem>>
        %dma_wait3A_393 = arith.constant 130304 : i32
        %dma_wait3A_394 = arith.constant 0 : i32
        %dma_wait3A_395 = tpu.memref_slice %arg2[%add3A_7, %dma_wait3A_393, %dma_wait3A_394] : memref<4x130305x64xf32, #tpu.memory_space<hbm>> -> memref<1x1x64xf32, #tpu.memory_space<hbm>>
        %dma_wait3A_396 = tpu.memref_squeeze %dma_wait3A_395 : memref<1x1x64xf32, #tpu.memory_space<hbm>> -> memref<1x64xf32, #tpu.memory_space<hbm>>
        %dma_wait3A_397 = arith.constant 0 : i32
        %dma_wait3A_398 = arith.constant 0 : i32
        %dma_wait3A_399 = tpu.memref_slice %arg8[%dma_wait3A_397, %dma_wait3A_398] : memref<112x64xf32, #tpu.memory_space<vmem>> -> memref<1x64xf32, #tpu.memory_space<vmem>>
        %dma_wait3A_400 = arith.constant 130304 : i32
        %dma_wait3A_401 = arith.constant 0 : i32
        %dma_wait3A_402 = tpu.memref_slice %arg2[%add3A_7, %dma_wait3A_400, %dma_wait3A_401] : memref<4x130305x64xf32, #tpu.memory_space<hbm>> -> memref<1x1x64xf32, #tpu.memory_space<hbm>>
        %dma_wait3A_403 = tpu.memref_squeeze %dma_wait3A_402 : memref<1x1x64xf32, #tpu.memory_space<hbm>> -> memref<1x64xf32, #tpu.memory_space<hbm>>
        tpu.wait_dma2 semaphore(%run_scoped3A : memref<!tpu.dma_semaphore, #tpu.memory_space<semaphore_mem>>) src(%dma_wait3A_403 : memref<1x64xf32, #tpu.memory_space<hbm>>) dst(%dma_wait3A_399 : memref<1x64xf32, #tpu.memory_space<vmem>>)
        tpu.yield
      }) : () -> ()
      %scan3A_323 = arith.constant 0 : i32
      %scan3A_324 = arith.constant 0 : i32
      %scan3A_325 = arith.constant 0 : i32
      %scan3A_326 = arith.addi %scan3A_324, %scan3A_325 : i32
      %scan3A_327 = arith.constant 0 : i32
      %get3A_328 = arith.constant 0 : i32
      %get3A_329 = arith.index_cast %get3A_328 : i32 to index
      %get3A_330 = arith.constant 0 : index
      %get3A_331 = tpu.vector_load %arg8[%get3A_329, %get3A_330] {strides = array<i32>} : memref<112x64xf32, #tpu.memory_space<vmem>>, vector<1x16xf32>,
      %get3A_332 = vector.shape_cast %get3A_331 : vector<1x16xf32> to vector<16xf32>
      %swap3A_333 = arith.constant 0 : i32
      %swap3A_334 = arith.index_cast %swap3A_333 : i32 to index
      %swap3A_335 = arith.constant 0 : index
      %swap3A_336 = tpu.vector_load %arg10[%swap3A_334, %swap3A_335] {strides = array<i32>} : memref<112x128xf32, #tpu.memory_space<vmem>>, vector<1x16xf32>,
      %swap3A_337 = vector.shape_cast %swap3A_336 : vector<1x16xf32> to vector<16xf32>
      %swap3A_338 = vector.shape_cast %get3A_332 : vector<16xf32> to vector<1x16xf32>
      tpu.vector_store %arg10[%swap3A_334, %swap3A_335], %swap3A_338 {strides = array<i32>} : memref<112x128xf32, #tpu.memory_space<vmem>>, vector<1x16xf32>,
      %get3A_339 = arith.constant 0 : i32
      %get3A_340 = arith.index_cast %get3A_339 : i32 to index
      %get3A_341 = arith.constant 16 : index
      %get3A_342 = tpu.vector_load %arg8[%get3A_340, %get3A_341] {strides = array<i32>} : memref<112x64xf32, #tpu.memory_space<vmem>>, vector<1x16xf32>,
      %get3A_343 = vector.shape_cast %get3A_342 : vector<1x16xf32> to vector<16xf32>
      %swap3A_344 = arith.constant 0 : i32
      %swap3A_345 = arith.index_cast %swap3A_344 : i32 to index
      %swap3A_346 = arith.constant 16 : index
      %swap3A_347 = tpu.vector_load %arg10[%swap3A_345, %swap3A_346] {strides = array<i32>} : memref<112x128xf32, #tpu.memory_space<vmem>>, vector<1x16xf32>,
      %swap3A_348 = vector.shape_cast %swap3A_347 : vector<1x16xf32> to vector<16xf32>
      %swap3A_349 = vector.shape_cast %get3A_343 : vector<16xf32> to vector<1x16xf32>
      tpu.vector_store %arg10[%swap3A_345, %swap3A_346], %swap3A_349 {strides = array<i32>} : memref<112x128xf32, #tpu.memory_space<vmem>>, vector<1x16xf32>,
      %get3A_350 = arith.constant 0 : i32
      %get3A_351 = arith.index_cast %get3A_350 : i32 to index
      %get3A_352 = arith.constant 32 : index
      %get3A_353 = tpu.vector_load %arg8[%get3A_351, %get3A_352] {strides = array<i32>} : memref<112x64xf32, #tpu.memory_space<vmem>>, vector<1x16xf32>,
      %get3A_354 = vector.shape_cast %get3A_353 : vector<1x16xf32> to vector<16xf32>
      %swap3A_355 = arith.constant 0 : i32
      %swap3A_356 = arith.index_cast %swap3A_355 : i32 to index
      %swap3A_357 = arith.constant 32 : index
      %swap3A_358 = tpu.vector_load %arg10[%swap3A_356, %swap3A_357] {strides = array<i32>} : memref<112x128xf32, #tpu.memory_space<vmem>>, vector<1x16xf32>,
      %swap3A_359 = vector.shape_cast %swap3A_358 : vector<1x16xf32> to vector<16xf32>
      %swap3A_360 = vector.shape_cast %get3A_354 : vector<16xf32> to vector<1x16xf32>
      tpu.vector_store %arg10[%swap3A_356, %swap3A_357], %swap3A_360 {strides = array<i32>} : memref<112x128xf32, #tpu.memory_space<vmem>>, vector<1x16xf32>,
      %get3A_361 = arith.constant 0 : i32
      %get3A_362 = arith.index_cast %get3A_361 : i32 to index
      %get3A_363 = arith.constant 48 : index
      %get3A_364 = tpu.vector_load %arg8[%get3A_362, %get3A_363] {strides = array<i32>} : memref<112x64xf32, #tpu.memory_space<vmem>>, vector<1x16xf32>,
      %get3A_365 = vector.shape_cast %get3A_364 : vector<1x16xf32> to vector<16xf32>
      %swap3A_366 = arith.constant 0 : i32
      %swap3A_367 = arith.index_cast %swap3A_366 : i32 to index
      %swap3A_368 = arith.constant 48 : index
      %swap3A_369 = tpu.vector_load %arg10[%swap3A_367, %swap3A_368] {strides = array<i32>} : memref<112x128xf32, #tpu.memory_space<vmem>>, vector<1x16xf32>,
      %swap3A_370 = vector.shape_cast %swap3A_369 : vector<1x16xf32> to vector<16xf32>
      %swap3A_371 = vector.shape_cast %get3A_365 : vector<16xf32> to vector<1x16xf32>
      tpu.vector_store %arg10[%swap3A_367, %swap3A_368], %swap3A_371 {strides = array<i32>} : memref<112x128xf32, #tpu.memory_space<vmem>>, vector<1x16xf32>,
      %mul3A_372 = arith.constant 130312 : i32
      %mul3A_373 = arith.muli %add3A_7, %mul3A_372 : i32
      %add3A_374 = arith.constant 130304 : i32
      %add3A_375 = arith.addi %mul3A_373, %add3A_374 : i32
      "tpu.region"() ({
        %run_scoped3A = tpu.sem_alloc : memref<!tpu.dma_semaphore, #tpu.memory_space<semaphore_mem>>
        %dma_start3A_376 = arith.constant 0 : i32
        %dma_start3A_377 = arith.constant 0 : i32
        %dma_start3A_378 = tpu.memref_slice %arg10[%dma_start3A_376, %dma_start3A_377] : memref<112x128xf32, #tpu.memory_space<vmem>> -> memref<1x128xf32, #tpu.memory_space<vmem>>
        %dma_start3A_379 = arith.constant 0 : i32
        %dma_start3A_380 = tpu.memref_slice %arg6[%add3A_375, %dma_start3A_379] : memref<521248x128xf32, #tpu.memory_space<hbm>> -> memref<1x128xf32, #tpu.memory_space<hbm>>
        %dma_start3A_381 = arith.constant 0 : i32
        %dma_start3A_382 = tpu.memref_slice %arg6[%add3A_375, %dma_start3A_381] : memref<521248x128xf32, #tpu.memory_space<hbm>> -> memref<1x128xf32, #tpu.memory_space<hbm>>
        %dma_start3A_383 = arith.constant 0 : i32
        %dma_start3A_384 = arith.constant 0 : i32
        %dma_start3A_385 = tpu.memref_slice %arg10[%dma_start3A_383, %dma_start3A_384] : memref<112x128xf32, #tpu.memory_space<vmem>> -> memref<1x128xf32, #tpu.memory_space<vmem>>
        tpu.enqueue_dma source(%dma_start3A_385 : memref<1x128xf32, #tpu.memory_space<vmem>>) target(%dma_start3A_382 : memref<1x128xf32, #tpu.memory_space<hbm>>) target_semaphore(%run_scoped3A : memref<!tpu.dma_semaphore, #tpu.memory_space<semaphore_mem>>)
        %dma_wait3A_386 = arith.constant 0 : i32
        %dma_wait3A_387 = arith.constant 0 : i32
        %dma_wait3A_388 = tpu.memref_slice %arg10[%dma_wait3A_386, %dma_wait3A_387] : memref<112x128xf32, #tpu.memory_space<vmem>> -> memref<1x128xf32, #tpu.memory_space<vmem>>
        %dma_wait3A_389 = arith.constant 0 : i32
        %dma_wait3A_390 = tpu.memref_slice %arg6[%add3A_375, %dma_wait3A_389] : memref<521248x128xf32, #tpu.memory_space<hbm>> -> memref<1x128xf32, #tpu.memory_space<hbm>>
        %dma_wait3A_391 = arith.constant 0 : i32
        %dma_wait3A_392 = tpu.memref_slice %arg6[%add3A_375, %dma_wait3A_391] : memref<521248x128xf32, #tpu.memory_space<hbm>> -> memref<1x128xf32, #tpu.memory_space<hbm>>
        %dma_wait3A_393 = arith.constant 0 : i32
        %dma_wait3A_394 = arith.constant 0 : i32
        %dma_wait3A_395 = tpu.memref_slice %arg10[%dma_wait3A_393, %dma_wait3A_394] : memref<112x128xf32, #tpu.memory_space<vmem>> -> memref<1x128xf32, #tpu.memory_space<vmem>>
        tpu.wait_dma2 semaphore(%run_scoped3A : memref<!tpu.dma_semaphore, #tpu.memory_space<semaphore_mem>>) src(%dma_wait3A_395 : memref<1x128xf32, #tpu.memory_space<vmem>>) dst(%dma_wait3A_392 : memref<1x128xf32, #tpu.memory_space<hbm>>)
        tpu.yield
      }) : () -> ()
    } else {
    }
    %barrier3A_171 = arith.constant 0 : index
    tpu.barrier barrier_id(%barrier3A_171)
    %mul3A_172 = arith.constant 130312 : i32
    %mul3A_173 = arith.muli %add3A_7, %mul3A_172 : i32
    "tpu.region"() ({
      %run_scoped3A = tpu.sem_alloc : memref<!tpu.dma_semaphore, #tpu.memory_space<semaphore_mem>>
      %dma_start3A_245 = tpu.memref_slice %arg3[%mul3A_0] : memref<130320xi32, #tpu.memory_space<hbm>> -> memref<8144xi32, #tpu.memory_space<hbm>>
      %dma_start3A_246 = tpu.memref_slice %arg3[%mul3A_0] : memref<130320xi32, #tpu.memory_space<hbm>> -> memref<8144xi32, #tpu.memory_space<hbm>>
      tpu.enqueue_dma source(%dma_start3A_246 : memref<8144xi32, #tpu.memory_space<hbm>>) target(%arg7 : memref<8144xi32, #tpu.memory_space<vmem>>) target_semaphore(%run_scoped3A : memref<!tpu.dma_semaphore, #tpu.memory_space<semaphore_mem>>)
      %dma_wait3A_247 = tpu.memref_slice %arg3[%mul3A_0] : memref<130320xi32, #tpu.memory_space<hbm>> -> memref<8144xi32, #tpu.memory_space<hbm>>
      %dma_wait3A_248 = tpu.memref_slice %arg3[%mul3A_0] : memref<130320xi32, #tpu.memory_space<hbm>> -> memref<8144xi32, #tpu.memory_space<hbm>>
      tpu.wait_dma2 semaphore(%run_scoped3A : memref<!tpu.dma_semaphore, #tpu.memory_space<semaphore_mem>>) src(%dma_wait3A_248 : memref<8144xi32, #tpu.memory_space<hbm>>) dst(%arg7 : memref<8144xi32, #tpu.memory_space<vmem>>)
      tpu.yield
    }) : () -> ()
    %scan3A_174 = arith.constant 0 : i32
    %scan3A_175 = arith.constant 0 : i32
    %scan3A_176 = arith.constant 509 : i32
    %scan3A_177 = arith.addi %scan3A_175, %scan3A_176 : i32
    %scan3A_178 = arith.constant 1 : i32
    scf.for %scan3A_245 = %scan3A_175 to %scan3A_177 step %scan3A_178  : i32 {
      %mul3A_246 = arith.constant 16 : i32
      %mul3A_247 = arith.muli %scan3A_245, %mul3A_246 : i32
      %multiple_of3A_248 = tpu.assume_multiple %mul3A_247, 16 : i32
      %add3A_249 = arith.addi %mul3A_0, %multiple_of3A_248 : i32
      %add3A_250 = vector.broadcast %add3A_249 : i32 to vector<16xi32>
      %add3A_251 = arith.addi %add3A_250, %iota3A : vector<16xi32>
      %get3A_252 = arith.index_cast %multiple_of3A_248 : i32 to index
      %get3A_253 = tpu.vector_load %arg7[%get3A_252] {strides = array<i32>} : memref<8144xi32, #tpu.memory_space<vmem>>, vector<16xi32>,
      %get3A_254 = vector.shape_cast %get3A_253 : vector<16xi32> to vector<16xi32>
      %select_n3A = arith.select %ne3A_4, %get3A_254, %add3A_251 : vector<16xi1>, vector<16xi32>
      %add3A_255 = vector.broadcast %mul3A_173 : i32 to vector<16xi32>
      %add3A_256 = arith.addi %add3A_255, %select_n3A : vector<16xi32>
      %swap3A = arith.index_cast %multiple_of3A_248 : i32 to index
      %swap3A_257 = tpu.vector_load %arg7[%swap3A] {strides = array<i32>} : memref<8144xi32, #tpu.memory_space<vmem>>, vector<16xi32>,
      %swap3A_258 = vector.shape_cast %swap3A_257 : vector<16xi32> to vector<16xi32>
      %swap3A_259 = vector.shape_cast %add3A_256 : vector<16xi32> to vector<16xi32>
      tpu.vector_store %arg7[%swap3A], %swap3A_259 {strides = array<i32>} : memref<8144xi32, #tpu.memory_space<vmem>>, vector<16xi32>,
    }
    %scan3A_179 = arith.constant 509 : i32
    %multiple_of3A_180 = arith.constant 0 : i32
    %multiple_of3A_181 = tpu.assume_multiple %multiple_of3A_180, 8 : i32
    %dma_start3A_182 = tpu.memref_slice %arg7[%multiple_of3A_181] : memref<8144xi32, #tpu.memory_space<vmem>> -> memref<112xi32, #tpu.memory_space<vmem>>
    %dma_start3A_183 = arith.constant 0 : i32
    %dma_start3A_184 = arith.constant 0 : i32
    %dma_start3A_185 = tpu.memref_slice %arg6[%dma_start3A_183, %dma_start3A_184] : memref<521248x128xf32, #tpu.memory_space<hbm>> -> memref<521248x128xf32, #tpu.memory_space<hbm>>
    tpu.enqueue_indirect_dma source(%dma_start3A_185 : memref<521248x128xf32, #tpu.memory_space<hbm>>) target(%arg12 : memref<112x128xf32, #tpu.memory_space<vmem>>) offsets(%dma_start3A_182 : memref<112xi32, #tpu.memory_space<vmem>>) semaphore(%arg19 : memref<!tpu.dma_semaphore, #tpu.memory_space<semaphore_mem>>)
    %multiple_of3A_186 = arith.constant 112 : i32
    %multiple_of3A_187 = tpu.assume_multiple %multiple_of3A_186, 8 : i32
    %dma_start3A_188 = tpu.memref_slice %arg7[%multiple_of3A_187] : memref<8144xi32, #tpu.memory_space<vmem>> -> memref<112xi32, #tpu.memory_space<vmem>>
    %dma_start3A_189 = arith.constant 0 : i32
    %dma_start3A_190 = arith.constant 0 : i32
    %dma_start3A_191 = tpu.memref_slice %arg6[%dma_start3A_189, %dma_start3A_190] : memref<521248x128xf32, #tpu.memory_space<hbm>> -> memref<521248x128xf32, #tpu.memory_space<hbm>>
    tpu.enqueue_indirect_dma source(%dma_start3A_191 : memref<521248x128xf32, #tpu.memory_space<hbm>>) target(%arg13 : memref<112x128xf32, #tpu.memory_space<vmem>>) offsets(%dma_start3A_188 : memref<112xi32, #tpu.memory_space<vmem>>) semaphore(%arg20 : memref<!tpu.dma_semaphore, #tpu.memory_space<semaphore_mem>>)
    %scan3A_192 = arith.constant 0 : i32
    %scan3A_193 = arith.constant 0 : i32
    %scan3A_194 = arith.constant 36 : i32
    %scan3A_195 = arith.addi %scan3A_193, %scan3A_194 : i32
    %scan3A_196 = arith.constant 1 : i32
    scf.for %scan3A_245 = %scan3A_193 to %scan3A_195 step %scan3A_196  : i32 {
      %mul3A_246 = arith.constant 2 : i32
      %mul3A_247 = arith.muli %mul3A_246, %scan3A_245 : i32
      %add3A_248 = arith.constant 0 : i32
      %add3A_249 = arith.addi %mul3A_247, %add3A_248 : i32
      %dma_wait3A_250 = arith.constant 0 : i32
      %dma_wait3A_251 = arith.constant 0 : i32
      %dma_wait3A_252 = tpu.memref_slice %arg6[%dma_wait3A_250, %dma_wait3A_251] : memref<521248x128xf32, #tpu.memory_space<hbm>> -> memref<112x128xf32, #tpu.memory_space<hbm>>
      %dma_wait3A_253 = arith.constant 0 : i32
      %dma_wait3A_254 = arith.constant 0 : i32
      %dma_wait3A_255 = tpu.memref_slice %arg6[%dma_wait3A_253, %dma_wait3A_254] : memref<521248x128xf32, #tpu.memory_space<hbm>> -> memref<112x128xf32, #tpu.memory_space<hbm>>
      tpu.wait_dma2 semaphore(%arg19 : memref<!tpu.dma_semaphore, #tpu.memory_space<semaphore_mem>>) src(%dma_wait3A_255 : memref<112x128xf32, #tpu.memory_space<hbm>>) dst(%arg12 : memref<112x128xf32, #tpu.memory_space<vmem>>)
      %gt3A = arith.constant 0 : i32
      %gt3A_256 = arith.cmpi sgt, %scan3A_245, %gt3A : i32
      %convert_element_type3A_257 = arith.extui %gt3A_256 : i1 to i32
      %cond3A_258 = arith.constant 0 : i32
      %cond3A_259 = arith.cmpi ne, %convert_element_type3A_257, %cond3A_258 : i32
      scf.if %cond3A_259 {
        %dma_wait3A_320 = arith.constant 0 : i32
        %dma_wait3A_321 = arith.constant 0 : i32
        %dma_wait3A_322 = arith.constant 0 : i32
        %dma_wait3A_323 = tpu.memref_slice %arg5[%dma_wait3A_320, %dma_wait3A_321, %dma_wait3A_322] : memref<4x130305x64xf32, #tpu.memory_space<hbm>> -> memref<1x112x64xf32, #tpu.memory_space<hbm>>
        %dma_wait3A_324 = tpu.memref_squeeze %dma_wait3A_323 : memref<1x112x64xf32, #tpu.memory_space<hbm>> -> memref<112x64xf32, #tpu.memory_space<hbm>>
        %dma_wait3A_325 = arith.constant 0 : i32
        %dma_wait3A_326 = arith.constant 0 : i32
        %dma_wait3A_327 = tpu.memref_slice %arg5[%dma_wait3A_320, %dma_wait3A_325, %dma_wait3A_326] : memref<4x130305x64xf32, #tpu.memory_space<hbm>> -> memref<1x112x64xf32, #tpu.memory_space<hbm>>
        %dma_wait3A_328 = tpu.memref_squeeze %dma_wait3A_327 : memref<1x112x64xf32, #tpu.memory_space<hbm>> -> memref<112x64xf32, #tpu.memory_space<hbm>>
        tpu.wait_dma2 semaphore(%arg23 : memref<!tpu.dma_semaphore, #tpu.memory_space<semaphore_mem>>) src(%arg14 : memref<112x64xf32, #tpu.memory_space<vmem>>) dst(%dma_wait3A_328 : memref<112x64xf32, #tpu.memory_space<hbm>>)
      } else {
      }
      %scan3A_260 = arith.constant 0 : i32
      %scan3A_261 = arith.constant 0 : i32
      %scan3A_262 = arith.constant 28 : i32
      %scan3A_263 = arith.addi %scan3A_261, %scan3A_262 : i32
      %scan3A_264 = arith.constant 1 : i32
      scf.for %scan3A_320 = %scan3A_261 to %scan3A_263 step %scan3A_264  : i32 {
        %mul3A_321 = arith.constant 4 : i32
        %mul3A_322 = arith.muli %scan3A_320, %mul3A_321 : i32
        %add3A_323 = arith.constant 0 : i32
        %add3A_324 = arith.addi %mul3A_322, %add3A_323 : i32
        %get3A_325 = arith.index_cast %add3A_324 : i32 to index
        %get3A_326 = arith.constant 0 : index
        %get3A_327 = tpu.vector_load %arg12[%get3A_325, %get3A_326] {strides = array<i32>} : memref<112x128xf32, #tpu.memory_space<vmem>>, vector<1x16xf32>,
        %get3A_328 = vector.shape_cast %get3A_327 : vector<1x16xf32> to vector<16xf32>
        %add3A_329 = arith.constant 0 : i32
        %add3A_330 = arith.addi %mul3A_322, %add3A_329 : i32
        %swap3A = arith.index_cast %add3A_330 : i32 to index
        %swap3A_331 = arith.constant 0 : index
        %swap3A_332 = tpu.vector_load %arg14[%swap3A, %swap3A_331] {strides = array<i32>} : memref<112x64xf32, #tpu.memory_space<vmem>>, vector<1x16xf32>,
        %swap3A_333 = vector.shape_cast %swap3A_332 : vector<1x16xf32> to vector<16xf32>
        %swap3A_334 = vector.shape_cast %get3A_328 : vector<16xf32> to vector<1x16xf32>
        tpu.vector_store %arg14[%swap3A, %swap3A_331], %swap3A_334 {strides = array<i32>} : memref<112x64xf32, #tpu.memory_space<vmem>>, vector<1x16xf32>,
        %add3A_335 = arith.constant 0 : i32
        %add3A_336 = arith.addi %mul3A_322, %add3A_335 : i32
        %get3A_337 = arith.index_cast %add3A_336 : i32 to index
        %get3A_338 = arith.constant 16 : index
        %get3A_339 = tpu.vector_load %arg12[%get3A_337, %get3A_338] {strides = array<i32>} : memref<112x128xf32, #tpu.memory_space<vmem>>, vector<1x16xf32>,
        %get3A_340 = vector.shape_cast %get3A_339 : vector<1x16xf32> to vector<16xf32>
        %add3A_341 = arith.constant 0 : i32
        %add3A_342 = arith.addi %mul3A_322, %add3A_341 : i32
        %swap3A_343 = arith.index_cast %add3A_342 : i32 to index
        %swap3A_344 = arith.constant 16 : index
        %swap3A_345 = tpu.vector_load %arg14[%swap3A_343, %swap3A_344] {strides = array<i32>} : memref<112x64xf32, #tpu.memory_space<vmem>>, vector<1x16xf32>,
        %swap3A_346 = vector.shape_cast %swap3A_345 : vector<1x16xf32> to vector<16xf32>
        %swap3A_347 = vector.shape_cast %get3A_340 : vector<16xf32> to vector<1x16xf32>
        tpu.vector_store %arg14[%swap3A_343, %swap3A_344], %swap3A_347 {strides = array<i32>} : memref<112x64xf32, #tpu.memory_space<vmem>>, vector<1x16xf32>,
        %add3A_348 = arith.constant 0 : i32
        %add3A_349 = arith.addi %mul3A_322, %add3A_348 : i32
        %get3A_350 = arith.index_cast %add3A_349 : i32 to index
        %get3A_351 = arith.constant 32 : index
        %get3A_352 = tpu.vector_load %arg12[%get3A_350, %get3A_351] {strides = array<i32>} : memref<112x128xf32, #tpu.memory_space<vmem>>, vector<1x16xf32>,
        %get3A_353 = vector.shape_cast %get3A_352 : vector<1x16xf32> to vector<16xf32>
        %add3A_354 = arith.constant 0 : i32
        %add3A_355 = arith.addi %mul3A_322, %add3A_354 : i32
        %swap3A_356 = arith.index_cast %add3A_355 : i32 to index
        %swap3A_357 = arith.constant 32 : index
        %swap3A_358 = tpu.vector_load %arg14[%swap3A_356, %swap3A_357] {strides = array<i32>} : memref<112x64xf32, #tpu.memory_space<vmem>>, vector<1x16xf32>,
        %swap3A_359 = vector.shape_cast %swap3A_358 : vector<1x16xf32> to vector<16xf32>
        %swap3A_360 = vector.shape_cast %get3A_353 : vector<16xf32> to vector<1x16xf32>
        tpu.vector_store %arg14[%swap3A_356, %swap3A_357], %swap3A_360 {strides = array<i32>} : memref<112x64xf32, #tpu.memory_space<vmem>>, vector<1x16xf32>,
        %add3A_361 = arith.constant 0 : i32
        %add3A_362 = arith.addi %mul3A_322, %add3A_361 : i32
        %get3A_363 = arith.index_cast %add3A_362 : i32 to index
        %get3A_364 = arith.constant 48 : index
        %get3A_365 = tpu.vector_load %arg12[%get3A_363, %get3A_364] {strides = array<i32>} : memref<112x128xf32, #tpu.memory_space<vmem>>, vector<1x16xf32>,
        %get3A_366 = vector.shape_cast %get3A_365 : vector<1x16xf32> to vector<16xf32>
        %add3A_367 = arith.constant 0 : i32
        %add3A_368 = arith.addi %mul3A_322, %add3A_367 : i32
        %swap3A_369 = arith.index_cast %add3A_368 : i32 to index
        %swap3A_370 = arith.constant 48 : index
        %swap3A_371 = tpu.vector_load %arg14[%swap3A_369, %swap3A_370] {strides = array<i32>} : memref<112x64xf32, #tpu.memory_space<vmem>>, vector<1x16xf32>,
        %swap3A_372 = vector.shape_cast %swap3A_371 : vector<1x16xf32> to vector<16xf32>
        %swap3A_373 = vector.shape_cast %get3A_366 : vector<16xf32> to vector<1x16xf32>
        tpu.vector_store %arg14[%swap3A_369, %swap3A_370], %swap3A_373 {strides = array<i32>} : memref<112x64xf32, #tpu.memory_space<vmem>>, vector<1x16xf32>,
        %add3A_374 = arith.constant 1 : i32
        %add3A_375 = arith.addi %mul3A_322, %add3A_374 : i32
        %get3A_376 = arith.index_cast %add3A_375 : i32 to index
        %get3A_377 = arith.constant 0 : index
        %get3A_378 = tpu.vector_load %arg12[%get3A_376, %get3A_377] {strides = array<i32>} : memref<112x128xf32, #tpu.memory_space<vmem>>, vector<1x16xf32>,
        %get3A_379 = vector.shape_cast %get3A_378 : vector<1x16xf32> to vector<16xf32>
        %add3A_380 = arith.constant 1 : i32
        %add3A_381 = arith.addi %mul3A_322, %add3A_380 : i32
        %swap3A_382 = arith.index_cast %add3A_381 : i32 to index
        %swap3A_383 = arith.constant 0 : index
        %swap3A_384 = tpu.vector_load %arg14[%swap3A_382, %swap3A_383] {strides = array<i32>} : memref<112x64xf32, #tpu.memory_space<vmem>>, vector<1x16xf32>,
        %swap3A_385 = vector.shape_cast %swap3A_384 : vector<1x16xf32> to vector<16xf32>
        %swap3A_386 = vector.shape_cast %get3A_379 : vector<16xf32> to vector<1x16xf32>
        tpu.vector_store %arg14[%swap3A_382, %swap3A_383], %swap3A_386 {strides = array<i32>} : memref<112x64xf32, #tpu.memory_space<vmem>>, vector<1x16xf32>,
        %add3A_387 = arith.constant 1 : i32
        %add3A_388 = arith.addi %mul3A_322, %add3A_387 : i32
        %get3A_389 = arith.index_cast %add3A_388 : i32 to index
        %get3A_390 = arith.constant 16 : index
        %get3A_391 = tpu.vector_load %arg12[%get3A_389, %get3A_390] {strides = array<i32>} : memref<112x128xf32, #tpu.memory_space<vmem>>, vector<1x16xf32>,
        %get3A_392 = vector.shape_cast %get3A_391 : vector<1x16xf32> to vector<16xf32>
        %add3A_393 = arith.constant 1 : i32
        %add3A_394 = arith.addi %mul3A_322, %add3A_393 : i32
        %swap3A_395 = arith.index_cast %add3A_394 : i32 to index
        %swap3A_396 = arith.constant 16 : index
        %swap3A_397 = tpu.vector_load %arg14[%swap3A_395, %swap3A_396] {strides = array<i32>} : memref<112x64xf32, #tpu.memory_space<vmem>>, vector<1x16xf32>,
        %swap3A_398 = vector.shape_cast %swap3A_397 : vector<1x16xf32> to vector<16xf32>
        %swap3A_399 = vector.shape_cast %get3A_392 : vector<16xf32> to vector<1x16xf32>
        tpu.vector_store %arg14[%swap3A_395, %swap3A_396], %swap3A_399 {strides = array<i32>} : memref<112x64xf32, #tpu.memory_space<vmem>>, vector<1x16xf32>,
        %add3A_400 = arith.constant 1 : i32
        %add3A_401 = arith.addi %mul3A_322, %add3A_400 : i32
        %get3A_402 = arith.index_cast %add3A_401 : i32 to index
        %get3A_403 = arith.constant 32 : index
        %get3A_404 = tpu.vector_load %arg12[%get3A_402, %get3A_403] {strides = array<i32>} : memref<112x128xf32, #tpu.memory_space<vmem>>, vector<1x16xf32>,
        %get3A_405 = vector.shape_cast %get3A_404 : vector<1x16xf32> to vector<16xf32>
        %add3A_406 = arith.constant 1 : i32
        %add3A_407 = arith.addi %mul3A_322, %add3A_406 : i32
        %swap3A_408 = arith.index_cast %add3A_407 : i32 to index
        %swap3A_409 = arith.constant 32 : index
        %swap3A_410 = tpu.vector_load %arg14[%swap3A_408, %swap3A_409] {strides = array<i32>} : memref<112x64xf32, #tpu.memory_space<vmem>>, vector<1x16xf32>,
        %swap3A_411 = vector.shape_cast %swap3A_410 : vector<1x16xf32> to vector<16xf32>
        %swap3A_412 = vector.shape_cast %get3A_405 : vector<16xf32> to vector<1x16xf32>
        tpu.vector_store %arg14[%swap3A_408, %swap3A_409], %swap3A_412 {strides = array<i32>} : memref<112x64xf32, #tpu.memory_space<vmem>>, vector<1x16xf32>,
        %add3A_413 = arith.constant 1 : i32
        %add3A_414 = arith.addi %mul3A_322, %add3A_413 : i32
        %get3A_415 = arith.index_cast %add3A_414 : i32 to index
        %get3A_416 = arith.constant 48 : index
        %get3A_417 = tpu.vector_load %arg12[%get3A_415, %get3A_416] {strides = array<i32>} : memref<112x128xf32, #tpu.memory_space<vmem>>, vector<1x16xf32>,
        %get3A_418 = vector.shape_cast %get3A_417 : vector<1x16xf32> to vector<16xf32>
        %add3A_419 = arith.constant 1 : i32
        %add3A_420 = arith.addi %mul3A_322, %add3A_419 : i32
        %swap3A_421 = arith.index_cast %add3A_420 : i32 to index
        %swap3A_422 = arith.constant 48 : index
        %swap3A_423 = tpu.vector_load %arg14[%swap3A_421, %swap3A_422] {strides = array<i32>} : memref<112x64xf32, #tpu.memory_space<vmem>>, vector<1x16xf32>,
        %swap3A_424 = vector.shape_cast %swap3A_423 : vector<1x16xf32> to vector<16xf32>
        %swap3A_425 = vector.shape_cast %get3A_418 : vector<16xf32> to vector<1x16xf32>
        tpu.vector_store %arg14[%swap3A_421, %swap3A_422], %swap3A_425 {strides = array<i32>} : memref<112x64xf32, #tpu.memory_space<vmem>>, vector<1x16xf32>,
        %add3A_426 = arith.constant 2 : i32
        %add3A_427 = arith.addi %mul3A_322, %add3A_426 : i32
        %get3A_428 = arith.index_cast %add3A_427 : i32 to index
        %get3A_429 = arith.constant 0 : index
        %get3A_430 = tpu.vector_load %arg12[%get3A_428, %get3A_429] {strides = array<i32>} : memref<112x128xf32, #tpu.memory_space<vmem>>, vector<1x16xf32>,
        %get3A_431 = vector.shape_cast %get3A_430 : vector<1x16xf32> to vector<16xf32>
        %add3A_432 = arith.constant 2 : i32
        %add3A_433 = arith.addi %mul3A_322, %add3A_432 : i32
        %swap3A_434 = arith.index_cast %add3A_433 : i32 to index
        %swap3A_435 = arith.constant 0 : index
        %swap3A_436 = tpu.vector_load %arg14[%swap3A_434, %swap3A_435] {strides = array<i32>} : memref<112x64xf32, #tpu.memory_space<vmem>>, vector<1x16xf32>,
        %swap3A_437 = vector.shape_cast %swap3A_436 : vector<1x16xf32> to vector<16xf32>
        %swap3A_438 = vector.shape_cast %get3A_431 : vector<16xf32> to vector<1x16xf32>
        tpu.vector_store %arg14[%swap3A_434, %swap3A_435], %swap3A_438 {strides = array<i32>} : memref<112x64xf32, #tpu.memory_space<vmem>>, vector<1x16xf32>,
        %add3A_439 = arith.constant 2 : i32
        %add3A_440 = arith.addi %mul3A_322, %add3A_439 : i32
        %get3A_441 = arith.index_cast %add3A_440 : i32 to index
        %get3A_442 = arith.constant 16 : index
        %get3A_443 = tpu.vector_load %arg12[%get3A_441, %get3A_442] {strides = array<i32>} : memref<112x128xf32, #tpu.memory_space<vmem>>, vector<1x16xf32>,
        %get3A_444 = vector.shape_cast %get3A_443 : vector<1x16xf32> to vector<16xf32>
        %add3A_445 = arith.constant 2 : i32
        %add3A_446 = arith.addi %mul3A_322, %add3A_445 : i32
        %swap3A_447 = arith.index_cast %add3A_446 : i32 to index
        %swap3A_448 = arith.constant 16 : index
        %swap3A_449 = tpu.vector_load %arg14[%swap3A_447, %swap3A_448] {strides = array<i32>} : memref<112x64xf32, #tpu.memory_space<vmem>>, vector<1x16xf32>,
        %swap3A_450 = vector.shape_cast %swap3A_449 : vector<1x16xf32> to vector<16xf32>
        %swap3A_451 = vector.shape_cast %get3A_444 : vector<16xf32> to vector<1x16xf32>
        tpu.vector_store %arg14[%swap3A_447, %swap3A_448], %swap3A_451 {strides = array<i32>} : memref<112x64xf32, #tpu.memory_space<vmem>>, vector<1x16xf32>,
        %add3A_452 = arith.constant 2 : i32
        %add3A_453 = arith.addi %mul3A_322, %add3A_452 : i32
        %get3A_454 = arith.index_cast %add3A_453 : i32 to index
        %get3A_455 = arith.constant 32 : index
        %get3A_456 = tpu.vector_load %arg12[%get3A_454, %get3A_455] {strides = array<i32>} : memref<112x128xf32, #tpu.memory_space<vmem>>, vector<1x16xf32>,
        %get3A_457 = vector.shape_cast %get3A_456 : vector<1x16xf32> to vector<16xf32>
        %add3A_458 = arith.constant 2 : i32
        %add3A_459 = arith.addi %mul3A_322, %add3A_458 : i32
        %swap3A_460 = arith.index_cast %add3A_459 : i32 to index
        %swap3A_461 = arith.constant 32 : index
        %swap3A_462 = tpu.vector_load %arg14[%swap3A_460, %swap3A_461] {strides = array<i32>} : memref<112x64xf32, #tpu.memory_space<vmem>>, vector<1x16xf32>,
        %swap3A_463 = vector.shape_cast %swap3A_462 : vector<1x16xf32> to vector<16xf32>
        %swap3A_464 = vector.shape_cast %get3A_457 : vector<16xf32> to vector<1x16xf32>
        tpu.vector_store %arg14[%swap3A_460, %swap3A_461], %swap3A_464 {strides = array<i32>} : memref<112x64xf32, #tpu.memory_space<vmem>>, vector<1x16xf32>,
        %add3A_465 = arith.constant 2 : i32
        %add3A_466 = arith.addi %mul3A_322, %add3A_465 : i32
        %get3A_467 = arith.index_cast %add3A_466 : i32 to index
        %get3A_468 = arith.constant 48 : index
        %get3A_469 = tpu.vector_load %arg12[%get3A_467, %get3A_468] {strides = array<i32>} : memref<112x128xf32, #tpu.memory_space<vmem>>, vector<1x16xf32>,
        %get3A_470 = vector.shape_cast %get3A_469 : vector<1x16xf32> to vector<16xf32>
        %add3A_471 = arith.constant 2 : i32
        %add3A_472 = arith.addi %mul3A_322, %add3A_471 : i32
        %swap3A_473 = arith.index_cast %add3A_472 : i32 to index
        %swap3A_474 = arith.constant 48 : index
        %swap3A_475 = tpu.vector_load %arg14[%swap3A_473, %swap3A_474] {strides = array<i32>} : memref<112x64xf32, #tpu.memory_space<vmem>>, vector<1x16xf32>,
        %swap3A_476 = vector.shape_cast %swap3A_475 : vector<1x16xf32> to vector<16xf32>
        %swap3A_477 = vector.shape_cast %get3A_470 : vector<16xf32> to vector<1x16xf32>
        tpu.vector_store %arg14[%swap3A_473, %swap3A_474], %swap3A_477 {strides = array<i32>} : memref<112x64xf32, #tpu.memory_space<vmem>>, vector<1x16xf32>,
        %add3A_478 = arith.constant 3 : i32
        %add3A_479 = arith.addi %mul3A_322, %add3A_478 : i32
        %get3A_480 = arith.index_cast %add3A_479 : i32 to index
        %get3A_481 = arith.constant 0 : index
        %get3A_482 = tpu.vector_load %arg12[%get3A_480, %get3A_481] {strides = array<i32>} : memref<112x128xf32, #tpu.memory_space<vmem>>, vector<1x16xf32>,
        %get3A_483 = vector.shape_cast %get3A_482 : vector<1x16xf32> to vector<16xf32>
        %add3A_484 = arith.constant 3 : i32
        %add3A_485 = arith.addi %mul3A_322, %add3A_484 : i32
        %swap3A_486 = arith.index_cast %add3A_485 : i32 to index
        %swap3A_487 = arith.constant 0 : index
        %swap3A_488 = tpu.vector_load %arg14[%swap3A_486, %swap3A_487] {strides = array<i32>} : memref<112x64xf32, #tpu.memory_space<vmem>>, vector<1x16xf32>,
        %swap3A_489 = vector.shape_cast %swap3A_488 : vector<1x16xf32> to vector<16xf32>
        %swap3A_490 = vector.shape_cast %get3A_483 : vector<16xf32> to vector<1x16xf32>
        tpu.vector_store %arg14[%swap3A_486, %swap3A_487], %swap3A_490 {strides = array<i32>} : memref<112x64xf32, #tpu.memory_space<vmem>>, vector<1x16xf32>,
        %add3A_491 = arith.constant 3 : i32
        %add3A_492 = arith.addi %mul3A_322, %add3A_491 : i32
        %get3A_493 = arith.index_cast %add3A_492 : i32 to index
        %get3A_494 = arith.constant 16 : index
        %get3A_495 = tpu.vector_load %arg12[%get3A_493, %get3A_494] {strides = array<i32>} : memref<112x128xf32, #tpu.memory_space<vmem>>, vector<1x16xf32>,
        %get3A_496 = vector.shape_cast %get3A_495 : vector<1x16xf32> to vector<16xf32>
        %add3A_497 = arith.constant 3 : i32
        %add3A_498 = arith.addi %mul3A_322, %add3A_497 : i32
        %swap3A_499 = arith.index_cast %add3A_498 : i32 to index
        %swap3A_500 = arith.constant 16 : index
        %swap3A_501 = tpu.vector_load %arg14[%swap3A_499, %swap3A_500] {strides = array<i32>} : memref<112x64xf32, #tpu.memory_space<vmem>>, vector<1x16xf32>,
        %swap3A_502 = vector.shape_cast %swap3A_501 : vector<1x16xf32> to vector<16xf32>
        %swap3A_503 = vector.shape_cast %get3A_496 : vector<16xf32> to vector<1x16xf32>
        tpu.vector_store %arg14[%swap3A_499, %swap3A_500], %swap3A_503 {strides = array<i32>} : memref<112x64xf32, #tpu.memory_space<vmem>>, vector<1x16xf32>,
        %add3A_504 = arith.constant 3 : i32
        %add3A_505 = arith.addi %mul3A_322, %add3A_504 : i32
        %get3A_506 = arith.index_cast %add3A_505 : i32 to index
        %get3A_507 = arith.constant 32 : index
        %get3A_508 = tpu.vector_load %arg12[%get3A_506, %get3A_507] {strides = array<i32>} : memref<112x128xf32, #tpu.memory_space<vmem>>, vector<1x16xf32>,
        %get3A_509 = vector.shape_cast %get3A_508 : vector<1x16xf32> to vector<16xf32>
        %add3A_510 = arith.constant 3 : i32
        %add3A_511 = arith.addi %mul3A_322, %add3A_510 : i32
        %swap3A_512 = arith.index_cast %add3A_511 : i32 to index
        %swap3A_513 = arith.constant 32 : index
        %swap3A_514 = tpu.vector_load %arg14[%swap3A_512, %swap3A_513] {strides = array<i32>} : memref<112x64xf32, #tpu.memory_space<vmem>>, vector<1x16xf32>,
        %swap3A_515 = vector.shape_cast %swap3A_514 : vector<1x16xf32> to vector<16xf32>
        %swap3A_516 = vector.shape_cast %get3A_509 : vector<16xf32> to vector<1x16xf32>
        tpu.vector_store %arg14[%swap3A_512, %swap3A_513], %swap3A_516 {strides = array<i32>} : memref<112x64xf32, #tpu.memory_space<vmem>>, vector<1x16xf32>,
        %add3A_517 = arith.constant 3 : i32
        %add3A_518 = arith.addi %mul3A_322, %add3A_517 : i32
        %get3A_519 = arith.index_cast %add3A_518 : i32 to index
        %get3A_520 = arith.constant 48 : index
        %get3A_521 = tpu.vector_load %arg12[%get3A_519, %get3A_520] {strides = array<i32>} : memref<112x128xf32, #tpu.memory_space<vmem>>, vector<1x16xf32>,
        %get3A_522 = vector.shape_cast %get3A_521 : vector<1x16xf32> to vector<16xf32>
        %add3A_523 = arith.constant 3 : i32
        %add3A_524 = arith.addi %mul3A_322, %add3A_523 : i32
        %swap3A_525 = arith.index_cast %add3A_524 : i32 to index
        %swap3A_526 = arith.constant 48 : index
        %swap3A_527 = tpu.vector_load %arg14[%swap3A_525, %swap3A_526] {strides = array<i32>} : memref<112x64xf32, #tpu.memory_space<vmem>>, vector<1x16xf32>,
        %swap3A_528 = vector.shape_cast %swap3A_527 : vector<1x16xf32> to vector<16xf32>
        %swap3A_529 = vector.shape_cast %get3A_522 : vector<16xf32> to vector<1x16xf32>
        tpu.vector_store %arg14[%swap3A_525, %swap3A_526], %swap3A_529 {strides = array<i32>} : memref<112x64xf32, #tpu.memory_space<vmem>>, vector<1x16xf32>,
      }
      %scan3A_265 = arith.constant 28 : i32
      %mul3A_266 = arith.constant 112 : i32
      %mul3A_267 = arith.muli %add3A_249, %mul3A_266 : i32
      %add3A_268 = arith.addi %mul3A_0, %mul3A_267 : i32
      %multiple_of3A_269 = tpu.assume_multiple %add3A_268, 8 : i32
      %dma_start3A_270 = arith.constant 0 : i32
      %dma_start3A_271 = tpu.memref_slice %arg5[%add3A_7, %multiple_of3A_269, %dma_start3A_270] : memref<4x130305x64xf32, #tpu.memory_space<hbm>> -> memref<1x112x64xf32, #tpu.memory_space<hbm>>
      %dma_start3A_272 = tpu.memref_squeeze %dma_start3A_271 : memref<1x112x64xf32, #tpu.memory_space<hbm>> -> memref<112x64xf32, #tpu.memory_space<hbm>>
      %dma_start3A_273 = arith.constant 0 : i32
      %dma_start3A_274 = tpu.memref_slice %arg5[%add3A_7, %multiple_of3A_269, %dma_start3A_273] : memref<4x130305x64xf32, #tpu.memory_space<hbm>> -> memref<1x112x64xf32, #tpu.memory_space<hbm>>
      %dma_start3A_275 = tpu.memref_squeeze %dma_start3A_274 : memref<1x112x64xf32, #tpu.memory_space<hbm>> -> memref<112x64xf32, #tpu.memory_space<hbm>>
      tpu.enqueue_dma source(%arg14 : memref<112x64xf32, #tpu.memory_space<vmem>>) target(%dma_start3A_275 : memref<112x64xf32, #tpu.memory_space<hbm>>) target_semaphore(%arg23 : memref<!tpu.dma_semaphore, #tpu.memory_space<semaphore_mem>>)
      %add3A_276 = arith.constant 2 : i32
      %add3A_277 = arith.addi %add3A_249, %add3A_276 : i32
      %lt3A = arith.constant 72 : i32
      %lt3A_278 = arith.cmpi slt, %add3A_277, %lt3A : i32
      %convert_element_type3A_279 = arith.extui %lt3A_278 : i1 to i32
      %cond3A_280 = arith.constant 0 : i32
      %cond3A_281 = arith.cmpi ne, %convert_element_type3A_279, %cond3A_280 : i32
      scf.if %cond3A_281 {
        %add3A_320 = arith.constant 2 : i32
        %add3A_321 = arith.addi %add3A_249, %add3A_320 : i32
        %mul3A_322 = arith.constant 112 : i32
        %mul3A_323 = arith.muli %add3A_321, %mul3A_322 : i32
        %multiple_of3A_324 = tpu.assume_multiple %mul3A_323, 8 : i32
        %dma_start3A_325 = tpu.memref_slice %arg7[%multiple_of3A_324] : memref<8144xi32, #tpu.memory_space<vmem>> -> memref<112xi32, #tpu.memory_space<vmem>>
        %dma_start3A_326 = arith.constant 0 : i32
        %dma_start3A_327 = arith.constant 0 : i32
        %dma_start3A_328 = tpu.memref_slice %arg6[%dma_start3A_326, %dma_start3A_327] : memref<521248x128xf32, #tpu.memory_space<hbm>> -> memref<521248x128xf32, #tpu.memory_space<hbm>>
        tpu.enqueue_indirect_dma source(%dma_start3A_328 : memref<521248x128xf32, #tpu.memory_space<hbm>>) target(%arg12 : memref<112x128xf32, #tpu.memory_space<vmem>>) offsets(%dma_start3A_325 : memref<112xi32, #tpu.memory_space<vmem>>) semaphore(%arg19 : memref<!tpu.dma_semaphore, #tpu.memory_space<semaphore_mem>>)
      } else {
      }
      %mul3A_282 = arith.constant 2 : i32
      %mul3A_283 = arith.muli %mul3A_282, %scan3A_245 : i32
      %add3A_284 = arith.constant 1 : i32
      %add3A_285 = arith.addi %mul3A_283, %add3A_284 : i32
      %dma_wait3A_286 = arith.constant 0 : i32
      %dma_wait3A_287 = arith.constant 0 : i32
      %dma_wait3A_288 = tpu.memref_slice %arg6[%dma_wait3A_286, %dma_wait3A_287] : memref<521248x128xf32, #tpu.memory_space<hbm>> -> memref<112x128xf32, #tpu.memory_space<hbm>>
      %dma_wait3A_289 = arith.constant 0 : i32
      %dma_wait3A_290 = arith.constant 0 : i32
      %dma_wait3A_291 = tpu.memref_slice %arg6[%dma_wait3A_289, %dma_wait3A_290] : memref<521248x128xf32, #tpu.memory_space<hbm>> -> memref<112x128xf32, #tpu.memory_space<hbm>>
      tpu.wait_dma2 semaphore(%arg20 : memref<!tpu.dma_semaphore, #tpu.memory_space<semaphore_mem>>) src(%dma_wait3A_291 : memref<112x128xf32, #tpu.memory_space<hbm>>) dst(%arg13 : memref<112x128xf32, #tpu.memory_space<vmem>>)
      %gt3A_292 = arith.constant 0 : i32
      %gt3A_293 = arith.cmpi sgt, %scan3A_245, %gt3A_292 : i32
      %convert_element_type3A_294 = arith.extui %gt3A_293 : i1 to i32
      %cond3A_295 = arith.constant 0 : i32
      %cond3A_296 = arith.cmpi ne, %convert_element_type3A_294, %cond3A_295 : i32
      scf.if %cond3A_296 {
        %dma_wait3A_320 = arith.constant 0 : i32
        %dma_wait3A_321 = arith.constant 0 : i32
        %dma_wait3A_322 = arith.constant 0 : i32
        %dma_wait3A_323 = tpu.memref_slice %arg5[%dma_wait3A_320, %dma_wait3A_321, %dma_wait3A_322] : memref<4x130305x64xf32, #tpu.memory_space<hbm>> -> memref<1x112x64xf32, #tpu.memory_space<hbm>>
        %dma_wait3A_324 = tpu.memref_squeeze %dma_wait3A_323 : memref<1x112x64xf32, #tpu.memory_space<hbm>> -> memref<112x64xf32, #tpu.memory_space<hbm>>
        %dma_wait3A_325 = arith.constant 0 : i32
        %dma_wait3A_326 = arith.constant 0 : i32
        %dma_wait3A_327 = tpu.memref_slice %arg5[%dma_wait3A_320, %dma_wait3A_325, %dma_wait3A_326] : memref<4x130305x64xf32, #tpu.memory_space<hbm>> -> memref<1x112x64xf32, #tpu.memory_space<hbm>>
        %dma_wait3A_328 = tpu.memref_squeeze %dma_wait3A_327 : memref<1x112x64xf32, #tpu.memory_space<hbm>> -> memref<112x64xf32, #tpu.memory_space<hbm>>
        tpu.wait_dma2 semaphore(%arg24 : memref<!tpu.dma_semaphore, #tpu.memory_space<semaphore_mem>>) src(%arg15 : memref<112x64xf32, #tpu.memory_space<vmem>>) dst(%dma_wait3A_328 : memref<112x64xf32, #tpu.memory_space<hbm>>)
      } else {
      }
      %scan3A_297 = arith.constant 0 : i32
      %scan3A_298 = arith.constant 0 : i32
      %scan3A_299 = arith.constant 28 : i32
      %scan3A_300 = arith.addi %scan3A_298, %scan3A_299 : i32
      %scan3A_301 = arith.constant 1 : i32
      scf.for %scan3A_320 = %scan3A_298 to %scan3A_300 step %scan3A_301  : i32 {
        %mul3A_321 = arith.constant 4 : i32
        %mul3A_322 = arith.muli %scan3A_320, %mul3A_321 : i32
        %add3A_323 = arith.constant 0 : i32
        %add3A_324 = arith.addi %mul3A_322, %add3A_323 : i32
        %get3A_325 = arith.index_cast %add3A_324 : i32 to index
        %get3A_326 = arith.constant 0 : index
        %get3A_327 = tpu.vector_load %arg13[%get3A_325, %get3A_326] {strides = array<i32>} : memref<112x128xf32, #tpu.memory_space<vmem>>, vector<1x16xf32>,
        %get3A_328 = vector.shape_cast %get3A_327 : vector<1x16xf32> to vector<16xf32>
        %add3A_329 = arith.constant 0 : i32
        %add3A_330 = arith.addi %mul3A_322, %add3A_329 : i32
        %swap3A = arith.index_cast %add3A_330 : i32 to index
        %swap3A_331 = arith.constant 0 : index
        %swap3A_332 = tpu.vector_load %arg15[%swap3A, %swap3A_331] {strides = array<i32>} : memref<112x64xf32, #tpu.memory_space<vmem>>, vector<1x16xf32>,
        %swap3A_333 = vector.shape_cast %swap3A_332 : vector<1x16xf32> to vector<16xf32>
        %swap3A_334 = vector.shape_cast %get3A_328 : vector<16xf32> to vector<1x16xf32>
        tpu.vector_store %arg15[%swap3A, %swap3A_331], %swap3A_334 {strides = array<i32>} : memref<112x64xf32, #tpu.memory_space<vmem>>, vector<1x16xf32>,
        %add3A_335 = arith.constant 0 : i32
        %add3A_336 = arith.addi %mul3A_322, %add3A_335 : i32
        %get3A_337 = arith.index_cast %add3A_336 : i32 to index
        %get3A_338 = arith.constant 16 : index
        %get3A_339 = tpu.vector_load %arg13[%get3A_337, %get3A_338] {strides = array<i32>} : memref<112x128xf32, #tpu.memory_space<vmem>>, vector<1x16xf32>,
        %get3A_340 = vector.shape_cast %get3A_339 : vector<1x16xf32> to vector<16xf32>
        %add3A_341 = arith.constant 0 : i32
        %add3A_342 = arith.addi %mul3A_322, %add3A_341 : i32
        %swap3A_343 = arith.index_cast %add3A_342 : i32 to index
        %swap3A_344 = arith.constant 16 : index
        %swap3A_345 = tpu.vector_load %arg15[%swap3A_343, %swap3A_344] {strides = array<i32>} : memref<112x64xf32, #tpu.memory_space<vmem>>, vector<1x16xf32>,
        %swap3A_346 = vector.shape_cast %swap3A_345 : vector<1x16xf32> to vector<16xf32>
        %swap3A_347 = vector.shape_cast %get3A_340 : vector<16xf32> to vector<1x16xf32>
        tpu.vector_store %arg15[%swap3A_343, %swap3A_344], %swap3A_347 {strides = array<i32>} : memref<112x64xf32, #tpu.memory_space<vmem>>, vector<1x16xf32>,
        %add3A_348 = arith.constant 0 : i32
        %add3A_349 = arith.addi %mul3A_322, %add3A_348 : i32
        %get3A_350 = arith.index_cast %add3A_349 : i32 to index
        %get3A_351 = arith.constant 32 : index
        %get3A_352 = tpu.vector_load %arg13[%get3A_350, %get3A_351] {strides = array<i32>} : memref<112x128xf32, #tpu.memory_space<vmem>>, vector<1x16xf32>,
        %get3A_353 = vector.shape_cast %get3A_352 : vector<1x16xf32> to vector<16xf32>
        %add3A_354 = arith.constant 0 : i32
        %add3A_355 = arith.addi %mul3A_322, %add3A_354 : i32
        %swap3A_356 = arith.index_cast %add3A_355 : i32 to index
        %swap3A_357 = arith.constant 32 : index
        %swap3A_358 = tpu.vector_load %arg15[%swap3A_356, %swap3A_357] {strides = array<i32>} : memref<112x64xf32, #tpu.memory_space<vmem>>, vector<1x16xf32>,
        %swap3A_359 = vector.shape_cast %swap3A_358 : vector<1x16xf32> to vector<16xf32>
        %swap3A_360 = vector.shape_cast %get3A_353 : vector<16xf32> to vector<1x16xf32>
        tpu.vector_store %arg15[%swap3A_356, %swap3A_357], %swap3A_360 {strides = array<i32>} : memref<112x64xf32, #tpu.memory_space<vmem>>, vector<1x16xf32>,
        %add3A_361 = arith.constant 0 : i32
        %add3A_362 = arith.addi %mul3A_322, %add3A_361 : i32
        %get3A_363 = arith.index_cast %add3A_362 : i32 to index
        %get3A_364 = arith.constant 48 : index
        %get3A_365 = tpu.vector_load %arg13[%get3A_363, %get3A_364] {strides = array<i32>} : memref<112x128xf32, #tpu.memory_space<vmem>>, vector<1x16xf32>,
        %get3A_366 = vector.shape_cast %get3A_365 : vector<1x16xf32> to vector<16xf32>
        %add3A_367 = arith.constant 0 : i32
        %add3A_368 = arith.addi %mul3A_322, %add3A_367 : i32
        %swap3A_369 = arith.index_cast %add3A_368 : i32 to index
        %swap3A_370 = arith.constant 48 : index
        %swap3A_371 = tpu.vector_load %arg15[%swap3A_369, %swap3A_370] {strides = array<i32>} : memref<112x64xf32, #tpu.memory_space<vmem>>, vector<1x16xf32>,
        %swap3A_372 = vector.shape_cast %swap3A_371 : vector<1x16xf32> to vector<16xf32>
        %swap3A_373 = vector.shape_cast %get3A_366 : vector<16xf32> to vector<1x16xf32>
        tpu.vector_store %arg15[%swap3A_369, %swap3A_370], %swap3A_373 {strides = array<i32>} : memref<112x64xf32, #tpu.memory_space<vmem>>, vector<1x16xf32>,
        %add3A_374 = arith.constant 1 : i32
        %add3A_375 = arith.addi %mul3A_322, %add3A_374 : i32
        %get3A_376 = arith.index_cast %add3A_375 : i32 to index
        %get3A_377 = arith.constant 0 : index
        %get3A_378 = tpu.vector_load %arg13[%get3A_376, %get3A_377] {strides = array<i32>} : memref<112x128xf32, #tpu.memory_space<vmem>>, vector<1x16xf32>,
        %get3A_379 = vector.shape_cast %get3A_378 : vector<1x16xf32> to vector<16xf32>
        %add3A_380 = arith.constant 1 : i32
        %add3A_381 = arith.addi %mul3A_322, %add3A_380 : i32
        %swap3A_382 = arith.index_cast %add3A_381 : i32 to index
        %swap3A_383 = arith.constant 0 : index
        %swap3A_384 = tpu.vector_load %arg15[%swap3A_382, %swap3A_383] {strides = array<i32>} : memref<112x64xf32, #tpu.memory_space<vmem>>, vector<1x16xf32>,
        %swap3A_385 = vector.shape_cast %swap3A_384 : vector<1x16xf32> to vector<16xf32>
        %swap3A_386 = vector.shape_cast %get3A_379 : vector<16xf32> to vector<1x16xf32>
        tpu.vector_store %arg15[%swap3A_382, %swap3A_383], %swap3A_386 {strides = array<i32>} : memref<112x64xf32, #tpu.memory_space<vmem>>, vector<1x16xf32>,
        %add3A_387 = arith.constant 1 : i32
        %add3A_388 = arith.addi %mul3A_322, %add3A_387 : i32
        %get3A_389 = arith.index_cast %add3A_388 : i32 to index
        %get3A_390 = arith.constant 16 : index
        %get3A_391 = tpu.vector_load %arg13[%get3A_389, %get3A_390] {strides = array<i32>} : memref<112x128xf32, #tpu.memory_space<vmem>>, vector<1x16xf32>,
        %get3A_392 = vector.shape_cast %get3A_391 : vector<1x16xf32> to vector<16xf32>
        %add3A_393 = arith.constant 1 : i32
        %add3A_394 = arith.addi %mul3A_322, %add3A_393 : i32
        %swap3A_395 = arith.index_cast %add3A_394 : i32 to index
        %swap3A_396 = arith.constant 16 : index
        %swap3A_397 = tpu.vector_load %arg15[%swap3A_395, %swap3A_396] {strides = array<i32>} : memref<112x64xf32, #tpu.memory_space<vmem>>, vector<1x16xf32>,
        %swap3A_398 = vector.shape_cast %swap3A_397 : vector<1x16xf32> to vector<16xf32>
        %swap3A_399 = vector.shape_cast %get3A_392 : vector<16xf32> to vector<1x16xf32>
        tpu.vector_store %arg15[%swap3A_395, %swap3A_396], %swap3A_399 {strides = array<i32>} : memref<112x64xf32, #tpu.memory_space<vmem>>, vector<1x16xf32>,
        %add3A_400 = arith.constant 1 : i32
        %add3A_401 = arith.addi %mul3A_322, %add3A_400 : i32
        %get3A_402 = arith.index_cast %add3A_401 : i32 to index
        %get3A_403 = arith.constant 32 : index
        %get3A_404 = tpu.vector_load %arg13[%get3A_402, %get3A_403] {strides = array<i32>} : memref<112x128xf32, #tpu.memory_space<vmem>>, vector<1x16xf32>,
        %get3A_405 = vector.shape_cast %get3A_404 : vector<1x16xf32> to vector<16xf32>
        %add3A_406 = arith.constant 1 : i32
        %add3A_407 = arith.addi %mul3A_322, %add3A_406 : i32
        %swap3A_408 = arith.index_cast %add3A_407 : i32 to index
        %swap3A_409 = arith.constant 32 : index
        %swap3A_410 = tpu.vector_load %arg15[%swap3A_408, %swap3A_409] {strides = array<i32>} : memref<112x64xf32, #tpu.memory_space<vmem>>, vector<1x16xf32>,
        %swap3A_411 = vector.shape_cast %swap3A_410 : vector<1x16xf32> to vector<16xf32>
        %swap3A_412 = vector.shape_cast %get3A_405 : vector<16xf32> to vector<1x16xf32>
        tpu.vector_store %arg15[%swap3A_408, %swap3A_409], %swap3A_412 {strides = array<i32>} : memref<112x64xf32, #tpu.memory_space<vmem>>, vector<1x16xf32>,
        %add3A_413 = arith.constant 1 : i32
        %add3A_414 = arith.addi %mul3A_322, %add3A_413 : i32
        %get3A_415 = arith.index_cast %add3A_414 : i32 to index
        %get3A_416 = arith.constant 48 : index
        %get3A_417 = tpu.vector_load %arg13[%get3A_415, %get3A_416] {strides = array<i32>} : memref<112x128xf32, #tpu.memory_space<vmem>>, vector<1x16xf32>,
        %get3A_418 = vector.shape_cast %get3A_417 : vector<1x16xf32> to vector<16xf32>
        %add3A_419 = arith.constant 1 : i32
        %add3A_420 = arith.addi %mul3A_322, %add3A_419 : i32
        %swap3A_421 = arith.index_cast %add3A_420 : i32 to index
        %swap3A_422 = arith.constant 48 : index
        %swap3A_423 = tpu.vector_load %arg15[%swap3A_421, %swap3A_422] {strides = array<i32>} : memref<112x64xf32, #tpu.memory_space<vmem>>, vector<1x16xf32>,
        %swap3A_424 = vector.shape_cast %swap3A_423 : vector<1x16xf32> to vector<16xf32>
        %swap3A_425 = vector.shape_cast %get3A_418 : vector<16xf32> to vector<1x16xf32>
        tpu.vector_store %arg15[%swap3A_421, %swap3A_422], %swap3A_425 {strides = array<i32>} : memref<112x64xf32, #tpu.memory_space<vmem>>, vector<1x16xf32>,
        %add3A_426 = arith.constant 2 : i32
        %add3A_427 = arith.addi %mul3A_322, %add3A_426 : i32
        %get3A_428 = arith.index_cast %add3A_427 : i32 to index
        %get3A_429 = arith.constant 0 : index
        %get3A_430 = tpu.vector_load %arg13[%get3A_428, %get3A_429] {strides = array<i32>} : memref<112x128xf32, #tpu.memory_space<vmem>>, vector<1x16xf32>,
        %get3A_431 = vector.shape_cast %get3A_430 : vector<1x16xf32> to vector<16xf32>
        %add3A_432 = arith.constant 2 : i32
        %add3A_433 = arith.addi %mul3A_322, %add3A_432 : i32
        %swap3A_434 = arith.index_cast %add3A_433 : i32 to index
        %swap3A_435 = arith.constant 0 : index
        %swap3A_436 = tpu.vector_load %arg15[%swap3A_434, %swap3A_435] {strides = array<i32>} : memref<112x64xf32, #tpu.memory_space<vmem>>, vector<1x16xf32>,
        %swap3A_437 = vector.shape_cast %swap3A_436 : vector<1x16xf32> to vector<16xf32>
        %swap3A_438 = vector.shape_cast %get3A_431 : vector<16xf32> to vector<1x16xf32>
        tpu.vector_store %arg15[%swap3A_434, %swap3A_435], %swap3A_438 {strides = array<i32>} : memref<112x64xf32, #tpu.memory_space<vmem>>, vector<1x16xf32>,
        %add3A_439 = arith.constant 2 : i32
        %add3A_440 = arith.addi %mul3A_322, %add3A_439 : i32
        %get3A_441 = arith.index_cast %add3A_440 : i32 to index
        %get3A_442 = arith.constant 16 : index
        %get3A_443 = tpu.vector_load %arg13[%get3A_441, %get3A_442] {strides = array<i32>} : memref<112x128xf32, #tpu.memory_space<vmem>>, vector<1x16xf32>,
        %get3A_444 = vector.shape_cast %get3A_443 : vector<1x16xf32> to vector<16xf32>
        %add3A_445 = arith.constant 2 : i32
        %add3A_446 = arith.addi %mul3A_322, %add3A_445 : i32
        %swap3A_447 = arith.index_cast %add3A_446 : i32 to index
        %swap3A_448 = arith.constant 16 : index
        %swap3A_449 = tpu.vector_load %arg15[%swap3A_447, %swap3A_448] {strides = array<i32>} : memref<112x64xf32, #tpu.memory_space<vmem>>, vector<1x16xf32>,
        %swap3A_450 = vector.shape_cast %swap3A_449 : vector<1x16xf32> to vector<16xf32>
        %swap3A_451 = vector.shape_cast %get3A_444 : vector<16xf32> to vector<1x16xf32>
        tpu.vector_store %arg15[%swap3A_447, %swap3A_448], %swap3A_451 {strides = array<i32>} : memref<112x64xf32, #tpu.memory_space<vmem>>, vector<1x16xf32>,
        %add3A_452 = arith.constant 2 : i32
        %add3A_453 = arith.addi %mul3A_322, %add3A_452 : i32
        %get3A_454 = arith.index_cast %add3A_453 : i32 to index
        %get3A_455 = arith.constant 32 : index
        %get3A_456 = tpu.vector_load %arg13[%get3A_454, %get3A_455] {strides = array<i32>} : memref<112x128xf32, #tpu.memory_space<vmem>>, vector<1x16xf32>,
        %get3A_457 = vector.shape_cast %get3A_456 : vector<1x16xf32> to vector<16xf32>
        %add3A_458 = arith.constant 2 : i32
        %add3A_459 = arith.addi %mul3A_322, %add3A_458 : i32
        %swap3A_460 = arith.index_cast %add3A_459 : i32 to index
        %swap3A_461 = arith.constant 32 : index
        %swap3A_462 = tpu.vector_load %arg15[%swap3A_460, %swap3A_461] {strides = array<i32>} : memref<112x64xf32, #tpu.memory_space<vmem>>, vector<1x16xf32>,
        %swap3A_463 = vector.shape_cast %swap3A_462 : vector<1x16xf32> to vector<16xf32>
        %swap3A_464 = vector.shape_cast %get3A_457 : vector<16xf32> to vector<1x16xf32>
        tpu.vector_store %arg15[%swap3A_460, %swap3A_461], %swap3A_464 {strides = array<i32>} : memref<112x64xf32, #tpu.memory_space<vmem>>, vector<1x16xf32>,
        %add3A_465 = arith.constant 2 : i32
        %add3A_466 = arith.addi %mul3A_322, %add3A_465 : i32
        %get3A_467 = arith.index_cast %add3A_466 : i32 to index
        %get3A_468 = arith.constant 48 : index
        %get3A_469 = tpu.vector_load %arg13[%get3A_467, %get3A_468] {strides = array<i32>} : memref<112x128xf32, #tpu.memory_space<vmem>>, vector<1x16xf32>,
        %get3A_470 = vector.shape_cast %get3A_469 : vector<1x16xf32> to vector<16xf32>
        %add3A_471 = arith.constant 2 : i32
        %add3A_472 = arith.addi %mul3A_322, %add3A_471 : i32
        %swap3A_473 = arith.index_cast %add3A_472 : i32 to index
        %swap3A_474 = arith.constant 48 : index
        %swap3A_475 = tpu.vector_load %arg15[%swap3A_473, %swap3A_474] {strides = array<i32>} : memref<112x64xf32, #tpu.memory_space<vmem>>, vector<1x16xf32>,
        %swap3A_476 = vector.shape_cast %swap3A_475 : vector<1x16xf32> to vector<16xf32>
        %swap3A_477 = vector.shape_cast %get3A_470 : vector<16xf32> to vector<1x16xf32>
        tpu.vector_store %arg15[%swap3A_473, %swap3A_474], %swap3A_477 {strides = array<i32>} : memref<112x64xf32, #tpu.memory_space<vmem>>, vector<1x16xf32>,
        %add3A_478 = arith.constant 3 : i32
        %add3A_479 = arith.addi %mul3A_322, %add3A_478 : i32
        %get3A_480 = arith.index_cast %add3A_479 : i32 to index
        %get3A_481 = arith.constant 0 : index
        %get3A_482 = tpu.vector_load %arg13[%get3A_480, %get3A_481] {strides = array<i32>} : memref<112x128xf32, #tpu.memory_space<vmem>>, vector<1x16xf32>,
        %get3A_483 = vector.shape_cast %get3A_482 : vector<1x16xf32> to vector<16xf32>
        %add3A_484 = arith.constant 3 : i32
        %add3A_485 = arith.addi %mul3A_322, %add3A_484 : i32
        %swap3A_486 = arith.index_cast %add3A_485 : i32 to index
        %swap3A_487 = arith.constant 0 : index
        %swap3A_488 = tpu.vector_load %arg15[%swap3A_486, %swap3A_487] {strides = array<i32>} : memref<112x64xf32, #tpu.memory_space<vmem>>, vector<1x16xf32>,
        %swap3A_489 = vector.shape_cast %swap3A_488 : vector<1x16xf32> to vector<16xf32>
        %swap3A_490 = vector.shape_cast %get3A_483 : vector<16xf32> to vector<1x16xf32>
        tpu.vector_store %arg15[%swap3A_486, %swap3A_487], %swap3A_490 {strides = array<i32>} : memref<112x64xf32, #tpu.memory_space<vmem>>, vector<1x16xf32>,
        %add3A_491 = arith.constant 3 : i32
        %add3A_492 = arith.addi %mul3A_322, %add3A_491 : i32
        %get3A_493 = arith.index_cast %add3A_492 : i32 to index
        %get3A_494 = arith.constant 16 : index
        %get3A_495 = tpu.vector_load %arg13[%get3A_493, %get3A_494] {strides = array<i32>} : memref<112x128xf32, #tpu.memory_space<vmem>>, vector<1x16xf32>,
        %get3A_496 = vector.shape_cast %get3A_495 : vector<1x16xf32> to vector<16xf32>
        %add3A_497 = arith.constant 3 : i32
        %add3A_498 = arith.addi %mul3A_322, %add3A_497 : i32
        %swap3A_499 = arith.index_cast %add3A_498 : i32 to index
        %swap3A_500 = arith.constant 16 : index
        %swap3A_501 = tpu.vector_load %arg15[%swap3A_499, %swap3A_500] {strides = array<i32>} : memref<112x64xf32, #tpu.memory_space<vmem>>, vector<1x16xf32>,
        %swap3A_502 = vector.shape_cast %swap3A_501 : vector<1x16xf32> to vector<16xf32>
        %swap3A_503 = vector.shape_cast %get3A_496 : vector<16xf32> to vector<1x16xf32>
        tpu.vector_store %arg15[%swap3A_499, %swap3A_500], %swap3A_503 {strides = array<i32>} : memref<112x64xf32, #tpu.memory_space<vmem>>, vector<1x16xf32>,
        %add3A_504 = arith.constant 3 : i32
        %add3A_505 = arith.addi %mul3A_322, %add3A_504 : i32
        %get3A_506 = arith.index_cast %add3A_505 : i32 to index
        %get3A_507 = arith.constant 32 : index
        %get3A_508 = tpu.vector_load %arg13[%get3A_506, %get3A_507] {strides = array<i32>} : memref<112x128xf32, #tpu.memory_space<vmem>>, vector<1x16xf32>,
        %get3A_509 = vector.shape_cast %get3A_508 : vector<1x16xf32> to vector<16xf32>
        %add3A_510 = arith.constant 3 : i32
        %add3A_511 = arith.addi %mul3A_322, %add3A_510 : i32
        %swap3A_512 = arith.index_cast %add3A_511 : i32 to index
        %swap3A_513 = arith.constant 32 : index
        %swap3A_514 = tpu.vector_load %arg15[%swap3A_512, %swap3A_513] {strides = array<i32>} : memref<112x64xf32, #tpu.memory_space<vmem>>, vector<1x16xf32>,
        %swap3A_515 = vector.shape_cast %swap3A_514 : vector<1x16xf32> to vector<16xf32>
        %swap3A_516 = vector.shape_cast %get3A_509 : vector<16xf32> to vector<1x16xf32>
        tpu.vector_store %arg15[%swap3A_512, %swap3A_513], %swap3A_516 {strides = array<i32>} : memref<112x64xf32, #tpu.memory_space<vmem>>, vector<1x16xf32>,
        %add3A_517 = arith.constant 3 : i32
        %add3A_518 = arith.addi %mul3A_322, %add3A_517 : i32
        %get3A_519 = arith.index_cast %add3A_518 : i32 to index
        %get3A_520 = arith.constant 48 : index
        %get3A_521 = tpu.vector_load %arg13[%get3A_519, %get3A_520] {strides = array<i32>} : memref<112x128xf32, #tpu.memory_space<vmem>>, vector<1x16xf32>,
        %get3A_522 = vector.shape_cast %get3A_521 : vector<1x16xf32> to vector<16xf32>
        %add3A_523 = arith.constant 3 : i32
        %add3A_524 = arith.addi %mul3A_322, %add3A_523 : i32
        %swap3A_525 = arith.index_cast %add3A_524 : i32 to index
        %swap3A_526 = arith.constant 48 : index
        %swap3A_527 = tpu.vector_load %arg15[%swap3A_525, %swap3A_526] {strides = array<i32>} : memref<112x64xf32, #tpu.memory_space<vmem>>, vector<1x16xf32>,
        %swap3A_528 = vector.shape_cast %swap3A_527 : vector<1x16xf32> to vector<16xf32>
        %swap3A_529 = vector.shape_cast %get3A_522 : vector<16xf32> to vector<1x16xf32>
        tpu.vector_store %arg15[%swap3A_525, %swap3A_526], %swap3A_529 {strides = array<i32>} : memref<112x64xf32, #tpu.memory_space<vmem>>, vector<1x16xf32>,
      }
      %scan3A_302 = arith.constant 28 : i32
      %mul3A_303 = arith.constant 112 : i32
      %mul3A_304 = arith.muli %add3A_285, %mul3A_303 : i32
      %add3A_305 = arith.addi %mul3A_0, %mul3A_304 : i32
      %multiple_of3A_306 = tpu.assume_multiple %add3A_305, 8 : i32
      %dma_start3A_307 = arith.constant 0 : i32
      %dma_start3A_308 = tpu.memref_slice %arg5[%add3A_7, %multiple_of3A_306, %dma_start3A_307] : memref<4x130305x64xf32, #tpu.memory_space<hbm>> -> memref<1x112x64xf32, #tpu.memory_space<hbm>>
      %dma_start3A_309 = tpu.memref_squeeze %dma_start3A_308 : memref<1x112x64xf32, #tpu.memory_space<hbm>> -> memref<112x64xf32, #tpu.memory_space<hbm>>
      %dma_start3A_310 = arith.constant 0 : i32
      %dma_start3A_311 = tpu.memref_slice %arg5[%add3A_7, %multiple_of3A_306, %dma_start3A_310] : memref<4x130305x64xf32, #tpu.memory_space<hbm>> -> memref<1x112x64xf32, #tpu.memory_space<hbm>>
      %dma_start3A_312 = tpu.memref_squeeze %dma_start3A_311 : memref<1x112x64xf32, #tpu.memory_space<hbm>> -> memref<112x64xf32, #tpu.memory_space<hbm>>
      tpu.enqueue_dma source(%arg15 : memref<112x64xf32, #tpu.memory_space<vmem>>) target(%dma_start3A_312 : memref<112x64xf32, #tpu.memory_space<hbm>>) target_semaphore(%arg24 : memref<!tpu.dma_semaphore, #tpu.memory_space<semaphore_mem>>)
      %add3A_313 = arith.constant 2 : i32
      %add3A_314 = arith.addi %add3A_285, %add3A_313 : i32
      %lt3A_315 = arith.constant 72 : i32
      %lt3A_316 = arith.cmpi slt, %add3A_314, %lt3A_315 : i32
      %convert_element_type3A_317 = arith.extui %lt3A_316 : i1 to i32
      %cond3A_318 = arith.constant 0 : i32
      %cond3A_319 = arith.cmpi ne, %convert_element_type3A_317, %cond3A_318 : i32
      scf.if %cond3A_319 {
        %add3A_320 = arith.constant 2 : i32
        %add3A_321 = arith.addi %add3A_285, %add3A_320 : i32
        %mul3A_322 = arith.constant 112 : i32
        %mul3A_323 = arith.muli %add3A_321, %mul3A_322 : i32
        %multiple_of3A_324 = tpu.assume_multiple %mul3A_323, 8 : i32
        %dma_start3A_325 = tpu.memref_slice %arg7[%multiple_of3A_324] : memref<8144xi32, #tpu.memory_space<vmem>> -> memref<112xi32, #tpu.memory_space<vmem>>
        %dma_start3A_326 = arith.constant 0 : i32
        %dma_start3A_327 = arith.constant 0 : i32
        %dma_start3A_328 = tpu.memref_slice %arg6[%dma_start3A_326, %dma_start3A_327] : memref<521248x128xf32, #tpu.memory_space<hbm>> -> memref<521248x128xf32, #tpu.memory_space<hbm>>
        tpu.enqueue_indirect_dma source(%dma_start3A_328 : memref<521248x128xf32, #tpu.memory_space<hbm>>) target(%arg13 : memref<112x128xf32, #tpu.memory_space<vmem>>) offsets(%dma_start3A_325 : memref<112xi32, #tpu.memory_space<vmem>>) semaphore(%arg20 : memref<!tpu.dma_semaphore, #tpu.memory_space<semaphore_mem>>)
      } else {
      }
    }
    %scan3A_197 = arith.constant 36 : i32
    %dma_wait3A_198 = arith.constant 0 : i32
    %dma_wait3A_199 = arith.constant 0 : i32
    %dma_wait3A_200 = arith.constant 0 : i32
    %dma_wait3A_201 = tpu.memref_slice %arg5[%dma_wait3A_198, %dma_wait3A_199, %dma_wait3A_200] : memref<4x130305x64xf32, #tpu.memory_space<hbm>> -> memref<1x112x64xf32, #tpu.memory_space<hbm>>
    %dma_wait3A_202 = tpu.memref_squeeze %dma_wait3A_201 : memref<1x112x64xf32, #tpu.memory_space<hbm>> -> memref<112x64xf32, #tpu.memory_space<hbm>>
    %dma_wait3A_203 = arith.constant 0 : i32
    %dma_wait3A_204 = arith.constant 0 : i32
    %dma_wait3A_205 = tpu.memref_slice %arg5[%dma_wait3A_198, %dma_wait3A_203, %dma_wait3A_204] : memref<4x130305x64xf32, #tpu.memory_space<hbm>> -> memref<1x112x64xf32, #tpu.memory_space<hbm>>
    %dma_wait3A_206 = tpu.memref_squeeze %dma_wait3A_205 : memref<1x112x64xf32, #tpu.memory_space<hbm>> -> memref<112x64xf32, #tpu.memory_space<hbm>>
    tpu.wait_dma2 semaphore(%arg23 : memref<!tpu.dma_semaphore, #tpu.memory_space<semaphore_mem>>) src(%arg14 : memref<112x64xf32, #tpu.memory_space<vmem>>) dst(%dma_wait3A_206 : memref<112x64xf32, #tpu.memory_space<hbm>>)
    %dma_wait3A_207 = arith.constant 0 : i32
    %dma_wait3A_208 = arith.constant 0 : i32
    %dma_wait3A_209 = arith.constant 0 : i32
    %dma_wait3A_210 = tpu.memref_slice %arg5[%dma_wait3A_207, %dma_wait3A_208, %dma_wait3A_209] : memref<4x130305x64xf32, #tpu.memory_space<hbm>> -> memref<1x112x64xf32, #tpu.memory_space<hbm>>
    %dma_wait3A_211 = tpu.memref_squeeze %dma_wait3A_210 : memref<1x112x64xf32, #tpu.memory_space<hbm>> -> memref<112x64xf32, #tpu.memory_space<hbm>>
    %dma_wait3A_212 = arith.constant 0 : i32
    %dma_wait3A_213 = arith.constant 0 : i32
    %dma_wait3A_214 = tpu.memref_slice %arg5[%dma_wait3A_207, %dma_wait3A_212, %dma_wait3A_213] : memref<4x130305x64xf32, #tpu.memory_space<hbm>> -> memref<1x112x64xf32, #tpu.memory_space<hbm>>
    %dma_wait3A_215 = tpu.memref_squeeze %dma_wait3A_214 : memref<1x112x64xf32, #tpu.memory_space<hbm>> -> memref<112x64xf32, #tpu.memory_space<hbm>>
    tpu.wait_dma2 semaphore(%arg24 : memref<!tpu.dma_semaphore, #tpu.memory_space<semaphore_mem>>) src(%arg15 : memref<112x64xf32, #tpu.memory_space<vmem>>) dst(%dma_wait3A_215 : memref<112x64xf32, #tpu.memory_space<hbm>>)
    %dma_start3A_216 = arith.constant 0 : i32
    %dma_start3A_217 = arith.constant 0 : i32
    %dma_start3A_218 = tpu.memref_slice %arg12[%dma_start3A_216, %dma_start3A_217] : memref<112x128xf32, #tpu.memory_space<vmem>> -> memref<80x128xf32, #tpu.memory_space<vmem>>
    %dma_start3A_219 = arith.constant 8064 : i32
    %dma_start3A_220 = tpu.memref_slice %arg7[%dma_start3A_219] : memref<8144xi32, #tpu.memory_space<vmem>> -> memref<80xi32, #tpu.memory_space<vmem>>
    %dma_start3A_221 = arith.constant 0 : i32
    %dma_start3A_222 = arith.constant 0 : i32
    %dma_start3A_223 = tpu.memref_slice %arg6[%dma_start3A_221, %dma_start3A_222] : memref<521248x128xf32, #tpu.memory_space<hbm>> -> memref<521248x128xf32, #tpu.memory_space<hbm>>
    tpu.enqueue_indirect_dma source(%dma_start3A_223 : memref<521248x128xf32, #tpu.memory_space<hbm>>) target(%dma_start3A_218 : memref<80x128xf32, #tpu.memory_space<vmem>>) offsets(%dma_start3A_220 : memref<80xi32, #tpu.memory_space<vmem>>) semaphore(%arg19 : memref<!tpu.dma_semaphore, #tpu.memory_space<semaphore_mem>>)
    %dma_wait3A_224 = arith.constant 0 : i32
    %dma_wait3A_225 = arith.constant 0 : i32
    %dma_wait3A_226 = tpu.memref_slice %arg12[%dma_wait3A_224, %dma_wait3A_225] : memref<112x128xf32, #tpu.memory_space<vmem>> -> memref<80x128xf32, #tpu.memory_space<vmem>>
    %dma_wait3A_227 = arith.constant 8064 : i32
    %dma_wait3A_228 = tpu.memref_slice %arg7[%dma_wait3A_227] : memref<8144xi32, #tpu.memory_space<vmem>> -> memref<80xi32, #tpu.memory_space<vmem>>
    %dma_wait3A_229 = arith.constant 0 : i32
    %dma_wait3A_230 = arith.constant 0 : i32
    %dma_wait3A_231 = tpu.memref_slice %arg6[%dma_wait3A_229, %dma_wait3A_230] : memref<521248x128xf32, #tpu.memory_space<hbm>> -> memref<521248x128xf32, #tpu.memory_space<hbm>>
    tpu.wait_indirect_dma semaphore(%arg19 : memref<!tpu.dma_semaphore, #tpu.memory_space<semaphore_mem>>) src(%dma_wait3A_231 : memref<521248x128xf32, #tpu.memory_space<hbm>>) dst(%dma_wait3A_226 : memref<80x128xf32, #tpu.memory_space<vmem>>)
    %scan3A_232 = arith.constant 0 : i32
    %scan3A_233 = arith.constant 0 : i32
    %scan3A_234 = arith.constant 20 : i32
    %scan3A_235 = arith.addi %scan3A_233, %scan3A_234 : i32
    %scan3A_236 = arith.constant 1 : i32
    scf.for %scan3A_245 = %scan3A_233 to %scan3A_235 step %scan3A_236  : i32 {
      %mul3A_246 = arith.constant 4 : i32
      %mul3A_247 = arith.muli %scan3A_245, %mul3A_246 : i32
      %add3A_248 = arith.constant 0 : i32
      %add3A_249 = arith.addi %mul3A_247, %add3A_248 : i32
      %get3A_250 = arith.index_cast %add3A_249 : i32 to index
      %get3A_251 = arith.constant 0 : index
      %get3A_252 = tpu.vector_load %arg12[%get3A_250, %get3A_251] {strides = array<i32>} : memref<112x128xf32, #tpu.memory_space<vmem>>, vector<1x16xf32>,
      %get3A_253 = vector.shape_cast %get3A_252 : vector<1x16xf32> to vector<16xf32>
      %add3A_254 = arith.constant 0 : i32
      %add3A_255 = arith.addi %mul3A_247, %add3A_254 : i32
      %swap3A = arith.index_cast %add3A_255 : i32 to index
      %swap3A_256 = arith.constant 0 : index
      %swap3A_257 = tpu.vector_load %arg14[%swap3A, %swap3A_256] {strides = array<i32>} : memref<112x64xf32, #tpu.memory_space<vmem>>, vector<1x16xf32>,
      %swap3A_258 = vector.shape_cast %swap3A_257 : vector<1x16xf32> to vector<16xf32>
      %swap3A_259 = vector.shape_cast %get3A_253 : vector<16xf32> to vector<1x16xf32>
      tpu.vector_store %arg14[%swap3A, %swap3A_256], %swap3A_259 {strides = array<i32>} : memref<112x64xf32, #tpu.memory_space<vmem>>, vector<1x16xf32>,
      %add3A_260 = arith.constant 0 : i32
      %add3A_261 = arith.addi %mul3A_247, %add3A_260 : i32
      %get3A_262 = arith.index_cast %add3A_261 : i32 to index
      %get3A_263 = arith.constant 16 : index
      %get3A_264 = tpu.vector_load %arg12[%get3A_262, %get3A_263] {strides = array<i32>} : memref<112x128xf32, #tpu.memory_space<vmem>>, vector<1x16xf32>,
      %get3A_265 = vector.shape_cast %get3A_264 : vector<1x16xf32> to vector<16xf32>
      %add3A_266 = arith.constant 0 : i32
      %add3A_267 = arith.addi %mul3A_247, %add3A_266 : i32
      %swap3A_268 = arith.index_cast %add3A_267 : i32 to index
      %swap3A_269 = arith.constant 16 : index
      %swap3A_270 = tpu.vector_load %arg14[%swap3A_268, %swap3A_269] {strides = array<i32>} : memref<112x64xf32, #tpu.memory_space<vmem>>, vector<1x16xf32>,
      %swap3A_271 = vector.shape_cast %swap3A_270 : vector<1x16xf32> to vector<16xf32>
      %swap3A_272 = vector.shape_cast %get3A_265 : vector<16xf32> to vector<1x16xf32>
      tpu.vector_store %arg14[%swap3A_268, %swap3A_269], %swap3A_272 {strides = array<i32>} : memref<112x64xf32, #tpu.memory_space<vmem>>, vector<1x16xf32>,
      %add3A_273 = arith.constant 0 : i32
      %add3A_274 = arith.addi %mul3A_247, %add3A_273 : i32
      %get3A_275 = arith.index_cast %add3A_274 : i32 to index
      %get3A_276 = arith.constant 32 : index
      %get3A_277 = tpu.vector_load %arg12[%get3A_275, %get3A_276] {strides = array<i32>} : memref<112x128xf32, #tpu.memory_space<vmem>>, vector<1x16xf32>,
      %get3A_278 = vector.shape_cast %get3A_277 : vector<1x16xf32> to vector<16xf32>
      %add3A_279 = arith.constant 0 : i32
      %add3A_280 = arith.addi %mul3A_247, %add3A_279 : i32
      %swap3A_281 = arith.index_cast %add3A_280 : i32 to index
      %swap3A_282 = arith.constant 32 : index
      %swap3A_283 = tpu.vector_load %arg14[%swap3A_281, %swap3A_282] {strides = array<i32>} : memref<112x64xf32, #tpu.memory_space<vmem>>, vector<1x16xf32>,
      %swap3A_284 = vector.shape_cast %swap3A_283 : vector<1x16xf32> to vector<16xf32>
      %swap3A_285 = vector.shape_cast %get3A_278 : vector<16xf32> to vector<1x16xf32>
      tpu.vector_store %arg14[%swap3A_281, %swap3A_282], %swap3A_285 {strides = array<i32>} : memref<112x64xf32, #tpu.memory_space<vmem>>, vector<1x16xf32>,
      %add3A_286 = arith.constant 0 : i32
      %add3A_287 = arith.addi %mul3A_247, %add3A_286 : i32
      %get3A_288 = arith.index_cast %add3A_287 : i32 to index
      %get3A_289 = arith.constant 48 : index
      %get3A_290 = tpu.vector_load %arg12[%get3A_288, %get3A_289] {strides = array<i32>} : memref<112x128xf32, #tpu.memory_space<vmem>>, vector<1x16xf32>,
      %get3A_291 = vector.shape_cast %get3A_290 : vector<1x16xf32> to vector<16xf32>
      %add3A_292 = arith.constant 0 : i32
      %add3A_293 = arith.addi %mul3A_247, %add3A_292 : i32
      %swap3A_294 = arith.index_cast %add3A_293 : i32 to index
      %swap3A_295 = arith.constant 48 : index
      %swap3A_296 = tpu.vector_load %arg14[%swap3A_294, %swap3A_295] {strides = array<i32>} : memref<112x64xf32, #tpu.memory_space<vmem>>, vector<1x16xf32>,
      %swap3A_297 = vector.shape_cast %swap3A_296 : vector<1x16xf32> to vector<16xf32>
      %swap3A_298 = vector.shape_cast %get3A_291 : vector<16xf32> to vector<1x16xf32>
      tpu.vector_store %arg14[%swap3A_294, %swap3A_295], %swap3A_298 {strides = array<i32>} : memref<112x64xf32, #tpu.memory_space<vmem>>, vector<1x16xf32>,
      %add3A_299 = arith.constant 1 : i32
      %add3A_300 = arith.addi %mul3A_247, %add3A_299 : i32
      %get3A_301 = arith.index_cast %add3A_300 : i32 to index
      %get3A_302 = arith.constant 0 : index
      %get3A_303 = tpu.vector_load %arg12[%get3A_301, %get3A_302] {strides = array<i32>} : memref<112x128xf32, #tpu.memory_space<vmem>>, vector<1x16xf32>,
      %get3A_304 = vector.shape_cast %get3A_303 : vector<1x16xf32> to vector<16xf32>
      %add3A_305 = arith.constant 1 : i32
      %add3A_306 = arith.addi %mul3A_247, %add3A_305 : i32
      %swap3A_307 = arith.index_cast %add3A_306 : i32 to index
      %swap3A_308 = arith.constant 0 : index
      %swap3A_309 = tpu.vector_load %arg14[%swap3A_307, %swap3A_308] {strides = array<i32>} : memref<112x64xf32, #tpu.memory_space<vmem>>, vector<1x16xf32>,
      %swap3A_310 = vector.shape_cast %swap3A_309 : vector<1x16xf32> to vector<16xf32>
      %swap3A_311 = vector.shape_cast %get3A_304 : vector<16xf32> to vector<1x16xf32>
      tpu.vector_store %arg14[%swap3A_307, %swap3A_308], %swap3A_311 {strides = array<i32>} : memref<112x64xf32, #tpu.memory_space<vmem>>, vector<1x16xf32>,
      %add3A_312 = arith.constant 1 : i32
      %add3A_313 = arith.addi %mul3A_247, %add3A_312 : i32
      %get3A_314 = arith.index_cast %add3A_313 : i32 to index
      %get3A_315 = arith.constant 16 : index
      %get3A_316 = tpu.vector_load %arg12[%get3A_314, %get3A_315] {strides = array<i32>} : memref<112x128xf32, #tpu.memory_space<vmem>>, vector<1x16xf32>,
      %get3A_317 = vector.shape_cast %get3A_316 : vector<1x16xf32> to vector<16xf32>
      %add3A_318 = arith.constant 1 : i32
      %add3A_319 = arith.addi %mul3A_247, %add3A_318 : i32
      %swap3A_320 = arith.index_cast %add3A_319 : i32 to index
      %swap3A_321 = arith.constant 16 : index
      %swap3A_322 = tpu.vector_load %arg14[%swap3A_320, %swap3A_321] {strides = array<i32>} : memref<112x64xf32, #tpu.memory_space<vmem>>, vector<1x16xf32>,
      %swap3A_323 = vector.shape_cast %swap3A_322 : vector<1x16xf32> to vector<16xf32>
      %swap3A_324 = vector.shape_cast %get3A_317 : vector<16xf32> to vector<1x16xf32>
      tpu.vector_store %arg14[%swap3A_320, %swap3A_321], %swap3A_324 {strides = array<i32>} : memref<112x64xf32, #tpu.memory_space<vmem>>, vector<1x16xf32>,
      %add3A_325 = arith.constant 1 : i32
      %add3A_326 = arith.addi %mul3A_247, %add3A_325 : i32
      %get3A_327 = arith.index_cast %add3A_326 : i32 to index
      %get3A_328 = arith.constant 32 : index
      %get3A_329 = tpu.vector_load %arg12[%get3A_327, %get3A_328] {strides = array<i32>} : memref<112x128xf32, #tpu.memory_space<vmem>>, vector<1x16xf32>,
      %get3A_330 = vector.shape_cast %get3A_329 : vector<1x16xf32> to vector<16xf32>
      %add3A_331 = arith.constant 1 : i32
      %add3A_332 = arith.addi %mul3A_247, %add3A_331 : i32
      %swap3A_333 = arith.index_cast %add3A_332 : i32 to index
      %swap3A_334 = arith.constant 32 : index
      %swap3A_335 = tpu.vector_load %arg14[%swap3A_333, %swap3A_334] {strides = array<i32>} : memref<112x64xf32, #tpu.memory_space<vmem>>, vector<1x16xf32>,
      %swap3A_336 = vector.shape_cast %swap3A_335 : vector<1x16xf32> to vector<16xf32>
      %swap3A_337 = vector.shape_cast %get3A_330 : vector<16xf32> to vector<1x16xf32>
      tpu.vector_store %arg14[%swap3A_333, %swap3A_334], %swap3A_337 {strides = array<i32>} : memref<112x64xf32, #tpu.memory_space<vmem>>, vector<1x16xf32>,
      %add3A_338 = arith.constant 1 : i32
      %add3A_339 = arith.addi %mul3A_247, %add3A_338 : i32
      %get3A_340 = arith.index_cast %add3A_339 : i32 to index
      %get3A_341 = arith.constant 48 : index
      %get3A_342 = tpu.vector_load %arg12[%get3A_340, %get3A_341] {strides = array<i32>} : memref<112x128xf32, #tpu.memory_space<vmem>>, vector<1x16xf32>,
      %get3A_343 = vector.shape_cast %get3A_342 : vector<1x16xf32> to vector<16xf32>
      %add3A_344 = arith.constant 1 : i32
      %add3A_345 = arith.addi %mul3A_247, %add3A_344 : i32
      %swap3A_346 = arith.index_cast %add3A_345 : i32 to index
      %swap3A_347 = arith.constant 48 : index
      %swap3A_348 = tpu.vector_load %arg14[%swap3A_346, %swap3A_347] {strides = array<i32>} : memref<112x64xf32, #tpu.memory_space<vmem>>, vector<1x16xf32>,
      %swap3A_349 = vector.shape_cast %swap3A_348 : vector<1x16xf32> to vector<16xf32>
      %swap3A_350 = vector.shape_cast %get3A_343 : vector<16xf32> to vector<1x16xf32>
      tpu.vector_store %arg14[%swap3A_346, %swap3A_347], %swap3A_350 {strides = array<i32>} : memref<112x64xf32, #tpu.memory_space<vmem>>, vector<1x16xf32>,
      %add3A_351 = arith.constant 2 : i32
      %add3A_352 = arith.addi %mul3A_247, %add3A_351 : i32
      %get3A_353 = arith.index_cast %add3A_352 : i32 to index
      %get3A_354 = arith.constant 0 : index
      %get3A_355 = tpu.vector_load %arg12[%get3A_353, %get3A_354] {strides = array<i32>} : memref<112x128xf32, #tpu.memory_space<vmem>>, vector<1x16xf32>,
      %get3A_356 = vector.shape_cast %get3A_355 : vector<1x16xf32> to vector<16xf32>
      %add3A_357 = arith.constant 2 : i32
      %add3A_358 = arith.addi %mul3A_247, %add3A_357 : i32
      %swap3A_359 = arith.index_cast %add3A_358 : i32 to index
      %swap3A_360 = arith.constant 0 : index
      %swap3A_361 = tpu.vector_load %arg14[%swap3A_359, %swap3A_360] {strides = array<i32>} : memref<112x64xf32, #tpu.memory_space<vmem>>, vector<1x16xf32>,
      %swap3A_362 = vector.shape_cast %swap3A_361 : vector<1x16xf32> to vector<16xf32>
      %swap3A_363 = vector.shape_cast %get3A_356 : vector<16xf32> to vector<1x16xf32>
      tpu.vector_store %arg14[%swap3A_359, %swap3A_360], %swap3A_363 {strides = array<i32>} : memref<112x64xf32, #tpu.memory_space<vmem>>, vector<1x16xf32>,
      %add3A_364 = arith.constant 2 : i32
      %add3A_365 = arith.addi %mul3A_247, %add3A_364 : i32
      %get3A_366 = arith.index_cast %add3A_365 : i32 to index
      %get3A_367 = arith.constant 16 : index
      %get3A_368 = tpu.vector_load %arg12[%get3A_366, %get3A_367] {strides = array<i32>} : memref<112x128xf32, #tpu.memory_space<vmem>>, vector<1x16xf32>,
      %get3A_369 = vector.shape_cast %get3A_368 : vector<1x16xf32> to vector<16xf32>
      %add3A_370 = arith.constant 2 : i32
      %add3A_371 = arith.addi %mul3A_247, %add3A_370 : i32
      %swap3A_372 = arith.index_cast %add3A_371 : i32 to index
      %swap3A_373 = arith.constant 16 : index
      %swap3A_374 = tpu.vector_load %arg14[%swap3A_372, %swap3A_373] {strides = array<i32>} : memref<112x64xf32, #tpu.memory_space<vmem>>, vector<1x16xf32>,
      %swap3A_375 = vector.shape_cast %swap3A_374 : vector<1x16xf32> to vector<16xf32>
      %swap3A_376 = vector.shape_cast %get3A_369 : vector<16xf32> to vector<1x16xf32>
      tpu.vector_store %arg14[%swap3A_372, %swap3A_373], %swap3A_376 {strides = array<i32>} : memref<112x64xf32, #tpu.memory_space<vmem>>, vector<1x16xf32>,
      %add3A_377 = arith.constant 2 : i32
      %add3A_378 = arith.addi %mul3A_247, %add3A_377 : i32
      %get3A_379 = arith.index_cast %add3A_378 : i32 to index
      %get3A_380 = arith.constant 32 : index
      %get3A_381 = tpu.vector_load %arg12[%get3A_379, %get3A_380] {strides = array<i32>} : memref<112x128xf32, #tpu.memory_space<vmem>>, vector<1x16xf32>,
      %get3A_382 = vector.shape_cast %get3A_381 : vector<1x16xf32> to vector<16xf32>
      %add3A_383 = arith.constant 2 : i32
      %add3A_384 = arith.addi %mul3A_247, %add3A_383 : i32
      %swap3A_385 = arith.index_cast %add3A_384 : i32 to index
      %swap3A_386 = arith.constant 32 : index
      %swap3A_387 = tpu.vector_load %arg14[%swap3A_385, %swap3A_386] {strides = array<i32>} : memref<112x64xf32, #tpu.memory_space<vmem>>, vector<1x16xf32>,
      %swap3A_388 = vector.shape_cast %swap3A_387 : vector<1x16xf32> to vector<16xf32>
      %swap3A_389 = vector.shape_cast %get3A_382 : vector<16xf32> to vector<1x16xf32>
      tpu.vector_store %arg14[%swap3A_385, %swap3A_386], %swap3A_389 {strides = array<i32>} : memref<112x64xf32, #tpu.memory_space<vmem>>, vector<1x16xf32>,
      %add3A_390 = arith.constant 2 : i32
      %add3A_391 = arith.addi %mul3A_247, %add3A_390 : i32
      %get3A_392 = arith.index_cast %add3A_391 : i32 to index
      %get3A_393 = arith.constant 48 : index
      %get3A_394 = tpu.vector_load %arg12[%get3A_392, %get3A_393] {strides = array<i32>} : memref<112x128xf32, #tpu.memory_space<vmem>>, vector<1x16xf32>,
      %get3A_395 = vector.shape_cast %get3A_394 : vector<1x16xf32> to vector<16xf32>
      %add3A_396 = arith.constant 2 : i32
      %add3A_397 = arith.addi %mul3A_247, %add3A_396 : i32
      %swap3A_398 = arith.index_cast %add3A_397 : i32 to index
      %swap3A_399 = arith.constant 48 : index
      %swap3A_400 = tpu.vector_load %arg14[%swap3A_398, %swap3A_399] {strides = array<i32>} : memref<112x64xf32, #tpu.memory_space<vmem>>, vector<1x16xf32>,
      %swap3A_401 = vector.shape_cast %swap3A_400 : vector<1x16xf32> to vector<16xf32>
      %swap3A_402 = vector.shape_cast %get3A_395 : vector<16xf32> to vector<1x16xf32>
      tpu.vector_store %arg14[%swap3A_398, %swap3A_399], %swap3A_402 {strides = array<i32>} : memref<112x64xf32, #tpu.memory_space<vmem>>, vector<1x16xf32>,
      %add3A_403 = arith.constant 3 : i32
      %add3A_404 = arith.addi %mul3A_247, %add3A_403 : i32
      %get3A_405 = arith.index_cast %add3A_404 : i32 to index
      %get3A_406 = arith.constant 0 : index
      %get3A_407 = tpu.vector_load %arg12[%get3A_405, %get3A_406] {strides = array<i32>} : memref<112x128xf32, #tpu.memory_space<vmem>>, vector<1x16xf32>,
      %get3A_408 = vector.shape_cast %get3A_407 : vector<1x16xf32> to vector<16xf32>
      %add3A_409 = arith.constant 3 : i32
      %add3A_410 = arith.addi %mul3A_247, %add3A_409 : i32
      %swap3A_411 = arith.index_cast %add3A_410 : i32 to index
      %swap3A_412 = arith.constant 0 : index
      %swap3A_413 = tpu.vector_load %arg14[%swap3A_411, %swap3A_412] {strides = array<i32>} : memref<112x64xf32, #tpu.memory_space<vmem>>, vector<1x16xf32>,
      %swap3A_414 = vector.shape_cast %swap3A_413 : vector<1x16xf32> to vector<16xf32>
      %swap3A_415 = vector.shape_cast %get3A_408 : vector<16xf32> to vector<1x16xf32>
      tpu.vector_store %arg14[%swap3A_411, %swap3A_412], %swap3A_415 {strides = array<i32>} : memref<112x64xf32, #tpu.memory_space<vmem>>, vector<1x16xf32>,
      %add3A_416 = arith.constant 3 : i32
      %add3A_417 = arith.addi %mul3A_247, %add3A_416 : i32
      %get3A_418 = arith.index_cast %add3A_417 : i32 to index
      %get3A_419 = arith.constant 16 : index
      %get3A_420 = tpu.vector_load %arg12[%get3A_418, %get3A_419] {strides = array<i32>} : memref<112x128xf32, #tpu.memory_space<vmem>>, vector<1x16xf32>,
      %get3A_421 = vector.shape_cast %get3A_420 : vector<1x16xf32> to vector<16xf32>
      %add3A_422 = arith.constant 3 : i32
      %add3A_423 = arith.addi %mul3A_247, %add3A_422 : i32
      %swap3A_424 = arith.index_cast %add3A_423 : i32 to index
      %swap3A_425 = arith.constant 16 : index
      %swap3A_426 = tpu.vector_load %arg14[%swap3A_424, %swap3A_425] {strides = array<i32>} : memref<112x64xf32, #tpu.memory_space<vmem>>, vector<1x16xf32>,
      %swap3A_427 = vector.shape_cast %swap3A_426 : vector<1x16xf32> to vector<16xf32>
      %swap3A_428 = vector.shape_cast %get3A_421 : vector<16xf32> to vector<1x16xf32>
      tpu.vector_store %arg14[%swap3A_424, %swap3A_425], %swap3A_428 {strides = array<i32>} : memref<112x64xf32, #tpu.memory_space<vmem>>, vector<1x16xf32>,
      %add3A_429 = arith.constant 3 : i32
      %add3A_430 = arith.addi %mul3A_247, %add3A_429 : i32
      %get3A_431 = arith.index_cast %add3A_430 : i32 to index
      %get3A_432 = arith.constant 32 : index
      %get3A_433 = tpu.vector_load %arg12[%get3A_431, %get3A_432] {strides = array<i32>} : memref<112x128xf32, #tpu.memory_space<vmem>>, vector<1x16xf32>,
      %get3A_434 = vector.shape_cast %get3A_433 : vector<1x16xf32> to vector<16xf32>
      %add3A_435 = arith.constant 3 : i32
      %add3A_436 = arith.addi %mul3A_247, %add3A_435 : i32
      %swap3A_437 = arith.index_cast %add3A_436 : i32 to index
      %swap3A_438 = arith.constant 32 : index
      %swap3A_439 = tpu.vector_load %arg14[%swap3A_437, %swap3A_438] {strides = array<i32>} : memref<112x64xf32, #tpu.memory_space<vmem>>, vector<1x16xf32>,
      %swap3A_440 = vector.shape_cast %swap3A_439 : vector<1x16xf32> to vector<16xf32>
      %swap3A_441 = vector.shape_cast %get3A_434 : vector<16xf32> to vector<1x16xf32>
      tpu.vector_store %arg14[%swap3A_437, %swap3A_438], %swap3A_441 {strides = array<i32>} : memref<112x64xf32, #tpu.memory_space<vmem>>, vector<1x16xf32>,
      %add3A_442 = arith.constant 3 : i32
      %add3A_443 = arith.addi %mul3A_247, %add3A_442 : i32
      %get3A_444 = arith.index_cast %add3A_443 : i32 to index
      %get3A_445 = arith.constant 48 : index
      %get3A_446 = tpu.vector_load %arg12[%get3A_444, %get3A_445] {strides = array<i32>} : memref<112x128xf32, #tpu.memory_space<vmem>>, vector<1x16xf32>,
      %get3A_447 = vector.shape_cast %get3A_446 : vector<1x16xf32> to vector<16xf32>
      %add3A_448 = arith.constant 3 : i32
      %add3A_449 = arith.addi %mul3A_247, %add3A_448 : i32
      %swap3A_450 = arith.index_cast %add3A_449 : i32 to index
      %swap3A_451 = arith.constant 48 : index
      %swap3A_452 = tpu.vector_load %arg14[%swap3A_450, %swap3A_451] {strides = array<i32>} : memref<112x64xf32, #tpu.memory_space<vmem>>, vector<1x16xf32>,
      %swap3A_453 = vector.shape_cast %swap3A_452 : vector<1x16xf32> to vector<16xf32>
      %swap3A_454 = vector.shape_cast %get3A_447 : vector<16xf32> to vector<1x16xf32>
      tpu.vector_store %arg14[%swap3A_450, %swap3A_451], %swap3A_454 {strides = array<i32>} : memref<112x64xf32, #tpu.memory_space<vmem>>, vector<1x16xf32>,
    }
    %scan3A_237 = arith.constant 20 : i32
    %add3A_238 = arith.constant 8064 : i32
    %add3A_239 = arith.addi %mul3A_0, %add3A_238 : i32
    "tpu.region"() ({
      %run_scoped3A = tpu.sem_alloc : memref<!tpu.dma_semaphore, #tpu.memory_space<semaphore_mem>>
      %dma_start3A_245 = arith.constant 0 : i32
      %dma_start3A_246 = arith.constant 0 : i32
      %dma_start3A_247 = tpu.memref_slice %arg14[%dma_start3A_245, %dma_start3A_246] : memref<112x64xf32, #tpu.memory_space<vmem>> -> memref<80x64xf32, #tpu.memory_space<vmem>>
      %dma_start3A_248 = arith.constant 0 : i32
      %dma_start3A_249 = tpu.memref_slice %arg5[%add3A_7, %add3A_239, %dma_start3A_248] : memref<4x130305x64xf32, #tpu.memory_space<hbm>> -> memref<1x80x64xf32, #tpu.memory_space<hbm>>
      %dma_start3A_250 = tpu.memref_squeeze %dma_start3A_249 : memref<1x80x64xf32, #tpu.memory_space<hbm>> -> memref<80x64xf32, #tpu.memory_space<hbm>>
      %dma_start3A_251 = arith.constant 0 : i32
      %dma_start3A_252 = tpu.memref_slice %arg5[%add3A_7, %add3A_239, %dma_start3A_251] : memref<4x130305x64xf32, #tpu.memory_space<hbm>> -> memref<1x80x64xf32, #tpu.memory_space<hbm>>
      %dma_start3A_253 = tpu.memref_squeeze %dma_start3A_252 : memref<1x80x64xf32, #tpu.memory_space<hbm>> -> memref<80x64xf32, #tpu.memory_space<hbm>>
      %dma_start3A_254 = arith.constant 0 : i32
      %dma_start3A_255 = arith.constant 0 : i32
      %dma_start3A_256 = tpu.memref_slice %arg14[%dma_start3A_254, %dma_start3A_255] : memref<112x64xf32, #tpu.memory_space<vmem>> -> memref<80x64xf32, #tpu.memory_space<vmem>>
      tpu.enqueue_dma source(%dma_start3A_256 : memref<80x64xf32, #tpu.memory_space<vmem>>) target(%dma_start3A_253 : memref<80x64xf32, #tpu.memory_space<hbm>>) target_semaphore(%run_scoped3A : memref<!tpu.dma_semaphore, #tpu.memory_space<semaphore_mem>>)
      %dma_wait3A_257 = arith.constant 0 : i32
      %dma_wait3A_258 = arith.constant 0 : i32
      %dma_wait3A_259 = tpu.memref_slice %arg14[%dma_wait3A_257, %dma_wait3A_258] : memref<112x64xf32, #tpu.memory_space<vmem>> -> memref<80x64xf32, #tpu.memory_space<vmem>>
      %dma_wait3A_260 = arith.constant 0 : i32
      %dma_wait3A_261 = tpu.memref_slice %arg5[%add3A_7, %add3A_239, %dma_wait3A_260] : memref<4x130305x64xf32, #tpu.memory_space<hbm>> -> memref<1x80x64xf32, #tpu.memory_space<hbm>>
      %dma_wait3A_262 = tpu.memref_squeeze %dma_wait3A_261 : memref<1x80x64xf32, #tpu.memory_space<hbm>> -> memref<80x64xf32, #tpu.memory_space<hbm>>
      %dma_wait3A_263 = arith.constant 0 : i32
      %dma_wait3A_264 = tpu.memref_slice %arg5[%add3A_7, %add3A_239, %dma_wait3A_263] : memref<4x130305x64xf32, #tpu.memory_space<hbm>> -> memref<1x80x64xf32, #tpu.memory_space<hbm>>
      %dma_wait3A_265 = tpu.memref_squeeze %dma_wait3A_264 : memref<1x80x64xf32, #tpu.memory_space<hbm>> -> memref<80x64xf32, #tpu.memory_space<hbm>>
      %dma_wait3A_266 = arith.constant 0 : i32
      %dma_wait3A_267 = arith.constant 0 : i32
      %dma_wait3A_268 = tpu.memref_slice %arg14[%dma_wait3A_266, %dma_wait3A_267] : memref<112x64xf32, #tpu.memory_space<vmem>> -> memref<80x64xf32, #tpu.memory_space<vmem>>
      tpu.wait_dma2 semaphore(%run_scoped3A : memref<!tpu.dma_semaphore, #tpu.memory_space<semaphore_mem>>) src(%dma_wait3A_268 : memref<80x64xf32, #tpu.memory_space<vmem>>) dst(%dma_wait3A_265 : memref<80x64xf32, #tpu.memory_space<hbm>>)
      tpu.yield
    }) : () -> ()
    %eq3A_240 = arith.constant 15 : i32
    %eq3A_241 = arith.cmpi eq, %arg1, %eq3A_240 : i32
    %convert_element_type3A_242 = arith.extui %eq3A_241 : i1 to i32
    %cond3A_243 = arith.constant 0 : i32
    %cond3A_244 = arith.cmpi ne, %convert_element_type3A_242, %cond3A_243 : i32
    scf.if %cond3A_244 {
      %mul3A_245 = arith.constant 130312 : i32
      %mul3A_246 = arith.muli %add3A_7, %mul3A_245 : i32
      "tpu.region"() ({
        %run_scoped3A = tpu.sem_alloc : memref<!tpu.dma_semaphore, #tpu.memory_space<semaphore_mem>>
        %dma_start3A_323 = arith.constant 0 : i32
        %dma_start3A_324 = tpu.memref_slice %arg7[%dma_start3A_323] : memref<8144xi32, #tpu.memory_space<vmem>> -> memref<16xi32, #tpu.memory_space<vmem>>
        %dma_start3A_325 = arith.constant 130304 : i32
        %dma_start3A_326 = tpu.memref_slice %arg3[%dma_start3A_325] : memref<130320xi32, #tpu.memory_space<hbm>> -> memref<16xi32, #tpu.memory_space<hbm>>
        %dma_start3A_327 = arith.constant 0 : i32
        %dma_start3A_328 = tpu.memref_slice %arg7[%dma_start3A_327] : memref<8144xi32, #tpu.memory_space<vmem>> -> memref<16xi32, #tpu.memory_space<vmem>>
        %dma_start3A_329 = arith.constant 130304 : i32
        %dma_start3A_330 = tpu.memref_slice %arg3[%dma_start3A_329] : memref<130320xi32, #tpu.memory_space<hbm>> -> memref<16xi32, #tpu.memory_space<hbm>>
        tpu.enqueue_dma source(%dma_start3A_330 : memref<16xi32, #tpu.memory_space<hbm>>) target(%dma_start3A_328 : memref<16xi32, #tpu.memory_space<vmem>>) target_semaphore(%run_scoped3A : memref<!tpu.dma_semaphore, #tpu.memory_space<semaphore_mem>>)
        %dma_wait3A_331 = arith.constant 0 : i32
        %dma_wait3A_332 = tpu.memref_slice %arg7[%dma_wait3A_331] : memref<8144xi32, #tpu.memory_space<vmem>> -> memref<16xi32, #tpu.memory_space<vmem>>
        %dma_wait3A_333 = arith.constant 130304 : i32
        %dma_wait3A_334 = tpu.memref_slice %arg3[%dma_wait3A_333] : memref<130320xi32, #tpu.memory_space<hbm>> -> memref<16xi32, #tpu.memory_space<hbm>>
        %dma_wait3A_335 = arith.constant 0 : i32
        %dma_wait3A_336 = tpu.memref_slice %arg7[%dma_wait3A_335] : memref<8144xi32, #tpu.memory_space<vmem>> -> memref<16xi32, #tpu.memory_space<vmem>>
        %dma_wait3A_337 = arith.constant 130304 : i32
        %dma_wait3A_338 = tpu.memref_slice %arg3[%dma_wait3A_337] : memref<130320xi32, #tpu.memory_space<hbm>> -> memref<16xi32, #tpu.memory_space<hbm>>
        tpu.wait_dma2 semaphore(%run_scoped3A : memref<!tpu.dma_semaphore, #tpu.memory_space<semaphore_mem>>) src(%dma_wait3A_338 : memref<16xi32, #tpu.memory_space<hbm>>) dst(%dma_wait3A_336 : memref<16xi32, #tpu.memory_space<vmem>>)
        tpu.yield
      }) : () -> ()
      %add3A_247 = arith.constant 130304 : i32
      %add3A_248 = vector.broadcast %add3A_247 : i32 to vector<16xi32>
      %add3A_249 = arith.addi %add3A_248, %iota3A : vector<16xi32>
      %get3A_250 = arith.constant 0 : index
      %get3A_251 = tpu.vector_load %arg7[%get3A_250] {strides = array<i32>} : memref<8144xi32, #tpu.memory_space<vmem>>, vector<16xi32>,
      %get3A_252 = vector.shape_cast %get3A_251 : vector<16xi32> to vector<16xi32>
      %select_n3A = arith.select %ne3A_4, %get3A_252, %add3A_249 : vector<16xi1>, vector<16xi32>
      %add3A_253 = vector.broadcast %mul3A_246 : i32 to vector<16xi32>
      %add3A_254 = arith.addi %add3A_253, %select_n3A : vector<16xi32>
      %swap3A = arith.constant 0 : index
      %swap3A_255 = tpu.vector_load %arg7[%swap3A] {strides = array<i32>} : memref<8144xi32, #tpu.memory_space<vmem>>, vector<16xi32>,
      %swap3A_256 = vector.shape_cast %swap3A_255 : vector<16xi32> to vector<16xi32>
      %swap3A_257 = vector.shape_cast %add3A_254 : vector<16xi32> to vector<16xi32>
      tpu.vector_store %arg7[%swap3A], %swap3A_257 {strides = array<i32>} : memref<8144xi32, #tpu.memory_space<vmem>>, vector<16xi32>,
      %dma_start3A_258 = arith.constant 0 : i32
      %dma_start3A_259 = arith.constant 0 : i32
      %dma_start3A_260 = tpu.memref_slice %arg12[%dma_start3A_258, %dma_start3A_259] : memref<112x128xf32, #tpu.memory_space<vmem>> -> memref<1x128xf32, #tpu.memory_space<vmem>>
      %dma_start3A_261 = arith.constant 0 : i32
      %dma_start3A_262 = tpu.memref_slice %arg7[%dma_start3A_261] : memref<8144xi32, #tpu.memory_space<vmem>> -> memref<1xi32, #tpu.memory_space<vmem>>
      %dma_start3A_263 = arith.constant 0 : i32
      %dma_start3A_264 = arith.constant 0 : i32
      %dma_start3A_265 = tpu.memref_slice %arg6[%dma_start3A_263, %dma_start3A_264] : memref<521248x128xf32, #tpu.memory_space<hbm>> -> memref<521248x128xf32, #tpu.memory_space<hbm>>
      tpu.enqueue_indirect_dma source(%dma_start3A_265 : memref<521248x128xf32, #tpu.memory_space<hbm>>) target(%dma_start3A_260 : memref<1x128xf32, #tpu.memory_space<vmem>>) offsets(%dma_start3A_262 : memref<1xi32, #tpu.memory_space<vmem>>) semaphore(%arg19 : memref<!tpu.dma_semaphore, #tpu.memory_space<semaphore_mem>>)
      %dma_wait3A_266 = arith.constant 0 : i32
      %dma_wait3A_267 = arith.constant 0 : i32
      %dma_wait3A_268 = tpu.memref_slice %arg12[%dma_wait3A_266, %dma_wait3A_267] : memref<112x128xf32, #tpu.memory_space<vmem>> -> memref<1x128xf32, #tpu.memory_space<vmem>>
      %dma_wait3A_269 = arith.constant 0 : i32
      %dma_wait3A_270 = tpu.memref_slice %arg7[%dma_wait3A_269] : memref<8144xi32, #tpu.memory_space<vmem>> -> memref<1xi32, #tpu.memory_space<vmem>>
      %dma_wait3A_271 = arith.constant 0 : i32
      %dma_wait3A_272 = arith.constant 0 : i32
      %dma_wait3A_273 = tpu.memref_slice %arg6[%dma_wait3A_271, %dma_wait3A_272] : memref<521248x128xf32, #tpu.memory_space<hbm>> -> memref<521248x128xf32, #tpu.memory_space<hbm>>
      tpu.wait_indirect_dma semaphore(%arg19 : memref<!tpu.dma_semaphore, #tpu.memory_space<semaphore_mem>>) src(%dma_wait3A_273 : memref<521248x128xf32, #tpu.memory_space<hbm>>) dst(%dma_wait3A_268 : memref<1x128xf32, #tpu.memory_space<vmem>>)
      %scan3A_274 = arith.constant 0 : i32
      %scan3A_275 = arith.constant 0 : i32
      %scan3A_276 = arith.constant 0 : i32
      %scan3A_277 = arith.addi %scan3A_275, %scan3A_276 : i32
      %scan3A_278 = arith.constant 0 : i32
      %get3A_279 = arith.constant 0 : i32
      %get3A_280 = arith.index_cast %get3A_279 : i32 to index
      %get3A_281 = arith.constant 0 : index
      %get3A_282 = tpu.vector_load %arg12[%get3A_280, %get3A_281] {strides = array<i32>} : memref<112x128xf32, #tpu.memory_space<vmem>>, vector<1x16xf32>,
      %get3A_283 = vector.shape_cast %get3A_282 : vector<1x16xf32> to vector<16xf32>
      %swap3A_284 = arith.constant 0 : i32
      %swap3A_285 = arith.index_cast %swap3A_284 : i32 to index
      %swap3A_286 = arith.constant 0 : index
      %swap3A_287 = tpu.vector_load %arg14[%swap3A_285, %swap3A_286] {strides = array<i32>} : memref<112x64xf32, #tpu.memory_space<vmem>>, vector<1x16xf32>,
      %swap3A_288 = vector.shape_cast %swap3A_287 : vector<1x16xf32> to vector<16xf32>
      %swap3A_289 = vector.shape_cast %get3A_283 : vector<16xf32> to vector<1x16xf32>
      tpu.vector_store %arg14[%swap3A_285, %swap3A_286], %swap3A_289 {strides = array<i32>} : memref<112x64xf32, #tpu.memory_space<vmem>>, vector<1x16xf32>,
      %get3A_290 = arith.constant 0 : i32
      %get3A_291 = arith.index_cast %get3A_290 : i32 to index
      %get3A_292 = arith.constant 16 : index
      %get3A_293 = tpu.vector_load %arg12[%get3A_291, %get3A_292] {strides = array<i32>} : memref<112x128xf32, #tpu.memory_space<vmem>>, vector<1x16xf32>,
      %get3A_294 = vector.shape_cast %get3A_293 : vector<1x16xf32> to vector<16xf32>
      %swap3A_295 = arith.constant 0 : i32
      %swap3A_296 = arith.index_cast %swap3A_295 : i32 to index
      %swap3A_297 = arith.constant 16 : index
      %swap3A_298 = tpu.vector_load %arg14[%swap3A_296, %swap3A_297] {strides = array<i32>} : memref<112x64xf32, #tpu.memory_space<vmem>>, vector<1x16xf32>,
      %swap3A_299 = vector.shape_cast %swap3A_298 : vector<1x16xf32> to vector<16xf32>
      %swap3A_300 = vector.shape_cast %get3A_294 : vector<16xf32> to vector<1x16xf32>
      tpu.vector_store %arg14[%swap3A_296, %swap3A_297], %swap3A_300 {strides = array<i32>} : memref<112x64xf32, #tpu.memory_space<vmem>>, vector<1x16xf32>,
      %get3A_301 = arith.constant 0 : i32
      %get3A_302 = arith.index_cast %get3A_301 : i32 to index
      %get3A_303 = arith.constant 32 : index
      %get3A_304 = tpu.vector_load %arg12[%get3A_302, %get3A_303] {strides = array<i32>} : memref<112x128xf32, #tpu.memory_space<vmem>>, vector<1x16xf32>,
      %get3A_305 = vector.shape_cast %get3A_304 : vector<1x16xf32> to vector<16xf32>
      %swap3A_306 = arith.constant 0 : i32
      %swap3A_307 = arith.index_cast %swap3A_306 : i32 to index
      %swap3A_308 = arith.constant 32 : index
      %swap3A_309 = tpu.vector_load %arg14[%swap3A_307, %swap3A_308] {strides = array<i32>} : memref<112x64xf32, #tpu.memory_space<vmem>>, vector<1x16xf32>,
      %swap3A_310 = vector.shape_cast %swap3A_309 : vector<1x16xf32> to vector<16xf32>
      %swap3A_311 = vector.shape_cast %get3A_305 : vector<16xf32> to vector<1x16xf32>
      tpu.vector_store %arg14[%swap3A_307, %swap3A_308], %swap3A_311 {strides = array<i32>} : memref<112x64xf32, #tpu.memory_space<vmem>>, vector<1x16xf32>,
      %get3A_312 = arith.constant 0 : i32
      %get3A_313 = arith.index_cast %get3A_312 : i32 to index
      %get3A_314 = arith.constant 48 : index
      %get3A_315 = tpu.vector_load %arg12[%get3A_313, %get3A_314] {strides = array<i32>} : memref<112x128xf32, #tpu.memory_space<vmem>>, vector<1x16xf32>,
      %get3A_316 = vector.shape_cast %get3A_315 : vector<1x16xf32> to vector<16xf32>
      %swap3A_317 = arith.constant 0 : i32
      %swap3A_318 = arith.index_cast %swap3A_317 : i32 to index
      %swap3A_319 = arith.constant 48 : index
      %swap3A_320 = tpu.vector_load %arg14[%swap3A_318, %swap3A_319] {strides = array<i32>} : memref<112x64xf32, #tpu.memory_space<vmem>>, vector<1x16xf32>,
      %swap3A_321 = vector.shape_cast %swap3A_320 : vector<1x16xf32> to vector<16xf32>
      %swap3A_322 = vector.shape_cast %get3A_316 : vector<16xf32> to vector<1x16xf32>
      tpu.vector_store %arg14[%swap3A_318, %swap3A_319], %swap3A_322 {strides = array<i32>} : memref<112x64xf32, #tpu.memory_space<vmem>>, vector<1x16xf32>,
      "tpu.region"() ({
        %run_scoped3A = tpu.sem_alloc : memref<!tpu.dma_semaphore, #tpu.memory_space<semaphore_mem>>
        %dma_start3A_323 = arith.constant 0 : i32
        %dma_start3A_324 = arith.constant 0 : i32
        %dma_start3A_325 = tpu.memref_slice %arg14[%dma_start3A_323, %dma_start3A_324] : memref<112x64xf32, #tpu.memory_space<vmem>> -> memref<1x64xf32, #tpu.memory_space<vmem>>
        %dma_start3A_326 = arith.constant 130304 : i32
        %dma_start3A_327 = arith.constant 0 : i32
        %dma_start3A_328 = tpu.memref_slice %arg5[%add3A_7, %dma_start3A_326, %dma_start3A_327] : memref<4x130305x64xf32, #tpu.memory_space<hbm>> -> memref<1x1x64xf32, #tpu.memory_space<hbm>>
        %dma_start3A_329 = tpu.memref_squeeze %dma_start3A_328 : memref<1x1x64xf32, #tpu.memory_space<hbm>> -> memref<1x64xf32, #tpu.memory_space<hbm>>
        %dma_start3A_330 = arith.constant 130304 : i32
        %dma_start3A_331 = arith.constant 0 : i32
        %dma_start3A_332 = tpu.memref_slice %arg5[%add3A_7, %dma_start3A_330, %dma_start3A_331] : memref<4x130305x64xf32, #tpu.memory_space<hbm>> -> memref<1x1x64xf32, #tpu.memory_space<hbm>>
        %dma_start3A_333 = tpu.memref_squeeze %dma_start3A_332 : memref<1x1x64xf32, #tpu.memory_space<hbm>> -> memref<1x64xf32, #tpu.memory_space<hbm>>
        %dma_start3A_334 = arith.constant 0 : i32
        %dma_start3A_335 = arith.constant 0 : i32
        %dma_start3A_336 = tpu.memref_slice %arg14[%dma_start3A_334, %dma_start3A_335] : memref<112x64xf32, #tpu.memory_space<vmem>> -> memref<1x64xf32, #tpu.memory_space<vmem>>
        tpu.enqueue_dma source(%dma_start3A_336 : memref<1x64xf32, #tpu.memory_space<vmem>>) target(%dma_start3A_333 : memref<1x64xf32, #tpu.memory_space<hbm>>) target_semaphore(%run_scoped3A : memref<!tpu.dma_semaphore, #tpu.memory_space<semaphore_mem>>)
        %dma_wait3A_337 = arith.constant 0 : i32
        %dma_wait3A_338 = arith.constant 0 : i32
        %dma_wait3A_339 = tpu.memref_slice %arg14[%dma_wait3A_337, %dma_wait3A_338] : memref<112x64xf32, #tpu.memory_space<vmem>> -> memref<1x64xf32, #tpu.memory_space<vmem>>
        %dma_wait3A_340 = arith.constant 130304 : i32
        %dma_wait3A_341 = arith.constant 0 : i32
        %dma_wait3A_342 = tpu.memref_slice %arg5[%add3A_7, %dma_wait3A_340, %dma_wait3A_341] : memref<4x130305x64xf32, #tpu.memory_space<hbm>> -> memref<1x1x64xf32, #tpu.memory_space<hbm>>
        %dma_wait3A_343 = tpu.memref_squeeze %dma_wait3A_342 : memref<1x1x64xf32, #tpu.memory_space<hbm>> -> memref<1x64xf32, #tpu.memory_space<hbm>>
        %dma_wait3A_344 = arith.constant 130304 : i32
        %dma_wait3A_345 = arith.constant 0 : i32
        %dma_wait3A_346 = tpu.memref_slice %arg5[%add3A_7, %dma_wait3A_344, %dma_wait3A_345] : memref<4x130305x64xf32, #tpu.memory_space<hbm>> -> memref<1x1x64xf32, #tpu.memory_space<hbm>>
        %dma_wait3A_347 = tpu.memref_squeeze %dma_wait3A_346 : memref<1x1x64xf32, #tpu.memory_space<hbm>> -> memref<1x64xf32, #tpu.memory_space<hbm>>
        %dma_wait3A_348 = arith.constant 0 : i32
        %dma_wait3A_349 = arith.constant 0 : i32
        %dma_wait3A_350 = tpu.memref_slice %arg14[%dma_wait3A_348, %dma_wait3A_349] : memref<112x64xf32, #tpu.memory_space<vmem>> -> memref<1x64xf32, #tpu.memory_space<vmem>>
        tpu.wait_dma2 semaphore(%run_scoped3A : memref<!tpu.dma_semaphore, #tpu.memory_space<semaphore_mem>>) src(%dma_wait3A_350 : memref<1x64xf32, #tpu.memory_space<vmem>>) dst(%dma_wait3A_347 : memref<1x64xf32, #tpu.memory_space<hbm>>)
        tpu.yield
      }) : () -> ()
    } else {
    }
    return
  }
}

</mosaic_0001>

<sc_bundles>
// kernel: kernel.3.cloned.1.call-start
scs
__scs_entry_jumppad:
0x0: {  	(pc) =	sbr.rel $0x88, $3  }
0x1: {  	(tag) =	ssettag $0x0;
	lr =	simm.s32 $0x1  }
0x2: {  	[smem:$0x3F9F] =	sst lr;
	_ =	strace $0xD0000000  }
0x3: {  	_ = 	snop  }
0x4: {  	_ = 	snop  }
0x5: {  	_ = 	snop  }
0x6: {  	_ = 	snop  }
0x7: {  	_ = 	snop  }
__scs_overlays_trampoline_lowered:
0x8: {  	[smem:$0x3FAE] =	sst s0  }
0x9: {  	[smem:$0x3FAF] =	sst s1  }
0xa: {  	[smem:$0x3FB0] =	sst s2  }
0xb: {  	[smem:$0x3FB1] =	sst s3  }
0xc: {  	[smem:$0x3FB2] =	sst s4  }
0xd: {  	[smem:$0x3FB3] =	sst s5  }
0xe: {  	[smem:$0x3FB4] =	sst s6  }
0xf: {  	[smem:$0x3FB5] =	sst s7  }
0x10: {  	[smem:$0x3FB6] =	sst s8  }
0x11: {  	[smem:$0x3FB7] =	sst s9;
	s0 =	simm.s32 @!p0 $0x0  }
0x12: {  	s1 =	sld [smem:$0x3F9D];
	s0 =	simm.s32 @p0 $0x1  }
0x13: {  	[smem:$0x3FB8] =	sst s0;
	s0 =	simm.s32 @!p1 $0x0  }
0x14: {  	s2 =	sld [smem:$0x3F9C];
	s0 =	simm.s32 @p1 $0x1  }
0x15: {  	[smem:$0x3FB9] =	sst s0;
	s0 =	simm.s32 @!p2 $0x0  }
0x16: {  	s3 =	sld [smem:$0x3FDB];
	s0 =	simm.s32 @p2 $0x1  }
0x17: {  	s4 =	simm.s32 $0x1BF5;
	[smem:$0x3FBB] =	sst s0  }
0x18: {  	s0 =	sld [smem:$0x3F9E];
	_ =	swait.ge [sflag:s4], $0x0  }
0x19: {  	s7 =	sld [smem:$0x3F9F]  }
0x1a: {  	s8 =	sadd.s32 $0xFFFFE003, lr  }
0x1b: {  	s9 =	sadd.s32 $0xFFFFFEF7, lr;
	s5 =	simm.s32 $0xFFFFFFFF;
	p2 =	slt.u32 s8, $0xFFFFF086  }
0x1c: {  	p1 =	slt.u32 s9, $0xF7A;
	s5 =	simm.s32 @!p2 $0x0  }
0x1d: {  	s5 =	simm.s32 @p1 $0x1;
	p0 =	seq.s32 s7, s2  }
0x1e: {  	s7 =	smul.u32 @!p0 $0xF7A, s2;
	p2 =	seq.s32 @!p0 s5, $0x0  }
0x1f: {  	s9 =	smul.u32 $0xF7A, s1;
	s8 =	simm.s32 @!p0 $0x1BF5;
	p2 =	por !p2, p0  }
0x20: {  	[sflag:s8] =	ssyncset.s32 @!p0 $0xFFFFF086;
	s6 =	sadd.s32 @!p0 s3, s7;
	s7 =	simm.s32 @!p0 $0x108  }
0x21: {  	s3 =	sadd.s32 s3, s9;
	s6 =	sadd.s32 @!p0 $0x88, s6;
	s7 =	simm.s32 @p2 $0x1082  }
0x22: {  	[simem:s7], [sflag:s8] =	dma.local @!p0 [hbm:s6], $0xF7A  }
0x23: {  	s9 =	sor.u32 $0xD0000000, s2;
	s6 =	simm.s32 $0x108;
	_ =	swait.ge @!p0 [sflag:s8], $0x0  }
0x24: {  	s3 =	sadd.s32 $0x88, s3;
	s6 =	simm.s32 @!p1 $0x1082;
	[sflag:s4] =	ssyncset.s32 $0xFFFFF086  }
0x25: {  	[simem:s6], [sflag:s4] =	dma.local [hbm:s3], $0xF7A  }
0x26: {  	[smem:$0x3F9F] =	sst s1;
	(tag) =	ssettag s2;
	_ =	strace s9  }
0x27: {  	s1 =	sld [smem:$0x3FAF]  }
0x28: {  	s2 =	sld [smem:$0x3FB0]  }
0x29: {  	s4 =	sld [smem:$0x3FB2]  }
0x2a: {  	p0 =	seq.s32 s5, $0x0;
	s5 =	sld [smem:$0x3FB3]  }
0x2b: {  	s6 =	sld [smem:$0x3FB4]  }
0x2c: {  	s7 =	sld [smem:$0x3FB5]  }
0x2d: {  	s3 =	simm.s32 $0x108;
	s8 =	sld [smem:$0x3FB6]  }
0x2e: {  	s3 =	simm.s32 @!p0 $0x1082;
	s9 =	sld [smem:$0x3FB7]  }
0x2f: {  	lr =	sadd.s32 s0, s3;
	s0 =	sld [smem:$0x3FAE]  }
0x30: {  	s3 =	sld [smem:$0x3FB1]  }
0x31: {  	[smem:$0x3FBA] =	sst s10  }
0x32: {  	s10 =	sld [smem:$0x3FB8];
	_ =	sdelay $0x3  }
0x33: {  	p0 =	seq.s32 s10, $0x1;
	s10 =	sld [smem:$0x3FBA];
	_ =	sdelay $0x3  }
0x34: {  	[smem:$0x3FBA] =	sst s10  }
0x35: {  	s10 =	sld [smem:$0x3FB9];
	_ =	sdelay $0x3  }
0x36: {  	p1 =	seq.s32 s10, $0x1;
	s10 =	sld [smem:$0x3FBA];
	_ =	sdelay $0x3  }
0x37: {  	[smem:$0x3FBA] =	sst s10  }
0x38: {  	s10 =	sld [smem:$0x3FBB]  }
0x39: {  	_ = 	snop;
	(pc) =	sbr.ind lr, $3  }
0x3a: {  	_ = 	snop  }
0x3b: {  	_ = 	snop  }
0x3c: {  	p2 =	seq.s32 s10, $0x1;
	s10 =	sld [smem:$0x3FBA]  }
0x3d: {  	_ =	shalt  }
0x3e: {  	_ =	shalt  }
0x3f: {  	_ =	shalt  }
0x40: {  	_ =	shalt  }
0x41: {  	_ =	shalt  }
0x42: {  	_ =	shalt  }
0x43: {  	_ =	shalt  }
0x44: {  	_ =	shalt  }
0x45: {  	_ =	shalt  }
0x46: {  	_ =	shalt  }
0x47: {  	_ =	shalt  }
0x48: {  	_ =	shalt  }
0x49: {  	_ =	shalt  }
0x4a: {  	_ =	shalt  }
0x4b: {  	_ =	shalt  }
0x4c: {  	_ =	shalt  }
0x4d: {  	_ =	shalt  }
0x4e: {  	_ =	shalt  }
0x4f: {  	_ =	shalt  }
0x50: {  	_ =	shalt  }
0x51: {  	_ =	shalt  }
0x52: {  	_ =	shalt  }
0x53: {  	_ =	shalt  }
0x54: {  	_ =	shalt  }
0x55: {  	_ =	shalt  }
0x56: {  	_ =	shalt  }
0x57: {  	_ =	shalt  }
0x58: {  	_ =	shalt  }
0x59: {  	_ =	shalt  }
0x5a: {  	_ =	shalt  }
0x5b: {  	_ =	shalt  }
0x5c: {  	_ =	shalt  }
0x5d: {  	_ =	shalt  }
0x5e: {  	_ =	shalt  }
0x5f: {  	_ =	shalt  }
0x60: {  	_ =	shalt  }
0x61: {  	_ =	shalt  }
0x62: {  	_ =	shalt  }
0x63: {  	_ =	shalt  }
0x64: {  	_ =	shalt  }
0x65: {  	_ =	shalt  }
0x66: {  	_ =	shalt  }
0x67: {  	_ =	shalt  }
0x68: {  	_ =	shalt  }
0x69: {  	_ =	shalt  }
0x6a: {  	_ =	shalt  }
0x6b: {  	_ =	shalt  }
0x6c: {  	_ =	shalt  }
0x6d: {  	_ =	shalt  }
0x6e: {  	_ =	shalt  }
0x6f: {  	_ =	shalt  }
0x70: {  	_ =	shalt  }
0x71: {  	_ =	shalt  }
0x72: {  	_ =	shalt  }
0x73: {  	_ =	shalt  }
0x74: {  	_ =	shalt  }
0x75: {  	_ =	shalt  }
0x76: {  	_ =	shalt  }
0x77: {  	_ =	shalt  }
0x78: {  	_ =	shalt  }
0x79: {  	_ =	shalt  }
0x7a: {  	_ =	shalt  }
0x7b: {  	_ =	shalt  }
0x7c: {  	_ =	shalt  }
0x7d: {  	_ =	shalt  }
0x7e: {  	_ =	shalt  }
0x7f: {  	_ =	shalt  }
0x80: {  	_ =	shalt  }
0x81: {  	_ =	shalt  }
0x82: {  	_ =	shalt  }
0x83: {  	_ =	shalt  }
0x84: {  	_ =	shalt  }
0x85: {  	_ =	shalt  }
0x86: {  	_ =	shalt  }
0x87: {  	_ =	shalt  }
.Lfunc_end0:
.L_simem_size_0:
called_computation_lowered:
.L_overlay_start_0:
0x88: {  	s2 =	sld [smem:$0x3FD9]  }
0x89: {  	s3 =	sld [smem:$0x3FFE];
	_ =	sdelay $0x1  }
0x8a: {  	s1 =	srdreg.scid  }
0x8b: {  	s0 =	sand.u32 $0x1, s1  }
0x8c: {  	s18 =	sshll.u32 s0, $0xA;
	s2 =	sadd.s32 s3, s2  }
0x8d: {  	s3 =	sadd.s32 s2, s18  }
0x8e: {  	[smem:$0x3FC6] =	sst s3  }
0x8f: {  	_ = 	snop  }
0x90: {  	s3 =	sld [smem:$0x3FD0];
	(tm) =	ssettm $0x1  }
0x91: {  	s4 =	sld [smem:$0x3FFB];
	_ =	sdelay $0x3  }
0x92: {  	_ =	strace s4  }
0x93: {  	s4 =	sld [smem:$0x3FFC];
	_ =	sdelay $0x3  }
0x94: {  	_ =	strace s4  }
0x95: {  	s4 =	sld [smem:$0x3FFD];
	_ =	sdelay $0x3  }
0x96: {  	_ =	strace s4  }
0x97: {  	_ =	strace $0x8FFFFFFF  }
0x98: {  	s19 =	sld [smem:$0x3FDB];
	_ =	sdelay $0x1  }
0x99: {  	s5 =	simm.s32 $_scs_section_size  }
0x9a: {  	s6 =	simm.s32 $_size__tile_overlayer_lowered;
	s7 =	simm.s32 $_tile_overlayer_lowered  }
0x9b: {  	s22 =	simm.s32 $0x1BFF;
	s21 =	sshll.u32 s7, $0x1;
	s4 =	sadd.s32 s5, s19  }
0x9c: {  	s8 =	simm.s32 $0x0;
	s20 =	sshll.u32 s6, $0x1;
	s6 =	sadd.s32 s21, s4  }
0x9d: {  	[timem:s8], [sflag:s22] =	dma.local [hbm:s6], s20  }
0x9e: {  	_ =	swait.ge [sflag:s22], s20  }
0x9f: {  	s5 =	ssub.s32 $0x0, s20;
	[sflag:s22] =	ssyncset.done $0x0  }
0xa0: {  	[sflag:s22] =	ssyncadd.s32 s5;
	_ =	sdelay $0x1  }
0xa1: {  	s23 =	simm.s32 $0x1B8B  }
0xa2: {  	_ =	swait.ge [sflag:s23], $0x1  }
0xa3: {  	[sflag:s23] =	ssyncset.done $0x0  }
0xa4: {  	s25 =	simm.s32 $0x1B8E;
	s24 =	sld [smem:$0x3FFE];
	[sflag:s23] =	ssyncadd.s32 $0xFFFFFFFF  }
0xa5: {  	s26 =	simm.s32 $execute0_lowered;
	[smem:$0x3FD2] =	sst s25  }
0xa6: {  	s6 =	sshll.u32 s26, $0x1;
	_ =	strace $0x80000046;
	[dreg:$0x1] =	wrdreg $0xFFFFFFFF  }
0xa7: {  	s28 =	simm.s32 $_size_execute0_lowered;
	s4 =	sadd.s32 s4, s6;
	[dreg:$0x0] =	wrdreg $0x0  }
0xa8: {  	s6 =	sshll.u32 s28, $0x1;
	[dreg:$0x2] =	wrdreg s4  }
0xa9: {  	[dreg:$0x3] =	wrdreg s6  }
0xaa: {  	[dreg:$0x4] =	wrdreg $0xC0  }
0xab: {  	_ =	task [dreg:s8], $0x5FFFF  }
0xac: {  	[dreg:$0x1] =	wrdreg $0xFFFFFFFF  }
0xad: {  	[dreg:$0x0] =	wrdreg $0x60  }
0xae: {  	[dreg:$0x2] =	wrdreg s24  }
0xaf: {  	s2 =	sadd.s32 $0x800, s2;
	[dreg:$0x3] =	wrdreg s3  }
0xb0: {  	[dreg:$0x4] =	wrdreg s2  }
0xb1: {  	[dreg:$0x5] =	wrdreg $0x9  }
0xb2: {  	_ =	task.clear_ibuf [dreg:s8], $0x6FFFF;
	_ =	strace $0x90000046  }
0xb3: {  	s29 =	simm.s32 $0x9;
	_ =	strace $0x80000048  }
0xb4: {  	_ =	swait.ge [sflag:s29], $0x1  }
0xb5: {  	[sflag:s29] =	ssyncadd.s32 $0xFFFFFFFF  }
0xb6: {  	_ =	strace $0x90000048  }
0xb7: {  	_ =	sfence  }
0xb8: {  	s30 =	sld [smem:$0x0];
	_ =	sdelay $0x2  }
0xb9: {  	s31 =	sshll.u32 s1, $0xD;
	s1 =	sshrl.u32 s1, $0x2  }
0xba: {  	s3 =	sand.u32 $0x4000, s31;
	s1 =	sadd.s32 s1, s30  }
0xbb: {  	s0 =	sor.u32 s3, s0;
	s1 =	sshll.u32 s1, $0x11  }
0xbc: {  	s0 =	sor.u32 s1, s0  }
0xbd: {  	s0 =	sadd.s32 $0x8F2B, s0  }
0xbe: {  	[sflag:s0] =	ssyncadd.remote.s32 $0x1  }
0xbf: {  	_ =	sfence.sel $0xFFFF  }
0xc0: {  	[dreg:$0x0] =	wrdreg $0xFFFFFFFF;
	(pc) =	sbr.abs _section_cstart, $3  }
0xc1: {  	[dreg:$0x1] =	wrdreg $0xFFFFFFFF  }
0xc2: {  	_ =	task.clear_ibuf [dreg:s8], $0x2FFFF;
	_ =	strace $0x9FFFFFFF  }
0xc3: {  	(tm) =	ssettm $0x7FFFFFFF  }
tec
execute0_lowered:
.L_overlay_start_1:
0x0: {  	(tag) =	ssettag $0x1  }
0x1: {  	s0 =	rddreg [dreg:$0x0]  }
0x2: {  	s3 =	rddreg [dreg:$0x1]  }
0x3: {  	s1 =	rddreg [dreg:$0x2];
	s2 =	simm.s32 $0x0  }
0x4: {  	s4 =	srdreg.scid;
	s19 =	stileid.u32;
	s31 =	simm.s32 $0x9  }
0x5: {  	[smem:$0x7FF] =	sst s2;
	s6 =	sand.u32 $0x1, s4;
	s5 =	sadd.s32 $0x600, s0  }
0x6: {  	s9 =	smul.u32 $0xFE800, s19;
	s7 =	sadd.s32 $0x7F4800, s0;
	p0 =	sne.s32 s19, $0xF  }
0x7: {  	_ =	strace $0x80000047;
	s4 =	smul.u32 $0x1FD0800, s6;
	s8 =	ssub.s32 $0x2, s6  }
0x8: {  	[dreg:$0x4] =	wrdreg s7;
	s7 =	sadd.s32 $0x7F4A00, s0;
	s13 =	sshllo.u32 s6, $0x1  }
0x9: {  	s0 =	smul.u32 $0x3FA10, s6;
	s25 =	sshrl.u32 s8, $0x1;
	s14 =	sadd.s32 $0x3800, s9  }
0xa: {  	s28 =	sadd.s32 $0xFC000, s9;
	s10 =	ssub.s32 s8, s25;
	s8 =	smul.u32 $0x1FD0, s19  }
0xb: {  	s26 =	sadd.s32 s9, s4;
	s12 =	sadd.s32 s4, s14;
	s22 =	sadd.s32 s4, s28  }
0xc: {  	s17 =	sshrl.u32 s4, $0x3;
	s19 =	simm.s32 $0x9000;
	s11 =	sshrl.u32 s26, $0x3  }
0xd: {  	s21 =	sshrl.u32 s12, $0x3;
	s15 =	sshrl.u32 s22, $0x3;
	s12 =	smul.u32 $0xFE8400, s13  }
0xe: {  	s20 =	sadd.s32 $0x1FD000, s17;
	s13 =	smul.u32 $0x1FD08, s13;
	s17 =	smax.u32 s10, $0x1  }
0xf: {  	s11 =	sadd.s32 s5, s11;
	s18 =	sadd.s32 s5, s15;
	[dreg:$0x11] =	wrdreg s17  }
0x10: {  	s23 =	sshrl.u32 s8, $0x3;
	s25 =	sadd.s32 s7, s15;
	[dreg:$0x8] =	wrdreg s20  }
0x11: {  	s17 =	simm.s32 $0x1;
	[dreg:$0x5] =	wrdreg s11;
	s11 =	sadd.s32 s5, s21  }
0x12: {  	[dreg:$0x7] =	wrdreg s18;
	s9 =	sadd.s32 s9, s12;
	s14 =	sadd.s32 s14, s12  }
0x13: {  	s30 =	sadd.s32 s3, s23;
	s18 =	sadd.s32 s8, s13;
	[dreg:$0xc] =	wrdreg s25  }
0x14: {  	s6 =	sadd.s32 s28, s12;
	s28 =	sshrl.u32 s12, $0x3;
	s3 =	sadd.s32 $0x3FA0, s3  }
0x15: {  	s23 =	sadd.s32 $0xE0, s8;
	s25 =	sadd.s32 s5, s20;
	v1 =	vmov s13;
	s13 =	simm.s32 $0x0  }
0x16: {  	[dreg:$0x6] =	wrdreg s11;
	s11 =	sadd.s32 s8, s0;
	s9 =	sshrl.u32 s9, $0x3  }
0x17: {  	s14 =	sshrl.u32 s14, $0x3;
	s6 =	sshrl.u32 s6, $0x3;
	[dreg:$0xd] =	wrdreg s3  }
0x18: {  	s26 =	sshll.u32 s18, $0x4;
	s3 =	sadd.s32 $0x1FD000, s28;
	[dreg:$0x14] =	wrdreg s23  }
0x19: {  	[dreg:$0x16] =	wrdreg s25;
	s23 =	simm.s32 $0x6;
	s25 =	simm.s32 $0x5  }
0x1a: {  	[dreg:$0x9] =	wrdreg s30;
	s16 =	sshll.u32 s11, $0x4;
	s9 =	sadd.s32 s5, s9  }
0x1b: {  	s24 =	sadd.s32 s5, s14;
	s15 =	sadd.s32 s5, s6;
	[dreg:$0xe] =	wrdreg s3  }
0x1c: {  	s6 =	sadd.s32 s7, s6;
	s29 =	sadd.s32 $0x70, s11;
	[dreg:$0xa] =	wrdreg s9  }
0x1d: {  	s28 =	sadd.s32 s5, s3;
	s3 =	sadd.s32 s7, s3;
	[dreg:$0xb] =	wrdreg s24  }
0x1e: {  	s14 =	simm.s32 $0x4;
	s16 =	sadd.s32 $0x1F800, s16;
	[dreg:$0xf] =	wrdreg s15  }
0x1f: {  	s9 =	sadd.s32 $0x1F800, s26;
	[dreg:$0x10] =	wrdreg s6;
	s24 =	sadd.s32 $0x150, s8  }
0x20: {  	s26 =	sadd.s32 s7, s20;
	[dreg:$0x18] =	wrdreg s28;
	s6 =	sadd.s32 $0x70, s8  }
0x21: {  	[dreg:$0x19] =	wrdreg s3;
	s3 =	simm.s32 $0x3;
	s15 =	simm.s32 $0x1A800  }
0x22: {  	s21 =	sadd.s32 s16, s1;
	s22 =	sadd.s32 s1, s9;
	[dreg:$0x15] =	wrdreg s24  }
0x23: {  	[dreg:$0x17] =	wrdreg s26;
	s16 =	simm.s32 $0x5800;
	s24 =	simm.s32 $0xC800  }
0x24: {  	s26 =	simm.s32 $0x70;
	s9 =	simm.s32 $0x17000;
	[dreg:$0x12] =	wrdreg s21  }
0x25: {  	v2 =	vlaneseq.u32;
	v0 =	vmov s0;
	[dreg:$0x13] =	wrdreg s22;
	s22 =	simm.s32 $0x2;
	s21 =	simm.s32 $0x8  }
.LBB2_1:
0x26: {  	[dreg:$0x1a] =	wrdreg s13  }
0x27: {  	s0 =	rddreg [dreg:$0x4];
	s10 =	simm.s32 $0x1E000  }
0x28: {  	[tilespmem:s10], [sflag:$0x9] =	stream.linear.gather [hbm4b:s0+s2], $0x80, $0x38;
	[tilespmem:$0x1E080] =	vst v63  }
0x29: {  	_ =	swait.ge [sflag:s31], $0x80  }
0x2a: {  	[sflag:s31] =	ssyncset.done $0x0  }
0x2b: {  	s20 =	simm.s32 $0x2000;
	s13 =	rddreg [dreg:$0x5];
	[sflag:s31] =	ssyncadd.s32 $0xFFFFFF80  }
0x2c: {  	v3 =	vld [tilespmem:$0x1E000];
	[tilespmem:s20], [sflag:$0x1] =	stream.linear.gather [hbm4b:s13+s2], $0x3800, $0x38  }
0x2d: {  	s10 =	simm.s32 $0x0;
	s28 =	rddreg [dreg:$0x6]  }
0x2e: {  	[tilespmem:s16], [sflag:$0x2] =	stream.linear.gather [hbm4b:s28+s2], $0x3800, $0x38;
	[tilespmem:$0x1E080] =	vst v63  }
.LBB2_2:
0x2f: {  	_ =	swait.ge [sflag:s17], $0x3800  }
0x30: {  	p1 =	seq.s32 s10, $0x0;
	[sflag:s17] =	ssyncset.done $0x0  }
0x31: {  	s0 =	simm.s32 @!p1 $0x5;
	[sflag:s17] =	ssyncadd.s32 $0xFFFFC800  }
0x32: {  	_ =	swait.ge @!p1 [sflag:s0], $0x3800  }
0x33: {  	[sflag:s0] =	ssyncset.done @!p1 $0x0  }
0x34: {  	s13 =	simm.s32 $0x0;
	[sflag:s0] =	ssyncadd.s32 @!p1 $0xFFFFC800  }
0x35: {  	v4 =	vld [tilespmem:s13+$0x21B0]  }
0x36: {  	v5 =	vld [tilespmem:s13+$0x2000]  }
0x37: {  	v6 =	vld [tilespmem:s13+$0x2010]  }
0x38: {  	v7 =	vld [tilespmem:s13+$0x2020]  }
0x39: {  	v8 =	vld [tilespmem:s13+$0x2030]  }
0x3a: {  	v9 =	vld [tilespmem:s13+$0x2080];
	[tilespmem:s13+$0x91B0] =	vst v4  }
0x3b: {  	[tilespmem:s13+$0x9000] =	vst v5;
	v4 =	vld [tilespmem:s13+$0x2090]  }
0x3c: {  	[tilespmem:s13+$0x9010] =	vst v6;
	v5 =	vld [tilespmem:s13+$0x20A0]  }
0x3d: {  	[tilespmem:s13+$0x9020] =	vst v7;
	v6 =	vld [tilespmem:s13+$0x20B0]  }
0x3e: {  	[tilespmem:s13+$0x9030] =	vst v8;
	v7 =	vld [tilespmem:s13+$0x2100]  }
0x3f: {  	[tilespmem:s13+$0x9080] =	vst v9;
	v8 =	vld [tilespmem:s13+$0x2110]  }
0x40: {  	[tilespmem:s13+$0x9090] =	vst v4;
	v4 =	vld [tilespmem:s13+$0x2120]  }
0x41: {  	[tilespmem:s13+$0x90A0] =	vst v5;
	v5 =	vld [tilespmem:s13+$0x2130]  }
0x42: {  	[tilespmem:s13+$0x90B0] =	vst v6;
	v6 =	vld [tilespmem:s13+$0x2180]  }
0x43: {  	[tilespmem:s13+$0x9100] =	vst v7;
	v7 =	vld [tilespmem:s13+$0x2190]  }
0x44: {  	s28 =	simm.s32 $0x200;
	s0 =	simm.s32 $0x1000;
	[tilespmem:s13+$0x9110] =	vst v8;
	v8 =	vld [tilespmem:s13+$0x21A0]  }
.LBB2_3:
0x45: {  	p2 =	sne.s32 s0, $0xD800;
	v9 =	vld [tilespmem:s28+$0x21B0];
	[tilespmem:s13+$0x9120] =	vst v4  }
0x46: {  	v4 =	vld [tilespmem:s28+$0x2000];
	[tilespmem:s13+$0x9130] =	vst v5  }
0x47: {  	v5 =	vld [tilespmem:s28+$0x2010];
	[tilespmem:s13+$0x9180] =	vst v6  }
0x48: {  	v6 =	vld [tilespmem:s28+$0x2020];
	[tilespmem:s13+$0x9190] =	vst v7  }
0x49: {  	v7 =	vld [tilespmem:s28+$0x2030];
	[tilespmem:s13+$0x91A0] =	vst v8;
	s13 =	smov.u32 s28  }
0x4a: {  	v8 =	vld [tilespmem:s13+$0x2080];
	[tilespmem:s13+$0x91B0] =	vst v9  }
0x4b: {  	[tilespmem:s13+$0x9000] =	vst v4;
	v4 =	vld [tilespmem:s13+$0x2090]  }
0x4c: {  	[tilespmem:s13+$0x9010] =	vst v5;
	v5 =	vld [tilespmem:s13+$0x20A0]  }
0x4d: {  	[tilespmem:s13+$0x9020] =	vst v6;
	v6 =	vld [tilespmem:s13+$0x20B0]  }
0x4e: {  	[tilespmem:s13+$0x9030] =	vst v7;
	v7 =	vld [tilespmem:s13+$0x2100]  }
0x4f: {  	[tilespmem:s13+$0x9080] =	vst v8;
	v8 =	vld [tilespmem:s13+$0x2110]  }
.Ltmp0:
0x50: {  	[tilespmem:s13+$0x9090] =	vst v4;
	v4 =	vld [tilespmem:s13+$0x2120];
	(pc) =	sbr.rel @p2 .LBB2_3-.Ltmp0, $4  }
0x51: {  	[tilespmem:s13+$0x90A0] =	vst v5;
	v5 =	vld [tilespmem:s13+$0x2130]  }
0x52: {  	[tilespmem:s13+$0x90B0] =	vst v6;
	v6 =	vld [tilespmem:s13+$0x2180]  }
0x53: {  	[tilespmem:s13+$0x9100] =	vst v7;
	v7 =	vld [tilespmem:s13+$0x2190]  }
0x54: {  	s28 =	sshra.s32 s0, $0x2;
	s0 =	sadd.s32 $0x800, s0;
	[tilespmem:s13+$0x9110] =	vst v8;
	v8 =	vld [tilespmem:s13+$0x21A0]  }
0x55: {  	v9 =	vld [tilespmem:s28+$0x21B0];
	[tilespmem:s13+$0x9120] =	vst v4  }
0x56: {  	v4 =	vld [tilespmem:s28+$0x2000];
	[tilespmem:s13+$0x9130] =	vst v5  }
0x57: {  	v5 =	vld [tilespmem:s28+$0x2010];
	[tilespmem:s13+$0x9180] =	vst v6  }
0x58: {  	v6 =	vld [tilespmem:s28+$0x2020];
	[tilespmem:s13+$0x9190] =	vst v7  }
0x59: {  	v7 =	vld [tilespmem:s28+$0x2030];
	[tilespmem:s13+$0x91A0] =	vst v8  }
0x5a: {  	v8 =	vld [tilespmem:s28+$0x2080];
	[tilespmem:s28+$0x91B0] =	vst v9  }
0x5b: {  	v58 =	vld [tilespmem:s28+$0x20B0];
	[tilespmem:s28+$0x9000] =	vst v4  }
0x5c: {  	v59 =	vld [tilespmem:s28+$0x2100];
	[tilespmem:s28+$0x9010] =	vst v5  }
0x5d: {  	v60 =	vld [tilespmem:s28+$0x2110];
	[tilespmem:s28+$0x9020] =	vst v6  }
0x5e: {  	v4 =	vld [tilespmem:s28+$0x2090];
	[tilespmem:s28+$0x9030] =	vst v7  }
0x5f: {  	v5 =	vld [tilespmem:s28+$0x20A0];
	[tilespmem:s28+$0x9080] =	vst v8  }
0x60: {  	v61 =	vld [tilespmem:s28+$0x2180];
	[tilespmem:s28+$0x90B0] =	vst v58  }
0x61: {  	v62 =	vld [tilespmem:s28+$0x2190];
	[tilespmem:s28+$0x9100] =	vst v59  }
0x62: {  	v63 =	vld [tilespmem:s28+$0x21A0];
	[tilespmem:s28+$0x9110] =	vst v60  }
0x63: {  	[tilespmem:s28+$0x9090] =	vst v4;
	v4 =	vld [tilespmem:s28+$0x2120]  }
0x64: {  	[tilespmem:s28+$0x90A0] =	vst v5;
	v5 =	vld [tilespmem:s28+$0x2130]  }
0x65: {  	s20 =	smul.u32 $0xE0, s10;
	p2 =	sne.s32 s10, $0x23;
	[tilespmem:s28+$0x9180] =	vst v61  }
.Ltmp1:
0x66: {  	[tilespmem:s28+$0x9190] =	vst v62;
	(pc) =	sbr.rel @p2 .LBB2_6-.Ltmp1, $4  }
0x67: {  	s0 =	sadd.s32 s11, s20;
	[tilespmem:s28+$0x91A0] =	vst v63  }
0x68: {  	s0 =	sshll.u32 s0, $0x4;
	[tilespmem:s28+$0x9120] =	vst v4  }
0x69: {  	s0 =	sadd.s32 s0, s1;
	[tilespmem:s28+$0x9130] =	vst v5  }
0x6a: {  	[hbm4b:s0+s2] =	stream.linear.scatter [tilespmem:s19], [sflag:$0x5], $0x3800, $0x38;
	[tilespmem:$0x1E080] =	vst v63  }
.Ltmp2:
0x6b: {  	(pc) =	sbr.rel .LBB2_7-.Ltmp2, $4  }
0x6c: {  	_ = 	snop  }
0x6d: {  	_ =	swait.ge [sflag:s22], $0x3800  }
0x6e: {  	[sflag:s22] =	ssyncset.done $0x0  }
0x6f: {  	[sflag:s22] =	ssyncadd.s32 $0xFFFFC800  }
.LBB2_6:
0x70: {  	s0 =	rddreg [dreg:$0x14]  }
0x71: {  	s0 =	sadd.s32 s20, s0  }
0x72: {  	s0 =	sshll.u32 s0, $0x7  }
0x73: {  	s0 =	sadd.s32 s4, s0  }
0x74: {  	s0 =	sshrl.u32 s0, $0x3  }
.Ltmp3:
0x75: {  	s13 =	simm.s32 $0x2000;
	s0 =	sadd.s32 s5, s0;
	(pc) =	sbr.rel @p1 .LBB2_8-.Ltmp3, $4  }
0x76: {  	[tilespmem:s13], [sflag:$0x1] =	stream.linear.gather [hbm4b:s0+s2], $0x3800, $0x38;
	[tilespmem:$0x1E080] =	vst v63  }
0x77: {  	_ =	swait.ge [sflag:s22], $0x3800  }
0x78: {  	[sflag:s22] =	ssyncset.done $0x0  }
0x79: {  	[sflag:s22] =	ssyncadd.s32 $0xFFFFC800  }
.LBB2_7:
0x7a: {  	_ =	swait.ge [sflag:s23], $0x3800  }
0x7b: {  	[sflag:s23] =	ssyncset.done $0x0  }
0x7c: {  	[sflag:s23] =	ssyncadd.s32 $0xFFFFC800  }
.LBB2_8:
0x7d: {  	s13 =	simm.s32 $0x0  }
0x7e: {  	v4 =	vld [tilespmem:s13+$0x59B0]  }
0x7f: {  	v5 =	vld [tilespmem:s13+$0x5800]  }
0x80: {  	v6 =	vld [tilespmem:s13+$0x5810]  }
0x81: {  	v7 =	vld [tilespmem:s13+$0x5820]  }
0x82: {  	v8 =	vld [tilespmem:s13+$0x5830]  }
0x83: {  	v9 =	vld [tilespmem:s13+$0x5880];
	[tilespmem:s13+$0xC9B0] =	vst v4  }
0x84: {  	[tilespmem:s13+$0xC800] =	vst v5;
	v4 =	vld [tilespmem:s13+$0x5890]  }
0x85: {  	[tilespmem:s13+$0xC810] =	vst v6;
	v5 =	vld [tilespmem:s13+$0x58A0]  }
0x86: {  	[tilespmem:s13+$0xC820] =	vst v7;
	v6 =	vld [tilespmem:s13+$0x58B0]  }
0x87: {  	[tilespmem:s13+$0xC830] =	vst v8;
	v7 =	vld [tilespmem:s13+$0x5900]  }
0x88: {  	[tilespmem:s13+$0xC880] =	vst v9;
	v8 =	vld [tilespmem:s13+$0x5910]  }
0x89: {  	[tilespmem:s13+$0xC890] =	vst v4;
	v4 =	vld [tilespmem:s13+$0x5920]  }
0x8a: {  	[tilespmem:s13+$0xC8A0] =	vst v5;
	v5 =	vld [tilespmem:s13+$0x5930]  }
0x8b: {  	[tilespmem:s13+$0xC8B0] =	vst v6;
	v6 =	vld [tilespmem:s13+$0x5980]  }
0x8c: {  	[tilespmem:s13+$0xC900] =	vst v7;
	v7 =	vld [tilespmem:s13+$0x5990]  }
0x8d: {  	s0 =	simm.s32 $0x200;
	s28 =	simm.s32 $0x1000;
	[tilespmem:s13+$0xC910] =	vst v8;
	v8 =	vld [tilespmem:s13+$0x59A0]  }
.LBB2_9:
0x8e: {  	p1 =	sne.s32 s28, $0xD800;
	v9 =	vld [tilespmem:s0+$0x59B0];
	[tilespmem:s13+$0xC920] =	vst v4  }
0x8f: {  	v4 =	vld [tilespmem:s0+$0x5800];
	[tilespmem:s13+$0xC930] =	vst v5  }
0x90: {  	v5 =	vld [tilespmem:s0+$0x5810];
	[tilespmem:s13+$0xC980] =	vst v6  }
0x91: {  	v6 =	vld [tilespmem:s0+$0x5820];
	[tilespmem:s13+$0xC990] =	vst v7  }
0x92: {  	v7 =	vld [tilespmem:s0+$0x5830];
	[tilespmem:s13+$0xC9A0] =	vst v8;
	s13 =	smov.u32 s0  }
0x93: {  	v8 =	vld [tilespmem:s13+$0x5880];
	[tilespmem:s13+$0xC9B0] =	vst v9  }
0x94: {  	[tilespmem:s13+$0xC800] =	vst v4;
	v4 =	vld [tilespmem:s13+$0x5890]  }
0x95: {  	[tilespmem:s13+$0xC810] =	vst v5;
	v5 =	vld [tilespmem:s13+$0x58A0]  }
0x96: {  	[tilespmem:s13+$0xC820] =	vst v6;
	v6 =	vld [tilespmem:s13+$0x58B0]  }
0x97: {  	[tilespmem:s13+$0xC830] =	vst v7;
	v7 =	vld [tilespmem:s13+$0x5900]  }
0x98: {  	[tilespmem:s13+$0xC880] =	vst v8;
	v8 =	vld [tilespmem:s13+$0x5910]  }
.Ltmp4:
0x99: {  	[tilespmem:s13+$0xC890] =	vst v4;
	v4 =	vld [tilespmem:s13+$0x5920];
	(pc) =	sbr.rel @p1 .LBB2_9-.Ltmp4, $4  }
0x9a: {  	[tilespmem:s13+$0xC8A0] =	vst v5;
	v5 =	vld [tilespmem:s13+$0x5930]  }
0x9b: {  	[tilespmem:s13+$0xC8B0] =	vst v6;
	v6 =	vld [tilespmem:s13+$0x5980]  }
0x9c: {  	[tilespmem:s13+$0xC900] =	vst v7;
	v7 =	vld [tilespmem:s13+$0x5990]  }
0x9d: {  	s0 =	sshra.s32 s28, $0x2;
	s28 =	sadd.s32 $0x800, s28;
	[tilespmem:s13+$0xC910] =	vst v8;
	v8 =	vld [tilespmem:s13+$0x59A0]  }
0x9e: {  	v9 =	vld [tilespmem:s0+$0x59B0];
	[tilespmem:s13+$0xC920] =	vst v4  }
0x9f: {  	v4 =	vld [tilespmem:s0+$0x5800];
	[tilespmem:s13+$0xC930] =	vst v5  }
0xa0: {  	v5 =	vld [tilespmem:s0+$0x5810];
	[tilespmem:s13+$0xC980] =	vst v6  }
0xa1: {  	v6 =	vld [tilespmem:s0+$0x5820];
	[tilespmem:s13+$0xC990] =	vst v7  }
0xa2: {  	v7 =	vld [tilespmem:s0+$0x5830];
	[tilespmem:s13+$0xC9A0] =	vst v8  }
0xa3: {  	v8 =	vld [tilespmem:s0+$0x5880];
	[tilespmem:s0+$0xC9B0] =	vst v9  }
0xa4: {  	v58 =	vld [tilespmem:s0+$0x58B0];
	[tilespmem:s0+$0xC800] =	vst v4  }
0xa5: {  	v59 =	vld [tilespmem:s0+$0x5900];
	[tilespmem:s0+$0xC810] =	vst v5  }
0xa6: {  	v60 =	vld [tilespmem:s0+$0x5910];
	[tilespmem:s0+$0xC820] =	vst v6  }
0xa7: {  	v4 =	vld [tilespmem:s0+$0x5890];
	[tilespmem:s0+$0xC830] =	vst v7  }
0xa8: {  	v5 =	vld [tilespmem:s0+$0x58A0];
	[tilespmem:s0+$0xC880] =	vst v8  }
0xa9: {  	v61 =	vld [tilespmem:s0+$0x5980];
	[tilespmem:s0+$0xC8B0] =	vst v58  }
0xaa: {  	v62 =	vld [tilespmem:s0+$0x5990];
	[tilespmem:s0+$0xC900] =	vst v59  }
0xab: {  	v63 =	vld [tilespmem:s0+$0x59A0];
	[tilespmem:s0+$0xC910] =	vst v60  }
0xac: {  	[tilespmem:s0+$0xC890] =	vst v4;
	v4 =	vld [tilespmem:s0+$0x5920]  }
0xad: {  	[tilespmem:s0+$0xC8A0] =	vst v5;
	v5 =	vld [tilespmem:s0+$0x5930]  }
0xae: {  	p1 =	seq.s32 s10, $0x23;
	[tilespmem:s0+$0xC980] =	vst v61  }
.Ltmp5:
0xaf: {  	[tilespmem:s0+$0xC990] =	vst v62;
	(pc) =	sbr.rel @p1 .LBB2_12-.Ltmp5, $4  }
0xb0: {  	s28 =	sadd.s32 s29, s20;
	[tilespmem:s0+$0xC9A0] =	vst v63  }
0xb1: {  	s13 =	sshll.u32 s28, $0x4;
	[tilespmem:s0+$0xC920] =	vst v4  }
0xb2: {  	s28 =	sadd.s32 s13, s1;
	[tilespmem:s0+$0xC930] =	vst v5  }
0xb3: {  	[hbm4b:s28+s2] =	stream.linear.scatter [tilespmem:s24], [sflag:$0x6], $0x3800, $0x38;
	[tilespmem:$0x1E080] =	vst v63  }
0xb4: {  	s0 =	rddreg [dreg:$0x15]  }
0xb5: {  	s0 =	sadd.s32 s20, s0  }
.Ltmp6:
0xb6: {  	s0 =	sshll.u32 s0, $0x7;
	(pc) =	sbr.rel .LBB2_2-.Ltmp6, $4  }
0xb7: {  	s0 =	sadd.s32 s4, s0  }
0xb8: {  	s0 =	sshrl.u32 s0, $0x3  }
0xb9: {  	s10 =	sadd.s32 $0x1, s10;
	s0 =	sadd.s32 s5, s0  }
0xba: {  	[tilespmem:s16], [sflag:$0x2] =	stream.linear.gather [hbm4b:s0+s2], $0x3800, $0x38;
	[tilespmem:$0x1E080] =	vst v63  }
.LBB2_12:
0xbb: {  	_ =	swait.ge [sflag:s25], $0x3800  }
0xbc: {  	[sflag:s25] =	ssyncset.done $0x0  }
0xbd: {  	[sflag:s25] =	ssyncadd.s32 $0xFFFFC800  }
0xbe: {  	_ =	swait.ge [sflag:s23], $0x3800  }
0xbf: {  	s0 =	simm.s32 $0x0;
	[sflag:s23] =	ssyncset.done $0x0  }
0xc0: {  	s13 =	simm.s32 $0x2000;
	s10 =	rddreg [dreg:$0x7];
	[sflag:s23] =	ssyncadd.s32 $0xFFFFC800  }
0xc1: {  	[tilespmem:s13], [sflag:$0x9] =	stream.linear.gather [hbm4b:s10+s0], $0x2800, $0x38;
	[tilespmem:$0x1E080] =	vst v63  }
0xc2: {  	_ =	swait.ge [sflag:s31], $0x2800  }
0xc3: {  	[sflag:s31] =	ssyncset.done $0x0  }
0xc4: {  	s10 =	simm.s32 $0x0;
	[sflag:s31] =	ssyncadd.s32 $0xFFFFD800  }
0xc5: {  	v4 =	vld [tilespmem:s10+$0x21B0]  }
0xc6: {  	v5 =	vld [tilespmem:s10+$0x2000]  }
0xc7: {  	v6 =	vld [tilespmem:s10+$0x2010]  }
0xc8: {  	v7 =	vld [tilespmem:s10+$0x2020]  }
0xc9: {  	v8 =	vld [tilespmem:s10+$0x2030]  }
0xca: {  	v9 =	vld [tilespmem:s10+$0x2080];
	[tilespmem:s10+$0x91B0] =	vst v4  }
0xcb: {  	[tilespmem:s10+$0x9000] =	vst v5;
	v4 =	vld [tilespmem:s10+$0x2090]  }
0xcc: {  	[tilespmem:s10+$0x9010] =	vst v6;
	v5 =	vld [tilespmem:s10+$0x20A0]  }
0xcd: {  	[tilespmem:s10+$0x9020] =	vst v7;
	v6 =	vld [tilespmem:s10+$0x20B0]  }
0xce: {  	[tilespmem:s10+$0x9030] =	vst v8;
	v7 =	vld [tilespmem:s10+$0x2100]  }
0xcf: {  	[tilespmem:s10+$0x9080] =	vst v9;
	v8 =	vld [tilespmem:s10+$0x2110]  }
0xd0: {  	[tilespmem:s10+$0x9090] =	vst v4;
	v4 =	vld [tilespmem:s10+$0x2120]  }
0xd1: {  	[tilespmem:s10+$0x90A0] =	vst v5;
	v5 =	vld [tilespmem:s10+$0x2130]  }
0xd2: {  	[tilespmem:s10+$0x90B0] =	vst v6;
	v6 =	vld [tilespmem:s10+$0x2180]  }
0xd3: {  	[tilespmem:s10+$0x9100] =	vst v7;
	v7 =	vld [tilespmem:s10+$0x2190]  }
0xd4: {  	s0 =	simm.s32 $0x200;
	s13 =	simm.s32 $0x1000;
	[tilespmem:s10+$0x9110] =	vst v8;
	v8 =	vld [tilespmem:s10+$0x21A0]  }
.LBB2_13:
0xd5: {  	p1 =	sne.s32 s13, $0x9800;
	v9 =	vld [tilespmem:s0+$0x21B0];
	[tilespmem:s10+$0x9120] =	vst v4  }
0xd6: {  	v4 =	vld [tilespmem:s0+$0x2000];
	[tilespmem:s10+$0x9130] =	vst v5  }
0xd7: {  	v5 =	vld [tilespmem:s0+$0x2010];
	[tilespmem:s10+$0x9180] =	vst v6  }
0xd8: {  	v6 =	vld [tilespmem:s0+$0x2020];
	[tilespmem:s10+$0x9190] =	vst v7  }
0xd9: {  	v7 =	vld [tilespmem:s0+$0x2030];
	[tilespmem:s10+$0x91A0] =	vst v8;
	s10 =	smov.u32 s0  }
0xda: {  	v8 =	vld [tilespmem:s10+$0x2080];
	[tilespmem:s10+$0x91B0] =	vst v9  }
0xdb: {  	[tilespmem:s10+$0x9000] =	vst v4;
	v4 =	vld [tilespmem:s10+$0x2090]  }
0xdc: {  	[tilespmem:s10+$0x9010] =	vst v5;
	v5 =	vld [tilespmem:s10+$0x20A0]  }
0xdd: {  	[tilespmem:s10+$0x9020] =	vst v6;
	v6 =	vld [tilespmem:s10+$0x20B0]  }
0xde: {  	[tilespmem:s10+$0x9030] =	vst v7;
	v7 =	vld [tilespmem:s10+$0x2100]  }
0xdf: {  	[tilespmem:s10+$0x9080] =	vst v8;
	v8 =	vld [tilespmem:s10+$0x2110]  }
.Ltmp7:
0xe0: {  	[tilespmem:s10+$0x9090] =	vst v4;
	v4 =	vld [tilespmem:s10+$0x2120];
	(pc) =	sbr.rel @p1 .LBB2_13-.Ltmp7, $4  }
0xe1: {  	[tilespmem:s10+$0x90A0] =	vst v5;
	v5 =	vld [tilespmem:s10+$0x2130]  }
0xe2: {  	[tilespmem:s10+$0x90B0] =	vst v6;
	v6 =	vld [tilespmem:s10+$0x2180]  }
0xe3: {  	[tilespmem:s10+$0x9100] =	vst v7;
	v7 =	vld [tilespmem:s10+$0x2190]  }
0xe4: {  	s0 =	sshra.s32 s13, $0x2;
	s13 =	sadd.s32 $0x800, s13;
	[tilespmem:s10+$0x9110] =	vst v8;
	v8 =	vld [tilespmem:s10+$0x21A0]  }
0xe5: {  	v9 =	vld [tilespmem:s0+$0x21B0];
	[tilespmem:s10+$0x9120] =	vst v4  }
0xe6: {  	v4 =	vld [tilespmem:s0+$0x2000];
	[tilespmem:s10+$0x9130] =	vst v5  }
0xe7: {  	v5 =	vld [tilespmem:s0+$0x2010];
	[tilespmem:s10+$0x9180] =	vst v6  }
0xe8: {  	v6 =	vld [tilespmem:s0+$0x2020];
	[tilespmem:s10+$0x9190] =	vst v7  }
0xe9: {  	v7 =	vld [tilespmem:s0+$0x2030];
	[tilespmem:s10+$0x91A0] =	vst v8  }
0xea: {  	v8 =	vld [tilespmem:s0+$0x2080];
	[tilespmem:s0+$0x91B0] =	vst v9  }
0xeb: {  	v62 =	vld [tilespmem:s0+$0x2110];
	[tilespmem:s0+$0x9000] =	vst v4  }
0xec: {  	v4 =	vld [tilespmem:s0+$0x2090];
	[tilespmem:s0+$0x9010] =	vst v5  }
0xed: {  	v5 =	vld [tilespmem:s0+$0x20A0];
	[tilespmem:s0+$0x9020] =	vst v6  }
0xee: {  	v6 =	vld [tilespmem:s0+$0x20B0];
	[tilespmem:s0+$0x9030] =	vst v7  }
0xef: {  	v7 =	vld [tilespmem:s0+$0x2100];
	[tilespmem:s0+$0x9080] =	vst v8  }
0xf0: {  	v63 =	vld [tilespmem:s0+$0x21A0];
	[tilespmem:s0+$0x9110] =	vst v62  }
0xf1: {  	[tilespmem:s0+$0x9090] =	vst v4;
	v4 =	vld [tilespmem:s0+$0x2120]  }
0xf2: {  	[tilespmem:s0+$0x90A0] =	vst v5;
	v5 =	vld [tilespmem:s0+$0x2130]  }
0xf3: {  	[tilespmem:s0+$0x90B0] =	vst v6;
	v6 =	vld [tilespmem:s0+$0x2180]  }
0xf4: {  	[tilespmem:s0+$0x9100] =	vst v7;
	v7 =	vld [tilespmem:s0+$0x2190]  }
0xf5: {  	[tilespmem:s0+$0x91A0] =	vst v63  }
0xf6: {  	[tilespmem:s0+$0x9120] =	vst v4  }
0xf7: {  	[tilespmem:s0+$0x9130] =	vst v5  }
0xf8: {  	[tilespmem:s0+$0x9180] =	vst v6  }
0xf9: {  	s20 =	rddreg [dreg:$0x12];
	[tilespmem:s0+$0x9190] =	vst v7  }
0xfa: {  	[hbm4b:s20+s2] =	stream.linear.scatter [tilespmem:s19], [sflag:$0x9], $0x2800, $0x38;
	[tilespmem:$0x1E080] =	vst v63  }
0xfb: {  	_ =	swait.ge [sflag:s31], $0x2800  }
0xfc: {  	s10 =	simm.s32 @!p0 $0x2000;
	[sflag:s31] =	ssyncset.done $0x0  }
0xfd: {  	s0 =	simm.s32 @!p0 $0x0;
	s13 =	rddreg [dreg:$0x16];
	[sflag:s31] =	ssyncadd.s32 $0xFFFFD800  }
0xfe: {  	[tilespmem:s10], [sflag:$0x9] =	stream.linear.gather @!p0 [hbm4b:s13+s0], $0x80, $0x38;
	[tilespmem:$0x1E080] =	vst v63  }
0xff: {  	s10 =	simm.s32 @!p0 $0x9  }
0x100: {  	_ =	swait.ge @!p0 [sflag:s10], $0x80  }
0x101: {  	[sflag:s10] =	ssyncset.done @!p0 $0x0  }
0x102: {  	[sflag:s10] =	ssyncadd.s32 @!p0 $0xFFFFFF80  }
0x103: {  	v4 =	vld @!p0 [tilespmem:$0x2000]  }
0x104: {  	v5 =	vld @!p0 [tilespmem:$0x2010]  }
0x105: {  	v6 =	vld @!p0 [tilespmem:$0x2020]  }
0x106: {  	v7 =	vld @!p0 [tilespmem:$0x2030];
	_ =	sdelay $0x1  }
0x107: {  	[tilespmem:$0x9000] =	vst @!p0 v4  }
0x108: {  	[tilespmem:$0x9010] =	vst @!p0 v5  }
0x109: {  	s13 =	rddreg [dreg:$0x8];
	[tilespmem:$0x9020] =	vst @!p0 v6  }
0x10a: {  	s20 =	simm.s32 @!p0 $0x9000;
	s13 =	sadd.s32 @!p0 s13, s1;
	[tilespmem:$0x9030] =	vst @!p0 v7  }
0x10b: {  	[hbm4b:s13+s0] =	stream.linear.scatter @!p0 [tilespmem:s20], [sflag:$0x9], $0x80, $0x38;
	[tilespmem:$0x1E080] =	vst v63  }
0x10c: {  	_ =	swait.ge @!p0 [sflag:s10], $0x80  }
0x10d: {  	[sflag:s10] =	ssyncset.done @!p0 $0x0  }
0x10e: {  	[sflag:s10] =	ssyncadd.s32 @!p0 $0xFFFFFF80  }
0x10f: {  	s28 =	simm.s32 $0x0;
	[bflag:$0x0] =	sbarrier.arrive $0xFFFF  }
0x110: {  	[tilespmem:s28], [sflag:$0x9] =	stream.linear.gather [hbm4b:s30+s28], $0x1FD0, $0x38;
	[tilespmem:$0x1E080] =	vst v63  }
0x111: {  	_ =	swait.ge [sflag:s31], $0x1FD0  }
0x112: {  	[sflag:s31] =	ssyncset.done $0x0  }
0x113: {  	[sflag:s31] =	ssyncadd.s32 $0xFFFFE030;
	s31 =	simm.s32 $0x0  }
0x114: {  	v5 =	vld [tilespmem:s31+$0x0];
	_ =	sdelay $0x3  }
0x115: {  	vm0 =	veq.s32 v3, $0x0;
	v4 =	vor.u32 s8, v2  }
0x116: {  	v5 =	vsel vm0, v4, v5  }
0x117: {  	v5 =	vadd.s32 v0, v5  }
0x118: {  	s0 =	simm.s32 $0x10;
	s13 =	simm.s32 $0x80;
	s10 =	smov.u32 s8;
	[tilespmem:s31+$0x0] =	vst v5  }
.LBB2_15:
0x119: {  	p1 =	sne.s32 s13, $0x7F00;
	v5 =	vld [tilespmem:s0+$0x0];
	_ =	sdelay $0x2  }
.Ltmp8:
0x11a: {  	s10 =	sadd.s32 $0x10, s10;
	(pc) =	sbr.rel @p1 .LBB2_15-.Ltmp8, $4  }
0x11b: {  	v6 =	vor.u32 s10, v2  }
0x11c: {  	v5 =	vsel vm0, v6, v5  }
0x11d: {  	v5 =	vadd.s32 v0, v5  }
0x11e: {  	[tilespmem:s0+$0x0] =	vst v5;
	s0 =	sshra.s32 s13, $0x2;
	s13 =	sadd.s32 $0x40, s13  }
0x11f: {  	v5 =	vld [tilespmem:s0+$0x0];
	_ =	sdelay $0x2  }
0x120: {  	s10 =	sadd.s32 $0x10, s10  }
0x121: {  	v6 =	vor.u32 s10, v2  }
0x122: {  	v5 =	vsel vm0, v6, v5  }
0x123: {  	v5 =	vadd.s32 v0, v5  }
0x124: {  	s20 =	simm.s32 $0x0;
	s10 =	simm.s32 $0x10000;
	[tilespmem:s0+$0x0] =	vst v5  }
0x125: {  	[tilespmem:s10], [sflag:$0x3] =	stream.indirect.gather [hbm4b:s1+s26], $0x80, s20, s26, $0xb8;
	[tilespmem:$0x1E080] =	vst v63  }
0x126: {  	s13 =	simm.s32 $0x13800  }
0x127: {  	[tilespmem:s13], [sflag:$0x4] =	stream.indirect.gather [hbm4b:s1+s26], $0x80, s26, s26, $0xb8;
	[tilespmem:$0x1E080] =	vst v63  }
0x128: {  	s28 =	rddreg [dreg:$0xa];
	s30 =	simm.s32 $0x2000  }
0x129: {  	[tilespmem:s30], [sflag:$0x1] =	stream.linear.gather [hbm4b:s28+s20], $0x3800, $0x38;
	[tilespmem:$0x1E080] =	vst v63  }
0x12a: {  	s31 =	rddreg [dreg:$0xb]  }
0x12b: {  	[tilespmem:s16], [sflag:$0x2] =	stream.linear.gather [hbm4b:s31+s20], $0x3800, $0x38;
	[tilespmem:$0x1E080] =	vst v63  }
.LBB2_17:
0x12c: {  	_ =	swait.ge [sflag:s3], $0x3800  }
0x12d: {  	p1 =	seq.s32 s20, $0x0;
	[sflag:s3] =	ssyncset.done $0x0  }
0x12e: {  	s0 =	simm.s32 @!p1 $0x7;
	[sflag:s3] =	ssyncadd.s32 $0xFFFFC800  }
0x12f: {  	_ =	swait.ge @!p1 [sflag:s0], $0x3800  }
0x130: {  	[sflag:s0] =	ssyncset.done @!p1 $0x0  }
0x131: {  	s13 =	simm.s32 $0x0;
	[sflag:s0] =	ssyncadd.s32 @!p1 $0xFFFFC800  }
0x132: {  	v5 =	vld [tilespmem:s13+$0x101B0]  }
0x133: {  	v6 =	vld [tilespmem:s13+$0x10000]  }
0x134: {  	v7 =	vld [tilespmem:s13+$0x10010]  }
0x135: {  	v8 =	vld [tilespmem:s13+$0x10020]  }
0x136: {  	v9 =	vld [tilespmem:s13+$0x10030]  }
0x137: {  	v10 =	vld [tilespmem:s13+$0x10080];
	[tilespmem:s13+$0x171B0] =	vst v5  }
0x138: {  	[tilespmem:s13+$0x17000] =	vst v6;
	v5 =	vld [tilespmem:s13+$0x10090]  }
0x139: {  	[tilespmem:s13+$0x17010] =	vst v7;
	v6 =	vld [tilespmem:s13+$0x100A0]  }
0x13a: {  	[tilespmem:s13+$0x17020] =	vst v8;
	v7 =	vld [tilespmem:s13+$0x100B0]  }
0x13b: {  	[tilespmem:s13+$0x17030] =	vst v9;
	v8 =	vld [tilespmem:s13+$0x10100]  }
0x13c: {  	[tilespmem:s13+$0x17080] =	vst v10;
	v9 =	vld [tilespmem:s13+$0x10110]  }
0x13d: {  	[tilespmem:s13+$0x17090] =	vst v5;
	v5 =	vld [tilespmem:s13+$0x10120]  }
0x13e: {  	[tilespmem:s13+$0x170A0] =	vst v6;
	v6 =	vld [tilespmem:s13+$0x10130]  }
0x13f: {  	[tilespmem:s13+$0x170B0] =	vst v7;
	v7 =	vld [tilespmem:s13+$0x10180]  }
0x140: {  	[tilespmem:s13+$0x17100] =	vst v8;
	v8 =	vld [tilespmem:s13+$0x10190]  }
0x141: {  	s10 =	sshll.u32 s20, $0x1;
	s31 =	simm.s32 $0x200;
	s0 =	simm.s32 $0x1000;
	[tilespmem:s13+$0x17110] =	vst v9;
	v9 =	vld [tilespmem:s13+$0x101A0]  }
.LBB2_18:
0x142: {  	p2 =	sne.s32 s0, $0xD800;
	v10 =	vld [tilespmem:s31+$0x101B0];
	[tilespmem:s13+$0x17120] =	vst v5  }
0x143: {  	v5 =	vld [tilespmem:s31+$0x10000];
	[tilespmem:s13+$0x17130] =	vst v6  }
0x144: {  	v6 =	vld [tilespmem:s31+$0x10010];
	[tilespmem:s13+$0x17180] =	vst v7  }
0x145: {  	v7 =	vld [tilespmem:s31+$0x10020];
	[tilespmem:s13+$0x17190] =	vst v8  }
0x146: {  	v8 =	vld [tilespmem:s31+$0x10030];
	[tilespmem:s13+$0x171A0] =	vst v9;
	s13 =	smov.u32 s31  }
0x147: {  	v9 =	vld [tilespmem:s13+$0x10080];
	[tilespmem:s13+$0x171B0] =	vst v10  }
0x148: {  	[tilespmem:s13+$0x17000] =	vst v5;
	v5 =	vld [tilespmem:s13+$0x10090]  }
0x149: {  	[tilespmem:s13+$0x17010] =	vst v6;
	v6 =	vld [tilespmem:s13+$0x100A0]  }
0x14a: {  	[tilespmem:s13+$0x17020] =	vst v7;
	v7 =	vld [tilespmem:s13+$0x100B0]  }
0x14b: {  	[tilespmem:s13+$0x17030] =	vst v8;
	v8 =	vld [tilespmem:s13+$0x10100]  }
0x14c: {  	[tilespmem:s13+$0x17080] =	vst v9;
	v9 =	vld [tilespmem:s13+$0x10110]  }
.Ltmp9:
0x14d: {  	[tilespmem:s13+$0x17090] =	vst v5;
	v5 =	vld [tilespmem:s13+$0x10120];
	(pc) =	sbr.rel @p2 .LBB2_18-.Ltmp9, $4  }
0x14e: {  	[tilespmem:s13+$0x170A0] =	vst v6;
	v6 =	vld [tilespmem:s13+$0x10130]  }
0x14f: {  	[tilespmem:s13+$0x170B0] =	vst v7;
	v7 =	vld [tilespmem:s13+$0x10180]  }
0x150: {  	[tilespmem:s13+$0x17100] =	vst v8;
	v8 =	vld [tilespmem:s13+$0x10190]  }
0x151: {  	s31 =	sshra.s32 s0, $0x2;
	s0 =	sadd.s32 $0x800, s0;
	[tilespmem:s13+$0x17110] =	vst v9;
	v9 =	vld [tilespmem:s13+$0x101A0]  }
0x152: {  	v10 =	vld [tilespmem:s31+$0x101B0];
	[tilespmem:s13+$0x17120] =	vst v5  }
0x153: {  	v5 =	vld [tilespmem:s31+$0x10000];
	[tilespmem:s13+$0x17130] =	vst v6  }
0x154: {  	v6 =	vld [tilespmem:s31+$0x10010];
	[tilespmem:s13+$0x17180] =	vst v7  }
0x155: {  	v7 =	vld [tilespmem:s31+$0x10020];
	[tilespmem:s13+$0x17190] =	vst v8  }
0x156: {  	v8 =	vld [tilespmem:s31+$0x10030];
	[tilespmem:s13+$0x171A0] =	vst v9  }
0x157: {  	v9 =	vld [tilespmem:s31+$0x10080];
	[tilespmem:s31+$0x171B0] =	vst v10  }
0x158: {  	v60 =	vld [tilespmem:s31+$0x10100];
	[tilespmem:s31+$0x17000] =	vst v5  }
0x159: {  	v61 =	vld [tilespmem:s31+$0x10110];
	[tilespmem:s31+$0x17010] =	vst v6  }
0x15a: {  	v5 =	vld [tilespmem:s31+$0x10090];
	[tilespmem:s31+$0x17020] =	vst v7  }
0x15b: {  	v6 =	vld [tilespmem:s31+$0x100A0];
	[tilespmem:s31+$0x17030] =	vst v8  }
0x15c: {  	v7 =	vld [tilespmem:s31+$0x100B0];
	[tilespmem:s31+$0x17080] =	vst v9  }
0x15d: {  	v62 =	vld [tilespmem:s31+$0x10190];
	[tilespmem:s31+$0x17100] =	vst v60  }
0x15e: {  	v63 =	vld [tilespmem:s31+$0x101A0];
	[tilespmem:s31+$0x17110] =	vst v61  }
0x15f: {  	[tilespmem:s31+$0x17090] =	vst v5;
	v5 =	vld [tilespmem:s31+$0x10120]  }
0x160: {  	s28 =	smul.u32 $0xE0, s20;
	[tilespmem:s31+$0x170A0] =	vst v6;
	v6 =	vld [tilespmem:s31+$0x10130]  }
0x161: {  	[tilespmem:s31+$0x170B0] =	vst v7;
	v7 =	vld [tilespmem:s31+$0x10180]  }
0x162: {  	p2 =	sne.s32 s20, $0x23;
	s0 =	sadd.s32 s8, s28;
	[tilespmem:s31+$0x17190] =	vst v62  }
.Ltmp10:
0x163: {  	s0 =	sshll.u32 s0, $0x7;
	[tilespmem:s31+$0x171A0] =	vst v63;
	(pc) =	sbr.rel @p2 .LBB2_21-.Ltmp10, $4  }
0x164: {  	s0 =	sadd.s32 s4, s0;
	[tilespmem:s31+$0x17120] =	vst v5  }
0x165: {  	s0 =	sshrl.u32 s0, $0x3;
	[tilespmem:s31+$0x17130] =	vst v6  }
0x166: {  	s13 =	sadd.s32 $0x2, s10;
	s0 =	sadd.s32 s7, s0;
	[tilespmem:s31+$0x17180] =	vst v7  }
0x167: {  	[hbm4b:s0+s2] =	stream.linear.scatter [tilespmem:s9], [sflag:$0x7], $0x3800, $0x38;
	[tilespmem:$0x1E080] =	vst v63  }
.Ltmp11:
0x168: {  	(pc) =	sbr.rel .LBB2_22-.Ltmp11, $4  }
0x169: {  	_ = 	snop  }
0x16a: {  	_ =	swait.ge [sflag:s17], $0x3800  }
0x16b: {  	[sflag:s17] =	ssyncset.done $0x0  }
0x16c: {  	[sflag:s17] =	ssyncadd.s32 $0xFFFFC800  }
.LBB2_21:
0x16d: {  	s0 =	smul.u32 $0x1C0, s13;
	_ =	sdelay $0x1  }
.Ltmp12:
0x16e: {  	s30 =	simm.s32 $0x10000;
	s0 =	sshra.s32 s0, $0x2;
	(pc) =	sbr.rel @p1 .LBB2_23-.Ltmp12, $4  }
0x16f: {  	[tilespmem:s30], [sflag:$0x3] =	stream.indirect.gather [hbm4b:s1+s26], $0x80, s0, s26, $0xb8;
	[tilespmem:$0x1E080] =	vst v63  }
0x170: {  	_ =	swait.ge [sflag:s17], $0x3800  }
0x171: {  	[sflag:s17] =	ssyncset.done $0x0  }
0x172: {  	[sflag:s17] =	ssyncadd.s32 $0xFFFFC800  }
.LBB2_22:
0x173: {  	_ =	swait.ge [sflag:s25], $0x3800  }
0x174: {  	[sflag:s25] =	ssyncset.done $0x0  }
0x175: {  	[sflag:s25] =	ssyncadd.s32 $0xFFFFC800  }
.LBB2_23:
0x176: {  	s31 =	simm.s32 $0x0  }
0x177: {  	v5 =	vld [tilespmem:s31+$0x21B0]  }
0x178: {  	v6 =	vld [tilespmem:s31+$0x2000]  }
0x179: {  	v7 =	vld [tilespmem:s31+$0x2010]  }
0x17a: {  	v8 =	vld [tilespmem:s31+$0x2020]  }
0x17b: {  	v9 =	vld [tilespmem:s31+$0x2030]  }
0x17c: {  	v10 =	vld [tilespmem:s31+$0x2080];
	[tilespmem:s31+$0x91B0] =	vst v5  }
0x17d: {  	[tilespmem:s31+$0x9000] =	vst v6;
	v5 =	vld [tilespmem:s31+$0x2090]  }
0x17e: {  	[tilespmem:s31+$0x9010] =	vst v7;
	v6 =	vld [tilespmem:s31+$0x20A0]  }
0x17f: {  	[tilespmem:s31+$0x9020] =	vst v8;
	v7 =	vld [tilespmem:s31+$0x20B0]  }
0x180: {  	[tilespmem:s31+$0x9030] =	vst v9;
	v8 =	vld [tilespmem:s31+$0x2100]  }
0x181: {  	[tilespmem:s31+$0x9080] =	vst v10;
	v9 =	vld [tilespmem:s31+$0x2110]  }
0x182: {  	[tilespmem:s31+$0x9090] =	vst v5;
	v5 =	vld [tilespmem:s31+$0x2120]  }
0x183: {  	[tilespmem:s31+$0x90A0] =	vst v6;
	v6 =	vld [tilespmem:s31+$0x2130]  }
0x184: {  	[tilespmem:s31+$0x90B0] =	vst v7;
	v7 =	vld [tilespmem:s31+$0x2180]  }
0x185: {  	[tilespmem:s31+$0x9100] =	vst v8;
	v8 =	vld [tilespmem:s31+$0x2190]  }
0x186: {  	s0 =	simm.s32 $0x200;
	s30 =	simm.s32 $0x1000;
	[tilespmem:s31+$0x9110] =	vst v9;
	v9 =	vld [tilespmem:s31+$0x21A0]  }
.LBB2_24:
0x187: {  	p3 =	sne.s32 s30, $0xD800;
	v10 =	vld [tilespmem:s0+$0x21B0];
	[tilespmem:s31+$0x9120] =	vst v5  }
0x188: {  	v5 =	vld [tilespmem:s0+$0x2000];
	[tilespmem:s31+$0x9130] =	vst v6  }
0x189: {  	v6 =	vld [tilespmem:s0+$0x2010];
	[tilespmem:s31+$0x9180] =	vst v7  }
0x18a: {  	v7 =	vld [tilespmem:s0+$0x2020];
	[tilespmem:s31+$0x9190] =	vst v8  }
0x18b: {  	v8 =	vld [tilespmem:s0+$0x2030];
	[tilespmem:s31+$0x91A0] =	vst v9;
	s31 =	smov.u32 s0  }
0x18c: {  	v9 =	vld [tilespmem:s31+$0x2080];
	[tilespmem:s31+$0x91B0] =	vst v10  }
0x18d: {  	[tilespmem:s31+$0x9000] =	vst v5;
	v5 =	vld [tilespmem:s31+$0x2090]  }
0x18e: {  	[tilespmem:s31+$0x9010] =	vst v6;
	v6 =	vld [tilespmem:s31+$0x20A0]  }
0x18f: {  	[tilespmem:s31+$0x9020] =	vst v7;
	v7 =	vld [tilespmem:s31+$0x20B0]  }
0x190: {  	[tilespmem:s31+$0x9030] =	vst v8;
	v8 =	vld [tilespmem:s31+$0x2100]  }
0x191: {  	[tilespmem:s31+$0x9080] =	vst v9;
	v9 =	vld [tilespmem:s31+$0x2110]  }
.Ltmp13:
0x192: {  	[tilespmem:s31+$0x9090] =	vst v5;
	v5 =	vld [tilespmem:s31+$0x2120];
	(pc) =	sbr.rel @p3 .LBB2_24-.Ltmp13, $4  }
0x193: {  	[tilespmem:s31+$0x90A0] =	vst v6;
	v6 =	vld [tilespmem:s31+$0x2130]  }
0x194: {  	[tilespmem:s31+$0x90B0] =	vst v7;
	v7 =	vld [tilespmem:s31+$0x2180]  }
0x195: {  	[tilespmem:s31+$0x9100] =	vst v8;
	v8 =	vld [tilespmem:s31+$0x2190]  }
0x196: {  	s0 =	sshra.s32 s30, $0x2;
	s30 =	sadd.s32 $0x800, s30;
	[tilespmem:s31+$0x9110] =	vst v9;
	v9 =	vld [tilespmem:s31+$0x21A0]  }
0x197: {  	v10 =	vld [tilespmem:s0+$0x21B0];
	[tilespmem:s31+$0x9120] =	vst v5  }
0x198: {  	v5 =	vld [tilespmem:s0+$0x2000];
	[tilespmem:s31+$0x9130] =	vst v6  }
0x199: {  	v6 =	vld [tilespmem:s0+$0x2010];
	[tilespmem:s31+$0x9180] =	vst v7  }
0x19a: {  	v7 =	vld [tilespmem:s0+$0x2020];
	[tilespmem:s31+$0x9190] =	vst v8  }
0x19b: {  	v8 =	vld [tilespmem:s0+$0x2030];
	[tilespmem:s31+$0x91A0] =	vst v9  }
0x19c: {  	v9 =	vld [tilespmem:s0+$0x2080];
	[tilespmem:s0+$0x91B0] =	vst v10  }
0x19d: {  	v60 =	vld [tilespmem:s0+$0x2100];
	[tilespmem:s0+$0x9000] =	vst v5  }
0x19e: {  	v61 =	vld [tilespmem:s0+$0x2110];
	[tilespmem:s0+$0x9010] =	vst v6  }
0x19f: {  	v5 =	vld [tilespmem:s0+$0x2090];
	[tilespmem:s0+$0x9020] =	vst v7  }
0x1a0: {  	v6 =	vld [tilespmem:s0+$0x20A0];
	[tilespmem:s0+$0x9030] =	vst v8  }
0x1a1: {  	v7 =	vld [tilespmem:s0+$0x20B0];
	[tilespmem:s0+$0x9080] =	vst v9  }
0x1a2: {  	v62 =	vld [tilespmem:s0+$0x2190];
	[tilespmem:s0+$0x9100] =	vst v60  }
0x1a3: {  	v63 =	vld [tilespmem:s0+$0x21A0];
	[tilespmem:s0+$0x9110] =	vst v61  }
0x1a4: {  	[tilespmem:s0+$0x9090] =	vst v5;
	v5 =	vld [tilespmem:s0+$0x2120]  }
0x1a5: {  	[tilespmem:s0+$0x90A0] =	vst v6;
	v6 =	vld [tilespmem:s0+$0x2130]  }
0x1a6: {  	[tilespmem:s0+$0x90B0] =	vst v7;
	v7 =	vld [tilespmem:s0+$0x2180]  }
0x1a7: {  	[tilespmem:s0+$0x9190] =	vst v62  }
.Ltmp14:
0x1a8: {  	s30 =	sadd.s32 s18, s28;
	[tilespmem:s0+$0x91A0] =	vst v63;
	(pc) =	sbr.rel @p2 .LBB2_27-.Ltmp14, $4  }
0x1a9: {  	s30 =	sshll.u32 s30, $0x4;
	[tilespmem:s0+$0x9120] =	vst v5  }
0x1aa: {  	s30 =	sand.u32 $0x1FFFFF80, s30;
	[tilespmem:s0+$0x9130] =	vst v6  }
0x1ab: {  	s31 =	sadd.s32 s1, s30;
	[tilespmem:s0+$0x9180] =	vst v7  }
0x1ac: {  	[hbm4b:s31+s2] =	stream.linear.scatter [tilespmem:s19], [sflag:$0x5], $0x3800, $0x38;
	[tilespmem:$0x1E080] =	vst v63  }
.Ltmp15:
0x1ad: {  	(pc) =	sbr.rel .LBB2_28-.Ltmp15, $4  }
0x1ae: {  	_ = 	snop  }
0x1af: {  	_ =	swait.ge [sflag:s14], $0x3800  }
0x1b0: {  	[sflag:s14] =	ssyncset.done $0x0  }
0x1b1: {  	[sflag:s14] =	ssyncadd.s32 $0xFFFFC800  }
.LBB2_27:
0x1b2: {  	s0 =	smul.u32 $0x70, s13;
	_ =	sdelay $0x1  }
0x1b3: {  	s0 =	sadd.s32 s8, s0  }
0x1b4: {  	s0 =	sshll.u32 s0, $0x7  }
0x1b5: {  	s0 =	sadd.s32 s12, s0  }
0x1b6: {  	s0 =	sshrl.u32 s0, $0x3  }
.Ltmp16:
0x1b7: {  	s31 =	simm.s32 $0x2000;
	s0 =	sadd.s32 s5, s0;
	(pc) =	sbr.rel @p1 .LBB2_29-.Ltmp16, $4  }
0x1b8: {  	[tilespmem:s31], [sflag:$0x1] =	stream.linear.gather [hbm4b:s0+s2], $0x3800, $0x38;
	[tilespmem:$0x1E080] =	vst v63  }
0x1b9: {  	_ =	swait.ge [sflag:s14], $0x3800  }
0x1ba: {  	[sflag:s14] =	ssyncset.done $0x0  }
0x1bb: {  	[sflag:s14] =	ssyncadd.s32 $0xFFFFC800  }
.LBB2_28:
0x1bc: {  	_ =	swait.ge [sflag:s21], $0x3800  }
0x1bd: {  	[sflag:s21] =	ssyncset.done $0x0  }
0x1be: {  	[sflag:s21] =	ssyncadd.s32 $0xFFFFC800  }
.LBB2_29:
0x1bf: {  	s13 =	simm.s32 $0x0  }
0x1c0: {  	v5 =	vld [tilespmem:s13+$0x139B0]  }
0x1c1: {  	v6 =	vld [tilespmem:s13+$0x13800]  }
0x1c2: {  	v7 =	vld [tilespmem:s13+$0x13810]  }
0x1c3: {  	v8 =	vld [tilespmem:s13+$0x13820]  }
0x1c4: {  	v9 =	vld [tilespmem:s13+$0x13830]  }
0x1c5: {  	v10 =	vld [tilespmem:s13+$0x13880];
	[tilespmem:s13+$0x1A9B0] =	vst v5  }
0x1c6: {  	[tilespmem:s13+$0x1A800] =	vst v6;
	v5 =	vld [tilespmem:s13+$0x13890]  }
0x1c7: {  	[tilespmem:s13+$0x1A810] =	vst v7;
	v6 =	vld [tilespmem:s13+$0x138A0]  }
0x1c8: {  	[tilespmem:s13+$0x1A820] =	vst v8;
	v7 =	vld [tilespmem:s13+$0x138B0]  }
0x1c9: {  	[tilespmem:s13+$0x1A830] =	vst v9;
	v8 =	vld [tilespmem:s13+$0x13900]  }
0x1ca: {  	[tilespmem:s13+$0x1A880] =	vst v10;
	v9 =	vld [tilespmem:s13+$0x13910]  }
0x1cb: {  	[tilespmem:s13+$0x1A890] =	vst v5;
	v5 =	vld [tilespmem:s13+$0x13920]  }
0x1cc: {  	[tilespmem:s13+$0x1A8A0] =	vst v6;
	v6 =	vld [tilespmem:s13+$0x13930]  }
0x1cd: {  	[tilespmem:s13+$0x1A8B0] =	vst v7;
	v7 =	vld [tilespmem:s13+$0x13980]  }
0x1ce: {  	[tilespmem:s13+$0x1A900] =	vst v8;
	v8 =	vld [tilespmem:s13+$0x13990]  }
0x1cf: {  	s31 =	simm.s32 $0x200;
	s0 =	simm.s32 $0x1000;
	[tilespmem:s13+$0x1A910] =	vst v9;
	v9 =	vld [tilespmem:s13+$0x139A0]  }
.LBB2_30:
0x1d0: {  	p3 =	sne.s32 s0, $0xD800;
	v10 =	vld [tilespmem:s31+$0x139B0];
	[tilespmem:s13+$0x1A920] =	vst v5  }
0x1d1: {  	v5 =	vld [tilespmem:s31+$0x13800];
	[tilespmem:s13+$0x1A930] =	vst v6  }
0x1d2: {  	v6 =	vld [tilespmem:s31+$0x13810];
	[tilespmem:s13+$0x1A980] =	vst v7  }
0x1d3: {  	v7 =	vld [tilespmem:s31+$0x13820];
	[tilespmem:s13+$0x1A990] =	vst v8  }
0x1d4: {  	v8 =	vld [tilespmem:s31+$0x13830];
	[tilespmem:s13+$0x1A9A0] =	vst v9;
	s13 =	smov.u32 s31  }
0x1d5: {  	v9 =	vld [tilespmem:s13+$0x13880];
	[tilespmem:s13+$0x1A9B0] =	vst v10  }
0x1d6: {  	[tilespmem:s13+$0x1A800] =	vst v5;
	v5 =	vld [tilespmem:s13+$0x13890]  }
0x1d7: {  	[tilespmem:s13+$0x1A810] =	vst v6;
	v6 =	vld [tilespmem:s13+$0x138A0]  }
0x1d8: {  	[tilespmem:s13+$0x1A820] =	vst v7;
	v7 =	vld [tilespmem:s13+$0x138B0]  }
0x1d9: {  	[tilespmem:s13+$0x1A830] =	vst v8;
	v8 =	vld [tilespmem:s13+$0x13900]  }
0x1da: {  	[tilespmem:s13+$0x1A880] =	vst v9;
	v9 =	vld [tilespmem:s13+$0x13910]  }
.Ltmp17:
0x1db: {  	[tilespmem:s13+$0x1A890] =	vst v5;
	v5 =	vld [tilespmem:s13+$0x13920];
	(pc) =	sbr.rel @p3 .LBB2_30-.Ltmp17, $4  }
0x1dc: {  	[tilespmem:s13+$0x1A8A0] =	vst v6;
	v6 =	vld [tilespmem:s13+$0x13930]  }
0x1dd: {  	[tilespmem:s13+$0x1A8B0] =	vst v7;
	v7 =	vld [tilespmem:s13+$0x13980]  }
0x1de: {  	[tilespmem:s13+$0x1A900] =	vst v8;
	v8 =	vld [tilespmem:s13+$0x13990]  }
0x1df: {  	s31 =	sshra.s32 s0, $0x2;
	s0 =	sadd.s32 $0x800, s0;
	[tilespmem:s13+$0x1A910] =	vst v9;
	v9 =	vld [tilespmem:s13+$0x139A0]  }
0x1e0: {  	v10 =	vld [tilespmem:s31+$0x139B0];
	[tilespmem:s13+$0x1A920] =	vst v5  }
0x1e1: {  	v5 =	vld [tilespmem:s31+$0x13800];
	[tilespmem:s13+$0x1A930] =	vst v6  }
0x1e2: {  	v6 =	vld [tilespmem:s31+$0x13810];
	[tilespmem:s13+$0x1A980] =	vst v7  }
0x1e3: {  	v7 =	vld [tilespmem:s31+$0x13820];
	[tilespmem:s13+$0x1A990] =	vst v8  }
0x1e4: {  	v8 =	vld [tilespmem:s31+$0x13830];
	[tilespmem:s13+$0x1A9A0] =	vst v9  }
0x1e5: {  	v9 =	vld [tilespmem:s31+$0x13880];
	[tilespmem:s31+$0x1A9B0] =	vst v10  }
0x1e6: {  	v60 =	vld [tilespmem:s31+$0x13900];
	[tilespmem:s31+$0x1A800] =	vst v5  }
0x1e7: {  	v61 =	vld [tilespmem:s31+$0x13910];
	[tilespmem:s31+$0x1A810] =	vst v6  }
0x1e8: {  	v5 =	vld [tilespmem:s31+$0x13890];
	[tilespmem:s31+$0x1A820] =	vst v7  }
0x1e9: {  	v6 =	vld [tilespmem:s31+$0x138A0];
	[tilespmem:s31+$0x1A830] =	vst v8  }
0x1ea: {  	v7 =	vld [tilespmem:s31+$0x138B0];
	[tilespmem:s31+$0x1A880] =	vst v9  }
0x1eb: {  	v62 =	vld [tilespmem:s31+$0x13990];
	[tilespmem:s31+$0x1A900] =	vst v60  }
0x1ec: {  	v63 =	vld [tilespmem:s31+$0x139A0];
	[tilespmem:s31+$0x1A910] =	vst v61  }
0x1ed: {  	[tilespmem:s31+$0x1A890] =	vst v5;
	v5 =	vld [tilespmem:s31+$0x13920]  }
0x1ee: {  	[tilespmem:s31+$0x1A8A0] =	vst v6;
	v6 =	vld [tilespmem:s31+$0x13930]  }
0x1ef: {  	s28 =	sadd.s32 $0x70, s28;
	[tilespmem:s31+$0x1A8B0] =	vst v7;
	v7 =	vld [tilespmem:s31+$0x13980]  }
0x1f0: {  	s0 =	sadd.s32 s8, s28;
	[tilespmem:s31+$0x1A990] =	vst v62  }
.Ltmp18:
0x1f1: {  	s0 =	sshll.u32 s0, $0x7;
	[tilespmem:s31+$0x1A9A0] =	vst v63;
	(pc) =	sbr.rel @p2 .LBB2_33-.Ltmp18, $4  }
0x1f2: {  	s0 =	sadd.s32 s4, s0;
	[tilespmem:s31+$0x1A920] =	vst v5  }
0x1f3: {  	s0 =	sshrl.u32 s0, $0x3;
	[tilespmem:s31+$0x1A930] =	vst v6  }
0x1f4: {  	s10 =	sadd.s32 $0x3, s10;
	s0 =	sadd.s32 s7, s0;
	[tilespmem:s31+$0x1A980] =	vst v7  }
0x1f5: {  	[hbm4b:s0+s2] =	stream.linear.scatter [tilespmem:s15], [sflag:$0x8], $0x3800, $0x38;
	[tilespmem:$0x1E080] =	vst v63  }
.Ltmp19:
0x1f6: {  	(pc) =	sbr.rel .LBB2_34-.Ltmp19, $4  }
0x1f7: {  	_ = 	snop  }
0x1f8: {  	_ =	swait.ge [sflag:s22], $0x3800  }
0x1f9: {  	[sflag:s22] =	ssyncset.done $0x0  }
0x1fa: {  	s31 =	simm.s32 $0x9;
	[sflag:s22] =	ssyncadd.s32 $0xFFFFC800  }
.LBB2_33:
0x1fb: {  	s0 =	smul.u32 $0x1C0, s10;
	_ =	sdelay $0x1  }
.Ltmp20:
0x1fc: {  	s13 =	simm.s32 $0x13800;
	s0 =	sshra.s32 s0, $0x2;
	(pc) =	sbr.rel @p1 .LBB2_35-.Ltmp20, $4  }
0x1fd: {  	[tilespmem:s13], [sflag:$0x4] =	stream.indirect.gather [hbm4b:s1+s26], $0x80, s0, s26, $0xb8;
	[tilespmem:$0x1E080] =	vst v63  }
0x1fe: {  	_ =	swait.ge [sflag:s22], $0x3800  }
0x1ff: {  	[sflag:s22] =	ssyncset.done $0x0  }
0x200: {  	s31 =	simm.s32 $0x9;
	[sflag:s22] =	ssyncadd.s32 $0xFFFFC800  }
.LBB2_34:
0x201: {  	_ =	swait.ge [sflag:s23], $0x3800  }
0x202: {  	[sflag:s23] =	ssyncset.done $0x0  }
0x203: {  	[sflag:s23] =	ssyncadd.s32 $0xFFFFC800  }
.LBB2_35:
0x204: {  	s13 =	simm.s32 $0x0  }
0x205: {  	v5 =	vld [tilespmem:s13+$0x59B0]  }
0x206: {  	v6 =	vld [tilespmem:s13+$0x5800]  }
0x207: {  	v7 =	vld [tilespmem:s13+$0x5810]  }
0x208: {  	v8 =	vld [tilespmem:s13+$0x5820]  }
0x209: {  	v9 =	vld [tilespmem:s13+$0x5830]  }
0x20a: {  	v10 =	vld [tilespmem:s13+$0x5880];
	[tilespmem:s13+$0xC9B0] =	vst v5  }
0x20b: {  	[tilespmem:s13+$0xC800] =	vst v6;
	v5 =	vld [tilespmem:s13+$0x5890]  }
0x20c: {  	[tilespmem:s13+$0xC810] =	vst v7;
	v6 =	vld [tilespmem:s13+$0x58A0]  }
0x20d: {  	[tilespmem:s13+$0xC820] =	vst v8;
	v7 =	vld [tilespmem:s13+$0x58B0]  }
0x20e: {  	[tilespmem:s13+$0xC830] =	vst v9;
	v8 =	vld [tilespmem:s13+$0x5900]  }
0x20f: {  	[tilespmem:s13+$0xC880] =	vst v10;
	v9 =	vld [tilespmem:s13+$0x5910]  }
0x210: {  	[tilespmem:s13+$0xC890] =	vst v5;
	v5 =	vld [tilespmem:s13+$0x5920]  }
0x211: {  	[tilespmem:s13+$0xC8A0] =	vst v6;
	v6 =	vld [tilespmem:s13+$0x5930]  }
0x212: {  	[tilespmem:s13+$0xC8B0] =	vst v7;
	v7 =	vld [tilespmem:s13+$0x5980]  }
0x213: {  	[tilespmem:s13+$0xC900] =	vst v8;
	v8 =	vld [tilespmem:s13+$0x5990]  }
0x214: {  	s0 =	simm.s32 $0x200;
	s30 =	simm.s32 $0x1000;
	[tilespmem:s13+$0xC910] =	vst v9;
	v9 =	vld [tilespmem:s13+$0x59A0]  }
.LBB2_36:
0x215: {  	p1 =	sne.s32 s30, $0xD800;
	v10 =	vld [tilespmem:s0+$0x59B0];
	[tilespmem:s13+$0xC920] =	vst v5  }
0x216: {  	v5 =	vld [tilespmem:s0+$0x5800];
	[tilespmem:s13+$0xC930] =	vst v6  }
0x217: {  	v6 =	vld [tilespmem:s0+$0x5810];
	[tilespmem:s13+$0xC980] =	vst v7  }
0x218: {  	v7 =	vld [tilespmem:s0+$0x5820];
	[tilespmem:s13+$0xC990] =	vst v8  }
0x219: {  	v8 =	vld [tilespmem:s0+$0x5830];
	[tilespmem:s13+$0xC9A0] =	vst v9;
	s13 =	smov.u32 s0  }
0x21a: {  	v9 =	vld [tilespmem:s13+$0x5880];
	[tilespmem:s13+$0xC9B0] =	vst v10  }
0x21b: {  	[tilespmem:s13+$0xC800] =	vst v5;
	v5 =	vld [tilespmem:s13+$0x5890]  }
0x21c: {  	[tilespmem:s13+$0xC810] =	vst v6;
	v6 =	vld [tilespmem:s13+$0x58A0]  }
0x21d: {  	[tilespmem:s13+$0xC820] =	vst v7;
	v7 =	vld [tilespmem:s13+$0x58B0]  }
0x21e: {  	[tilespmem:s13+$0xC830] =	vst v8;
	v8 =	vld [tilespmem:s13+$0x5900]  }
0x21f: {  	[tilespmem:s13+$0xC880] =	vst v9;
	v9 =	vld [tilespmem:s13+$0x5910]  }
.Ltmp21:
0x220: {  	[tilespmem:s13+$0xC890] =	vst v5;
	v5 =	vld [tilespmem:s13+$0x5920];
	(pc) =	sbr.rel @p1 .LBB2_36-.Ltmp21, $4  }
0x221: {  	[tilespmem:s13+$0xC8A0] =	vst v6;
	v6 =	vld [tilespmem:s13+$0x5930]  }
0x222: {  	[tilespmem:s13+$0xC8B0] =	vst v7;
	v7 =	vld [tilespmem:s13+$0x5980]  }
0x223: {  	[tilespmem:s13+$0xC900] =	vst v8;
	v8 =	vld [tilespmem:s13+$0x5990]  }
0x224: {  	s0 =	sshra.s32 s30, $0x2;
	s30 =	sadd.s32 $0x800, s30;
	[tilespmem:s13+$0xC910] =	vst v9;
	v9 =	vld [tilespmem:s13+$0x59A0]  }
0x225: {  	v10 =	vld [tilespmem:s0+$0x59B0];
	[tilespmem:s13+$0xC920] =	vst v5  }
0x226: {  	v5 =	vld [tilespmem:s0+$0x5800];
	[tilespmem:s13+$0xC930] =	vst v6  }
0x227: {  	v6 =	vld [tilespmem:s0+$0x5810];
	[tilespmem:s13+$0xC980] =	vst v7  }
0x228: {  	v7 =	vld [tilespmem:s0+$0x5820];
	[tilespmem:s13+$0xC990] =	vst v8  }
0x229: {  	v8 =	vld [tilespmem:s0+$0x5830];
	[tilespmem:s13+$0xC9A0] =	vst v9  }
0x22a: {  	v9 =	vld [tilespmem:s0+$0x5880];
	[tilespmem:s0+$0xC9B0] =	vst v10  }
0x22b: {  	v60 =	vld [tilespmem:s0+$0x5900];
	[tilespmem:s0+$0xC800] =	vst v5  }
0x22c: {  	v61 =	vld [tilespmem:s0+$0x5910];
	[tilespmem:s0+$0xC810] =	vst v6  }
0x22d: {  	v5 =	vld [tilespmem:s0+$0x5890];
	[tilespmem:s0+$0xC820] =	vst v7  }
0x22e: {  	v6 =	vld [tilespmem:s0+$0x58A0];
	[tilespmem:s0+$0xC830] =	vst v8  }
0x22f: {  	v7 =	vld [tilespmem:s0+$0x58B0];
	[tilespmem:s0+$0xC880] =	vst v9  }
0x230: {  	v62 =	vld [tilespmem:s0+$0x5990];
	[tilespmem:s0+$0xC900] =	vst v60  }
0x231: {  	v63 =	vld [tilespmem:s0+$0x59A0];
	[tilespmem:s0+$0xC910] =	vst v61  }
0x232: {  	[tilespmem:s0+$0xC890] =	vst v5;
	v5 =	vld [tilespmem:s0+$0x5920]  }
0x233: {  	[tilespmem:s0+$0xC8A0] =	vst v6;
	v6 =	vld [tilespmem:s0+$0x5930]  }
0x234: {  	[tilespmem:s0+$0xC8B0] =	vst v7;
	v7 =	vld [tilespmem:s0+$0x5980]  }
0x235: {  	p1 =	seq.s32 s20, $0x23;
	[tilespmem:s0+$0xC990] =	vst v62  }
.Ltmp22:
0x236: {  	s28 =	sadd.s32 s18, s28;
	[tilespmem:s0+$0xC9A0] =	vst v63;
	(pc) =	sbr.rel @p1 .LBB2_39-.Ltmp22, $4  }
0x237: {  	s13 =	sshll.u32 s28, $0x4;
	[tilespmem:s0+$0xC920] =	vst v5  }
0x238: {  	s13 =	sand.u32 $0x1FFFFF80, s13;
	[tilespmem:s0+$0xC930] =	vst v6  }
0x239: {  	s30 =	sadd.s32 s1, s13;
	[tilespmem:s0+$0xC980] =	vst v7  }
0x23a: {  	[hbm4b:s30+s2] =	stream.linear.scatter [tilespmem:s24], [sflag:$0x6], $0x3800, $0x38;
	[tilespmem:$0x1E080] =	vst v63  }
0x23b: {  	s0 =	smul.u32 $0x70, s10;
	_ =	sdelay $0x1  }
0x23c: {  	s0 =	sadd.s32 s8, s0  }
.Ltmp23:
0x23d: {  	s0 =	sshll.u32 s0, $0x7;
	(pc) =	sbr.rel .LBB2_17-.Ltmp23, $4  }
0x23e: {  	s0 =	sadd.s32 s12, s0  }
0x23f: {  	s0 =	sshrl.u32 s0, $0x3  }
0x240: {  	s20 =	sadd.s32 $0x1, s20;
	s0 =	sadd.s32 s5, s0  }
0x241: {  	[tilespmem:s16], [sflag:$0x2] =	stream.linear.gather [hbm4b:s0+s2], $0x3800, $0x38;
	[tilespmem:$0x1E080] =	vst v63  }
.LBB2_39:
0x242: {  	s0 =	simm.s32 $0x7  }
0x243: {  	_ =	swait.ge [sflag:s0], $0x3800  }
0x244: {  	[sflag:s0] =	ssyncset.done $0x0  }
0x245: {  	[sflag:s0] =	ssyncadd.s32 $0xFFFFC800  }
0x246: {  	_ =	swait.ge [sflag:s21], $0x3800  }
0x247: {  	[sflag:s21] =	ssyncset.done $0x0  }
0x248: {  	[sflag:s21] =	ssyncadd.s32 $0xFFFFC800  }
0x249: {  	_ =	swait.ge [sflag:s25], $0x3800  }
0x24a: {  	[sflag:s25] =	ssyncset.done $0x0  }
0x24b: {  	[sflag:s25] =	ssyncadd.s32 $0xFFFFC800  }
0x24c: {  	_ =	swait.ge [sflag:s23], $0x3800  }
0x24d: {  	s28 =	simm.s32 $0x10000;
	[sflag:s23] =	ssyncset.done $0x0  }
0x24e: {  	s10 =	simm.s32 $0x50;
	s13 =	simm.s32 $0x1F80;
	[sflag:s23] =	ssyncadd.s32 $0xFFFFC800  }
0x24f: {  	[tilespmem:s28], [sflag:$0x3] =	stream.indirect.gather [hbm4b:s1+s10], $0x80, s13, s10, $0xb8;
	[tilespmem:$0x1E080] =	vst v63  }
0x250: {  	_ =	swait.ge [sflag:s3], $0x2800  }
0x251: {  	[sflag:s3] =	ssyncset.done $0x0  }
0x252: {  	s10 =	simm.s32 $0x0;
	[sflag:s3] =	ssyncadd.s32 $0xFFFFD800  }
0x253: {  	v5 =	vld [tilespmem:s10+$0x101B0]  }
0x254: {  	v6 =	vld [tilespmem:s10+$0x10000]  }
0x255: {  	v7 =	vld [tilespmem:s10+$0x10010]  }
0x256: {  	v8 =	vld [tilespmem:s10+$0x10020]  }
0x257: {  	v9 =	vld [tilespmem:s10+$0x10030]  }
0x258: {  	v10 =	vld [tilespmem:s10+$0x10080];
	[tilespmem:s10+$0x171B0] =	vst v5  }
0x259: {  	[tilespmem:s10+$0x17000] =	vst v6;
	v5 =	vld [tilespmem:s10+$0x10090]  }
0x25a: {  	[tilespmem:s10+$0x17010] =	vst v7;
	v6 =	vld [tilespmem:s10+$0x100A0]  }
0x25b: {  	[tilespmem:s10+$0x17020] =	vst v8;
	v7 =	vld [tilespmem:s10+$0x100B0]  }
0x25c: {  	[tilespmem:s10+$0x17030] =	vst v9;
	v8 =	vld [tilespmem:s10+$0x10100]  }
0x25d: {  	[tilespmem:s10+$0x17080] =	vst v10;
	v9 =	vld [tilespmem:s10+$0x10110]  }
0x25e: {  	[tilespmem:s10+$0x17090] =	vst v5;
	v5 =	vld [tilespmem:s10+$0x10120]  }
0x25f: {  	[tilespmem:s10+$0x170A0] =	vst v6;
	v6 =	vld [tilespmem:s10+$0x10130]  }
0x260: {  	[tilespmem:s10+$0x170B0] =	vst v7;
	v7 =	vld [tilespmem:s10+$0x10180]  }
0x261: {  	[tilespmem:s10+$0x17100] =	vst v8;
	v8 =	vld [tilespmem:s10+$0x10190]  }
0x262: {  	s0 =	simm.s32 $0x200;
	s13 =	simm.s32 $0x1000;
	s30 =	rddreg [dreg:$0x9];
	[tilespmem:s10+$0x17110] =	vst v9;
	v9 =	vld [tilespmem:s10+$0x101A0]  }
.LBB2_40:
0x263: {  	p1 =	sne.s32 s13, $0x9800;
	v10 =	vld [tilespmem:s0+$0x101B0];
	[tilespmem:s10+$0x17120] =	vst v5  }
0x264: {  	v5 =	vld [tilespmem:s0+$0x10000];
	[tilespmem:s10+$0x17130] =	vst v6  }
0x265: {  	v6 =	vld [tilespmem:s0+$0x10010];
	[tilespmem:s10+$0x17180] =	vst v7  }
0x266: {  	v7 =	vld [tilespmem:s0+$0x10020];
	[tilespmem:s10+$0x17190] =	vst v8  }
0x267: {  	v8 =	vld [tilespmem:s0+$0x10030];
	[tilespmem:s10+$0x171A0] =	vst v9;
	s10 =	smov.u32 s0  }
0x268: {  	v9 =	vld [tilespmem:s10+$0x10080];
	[tilespmem:s10+$0x171B0] =	vst v10  }
0x269: {  	[tilespmem:s10+$0x17000] =	vst v5;
	v5 =	vld [tilespmem:s10+$0x10090]  }
0x26a: {  	[tilespmem:s10+$0x17010] =	vst v6;
	v6 =	vld [tilespmem:s10+$0x100A0]  }
0x26b: {  	[tilespmem:s10+$0x17020] =	vst v7;
	v7 =	vld [tilespmem:s10+$0x100B0]  }
0x26c: {  	[tilespmem:s10+$0x17030] =	vst v8;
	v8 =	vld [tilespmem:s10+$0x10100]  }
0x26d: {  	[tilespmem:s10+$0x17080] =	vst v9;
	v9 =	vld [tilespmem:s10+$0x10110]  }
.Ltmp24:
0x26e: {  	[tilespmem:s10+$0x17090] =	vst v5;
	v5 =	vld [tilespmem:s10+$0x10120];
	(pc) =	sbr.rel @p1 .LBB2_40-.Ltmp24, $4  }
0x26f: {  	[tilespmem:s10+$0x170A0] =	vst v6;
	v6 =	vld [tilespmem:s10+$0x10130]  }
0x270: {  	[tilespmem:s10+$0x170B0] =	vst v7;
	v7 =	vld [tilespmem:s10+$0x10180]  }
0x271: {  	[tilespmem:s10+$0x17100] =	vst v8;
	v8 =	vld [tilespmem:s10+$0x10190]  }
0x272: {  	s0 =	sshra.s32 s13, $0x2;
	s13 =	sadd.s32 $0x800, s13;
	[tilespmem:s10+$0x17110] =	vst v9;
	v9 =	vld [tilespmem:s10+$0x101A0]  }
0x273: {  	v10 =	vld [tilespmem:s0+$0x101B0];
	[tilespmem:s10+$0x17120] =	vst v5  }
0x274: {  	v5 =	vld [tilespmem:s0+$0x10000];
	[tilespmem:s10+$0x17130] =	vst v6  }
0x275: {  	v6 =	vld [tilespmem:s0+$0x10010];
	[tilespmem:s10+$0x17180] =	vst v7  }
0x276: {  	v7 =	vld [tilespmem:s0+$0x10020];
	[tilespmem:s10+$0x17190] =	vst v8  }
0x277: {  	v8 =	vld [tilespmem:s0+$0x10030];
	[tilespmem:s10+$0x171A0] =	vst v9  }
0x278: {  	v9 =	vld [tilespmem:s0+$0x10080];
	[tilespmem:s0+$0x171B0] =	vst v10  }
0x279: {  	[tilespmem:s0+$0x17000] =	vst v5;
	v5 =	vld [tilespmem:s0+$0x10090]  }
0x27a: {  	[tilespmem:s0+$0x17010] =	vst v6;
	v6 =	vld [tilespmem:s0+$0x100A0]  }
0x27b: {  	[tilespmem:s0+$0x17020] =	vst v7;
	v7 =	vld [tilespmem:s0+$0x100B0]  }
0x27c: {  	[tilespmem:s0+$0x17030] =	vst v8;
	v8 =	vld [tilespmem:s0+$0x10100]  }
0x27d: {  	[tilespmem:s0+$0x17080] =	vst v9;
	v9 =	vld [tilespmem:s0+$0x10110]  }
0x27e: {  	[tilespmem:s0+$0x17090] =	vst v5;
	v5 =	vld [tilespmem:s0+$0x10120]  }
0x27f: {  	[tilespmem:s0+$0x170A0] =	vst v6;
	v6 =	vld [tilespmem:s0+$0x10130]  }
0x280: {  	[tilespmem:s0+$0x170B0] =	vst v7;
	v7 =	vld [tilespmem:s0+$0x10180]  }
0x281: {  	[tilespmem:s0+$0x17100] =	vst v8;
	v8 =	vld [tilespmem:s0+$0x10190]  }
0x282: {  	[tilespmem:s0+$0x17110] =	vst v9;
	v9 =	vld [tilespmem:s0+$0x101A0]  }
0x283: {  	[tilespmem:s0+$0x17120] =	vst v5  }
0x284: {  	[tilespmem:s0+$0x17130] =	vst v6  }
0x285: {  	[tilespmem:s0+$0x17180] =	vst v7  }
0x286: {  	[tilespmem:s0+$0x17190] =	vst v8  }
0x287: {  	s20 =	rddreg [dreg:$0xc];
	[tilespmem:s0+$0x171A0] =	vst v9;
	s0 =	simm.s32 $0x0  }
0x288: {  	[hbm4b:s20+s0] =	stream.linear.scatter [tilespmem:s9], [sflag:$0x9], $0x2800, $0x38;
	[tilespmem:$0x1E080] =	vst v63  }
0x289: {  	_ =	swait.ge [sflag:s31], $0x2800  }
0x28a: {  	[sflag:s31] =	ssyncset.done $0x0  }
0x28b: {  	s13 =	simm.s32 $0x2000;
	s28 =	rddreg [dreg:$0xf];
	[sflag:s31] =	ssyncadd.s32 $0xFFFFD800  }
0x28c: {  	[tilespmem:s13], [sflag:$0x9] =	stream.linear.gather [hbm4b:s28+s0], $0x2800, $0x38;
	[tilespmem:$0x1E080] =	vst v63  }
0x28d: {  	_ =	swait.ge [sflag:s31], $0x2800  }
0x28e: {  	[sflag:s31] =	ssyncset.done $0x0  }
0x28f: {  	s10 =	simm.s32 $0x0;
	[sflag:s31] =	ssyncadd.s32 $0xFFFFD800  }
0x290: {  	v5 =	vld [tilespmem:s10+$0x21B0]  }
0x291: {  	v6 =	vld [tilespmem:s10+$0x2000]  }
0x292: {  	v7 =	vld [tilespmem:s10+$0x2010]  }
0x293: {  	v8 =	vld [tilespmem:s10+$0x2020]  }
0x294: {  	v9 =	vld [tilespmem:s10+$0x2030]  }
0x295: {  	v10 =	vld [tilespmem:s10+$0x2080];
	[tilespmem:s10+$0x91B0] =	vst v5  }
0x296: {  	[tilespmem:s10+$0x9000] =	vst v6;
	v5 =	vld [tilespmem:s10+$0x2090]  }
0x297: {  	[tilespmem:s10+$0x9010] =	vst v7;
	v6 =	vld [tilespmem:s10+$0x20A0]  }
0x298: {  	[tilespmem:s10+$0x9020] =	vst v8;
	v7 =	vld [tilespmem:s10+$0x20B0]  }
0x299: {  	[tilespmem:s10+$0x9030] =	vst v9;
	v8 =	vld [tilespmem:s10+$0x2100]  }
0x29a: {  	[tilespmem:s10+$0x9080] =	vst v10;
	v9 =	vld [tilespmem:s10+$0x2110]  }
0x29b: {  	[tilespmem:s10+$0x9090] =	vst v5;
	v5 =	vld [tilespmem:s10+$0x2120]  }
0x29c: {  	[tilespmem:s10+$0x90A0] =	vst v6;
	v6 =	vld [tilespmem:s10+$0x2130]  }
0x29d: {  	[tilespmem:s10+$0x90B0] =	vst v7;
	v7 =	vld [tilespmem:s10+$0x2180]  }
0x29e: {  	[tilespmem:s10+$0x9100] =	vst v8;
	v8 =	vld [tilespmem:s10+$0x2190]  }
0x29f: {  	s0 =	simm.s32 $0x200;
	s13 =	simm.s32 $0x1000;
	[tilespmem:s10+$0x9110] =	vst v9;
	v9 =	vld [tilespmem:s10+$0x21A0]  }
.LBB2_42:
0x2a0: {  	p1 =	sne.s32 s13, $0x9800;
	v10 =	vld [tilespmem:s0+$0x21B0];
	[tilespmem:s10+$0x9120] =	vst v5  }
0x2a1: {  	v5 =	vld [tilespmem:s0+$0x2000];
	[tilespmem:s10+$0x9130] =	vst v6  }
0x2a2: {  	v6 =	vld [tilespmem:s0+$0x2010];
	[tilespmem:s10+$0x9180] =	vst v7  }
0x2a3: {  	v7 =	vld [tilespmem:s0+$0x2020];
	[tilespmem:s10+$0x9190] =	vst v8  }
0x2a4: {  	v8 =	vld [tilespmem:s0+$0x2030];
	[tilespmem:s10+$0x91A0] =	vst v9;
	s10 =	smov.u32 s0  }
0x2a5: {  	v9 =	vld [tilespmem:s10+$0x2080];
	[tilespmem:s10+$0x91B0] =	vst v10  }
0x2a6: {  	[tilespmem:s10+$0x9000] =	vst v5;
	v5 =	vld [tilespmem:s10+$0x2090]  }
0x2a7: {  	[tilespmem:s10+$0x9010] =	vst v6;
	v6 =	vld [tilespmem:s10+$0x20A0]  }
0x2a8: {  	[tilespmem:s10+$0x9020] =	vst v7;
	v7 =	vld [tilespmem:s10+$0x20B0]  }
0x2a9: {  	[tilespmem:s10+$0x9030] =	vst v8;
	v8 =	vld [tilespmem:s10+$0x2100]  }
0x2aa: {  	[tilespmem:s10+$0x9080] =	vst v9;
	v9 =	vld [tilespmem:s10+$0x2110]  }
.Ltmp25:
0x2ab: {  	[tilespmem:s10+$0x9090] =	vst v5;
	v5 =	vld [tilespmem:s10+$0x2120];
	(pc) =	sbr.rel @p1 .LBB2_42-.Ltmp25, $4  }
0x2ac: {  	[tilespmem:s10+$0x90A0] =	vst v6;
	v6 =	vld [tilespmem:s10+$0x2130]  }
0x2ad: {  	[tilespmem:s10+$0x90B0] =	vst v7;
	v7 =	vld [tilespmem:s10+$0x2180]  }
0x2ae: {  	[tilespmem:s10+$0x9100] =	vst v8;
	v8 =	vld [tilespmem:s10+$0x2190]  }
0x2af: {  	s0 =	sshra.s32 s13, $0x2;
	s13 =	sadd.s32 $0x800, s13;
	[tilespmem:s10+$0x9110] =	vst v9;
	v9 =	vld [tilespmem:s10+$0x21A0]  }
0x2b0: {  	v10 =	vld [tilespmem:s0+$0x21B0];
	[tilespmem:s10+$0x9120] =	vst v5  }
0x2b1: {  	v5 =	vld [tilespmem:s0+$0x2000];
	[tilespmem:s10+$0x9130] =	vst v6  }
0x2b2: {  	v6 =	vld [tilespmem:s0+$0x2010];
	[tilespmem:s10+$0x9180] =	vst v7  }
0x2b3: {  	v7 =	vld [tilespmem:s0+$0x2020];
	[tilespmem:s10+$0x9190] =	vst v8  }
0x2b4: {  	v8 =	vld [tilespmem:s0+$0x2030];
	[tilespmem:s10+$0x91A0] =	vst v9  }
0x2b5: {  	v9 =	vld [tilespmem:s0+$0x2080];
	[tilespmem:s0+$0x91B0] =	vst v10  }
0x2b6: {  	v54 =	vld [tilespmem:s0+$0x2090];
	[tilespmem:s0+$0x9000] =	vst v5  }
0x2b7: {  	v55 =	vld [tilespmem:s0+$0x20A0];
	[tilespmem:s0+$0x9010] =	vst v6  }
0x2b8: {  	v56 =	vld [tilespmem:s0+$0x20B0];
	[tilespmem:s0+$0x9020] =	vst v7  }
0x2b9: {  	v57 =	vld [tilespmem:s0+$0x2100];
	[tilespmem:s0+$0x9030] =	vst v8  }
0x2ba: {  	v58 =	vld [tilespmem:s0+$0x2110];
	[tilespmem:s0+$0x9080] =	vst v9  }
0x2bb: {  	v59 =	vld [tilespmem:s0+$0x2120];
	[tilespmem:s0+$0x9090] =	vst v54  }
0x2bc: {  	v60 =	vld [tilespmem:s0+$0x2130];
	[tilespmem:s0+$0x90A0] =	vst v55  }
0x2bd: {  	v61 =	vld [tilespmem:s0+$0x2180];
	[tilespmem:s0+$0x90B0] =	vst v56  }
0x2be: {  	v62 =	vld [tilespmem:s0+$0x2190];
	[tilespmem:s0+$0x9100] =	vst v57  }
0x2bf: {  	v63 =	vld [tilespmem:s0+$0x21A0];
	[tilespmem:s0+$0x9110] =	vst v58  }
0x2c0: {  	[tilespmem:s0+$0x9120] =	vst v59  }
0x2c1: {  	[tilespmem:s0+$0x9130] =	vst v60  }
0x2c2: {  	[tilespmem:s0+$0x9180] =	vst v61  }
0x2c3: {  	[tilespmem:s0+$0x9190] =	vst v62  }
0x2c4: {  	s13 =	rddreg [dreg:$0x13];
	[tilespmem:s0+$0x91A0] =	vst v63  }
0x2c5: {  	[hbm4b:s13+s2] =	stream.linear.scatter [tilespmem:s19], [sflag:$0x9], $0x2800, $0x38;
	[tilespmem:$0x1E080] =	vst v63  }
0x2c6: {  	_ =	swait.ge [sflag:s31], $0x2800  }
0x2c7: {  	[sflag:s31] =	ssyncset.done $0x0  }
0x2c8: {  	s0 =	simm.s32 @!p0 $0x0;
	s10 =	rddreg [dreg:$0xd];
	[sflag:s31] =	ssyncadd.s32 $0xFFFFD800  }
0x2c9: {  	[tilespmem:s0], [sflag:$0x9] =	stream.linear.gather @!p0 [hbm4b:s10+s0], $0x10, $0x38;
	[tilespmem:$0x1E080] =	vst v63  }
0x2ca: {  	s10 =	simm.s32 @!p0 $0x9  }
0x2cb: {  	_ =	swait.ge @!p0 [sflag:s10], $0x10  }
0x2cc: {  	[sflag:s10] =	ssyncset.done @!p0 $0x0  }
0x2cd: {  	[sflag:s10] =	ssyncadd.s32 @!p0 $0xFFFFFFF0  }
0x2ce: {  	v5 =	vld @!p0 [tilespmem:$0x0];
	_ =	sdelay $0x2  }
0x2cf: {  	v6 =	vlaneseq.u32 @!p0  }
0x2d0: {  	vm1 =	veq.s32 @!p0 v3, $0x0;
	v3 =	vor.u32 @!p0 $0x1FD00, v6  }
0x2d1: {  	v3 =	vsel @!p0 vm1, v3, v5  }
0x2d2: {  	v3 =	vadd.s32 @!p0 v0, v3  }
0x2d3: {  	s20 =	simm.s32 @!p0 $0x10000;
	s13 =	simm.s32 @!p0 $0x1;
	[tilespmem:$0x0] =	vst @!p0 v3  }
0x2d4: {  	[tilespmem:s20], [sflag:$0x3] =	stream.indirect.gather @!p0 [hbm4b:s1+s13], $0x80, s0, s13, $0xb8;
	[tilespmem:$0x1E080] =	vst v63  }
0x2d5: {  	s13 =	simm.s32 @!p0 $0x3  }
0x2d6: {  	_ =	swait.ge @!p0 [sflag:s13], $0x80  }
0x2d7: {  	[sflag:s13] =	ssyncset.done @!p0 $0x0  }
0x2d8: {  	[sflag:s13] =	ssyncadd.s32 @!p0 $0xFFFFFF80  }
0x2d9: {  	v3 =	vld @!p0 [tilespmem:$0x10000]  }
0x2da: {  	v5 =	vld @!p0 [tilespmem:$0x10010]  }
0x2db: {  	v6 =	vld @!p0 [tilespmem:$0x10020]  }
0x2dc: {  	v7 =	vld @!p0 [tilespmem:$0x10030];
	_ =	sdelay $0x1  }
0x2dd: {  	[tilespmem:$0x17000] =	vst @!p0 v3  }
0x2de: {  	[tilespmem:$0x17010] =	vst @!p0 v5  }
0x2df: {  	[tilespmem:$0x17020] =	vst @!p0 v6  }
0x2e0: {  	s20 =	rddreg [dreg:$0x17];
	s13 =	simm.s32 @!p0 $0x17000;
	[tilespmem:$0x17030] =	vst @!p0 v7  }
0x2e1: {  	[hbm4b:s20+s0] =	stream.linear.scatter @!p0 [tilespmem:s13], [sflag:$0x9], $0x80, $0x38;
	[tilespmem:$0x1E080] =	vst v63  }
0x2e2: {  	_ =	swait.ge @!p0 [sflag:s10], $0x80  }
0x2e3: {  	[sflag:s10] =	ssyncset.done @!p0 $0x0  }
0x2e4: {  	s13 =	simm.s32 @!p0 $0x2000;
	s20 =	rddreg [dreg:$0x18];
	[sflag:s10] =	ssyncadd.s32 @!p0 $0xFFFFFF80  }
0x2e5: {  	[tilespmem:s13], [sflag:$0x9] =	stream.linear.gather @!p0 [hbm4b:s20+s0], $0x80, $0x38;
	[tilespmem:$0x1E080] =	vst v63  }
0x2e6: {  	_ =	swait.ge @!p0 [sflag:s10], $0x80  }
0x2e7: {  	[sflag:s10] =	ssyncset.done @!p0 $0x0  }
0x2e8: {  	[sflag:s10] =	ssyncadd.s32 @!p0 $0xFFFFFF80  }
0x2e9: {  	v3 =	vld @!p0 [tilespmem:$0x2000]  }
0x2ea: {  	v5 =	vld @!p0 [tilespmem:$0x2010]  }
0x2eb: {  	v6 =	vld @!p0 [tilespmem:$0x2020]  }
0x2ec: {  	v7 =	vld @!p0 [tilespmem:$0x2030];
	_ =	sdelay $0x1  }
0x2ed: {  	[tilespmem:$0x9000] =	vst @!p0 v3  }
0x2ee: {  	[tilespmem:$0x9010] =	vst @!p0 v5  }
0x2ef: {  	s13 =	rddreg [dreg:$0xe];
	[tilespmem:$0x9020] =	vst @!p0 v6  }
0x2f0: {  	s20 =	simm.s32 @!p0 $0x9000;
	s13 =	sadd.s32 @!p0 s13, s1;
	[tilespmem:$0x9030] =	vst @!p0 v7  }
0x2f1: {  	[hbm4b:s13+s0] =	stream.linear.scatter @!p0 [tilespmem:s20], [sflag:$0x9], $0x80, $0x38;
	[tilespmem:$0x1E080] =	vst v63  }
0x2f2: {  	_ =	swait.ge @!p0 [sflag:s10], $0x80  }
0x2f3: {  	[sflag:s10] =	ssyncset.done @!p0 $0x0  }
0x2f4: {  	[sflag:s10] =	ssyncadd.s32 @!p0 $0xFFFFFF80  }
0x2f5: {  	s20 =	simm.s32 $0x0;
	[bflag:$0x0] =	sbarrier.arrive $0xFFFF  }
0x2f6: {  	[tilespmem:s20], [sflag:$0x9] =	stream.linear.gather [hbm4b:s30+s20], $0x1FD0, $0x38;
	[tilespmem:$0x1E080] =	vst v63  }
0x2f7: {  	_ =	swait.ge [sflag:s31], $0x1FD0  }
0x2f8: {  	[sflag:s31] =	ssyncset.done $0x0  }
0x2f9: {  	s28 =	simm.s32 $0x0;
	[sflag:s31] =	ssyncadd.s32 $0xFFFFE030  }
0x2fa: {  	v3 =	vld [tilespmem:s28+$0x0];
	_ =	sdelay $0x4  }
0x2fb: {  	v3 =	vsel vm0, v4, v3  }
0x2fc: {  	v3 =	vadd.s32 v1, v3  }
0x2fd: {  	s0 =	simm.s32 $0x10;
	s13 =	simm.s32 $0x80;
	s10 =	smov.u32 s8;
	[tilespmem:s28+$0x0] =	vst v3  }
.LBB2_44:
0x2fe: {  	p1 =	sne.s32 s13, $0x7F00;
	v3 =	vld [tilespmem:s0+$0x0];
	_ =	sdelay $0x2  }
.Ltmp26:
0x2ff: {  	s10 =	sadd.s32 $0x10, s10;
	(pc) =	sbr.rel @p1 .LBB2_44-.Ltmp26, $4  }
0x300: {  	v4 =	vor.u32 s10, v2  }
0x301: {  	v3 =	vsel vm0, v4, v3  }
0x302: {  	v3 =	vadd.s32 v1, v3  }
0x303: {  	[tilespmem:s0+$0x0] =	vst v3;
	s0 =	sshra.s32 s13, $0x2;
	s13 =	sadd.s32 $0x40, s13  }
0x304: {  	v3 =	vld [tilespmem:s0+$0x0];
	_ =	sdelay $0x2  }
0x305: {  	s10 =	sadd.s32 $0x10, s10  }
0x306: {  	v4 =	vor.u32 s10, v2  }
0x307: {  	v3 =	vsel vm0, v4, v3  }
0x308: {  	v3 =	vadd.s32 v1, v3  }
0x309: {  	s20 =	simm.s32 $0x10000;
	s10 =	simm.s32 $0x0;
	[tilespmem:s0+$0x0] =	vst v3  }
0x30a: {  	[tilespmem:s20], [sflag:$0x3] =	stream.indirect.gather [hbm4b:s1+s26], $0x80, s10, s26, $0xb8;
	[tilespmem:$0x1E080] =	vst v63  }
0x30b: {  	s28 =	simm.s32 $0x13800  }
0x30c: {  	[tilespmem:s28], [sflag:$0x4] =	stream.indirect.gather [hbm4b:s1+s26], $0x80, s26, s26, $0xb8;
	[tilespmem:$0x1E080] =	vst v63  }
.LBB2_46:
0x30d: {  	_ =	swait.ge [sflag:s3], $0x3800  }
0x30e: {  	p1 =	seq.s32 s10, $0x0;
	[sflag:s3] =	ssyncset.done $0x0  }
0x30f: {  	s0 =	simm.s32 @!p1 $0x7;
	[sflag:s3] =	ssyncadd.s32 $0xFFFFC800  }
0x310: {  	_ =	swait.ge @!p1 [sflag:s0], $0x3800  }
0x311: {  	[sflag:s0] =	ssyncset.done @!p1 $0x0  }
0x312: {  	s13 =	simm.s32 $0x0;
	[sflag:s0] =	ssyncadd.s32 @!p1 $0xFFFFC800  }
0x313: {  	v3 =	vld [tilespmem:s13+$0x101B0]  }
0x314: {  	v4 =	vld [tilespmem:s13+$0x10000]  }
0x315: {  	v5 =	vld [tilespmem:s13+$0x10010]  }
0x316: {  	v6 =	vld [tilespmem:s13+$0x10020]  }
0x317: {  	v7 =	vld [tilespmem:s13+$0x10030]  }
0x318: {  	v8 =	vld [tilespmem:s13+$0x10080];
	[tilespmem:s13+$0x171B0] =	vst v3  }
0x319: {  	[tilespmem:s13+$0x17000] =	vst v4;
	v3 =	vld [tilespmem:s13+$0x10090]  }
0x31a: {  	[tilespmem:s13+$0x17010] =	vst v5;
	v4 =	vld [tilespmem:s13+$0x100A0]  }
0x31b: {  	[tilespmem:s13+$0x17020] =	vst v6;
	v5 =	vld [tilespmem:s13+$0x100B0]  }
0x31c: {  	[tilespmem:s13+$0x17030] =	vst v7;
	v6 =	vld [tilespmem:s13+$0x10100]  }
0x31d: {  	[tilespmem:s13+$0x17080] =	vst v8;
	v7 =	vld [tilespmem:s13+$0x10110]  }
0x31e: {  	[tilespmem:s13+$0x17090] =	vst v3;
	v3 =	vld [tilespmem:s13+$0x10120]  }
0x31f: {  	[tilespmem:s13+$0x170A0] =	vst v4;
	v4 =	vld [tilespmem:s13+$0x10130]  }
0x320: {  	[tilespmem:s13+$0x170B0] =	vst v5;
	v5 =	vld [tilespmem:s13+$0x10180]  }
0x321: {  	[tilespmem:s13+$0x17100] =	vst v6;
	v6 =	vld [tilespmem:s13+$0x10190]  }
0x322: {  	s28 =	simm.s32 $0x200;
	s0 =	simm.s32 $0x1000;
	[tilespmem:s13+$0x17110] =	vst v7;
	v7 =	vld [tilespmem:s13+$0x101A0]  }
.LBB2_47:
0x323: {  	p2 =	sne.s32 s0, $0xD800;
	v8 =	vld [tilespmem:s28+$0x101B0];
	[tilespmem:s13+$0x17120] =	vst v3  }
0x324: {  	v3 =	vld [tilespmem:s28+$0x10000];
	[tilespmem:s13+$0x17130] =	vst v4  }
0x325: {  	v4 =	vld [tilespmem:s28+$0x10010];
	[tilespmem:s13+$0x17180] =	vst v5  }
0x326: {  	v5 =	vld [tilespmem:s28+$0x10020];
	[tilespmem:s13+$0x17190] =	vst v6  }
0x327: {  	v6 =	vld [tilespmem:s28+$0x10030];
	[tilespmem:s13+$0x171A0] =	vst v7;
	s13 =	smov.u32 s28  }
0x328: {  	v7 =	vld [tilespmem:s13+$0x10080];
	[tilespmem:s13+$0x171B0] =	vst v8  }
0x329: {  	[tilespmem:s13+$0x17000] =	vst v3;
	v3 =	vld [tilespmem:s13+$0x10090]  }
0x32a: {  	[tilespmem:s13+$0x17010] =	vst v4;
	v4 =	vld [tilespmem:s13+$0x100A0]  }
0x32b: {  	[tilespmem:s13+$0x17020] =	vst v5;
	v5 =	vld [tilespmem:s13+$0x100B0]  }
0x32c: {  	[tilespmem:s13+$0x17030] =	vst v6;
	v6 =	vld [tilespmem:s13+$0x10100]  }
0x32d: {  	[tilespmem:s13+$0x17080] =	vst v7;
	v7 =	vld [tilespmem:s13+$0x10110]  }
.Ltmp27:
0x32e: {  	[tilespmem:s13+$0x17090] =	vst v3;
	v3 =	vld [tilespmem:s13+$0x10120];
	(pc) =	sbr.rel @p2 .LBB2_47-.Ltmp27, $4  }
0x32f: {  	[tilespmem:s13+$0x170A0] =	vst v4;
	v4 =	vld [tilespmem:s13+$0x10130]  }
0x330: {  	[tilespmem:s13+$0x170B0] =	vst v5;
	v5 =	vld [tilespmem:s13+$0x10180]  }
0x331: {  	[tilespmem:s13+$0x17100] =	vst v6;
	v6 =	vld [tilespmem:s13+$0x10190]  }
0x332: {  	s28 =	sshra.s32 s0, $0x2;
	s0 =	sadd.s32 $0x800, s0;
	[tilespmem:s13+$0x17110] =	vst v7;
	v7 =	vld [tilespmem:s13+$0x101A0]  }
0x333: {  	v8 =	vld [tilespmem:s28+$0x101B0];
	[tilespmem:s13+$0x17120] =	vst v3  }
0x334: {  	v3 =	vld [tilespmem:s28+$0x10000];
	[tilespmem:s13+$0x17130] =	vst v4  }
0x335: {  	v4 =	vld [tilespmem:s28+$0x10010];
	[tilespmem:s13+$0x17180] =	vst v5  }
0x336: {  	v5 =	vld [tilespmem:s28+$0x10020];
	[tilespmem:s13+$0x17190] =	vst v6  }
0x337: {  	v6 =	vld [tilespmem:s28+$0x10030];
	[tilespmem:s13+$0x171A0] =	vst v7  }
0x338: {  	v7 =	vld [tilespmem:s28+$0x10080];
	[tilespmem:s28+$0x171B0] =	vst v8  }
0x339: {  	v56 =	vld [tilespmem:s28+$0x100A0];
	[tilespmem:s28+$0x17000] =	vst v3  }
0x33a: {  	v57 =	vld [tilespmem:s28+$0x100B0];
	[tilespmem:s28+$0x17010] =	vst v4  }
0x33b: {  	v58 =	vld [tilespmem:s28+$0x10100];
	[tilespmem:s28+$0x17020] =	vst v5  }
0x33c: {  	v59 =	vld [tilespmem:s28+$0x10110];
	[tilespmem:s28+$0x17030] =	vst v6  }
0x33d: {  	v3 =	vld [tilespmem:s28+$0x10090];
	[tilespmem:s28+$0x17080] =	vst v7  }
0x33e: {  	v60 =	vld [tilespmem:s28+$0x10130];
	[tilespmem:s28+$0x170A0] =	vst v56  }
0x33f: {  	v61 =	vld [tilespmem:s28+$0x10180];
	[tilespmem:s28+$0x170B0] =	vst v57  }
0x340: {  	v62 =	vld [tilespmem:s28+$0x10190];
	[tilespmem:s28+$0x17100] =	vst v58  }
0x341: {  	s20 =	smul.u32 $0xE0, s10;
	v63 =	vld [tilespmem:s28+$0x101A0];
	[tilespmem:s28+$0x17110] =	vst v59  }
0x342: {  	[tilespmem:s28+$0x17090] =	vst v3;
	v3 =	vld [tilespmem:s28+$0x10120]  }
0x343: {  	p2 =	sne.s32 s10, $0x23;
	s0 =	sadd.s32 s8, s20;
	[tilespmem:s28+$0x17130] =	vst v60  }
.Ltmp28:
0x344: {  	s0 =	sshll.u32 s0, $0x7;
	[tilespmem:s28+$0x17180] =	vst v61;
	(pc) =	sbr.rel @p2 .LBB2_50-.Ltmp28, $4  }
0x345: {  	s0 =	sadd.s32 s12, s0;
	[tilespmem:s28+$0x17190] =	vst v62  }
0x346: {  	s0 =	sshrl.u32 s0, $0x3;
	[tilespmem:s28+$0x171A0] =	vst v63  }
0x347: {  	s0 =	sadd.s32 s7, s0;
	[tilespmem:s28+$0x17120] =	vst v3  }
0x348: {  	[hbm4b:s0+s2] =	stream.linear.scatter [tilespmem:s9], [sflag:$0x7], $0x3800, $0x38;
	[tilespmem:$0x1E080] =	vst v63  }
.Ltmp29:
0x349: {  	(pc) =	sbr.rel .LBB2_51-.Ltmp29, $4  }
0x34a: {  	_ = 	snop  }
0x34b: {  	_ =	swait.ge [sflag:s14], $0x3800  }
0x34c: {  	[sflag:s14] =	ssyncset.done $0x0  }
0x34d: {  	[sflag:s14] =	ssyncadd.s32 $0xFFFFC800  }
.LBB2_50:
0x34e: {  	s0 =	smul.u32 $0x380, s10;
	_ =	sdelay $0x1  }
0x34f: {  	s0 =	sshra.s32 s0, $0x2  }
.Ltmp30:
0x350: {  	s13 =	simm.s32 $0x10000;
	s0 =	sadd.s32 $0xE0, s0;
	(pc) =	sbr.rel @p1 .LBB2_52-.Ltmp30, $4  }
0x351: {  	[tilespmem:s13], [sflag:$0x3] =	stream.indirect.gather [hbm4b:s1+s26], $0x80, s0, s26, $0xb8;
	[tilespmem:$0x1E080] =	vst v63  }
0x352: {  	_ =	swait.ge [sflag:s14], $0x3800  }
0x353: {  	[sflag:s14] =	ssyncset.done $0x0  }
0x354: {  	[sflag:s14] =	ssyncadd.s32 $0xFFFFC800  }
.LBB2_51:
0x355: {  	_ =	swait.ge [sflag:s21], $0x3800  }
0x356: {  	[sflag:s21] =	ssyncset.done $0x0  }
0x357: {  	[sflag:s21] =	ssyncadd.s32 $0xFFFFC800  }
.LBB2_52:
0x358: {  	s13 =	simm.s32 $0x0  }
0x359: {  	v3 =	vld [tilespmem:s13+$0x139B0]  }
0x35a: {  	v4 =	vld [tilespmem:s13+$0x13800]  }
0x35b: {  	v5 =	vld [tilespmem:s13+$0x13810]  }
0x35c: {  	v6 =	vld [tilespmem:s13+$0x13820]  }
0x35d: {  	v7 =	vld [tilespmem:s13+$0x13830]  }
0x35e: {  	v8 =	vld [tilespmem:s13+$0x13880];
	[tilespmem:s13+$0x1A9B0] =	vst v3  }
0x35f: {  	[tilespmem:s13+$0x1A800] =	vst v4;
	v3 =	vld [tilespmem:s13+$0x13890]  }
0x360: {  	[tilespmem:s13+$0x1A810] =	vst v5;
	v4 =	vld [tilespmem:s13+$0x138A0]  }
0x361: {  	[tilespmem:s13+$0x1A820] =	vst v6;
	v5 =	vld [tilespmem:s13+$0x138B0]  }
0x362: {  	[tilespmem:s13+$0x1A830] =	vst v7;
	v6 =	vld [tilespmem:s13+$0x13900]  }
0x363: {  	[tilespmem:s13+$0x1A880] =	vst v8;
	v7 =	vld [tilespmem:s13+$0x13910]  }
0x364: {  	[tilespmem:s13+$0x1A890] =	vst v3;
	v3 =	vld [tilespmem:s13+$0x13920]  }
0x365: {  	[tilespmem:s13+$0x1A8A0] =	vst v4;
	v4 =	vld [tilespmem:s13+$0x13930]  }
0x366: {  	[tilespmem:s13+$0x1A8B0] =	vst v5;
	v5 =	vld [tilespmem:s13+$0x13980]  }
0x367: {  	[tilespmem:s13+$0x1A900] =	vst v6;
	v6 =	vld [tilespmem:s13+$0x13990]  }
0x368: {  	s28 =	simm.s32 $0x200;
	s0 =	simm.s32 $0x1000;
	[tilespmem:s13+$0x1A910] =	vst v7;
	v7 =	vld [tilespmem:s13+$0x139A0]  }
.LBB2_53:
0x369: {  	p1 =	sne.s32 s0, $0xD800;
	v8 =	vld [tilespmem:s28+$0x139B0];
	[tilespmem:s13+$0x1A920] =	vst v3  }
0x36a: {  	v3 =	vld [tilespmem:s28+$0x13800];
	[tilespmem:s13+$0x1A930] =	vst v4  }
0x36b: {  	v4 =	vld [tilespmem:s28+$0x13810];
	[tilespmem:s13+$0x1A980] =	vst v5  }
0x36c: {  	v5 =	vld [tilespmem:s28+$0x13820];
	[tilespmem:s13+$0x1A990] =	vst v6  }
0x36d: {  	v6 =	vld [tilespmem:s28+$0x13830];
	[tilespmem:s13+$0x1A9A0] =	vst v7;
	s13 =	smov.u32 s28  }
0x36e: {  	v7 =	vld [tilespmem:s13+$0x13880];
	[tilespmem:s13+$0x1A9B0] =	vst v8  }
0x36f: {  	[tilespmem:s13+$0x1A800] =	vst v3;
	v3 =	vld [tilespmem:s13+$0x13890]  }
0x370: {  	[tilespmem:s13+$0x1A810] =	vst v4;
	v4 =	vld [tilespmem:s13+$0x138A0]  }
0x371: {  	[tilespmem:s13+$0x1A820] =	vst v5;
	v5 =	vld [tilespmem:s13+$0x138B0]  }
0x372: {  	[tilespmem:s13+$0x1A830] =	vst v6;
	v6 =	vld [tilespmem:s13+$0x13900]  }
0x373: {  	[tilespmem:s13+$0x1A880] =	vst v7;
	v7 =	vld [tilespmem:s13+$0x13910]  }
.Ltmp31:
0x374: {  	[tilespmem:s13+$0x1A890] =	vst v3;
	v3 =	vld [tilespmem:s13+$0x13920];
	(pc) =	sbr.rel @p1 .LBB2_53-.Ltmp31, $4  }
0x375: {  	[tilespmem:s13+$0x1A8A0] =	vst v4;
	v4 =	vld [tilespmem:s13+$0x13930]  }
0x376: {  	[tilespmem:s13+$0x1A8B0] =	vst v5;
	v5 =	vld [tilespmem:s13+$0x13980]  }
0x377: {  	[tilespmem:s13+$0x1A900] =	vst v6;
	v6 =	vld [tilespmem:s13+$0x13990]  }
0x378: {  	s28 =	sshra.s32 s0, $0x2;
	s0 =	sadd.s32 $0x800, s0;
	[tilespmem:s13+$0x1A910] =	vst v7;
	v7 =	vld [tilespmem:s13+$0x139A0]  }
0x379: {  	v8 =	vld [tilespmem:s28+$0x139B0];
	[tilespmem:s13+$0x1A920] =	vst v3  }
0x37a: {  	v3 =	vld [tilespmem:s28+$0x13800];
	[tilespmem:s13+$0x1A930] =	vst v4  }
0x37b: {  	v4 =	vld [tilespmem:s28+$0x13810];
	[tilespmem:s13+$0x1A980] =	vst v5  }
0x37c: {  	v5 =	vld [tilespmem:s28+$0x13820];
	[tilespmem:s13+$0x1A990] =	vst v6  }
0x37d: {  	v6 =	vld [tilespmem:s28+$0x13830];
	[tilespmem:s13+$0x1A9A0] =	vst v7  }
0x37e: {  	v7 =	vld [tilespmem:s28+$0x13880];
	[tilespmem:s28+$0x1A9B0] =	vst v8  }
0x37f: {  	v56 =	vld [tilespmem:s28+$0x138A0];
	[tilespmem:s28+$0x1A800] =	vst v3  }
0x380: {  	v57 =	vld [tilespmem:s28+$0x138B0];
	[tilespmem:s28+$0x1A810] =	vst v4  }
0x381: {  	v58 =	vld [tilespmem:s28+$0x13900];
	[tilespmem:s28+$0x1A820] =	vst v5  }
0x382: {  	v59 =	vld [tilespmem:s28+$0x13910];
	[tilespmem:s28+$0x1A830] =	vst v6  }
0x383: {  	v3 =	vld [tilespmem:s28+$0x13890];
	[tilespmem:s28+$0x1A880] =	vst v7  }
0x384: {  	v60 =	vld [tilespmem:s28+$0x13930];
	[tilespmem:s28+$0x1A8A0] =	vst v56  }
0x385: {  	v61 =	vld [tilespmem:s28+$0x13980];
	[tilespmem:s28+$0x1A8B0] =	vst v57  }
0x386: {  	v62 =	vld [tilespmem:s28+$0x13990];
	[tilespmem:s28+$0x1A900] =	vst v58  }
0x387: {  	v63 =	vld [tilespmem:s28+$0x139A0];
	[tilespmem:s28+$0x1A910] =	vst v59  }
0x388: {  	[tilespmem:s28+$0x1A890] =	vst v3;
	v3 =	vld [tilespmem:s28+$0x13920]  }
0x389: {  	s0 =	sadd.s32 s20, s6;
	p1 =	seq.s32 s10, $0x23;
	[tilespmem:s28+$0x1A930] =	vst v60  }
.Ltmp32:
0x38a: {  	s0 =	sshll.u32 s0, $0x7;
	[tilespmem:s28+$0x1A980] =	vst v61;
	(pc) =	sbr.rel @p1 .LBB2_56-.Ltmp32, $4  }
0x38b: {  	s0 =	sadd.s32 s12, s0;
	[tilespmem:s28+$0x1A990] =	vst v62  }
0x38c: {  	s0 =	sshrl.u32 s0, $0x3;
	[tilespmem:s28+$0x1A9A0] =	vst v63  }
0x38d: {  	s0 =	sadd.s32 s7, s0;
	[tilespmem:s28+$0x1A920] =	vst v3  }
0x38e: {  	[hbm4b:s0+s2] =	stream.linear.scatter [tilespmem:s15], [sflag:$0x8], $0x3800, $0x38;
	[tilespmem:$0x1E080] =	vst v63  }
0x38f: {  	s0 =	smul.u32 $0x380, s10  }
.Ltmp33:
0x390: {  	_ = 	snop;
	(pc) =	sbr.rel .LBB2_46-.Ltmp33, $4  }
0x391: {  	_ = 	snop  }
0x392: {  	s0 =	sshra.s32 s0, $0x2  }
0x393: {  	s13 =	simm.s32 $0x13800;
	s10 =	sadd.s32 $0x1, s10;
	s0 =	sadd.s32 $0x150, s0  }
0x394: {  	[tilespmem:s13], [sflag:$0x4] =	stream.indirect.gather [hbm4b:s1+s26], $0x80, s0, s26, $0xb8;
	[tilespmem:$0x1E080] =	vst v63  }
.LBB2_56:
0x395: {  	s0 =	simm.s32 $0x7  }
0x396: {  	_ =	swait.ge [sflag:s0], $0x3800  }
0x397: {  	[sflag:s0] =	ssyncset.done $0x0  }
0x398: {  	[sflag:s0] =	ssyncadd.s32 $0xFFFFC800  }
0x399: {  	_ =	swait.ge [sflag:s21], $0x3800  }
0x39a: {  	s28 =	simm.s32 $0x10000;
	[sflag:s21] =	ssyncset.done $0x0  }
0x39b: {  	s10 =	simm.s32 $0x50;
	s13 =	simm.s32 $0x1F80;
	[sflag:s21] =	ssyncadd.s32 $0xFFFFC800  }
0x39c: {  	[tilespmem:s28], [sflag:$0x3] =	stream.indirect.gather [hbm4b:s1+s10], $0x80, s13, s10, $0xb8;
	[tilespmem:$0x1E080] =	vst v63  }
0x39d: {  	_ =	swait.ge [sflag:s3], $0x2800  }
0x39e: {  	[sflag:s3] =	ssyncset.done $0x0  }
0x39f: {  	s10 =	simm.s32 $0x0;
	[sflag:s3] =	ssyncadd.s32 $0xFFFFD800  }
0x3a0: {  	v3 =	vld [tilespmem:s10+$0x101B0]  }
0x3a1: {  	v4 =	vld [tilespmem:s10+$0x10000]  }
0x3a2: {  	v5 =	vld [tilespmem:s10+$0x10010]  }
0x3a3: {  	v6 =	vld [tilespmem:s10+$0x10020]  }
0x3a4: {  	v7 =	vld [tilespmem:s10+$0x10030]  }
0x3a5: {  	v8 =	vld [tilespmem:s10+$0x10080];
	[tilespmem:s10+$0x171B0] =	vst v3  }
0x3a6: {  	[tilespmem:s10+$0x17000] =	vst v4;
	v3 =	vld [tilespmem:s10+$0x10090]  }
0x3a7: {  	[tilespmem:s10+$0x17010] =	vst v5;
	v4 =	vld [tilespmem:s10+$0x100A0]  }
0x3a8: {  	[tilespmem:s10+$0x17020] =	vst v6;
	v5 =	vld [tilespmem:s10+$0x100B0]  }
0x3a9: {  	[tilespmem:s10+$0x17030] =	vst v7;
	v6 =	vld [tilespmem:s10+$0x10100]  }
0x3aa: {  	[tilespmem:s10+$0x17080] =	vst v8;
	v7 =	vld [tilespmem:s10+$0x10110]  }
0x3ab: {  	[tilespmem:s10+$0x17090] =	vst v3;
	v3 =	vld [tilespmem:s10+$0x10120]  }
0x3ac: {  	[tilespmem:s10+$0x170A0] =	vst v4;
	v4 =	vld [tilespmem:s10+$0x10130]  }
0x3ad: {  	[tilespmem:s10+$0x170B0] =	vst v5;
	v5 =	vld [tilespmem:s10+$0x10180]  }
0x3ae: {  	[tilespmem:s10+$0x17100] =	vst v6;
	v6 =	vld [tilespmem:s10+$0x10190]  }
0x3af: {  	s0 =	simm.s32 $0x200;
	s13 =	simm.s32 $0x1000;
	[tilespmem:s10+$0x17110] =	vst v7;
	v7 =	vld [tilespmem:s10+$0x101A0]  }
.LBB2_57:
0x3b0: {  	p1 =	sne.s32 s13, $0x9800;
	v8 =	vld [tilespmem:s0+$0x101B0];
	[tilespmem:s10+$0x17120] =	vst v3  }
0x3b1: {  	v3 =	vld [tilespmem:s0+$0x10000];
	[tilespmem:s10+$0x17130] =	vst v4  }
0x3b2: {  	v4 =	vld [tilespmem:s0+$0x10010];
	[tilespmem:s10+$0x17180] =	vst v5  }
0x3b3: {  	v5 =	vld [tilespmem:s0+$0x10020];
	[tilespmem:s10+$0x17190] =	vst v6  }
0x3b4: {  	v6 =	vld [tilespmem:s0+$0x10030];
	[tilespmem:s10+$0x171A0] =	vst v7;
	s10 =	smov.u32 s0  }
0x3b5: {  	v7 =	vld [tilespmem:s10+$0x10080];
	[tilespmem:s10+$0x171B0] =	vst v8  }
0x3b6: {  	[tilespmem:s10+$0x17000] =	vst v3;
	v3 =	vld [tilespmem:s10+$0x10090]  }
0x3b7: {  	[tilespmem:s10+$0x17010] =	vst v4;
	v4 =	vld [tilespmem:s10+$0x100A0]  }
0x3b8: {  	[tilespmem:s10+$0x17020] =	vst v5;
	v5 =	vld [tilespmem:s10+$0x100B0]  }
0x3b9: {  	[tilespmem:s10+$0x17030] =	vst v6;
	v6 =	vld [tilespmem:s10+$0x10100]  }
0x3ba: {  	[tilespmem:s10+$0x17080] =	vst v7;
	v7 =	vld [tilespmem:s10+$0x10110]  }
.Ltmp34:
0x3bb: {  	[tilespmem:s10+$0x17090] =	vst v3;
	v3 =	vld [tilespmem:s10+$0x10120];
	(pc) =	sbr.rel @p1 .LBB2_57-.Ltmp34, $4  }
0x3bc: {  	[tilespmem:s10+$0x170A0] =	vst v4;
	v4 =	vld [tilespmem:s10+$0x10130]  }
0x3bd: {  	[tilespmem:s10+$0x170B0] =	vst v5;
	v5 =	vld [tilespmem:s10+$0x10180]  }
0x3be: {  	[tilespmem:s10+$0x17100] =	vst v6;
	v6 =	vld [tilespmem:s10+$0x10190]  }
0x3bf: {  	s0 =	sshra.s32 s13, $0x2;
	s13 =	sadd.s32 $0x800, s13;
	[tilespmem:s10+$0x17110] =	vst v7;
	v7 =	vld [tilespmem:s10+$0x101A0]  }
0x3c0: {  	v8 =	vld [tilespmem:s0+$0x101B0];
	[tilespmem:s10+$0x17120] =	vst v3  }
0x3c1: {  	v3 =	vld [tilespmem:s0+$0x10000];
	[tilespmem:s10+$0x17130] =	vst v4  }
0x3c2: {  	v4 =	vld [tilespmem:s0+$0x10010];
	[tilespmem:s10+$0x17180] =	vst v5  }
0x3c3: {  	v5 =	vld [tilespmem:s0+$0x10020];
	[tilespmem:s10+$0x17190] =	vst v6  }
0x3c4: {  	v6 =	vld [tilespmem:s0+$0x10030];
	[tilespmem:s10+$0x171A0] =	vst v7  }
0x3c5: {  	v7 =	vld [tilespmem:s0+$0x10080];
	[tilespmem:s0+$0x171B0] =	vst v8  }
0x3c6: {  	v56 =	vld [tilespmem:s0+$0x100A0];
	[tilespmem:s0+$0x17000] =	vst v3  }
0x3c7: {  	v57 =	vld [tilespmem:s0+$0x100B0];
	[tilespmem:s0+$0x17010] =	vst v4  }
0x3c8: {  	v58 =	vld [tilespmem:s0+$0x10100];
	[tilespmem:s0+$0x17020] =	vst v5  }
0x3c9: {  	v59 =	vld [tilespmem:s0+$0x10110];
	[tilespmem:s0+$0x17030] =	vst v6  }
0x3ca: {  	v3 =	vld [tilespmem:s0+$0x10090];
	[tilespmem:s0+$0x17080] =	vst v7  }
0x3cb: {  	v60 =	vld [tilespmem:s0+$0x10130];
	[tilespmem:s0+$0x170A0] =	vst v56  }
0x3cc: {  	v61 =	vld [tilespmem:s0+$0x10180];
	[tilespmem:s0+$0x170B0] =	vst v57  }
0x3cd: {  	v62 =	vld [tilespmem:s0+$0x10190];
	[tilespmem:s0+$0x17100] =	vst v58  }
0x3ce: {  	v63 =	vld [tilespmem:s0+$0x101A0];
	[tilespmem:s0+$0x17110] =	vst v59  }
0x3cf: {  	[tilespmem:s0+$0x17090] =	vst v3;
	v3 =	vld [tilespmem:s0+$0x10120]  }
0x3d0: {  	[tilespmem:s0+$0x17130] =	vst v60  }
0x3d1: {  	[tilespmem:s0+$0x17180] =	vst v61  }
0x3d2: {  	[tilespmem:s0+$0x17190] =	vst v62  }
0x3d3: {  	[tilespmem:s0+$0x171A0] =	vst v63  }
0x3d4: {  	s13 =	rddreg [dreg:$0x10];
	[tilespmem:s0+$0x17120] =	vst v3  }
0x3d5: {  	[hbm4b:s13+s2] =	stream.linear.scatter [tilespmem:s9], [sflag:$0x9], $0x2800, $0x38;
	[tilespmem:$0x1E080] =	vst v63  }
0x3d6: {  	_ =	swait.ge [sflag:s31], $0x2800  }
0x3d7: {  	[sflag:s31] =	ssyncset.done $0x0  }
0x3d8: {  	s0 =	simm.s32 @!p0 $0x0;
	s10 =	rddreg [dreg:$0xd];
	[sflag:s31] =	ssyncadd.s32 $0xFFFFD800  }
0x3d9: {  	[tilespmem:s0], [sflag:$0x9] =	stream.linear.gather @!p0 [hbm4b:s10+s0], $0x10, $0x38;
	[tilespmem:$0x1E080] =	vst v63  }
0x3da: {  	s10 =	simm.s32 @!p0 $0x9  }
0x3db: {  	_ =	swait.ge @!p0 [sflag:s10], $0x10  }
0x3dc: {  	[sflag:s10] =	ssyncset.done @!p0 $0x0  }
0x3dd: {  	[sflag:s10] =	ssyncadd.s32 @!p0 $0xFFFFFFF0  }
0x3de: {  	v3 =	vld @!p0 [tilespmem:$0x0];
	_ =	sdelay $0x2  }
0x3df: {  	v4 =	vlaneseq.u32 @!p0  }
0x3e0: {  	v4 =	vor.u32 @!p0 $0x1FD00, v4  }
0x3e1: {  	v3 =	vsel @!p0 vm1, v4, v3  }
0x3e2: {  	v3 =	vadd.s32 @!p0 v1, v3  }
0x3e3: {  	s20 =	simm.s32 @!p0 $0x10000;
	s13 =	simm.s32 @!p0 $0x1;
	[tilespmem:$0x0] =	vst @!p0 v3  }
0x3e4: {  	[tilespmem:s20], [sflag:$0x3] =	stream.indirect.gather @!p0 [hbm4b:s1+s13], $0x80, s0, s13, $0xb8;
	[tilespmem:$0x1E080] =	vst v63  }
0x3e5: {  	s13 =	simm.s32 @!p0 $0x3  }
0x3e6: {  	_ =	swait.ge @!p0 [sflag:s13], $0x80  }
0x3e7: {  	[sflag:s13] =	ssyncset.done @!p0 $0x0  }
0x3e8: {  	[sflag:s13] =	ssyncadd.s32 @!p0 $0xFFFFFF80  }
0x3e9: {  	v3 =	vld @!p0 [tilespmem:$0x10000]  }
0x3ea: {  	v4 =	vld @!p0 [tilespmem:$0x10010]  }
0x3eb: {  	v5 =	vld @!p0 [tilespmem:$0x10020]  }
0x3ec: {  	v6 =	vld @!p0 [tilespmem:$0x10030];
	_ =	sdelay $0x1  }
0x3ed: {  	[tilespmem:$0x17000] =	vst @!p0 v3  }
0x3ee: {  	[tilespmem:$0x17010] =	vst @!p0 v4  }
0x3ef: {  	[tilespmem:$0x17020] =	vst @!p0 v5  }
0x3f0: {  	s20 =	rddreg [dreg:$0x19];
	s13 =	simm.s32 @!p0 $0x17000;
	[tilespmem:$0x17030] =	vst @!p0 v6  }
0x3f1: {  	[hbm4b:s20+s0] =	stream.linear.scatter @!p0 [tilespmem:s13], [sflag:$0x9], $0x80, $0x38;
	[tilespmem:$0x1E080] =	vst v63  }
0x3f2: {  	_ =	swait.ge @!p0 [sflag:s10], $0x80  }
0x3f3: {  	s20 =	rddreg [dreg:$0x1a]  }
0x3f4: {  	s28 =	rddreg [dreg:$0x11];
	s13 =	sadd.s32 $0x1, s20  }
0x3f5: {  	p1 =	sne.s32 s13, s28  }
.Ltmp35:
0x3f6: {  	_ = 	snop;
	(pc) =	sbr.rel @p1 .LBB2_1-.Ltmp35, $3  }
0x3f7: {  	_ =	sdelay $0x1  }
0x3f8: {  	[sflag:s10] =	ssyncset.done @!p0 $0x0  }
0x3f9: {  	[sflag:s10] =	ssyncadd.s32 @!p0 $0xFFFFFF80  }
0x3fa: {  	_ =	sfence.sel $0x180000  }
0x3fb: {  	[bflag:$0x0] =	sbarrier.arrive $0xFFFF  }
0x3fc: {  	_ =	strace $0x90000047  }
0x3fd: {  	s0 =	stileid.u32;
	[bflag:$0x2] =	sbarrier.arrive $0xFFFF  }
0x3fe: {  	p0 =	sne.s32 s0, $0x0;
	s0 =	rddreg [dreg:$0x3]  }
0x3ff: {  	s0 =	sadd.s32 @!p0 $0x100000, s0  }
0x400: {  	[sflag:s0] =	ssyncadd.tile.s32 @!p0 $0x1;
	_ =	shalt  }
.Lfunc_end2:
_tile_overlayer_lowered:
.L_overlay_start_2:
0x401: {  	(tag) =	ssettag $0x2  }
0x402: {  	s0 =	rddreg [dreg:$0x0];
	s2 =	stileid.u32  }
0x403: {  	s1 =	rddreg [dreg:$0x1];
	p0 =	sne.s32 s2, $0x0  }
0x404: {  	s3 =	rddreg [dreg:$0x2];
	[bflag:$0x3] =	sbarrier.arrive $0xFFFF;
	s2 =	simm.s32 @!p0 $0x1C09  }
0x405: {  	[timem:s3], [sflag:s2] =	dma.local @!p0 [hbm:s0], s1  }
0x406: {  	s0 =	simm.s32 @!p0 $0x9  }
0x407: {  	_ =	swait.ge @!p0 [sflag:s0], s1  }
0x408: {  	s1 =	ssub.s32 @!p0 $0x0, s1;
	[sflag:s0] =	ssyncset.done @!p0 $0x0  }
0x409: {  	[sflag:s0] =	ssyncadd.s32 @!p0 s1  }
0x40a: {  	[bflag:$0x3] =	sbarrier.arrive $0xFFFF  }
0x40b: {  	_ =	shalt  }

</sc_bundles>
